<compile_context>
chip_gen: v7x
topology: tpu7x:2x2x1
jax: 0.10.2.dev20260603
libtpu: 0.0.44.dev20260713+nightly
codegen_flags: <defaults>
</compile_context>

<pallas_src>
import functools

import numpy as np

import jax
import jax.numpy as jnp
from jax import lax
from jax.experimental import pallas as pl
from jax.experimental.pallas import tpu as pltpu
from jax.experimental.pallas import tpu_sc as plsc

N = 10000
E = 320000
IN_DIM = 128
HIDDEN = 128
OUT = 64

NC = 2
NS = 16
K = 128
CH = 81
NWIN = 3
NCHW = 27
EPC = NS * CH * K
N_PAD = 10112
RPT = N_PAD // NS

_MESH = plsc.VectorSubcoreMesh(core_axis_name="c", subcore_axis_name="s")

_ROW_CHUNKS = [(i * K, K) for i in range(RPT // K)]
if RPT % K:
    _ROW_CHUNKS.append((RPT - RPT % K, RPT % K))

_PERM_LOCAL = np.array([(q // 2) if q % 2 == 0 else 16 + (q // 2)
                        for q in range(32)])
COL_PERM = np.concatenate([b * 32 + _PERM_LOCAL for b in range(4)])



@functools.partial(
    pl.kernel,
    out_type=jax.ShapeDtypeStruct((NC * N_PAD,), jnp.float32),
    mesh=_MESH,
    scratch_types=[
        pltpu.VMEM_SHARED((N_PAD,), jnp.float32),
        pltpu.VMEM((NCHW, K), jnp.int32),
        pltpu.VMEM((K,), jnp.float32),
        pltpu.VMEM((RPT,), jnp.float32),
    ],
)
def _degree_kernel(dst_hbm, init_hbm, deg_out, deg_sh, idx_v, ones_v, stage_v):
    c = lax.axis_index("c")
    s = lax.axis_index("s")
    pltpu.sync_copy(init_hbm.at[pl.ds(c * N_PAD + s * RPT, RPT)], stage_v)
    pltpu.sync_copy(stage_v, deg_sh.at[pl.ds(s * RPT, RPT)])
    for i in range(K // 16):
        ones_v[pl.ds(i * 16, 16)] = jnp.ones((16,), jnp.float32)
    plsc.subcore_barrier()

    def body(j, carry):
        pltpu.sync_copy(ones_v, deg_sh.at[idx_v.at[j]], add=True)
        return carry

    for h in range(NWIN):
        pltpu.sync_copy(dst_hbm.at[c, s, h], idx_v)
        lax.fori_loop(0, NCHW, body, 0)
    plsc.subcore_barrier()
    pltpu.sync_copy(deg_sh.at[pl.ds(s * RPT, RPT)], stage_v)
    pltpu.sync_copy(stage_v, deg_out.at[pl.ds(c * N_PAD + s * RPT, RPT)])


@functools.partial(
    pl.kernel,
    out_type=jax.ShapeDtypeStruct((NC, N_PAD, HIDDEN), jnp.float32),
    mesh=_MESH,
    scratch_types=[
        pltpu.VMEM_SHARED((N_PAD, HIDDEN), jnp.float32),
        pltpu.VMEM((NCHW, K), jnp.int32),
        pltpu.VMEM((NCHW, K), jnp.int32),
        pltpu.VMEM((K, HIDDEN), jnp.float32),
    ],
)
def _propagate(p_hbm, src_hbm, dst_hbm, out_hbm, acc_sh, src_v, dst_v,
               rows_f):
    c = lax.axis_index("c")
    s = lax.axis_index("s")

    def zrow(i, carry):
        for jb in range(HIDDEN // 16):
            rows_f[i, pl.ds(jb * 16, 16)] = jnp.zeros((16,), jnp.float32)
        return carry

    lax.fori_loop(0, K, zrow, 0)
    for off, sz in _ROW_CHUNKS:
        pltpu.sync_copy(rows_f.at[pl.ds(0, sz)],
                        acc_sh.at[pl.ds(s * RPT + off, sz)])
    plsc.subcore_barrier()

    def body(j, carry):
        pltpu.sync_copy(p_hbm.at[src_v.at[j]], rows_f)
        pltpu.sync_copy(rows_f, acc_sh.at[dst_v.at[j]], add=True)
        return carry

    for h in range(NWIN):
        pltpu.sync_copy(src_hbm.at[c, s, h], src_v)
        pltpu.sync_copy(dst_hbm.at[c, s, h], dst_v)
        lax.fori_loop(0, NCHW, body, 0)

    plsc.subcore_barrier()
    for off, sz in _ROW_CHUNKS:
        pltpu.sync_copy(acc_sh.at[pl.ds(s * RPT + off, sz)],
                        rows_f.at[pl.ds(0, sz)])
        pltpu.sync_copy(rows_f.at[pl.ds(0, sz)],
                        out_hbm.at[c, pl.ds(s * RPT + off, sz)])



def _entry_body(degp_ref, x_ref, w_ref, dinv_ref, p_ref):
    deg = degp_ref[0, :] + degp_ref[1, :]
    dinv = lax.rsqrt(deg)
    dinv_ref[...] = dinv[:, None]
    p_ref[...] = dinv[:, None] * jnp.dot(
        x_ref[...], w_ref[...], preferred_element_type=jnp.float32)


_tc_entry = pl.pallas_call(
    _entry_body,
    out_shape=(
        jax.ShapeDtypeStruct((N_PAD, 1), jnp.float32),
        jax.ShapeDtypeStruct((N_PAD, IN_DIM), jnp.float32),
    ),
)


def _mid_body(s_ref, dinv_ref, b_ref, w_ref, o_ref):
    h = jnp.maximum(dinv_ref[...] * (s_ref[0] + s_ref[1]) + b_ref[...], 0.0)
    o_ref[...] = dinv_ref[...] * jnp.dot(
        h, w_ref[...], preferred_element_type=jnp.float32)


_tc_mid = pl.pallas_call(
    _mid_body,
    out_shape=jax.ShapeDtypeStruct((N_PAD, HIDDEN), jnp.float32),
)


def _final_body(s_ref, dinv_ref, b_ref, o_ref):
    o_ref[...] = (dinv_ref[...] * (s_ref[0, :, :OUT] + s_ref[1, :, :OUT])
                  + b_ref[...])


_tc_final = pl.pallas_call(
    _final_body,
    out_shape=jax.ShapeDtypeStruct((N_PAD, OUT), jnp.float32),
)



def kernel(x, ei, W1, b1, W2, b2, W3, b3):
    half = E // 2
    nh = N // 2
    loop = jnp.arange(N, dtype=jnp.int32)
    njunk = EPC - half - nh
    junk_src = jnp.full((njunk,), N, dtype=jnp.int32)
    junk_dst = N + jnp.arange(njunk, dtype=jnp.int32) % (N_PAD - N)

    def tiles(v, junk):
        v = v.astype(jnp.int32)
        sc0 = jnp.concatenate([v[:half], loop[:nh], junk])
        sc1 = jnp.concatenate([v[half:], loop[nh:], junk])
        return jnp.stack([sc0, sc1]).reshape(NC, NS, NWIN, NCHW, K)

    src_t = tiles(ei[0], junk_src)
    dst_t = tiles(ei[1], junk_dst)
    xp = jnp.pad(x, ((0, N_PAD - N), (0, 0)))
    init = jnp.zeros((NC * N_PAD,), jnp.float32)
    w1p = W1
    w2p = W2
    w3p = jnp.pad(W3, ((0, 0), (0, HIDDEN - OUT)))

    degp = _degree_kernel(dst_t, init).reshape(NC, N_PAD)
    dinv, p1 = _tc_entry(degp, xp, w1p)
    s1 = _propagate(p1, src_t, dst_t)
    p2 = _tc_mid(s1, dinv, b1.reshape(1, -1), w2p)
    s2 = _propagate(p2, src_t, dst_t)
    p3 = _tc_mid(s2, dinv, b2.reshape(1, -1), w3p)
    s3 = _propagate(p3, src_t, dst_t)
    out = _tc_final(s3, dinv, b3.reshape(1, -1))
    return out[:N]

# --- scband reference (transcript-rebuilt; emitter-appended) ---
"""Pipeline reference for scband-gcndetector-24455543783495 (READ-ONLY COPY).

The authoritative reference and input builder live on the scoring server;
editing this copy changes nothing except your own understanding.
"""

import jax, jax.numpy as jnp
import numpy as np

N = 10000
E = 320000
IN_DIM = 128
HIDDEN = 128
OUT = 64


def _gcn_conv(x, src, dst, norm, W, b):
    # x' = D^{-1/2} (A + I) D^{-1/2} X W + b  (torch_geometric GCNConv semantics)
    xw = x @ W
    msg = xw[src] * norm[:, None]
    out = jnp.zeros((x.shape[0], W.shape[1]), dtype=x.dtype).at[dst].add(msg)
    return out + b


def setup_inputs(seed: int = 0) -> dict:
    key = jax.random.key(seed)
    ks = jax.random.split(key, 8)
    x = jax.random.normal(ks[0], (N, IN_DIM), dtype=jnp.float32)
    ei = jax.random.randint(ks[1], (2, E), 0, N)
    # Glorot-ish init for the three GCNConv layers
    W1 = jax.random.normal(ks[2], (IN_DIM, HIDDEN), dtype=jnp.float32) * (1.0 / np.sqrt(IN_DIM))
    b1 = jnp.zeros((HIDDEN,), dtype=jnp.float32)
    W2 = jax.random.normal(ks[3], (HIDDEN, HIDDEN), dtype=jnp.float32) * (1.0 / np.sqrt(HIDDEN))
    b2 = jnp.zeros((HIDDEN,), dtype=jnp.float32)
    W3 = jax.random.normal(ks[4], (HIDDEN, OUT), dtype=jnp.float32) * (1.0 / np.sqrt(HIDDEN))
    b3 = jnp.zeros((OUT,), dtype=jnp.float32)
    return {"x": x, "ei": ei, "W1": W1, "b1": b1, "W2": W2, "b2": b2, "W3": W3, "b3": b3}


def reference(x, ei, W1, b1, W2, b2, W3, b3):
    # Dropout is identity in eval mode.
    n = x.shape[0]
    loop = jnp.arange(n, dtype=ei.dtype)
    src = jnp.concatenate([ei[0], loop])
    dst = jnp.concatenate([ei[1], loop])
    deg = jnp.zeros((n,), dtype=x.dtype).at[dst].add(1.0)
    dinv = jax.lax.rsqrt(deg)
    norm = dinv[src] * dinv[dst]
    h = jax.nn.relu(_gcn_conv(x, src, dst, norm, W1, b1))
    h = jax.nn.relu(_gcn_conv(h, src, dst, norm, W2, b2))
    return _gcn_conv(h, src, dst, norm, W3, b3)

if __name__ == "__main__":
    import jax
    _d = setup_inputs()
    print(jax.jit(kernel)(*tuple(_d.values())))

</pallas_src>

<mosaic_0001>
#map = affine_map<(d0, d1) -> (0, 0, 0, 0, 0)>
#map1 = affine_map<(d0, d1) -> (0)>
module attributes {stable_mosaic.version = 14 : i64} {
  func.func @_degree_kernel(%arg0: i32, %arg1: i32, %arg2: memref<2x16x3x27x128xi32, #tpu.memory_space<hbm>>, %arg3: memref<20224xf32, #tpu.memory_space<hbm>>, %arg4: memref<20224xf32, #tpu.memory_space<hbm>>, %arg5: memref<10112xf32, #tpu.memory_space<vmem_shared>>, %arg6: memref<27x128xi32, #tpu.memory_space<vmem>>, %arg7: memref<128xf32, #tpu.memory_space<vmem>>, %arg8: memref<632xf32, #tpu.memory_space<vmem>>) attributes {dimension_semantics = [#tpu.dimension_semantics<core_parallel>, #tpu.dimension_semantics<subcore_parallel>], iteration_bounds = array<i64: 2, 16>, scalar_prefetch = 0 : i64, scratch_operands = 4 : i64, tpu.core_type = #tpu.core_type<sc_vector_subcore>, window_params = [{transform_indices = #map}, {transform_indices = #map1}, {transform_indices = #map1}]} {
    %mul3A = arith.constant 10112 : i32
    %mul3A_0 = arith.muli %arg0, %mul3A : i32
    %mul3A_1 = arith.constant 632 : i32
    %mul3A_2 = arith.muli %arg1, %mul3A_1 : i32
    %add3A = arith.addi %mul3A_0, %mul3A_2 : i32
    "tpu.region"() ({
      %run_scoped3A_78 = tpu.sem_alloc : memref<!tpu.dma_semaphore, #tpu.memory_space<semaphore_mem>>
      %dma_start3A = tpu.memref_slice %arg3[%add3A] : memref<20224xf32, #tpu.memory_space<hbm>> -> memref<632xf32, #tpu.memory_space<hbm>>
      %dma_start3A_79 = tpu.memref_slice %arg3[%add3A] : memref<20224xf32, #tpu.memory_space<hbm>> -> memref<632xf32, #tpu.memory_space<hbm>>
      tpu.enqueue_dma source(%dma_start3A_79 : memref<632xf32, #tpu.memory_space<hbm>>) target(%arg8 : memref<632xf32, #tpu.memory_space<vmem>>) target_semaphore(%run_scoped3A_78 : memref<!tpu.dma_semaphore, #tpu.memory_space<semaphore_mem>>)
      %dma_wait3A = tpu.memref_slice %arg3[%add3A] : memref<20224xf32, #tpu.memory_space<hbm>> -> memref<632xf32, #tpu.memory_space<hbm>>
      %dma_wait3A_80 = tpu.memref_slice %arg3[%add3A] : memref<20224xf32, #tpu.memory_space<hbm>> -> memref<632xf32, #tpu.memory_space<hbm>>
      tpu.wait_dma2 semaphore(%run_scoped3A_78 : memref<!tpu.dma_semaphore, #tpu.memory_space<semaphore_mem>>) src(%dma_wait3A_80 : memref<632xf32, #tpu.memory_space<hbm>>) dst(%arg8 : memref<632xf32, #tpu.memory_space<vmem>>)
      tpu.yield
    }) : () -> ()
    %mul3A_3 = arith.constant 632 : i32
    %mul3A_4 = arith.muli %arg1, %mul3A_3 : i32
    "tpu.region"() ({
      %run_scoped3A_78 = tpu.sem_alloc : memref<!tpu.dma_semaphore, #tpu.memory_space<semaphore_mem>>
      %dma_start3A = tpu.memref_slice %arg5[%mul3A_4] : memref<10112xf32, #tpu.memory_space<vmem_shared>> -> memref<632xf32, #tpu.memory_space<vmem_shared>>
      %dma_start3A_79 = tpu.memref_slice %arg5[%mul3A_4] : memref<10112xf32, #tpu.memory_space<vmem_shared>> -> memref<632xf32, #tpu.memory_space<vmem_shared>>
      tpu.enqueue_dma source(%arg8 : memref<632xf32, #tpu.memory_space<vmem>>) target(%dma_start3A_79 : memref<632xf32, #tpu.memory_space<vmem_shared>>) target_semaphore(%run_scoped3A_78 : memref<!tpu.dma_semaphore, #tpu.memory_space<semaphore_mem>>)
      %dma_wait3A = tpu.memref_slice %arg5[%mul3A_4] : memref<10112xf32, #tpu.memory_space<vmem_shared>> -> memref<632xf32, #tpu.memory_space<vmem_shared>>
      %dma_wait3A_80 = tpu.memref_slice %arg5[%mul3A_4] : memref<10112xf32, #tpu.memory_space<vmem_shared>> -> memref<632xf32, #tpu.memory_space<vmem_shared>>
      tpu.wait_dma2 semaphore(%run_scoped3A_78 : memref<!tpu.dma_semaphore, #tpu.memory_space<semaphore_mem>>) src(%arg8 : memref<632xf32, #tpu.memory_space<vmem>>) dst(%dma_wait3A_80 : memref<632xf32, #tpu.memory_space<vmem_shared>>)
      tpu.yield
    }) : () -> ()
    %broadcast_in_dim3A = arith.constant 1.000000e+00 : f32
    %broadcast_in_dim3A_5 = vector.broadcast %broadcast_in_dim3A : f32 to vector<16xf32>
    %swap3A = arith.constant 0 : index
    %swap3A_6 = tpu.vector_load %arg7[%swap3A] {strides = array<i32>} : memref<128xf32, #tpu.memory_space<vmem>>, vector<16xf32>,
    %swap3A_7 = vector.shape_cast %swap3A_6 : vector<16xf32> to vector<16xf32>
    %swap3A_8 = vector.shape_cast %broadcast_in_dim3A_5 : vector<16xf32> to vector<16xf32>
    tpu.vector_store %arg7[%swap3A], %swap3A_8 {strides = array<i32>} : memref<128xf32, #tpu.memory_space<vmem>>, vector<16xf32>,
    %broadcast_in_dim3A_9 = arith.constant 1.000000e+00 : f32
    %broadcast_in_dim3A_10 = vector.broadcast %broadcast_in_dim3A_9 : f32 to vector<16xf32>
    %swap3A_11 = arith.constant 16 : index
    %swap3A_12 = tpu.vector_load %arg7[%swap3A_11] {strides = array<i32>} : memref<128xf32, #tpu.memory_space<vmem>>, vector<16xf32>,
    %swap3A_13 = vector.shape_cast %swap3A_12 : vector<16xf32> to vector<16xf32>
    %swap3A_14 = vector.shape_cast %broadcast_in_dim3A_10 : vector<16xf32> to vector<16xf32>
    tpu.vector_store %arg7[%swap3A_11], %swap3A_14 {strides = array<i32>} : memref<128xf32, #tpu.memory_space<vmem>>, vector<16xf32>,
    %broadcast_in_dim3A_15 = arith.constant 1.000000e+00 : f32
    %broadcast_in_dim3A_16 = vector.broadcast %broadcast_in_dim3A_15 : f32 to vector<16xf32>
    %swap3A_17 = arith.constant 32 : index
    %swap3A_18 = tpu.vector_load %arg7[%swap3A_17] {strides = array<i32>} : memref<128xf32, #tpu.memory_space<vmem>>, vector<16xf32>,
    %swap3A_19 = vector.shape_cast %swap3A_18 : vector<16xf32> to vector<16xf32>
    %swap3A_20 = vector.shape_cast %broadcast_in_dim3A_16 : vector<16xf32> to vector<16xf32>
    tpu.vector_store %arg7[%swap3A_17], %swap3A_20 {strides = array<i32>} : memref<128xf32, #tpu.memory_space<vmem>>, vector<16xf32>,
    %broadcast_in_dim3A_21 = arith.constant 1.000000e+00 : f32
    %broadcast_in_dim3A_22 = vector.broadcast %broadcast_in_dim3A_21 : f32 to vector<16xf32>
    %swap3A_23 = arith.constant 48 : index
    %swap3A_24 = tpu.vector_load %arg7[%swap3A_23] {strides = array<i32>} : memref<128xf32, #tpu.memory_space<vmem>>, vector<16xf32>,
    %swap3A_25 = vector.shape_cast %swap3A_24 : vector<16xf32> to vector<16xf32>
    %swap3A_26 = vector.shape_cast %broadcast_in_dim3A_22 : vector<16xf32> to vector<16xf32>
    tpu.vector_store %arg7[%swap3A_23], %swap3A_26 {strides = array<i32>} : memref<128xf32, #tpu.memory_space<vmem>>, vector<16xf32>,
    %broadcast_in_dim3A_27 = arith.constant 1.000000e+00 : f32
    %broadcast_in_dim3A_28 = vector.broadcast %broadcast_in_dim3A_27 : f32 to vector<16xf32>
    %swap3A_29 = arith.constant 64 : index
    %swap3A_30 = tpu.vector_load %arg7[%swap3A_29] {strides = array<i32>} : memref<128xf32, #tpu.memory_space<vmem>>, vector<16xf32>,
    %swap3A_31 = vector.shape_cast %swap3A_30 : vector<16xf32> to vector<16xf32>
    %swap3A_32 = vector.shape_cast %broadcast_in_dim3A_28 : vector<16xf32> to vector<16xf32>
    tpu.vector_store %arg7[%swap3A_29], %swap3A_32 {strides = array<i32>} : memref<128xf32, #tpu.memory_space<vmem>>, vector<16xf32>,
    %broadcast_in_dim3A_33 = arith.constant 1.000000e+00 : f32
    %broadcast_in_dim3A_34 = vector.broadcast %broadcast_in_dim3A_33 : f32 to vector<16xf32>
    %swap3A_35 = arith.constant 80 : index
    %swap3A_36 = tpu.vector_load %arg7[%swap3A_35] {strides = array<i32>} : memref<128xf32, #tpu.memory_space<vmem>>, vector<16xf32>,
    %swap3A_37 = vector.shape_cast %swap3A_36 : vector<16xf32> to vector<16xf32>
    %swap3A_38 = vector.shape_cast %broadcast_in_dim3A_34 : vector<16xf32> to vector<16xf32>
    tpu.vector_store %arg7[%swap3A_35], %swap3A_38 {strides = array<i32>} : memref<128xf32, #tpu.memory_space<vmem>>, vector<16xf32>,
    %broadcast_in_dim3A_39 = arith.constant 1.000000e+00 : f32
    %broadcast_in_dim3A_40 = vector.broadcast %broadcast_in_dim3A_39 : f32 to vector<16xf32>
    %swap3A_41 = arith.constant 96 : index
    %swap3A_42 = tpu.vector_load %arg7[%swap3A_41] {strides = array<i32>} : memref<128xf32, #tpu.memory_space<vmem>>, vector<16xf32>,
    %swap3A_43 = vector.shape_cast %swap3A_42 : vector<16xf32> to vector<16xf32>
    %swap3A_44 = vector.shape_cast %broadcast_in_dim3A_40 : vector<16xf32> to vector<16xf32>
    tpu.vector_store %arg7[%swap3A_41], %swap3A_44 {strides = array<i32>} : memref<128xf32, #tpu.memory_space<vmem>>, vector<16xf32>,
    %broadcast_in_dim3A_45 = arith.constant 1.000000e+00 : f32
    %broadcast_in_dim3A_46 = vector.broadcast %broadcast_in_dim3A_45 : f32 to vector<16xf32>
    %swap3A_47 = arith.constant 112 : index
    %swap3A_48 = tpu.vector_load %arg7[%swap3A_47] {strides = array<i32>} : memref<128xf32, #tpu.memory_space<vmem>>, vector<16xf32>,
    %swap3A_49 = vector.shape_cast %swap3A_48 : vector<16xf32> to vector<16xf32>
    %swap3A_50 = vector.shape_cast %broadcast_in_dim3A_46 : vector<16xf32> to vector<16xf32>
    tpu.vector_store %arg7[%swap3A_47], %swap3A_50 {strides = array<i32>} : memref<128xf32, #tpu.memory_space<vmem>>, vector<16xf32>,
    %barrier3A = arith.constant 0 : index
    tpu.barrier barrier_id(%barrier3A)
    %run_scoped3A = arith.constant 0 : i32
    "tpu.region"() ({
      %run_scoped3A_78 = tpu.sem_alloc : memref<!tpu.dma_semaphore, #tpu.memory_space<semaphore_mem>>
      %dma_start3A = arith.constant 0 : i32
      %dma_start3A_79 = arith.constant 0 : i32
      %dma_start3A_80 = tpu.memref_slice %arg2[%arg0, %arg1, %run_scoped3A, %dma_start3A, %dma_start3A_79] : memref<2x16x3x27x128xi32, #tpu.memory_space<hbm>> -> memref<1x1x1x27x128xi32, #tpu.memory_space<hbm>>
      %dma_start3A_81 = tpu.memref_squeeze %dma_start3A_80 : memref<1x1x1x27x128xi32, #tpu.memory_space<hbm>> -> memref<27x128xi32, #tpu.memory_space<hbm>>
      %dma_start3A_82 = arith.constant 0 : i32
      %dma_start3A_83 = arith.constant 0 : i32
      %dma_start3A_84 = tpu.memref_slice %arg2[%arg0, %arg1, %run_scoped3A, %dma_start3A_82, %dma_start3A_83] : memref<2x16x3x27x128xi32, #tpu.memory_space<hbm>> -> memref<1x1x1x27x128xi32, #tpu.memory_space<hbm>>
      %dma_start3A_85 = tpu.memref_squeeze %dma_start3A_84 : memref<1x1x1x27x128xi32, #tpu.memory_space<hbm>> -> memref<27x128xi32, #tpu.memory_space<hbm>>
      tpu.enqueue_dma source(%dma_start3A_85 : memref<27x128xi32, #tpu.memory_space<hbm>>) target(%arg6 : memref<27x128xi32, #tpu.memory_space<vmem>>) target_semaphore(%run_scoped3A_78 : memref<!tpu.dma_semaphore, #tpu.memory_space<semaphore_mem>>)
      %dma_wait3A = arith.constant 0 : i32
      %dma_wait3A_86 = arith.constant 0 : i32
      %dma_wait3A_87 = tpu.memref_slice %arg2[%arg0, %arg1, %run_scoped3A, %dma_wait3A, %dma_wait3A_86] : memref<2x16x3x27x128xi32, #tpu.memory_space<hbm>> -> memref<1x1x1x27x128xi32, #tpu.memory_space<hbm>>
      %dma_wait3A_88 = tpu.memref_squeeze %dma_wait3A_87 : memref<1x1x1x27x128xi32, #tpu.memory_space<hbm>> -> memref<27x128xi32, #tpu.memory_space<hbm>>
      %dma_wait3A_89 = arith.constant 0 : i32
      %dma_wait3A_90 = arith.constant 0 : i32
      %dma_wait3A_91 = tpu.memref_slice %arg2[%arg0, %arg1, %run_scoped3A, %dma_wait3A_89, %dma_wait3A_90] : memref<2x16x3x27x128xi32, #tpu.memory_space<hbm>> -> memref<1x1x1x27x128xi32, #tpu.memory_space<hbm>>
      %dma_wait3A_92 = tpu.memref_squeeze %dma_wait3A_91 : memref<1x1x1x27x128xi32, #tpu.memory_space<hbm>> -> memref<27x128xi32, #tpu.memory_space<hbm>>
      tpu.wait_dma2 semaphore(%run_scoped3A_78 : memref<!tpu.dma_semaphore, #tpu.memory_space<semaphore_mem>>) src(%dma_wait3A_92 : memref<27x128xi32, #tpu.memory_space<hbm>>) dst(%arg6 : memref<27x128xi32, #tpu.memory_space<vmem>>)
      tpu.yield
    }) : () -> ()
    %scan3A = arith.constant 0 : i32
    %scan3A_51 = arith.constant 0 : i32
    %scan3A_52 = arith.constant 27 : i32
    %scan3A_53 = arith.addi %scan3A_51, %scan3A_52 : i32
    %scan3A_54 = arith.constant 1 : i32
    scf.for %scan3A_78 = %scan3A_51 to %scan3A_53 step %scan3A_54  : i32 {
      "tpu.region"() ({
        %run_scoped3A_79 = tpu.sem_alloc : memref<!tpu.dma_semaphore, #tpu.memory_space<semaphore_mem>>
        %dma_start3A = arith.constant 0 : i32
        %dma_start3A_80 = tpu.memref_slice %arg6[%scan3A_78, %dma_start3A] : memref<27x128xi32, #tpu.memory_space<vmem>> -> memref<1x128xi32, #tpu.memory_space<vmem>>
        %dma_start3A_81 = tpu.memref_squeeze %dma_start3A_80 : memref<1x128xi32, #tpu.memory_space<vmem>> -> memref<128xi32, #tpu.memory_space<vmem>>
        %dma_start3A_82 = arith.constant 0 : i32
        %dma_start3A_83 = tpu.memref_slice %arg5[%dma_start3A_82] : memref<10112xf32, #tpu.memory_space<vmem_shared>> -> memref<10112xf32, #tpu.memory_space<vmem_shared>>
        tpu.enqueue_indirect_dma source(%arg7 : memref<128xf32, #tpu.memory_space<vmem>>) target(%dma_start3A_83 : memref<10112xf32, #tpu.memory_space<vmem_shared>>) offsets(%dma_start3A_81 : memref<128xi32, #tpu.memory_space<vmem>>) semaphore(%run_scoped3A_79 : memref<!tpu.dma_semaphore, #tpu.memory_space<semaphore_mem>>) {add = true}
        %dma_wait3A = arith.constant 0 : i32
        %dma_wait3A_84 = tpu.memref_slice %arg6[%scan3A_78, %dma_wait3A] : memref<27x128xi32, #tpu.memory_space<vmem>> -> memref<1x128xi32, #tpu.memory_space<vmem>>
        %dma_wait3A_85 = tpu.memref_squeeze %dma_wait3A_84 : memref<1x128xi32, #tpu.memory_space<vmem>> -> memref<128xi32, #tpu.memory_space<vmem>>
        %dma_wait3A_86 = arith.constant 0 : i32
        %dma_wait3A_87 = tpu.memref_slice %arg5[%dma_wait3A_86] : memref<10112xf32, #tpu.memory_space<vmem_shared>> -> memref<10112xf32, #tpu.memory_space<vmem_shared>>
        tpu.wait_indirect_dma semaphore(%run_scoped3A_79 : memref<!tpu.dma_semaphore, #tpu.memory_space<semaphore_mem>>) src(%arg7 : memref<128xf32, #tpu.memory_space<vmem>>) dst(%dma_wait3A_87 : memref<10112xf32, #tpu.memory_space<vmem_shared>>)
        tpu.yield
      }) : () -> ()
    }
    %scan3A_55 = arith.constant 27 : i32
    %run_scoped3A_56 = arith.constant 1 : i32
    "tpu.region"() ({
      %run_scoped3A_78 = tpu.sem_alloc : memref<!tpu.dma_semaphore, #tpu.memory_space<semaphore_mem>>
      %dma_start3A = arith.constant 0 : i32
      %dma_start3A_79 = arith.constant 0 : i32
      %dma_start3A_80 = tpu.memref_slice %arg2[%arg0, %arg1, %run_scoped3A_56, %dma_start3A, %dma_start3A_79] : memref<2x16x3x27x128xi32, #tpu.memory_space<hbm>> -> memref<1x1x1x27x128xi32, #tpu.memory_space<hbm>>
      %dma_start3A_81 = tpu.memref_squeeze %dma_start3A_80 : memref<1x1x1x27x128xi32, #tpu.memory_space<hbm>> -> memref<27x128xi32, #tpu.memory_space<hbm>>
      %dma_start3A_82 = arith.constant 0 : i32
      %dma_start3A_83 = arith.constant 0 : i32
      %dma_start3A_84 = tpu.memref_slice %arg2[%arg0, %arg1, %run_scoped3A_56, %dma_start3A_82, %dma_start3A_83] : memref<2x16x3x27x128xi32, #tpu.memory_space<hbm>> -> memref<1x1x1x27x128xi32, #tpu.memory_space<hbm>>
      %dma_start3A_85 = tpu.memref_squeeze %dma_start3A_84 : memref<1x1x1x27x128xi32, #tpu.memory_space<hbm>> -> memref<27x128xi32, #tpu.memory_space<hbm>>
      tpu.enqueue_dma source(%dma_start3A_85 : memref<27x128xi32, #tpu.memory_space<hbm>>) target(%arg6 : memref<27x128xi32, #tpu.memory_space<vmem>>) target_semaphore(%run_scoped3A_78 : memref<!tpu.dma_semaphore, #tpu.memory_space<semaphore_mem>>)
      %dma_wait3A = arith.constant 0 : i32
      %dma_wait3A_86 = arith.constant 0 : i32
      %dma_wait3A_87 = tpu.memref_slice %arg2[%arg0, %arg1, %run_scoped3A_56, %dma_wait3A, %dma_wait3A_86] : memref<2x16x3x27x128xi32, #tpu.memory_space<hbm>> -> memref<1x1x1x27x128xi32, #tpu.memory_space<hbm>>
      %dma_wait3A_88 = tpu.memref_squeeze %dma_wait3A_87 : memref<1x1x1x27x128xi32, #tpu.memory_space<hbm>> -> memref<27x128xi32, #tpu.memory_space<hbm>>
      %dma_wait3A_89 = arith.constant 0 : i32
      %dma_wait3A_90 = arith.constant 0 : i32
      %dma_wait3A_91 = tpu.memref_slice %arg2[%arg0, %arg1, %run_scoped3A_56, %dma_wait3A_89, %dma_wait3A_90] : memref<2x16x3x27x128xi32, #tpu.memory_space<hbm>> -> memref<1x1x1x27x128xi32, #tpu.memory_space<hbm>>
      %dma_wait3A_92 = tpu.memref_squeeze %dma_wait3A_91 : memref<1x1x1x27x128xi32, #tpu.memory_space<hbm>> -> memref<27x128xi32, #tpu.memory_space<hbm>>
      tpu.wait_dma2 semaphore(%run_scoped3A_78 : memref<!tpu.dma_semaphore, #tpu.memory_space<semaphore_mem>>) src(%dma_wait3A_92 : memref<27x128xi32, #tpu.memory_space<hbm>>) dst(%arg6 : memref<27x128xi32, #tpu.memory_space<vmem>>)
      tpu.yield
    }) : () -> ()
    %scan3A_57 = arith.constant 0 : i32
    %scan3A_58 = arith.constant 0 : i32
    %scan3A_59 = arith.constant 27 : i32
    %scan3A_60 = arith.addi %scan3A_58, %scan3A_59 : i32
    %scan3A_61 = arith.constant 1 : i32
    scf.for %scan3A_78 = %scan3A_58 to %scan3A_60 step %scan3A_61  : i32 {
      "tpu.region"() ({
        %run_scoped3A_79 = tpu.sem_alloc : memref<!tpu.dma_semaphore, #tpu.memory_space<semaphore_mem>>
        %dma_start3A = arith.constant 0 : i32
        %dma_start3A_80 = tpu.memref_slice %arg6[%scan3A_78, %dma_start3A] : memref<27x128xi32, #tpu.memory_space<vmem>> -> memref<1x128xi32, #tpu.memory_space<vmem>>
        %dma_start3A_81 = tpu.memref_squeeze %dma_start3A_80 : memref<1x128xi32, #tpu.memory_space<vmem>> -> memref<128xi32, #tpu.memory_space<vmem>>
        %dma_start3A_82 = arith.constant 0 : i32
        %dma_start3A_83 = tpu.memref_slice %arg5[%dma_start3A_82] : memref<10112xf32, #tpu.memory_space<vmem_shared>> -> memref<10112xf32, #tpu.memory_space<vmem_shared>>
        tpu.enqueue_indirect_dma source(%arg7 : memref<128xf32, #tpu.memory_space<vmem>>) target(%dma_start3A_83 : memref<10112xf32, #tpu.memory_space<vmem_shared>>) offsets(%dma_start3A_81 : memref<128xi32, #tpu.memory_space<vmem>>) semaphore(%run_scoped3A_79 : memref<!tpu.dma_semaphore, #tpu.memory_space<semaphore_mem>>) {add = true}
        %dma_wait3A = arith.constant 0 : i32
        %dma_wait3A_84 = tpu.memref_slice %arg6[%scan3A_78, %dma_wait3A] : memref<27x128xi32, #tpu.memory_space<vmem>> -> memref<1x128xi32, #tpu.memory_space<vmem>>
        %dma_wait3A_85 = tpu.memref_squeeze %dma_wait3A_84 : memref<1x128xi32, #tpu.memory_space<vmem>> -> memref<128xi32, #tpu.memory_space<vmem>>
        %dma_wait3A_86 = arith.constant 0 : i32
        %dma_wait3A_87 = tpu.memref_slice %arg5[%dma_wait3A_86] : memref<10112xf32, #tpu.memory_space<vmem_shared>> -> memref<10112xf32, #tpu.memory_space<vmem_shared>>
        tpu.wait_indirect_dma semaphore(%run_scoped3A_79 : memref<!tpu.dma_semaphore, #tpu.memory_space<semaphore_mem>>) src(%arg7 : memref<128xf32, #tpu.memory_space<vmem>>) dst(%dma_wait3A_87 : memref<10112xf32, #tpu.memory_space<vmem_shared>>)
        tpu.yield
      }) : () -> ()
    }
    %scan3A_62 = arith.constant 27 : i32
    %run_scoped3A_63 = arith.constant 2 : i32
    "tpu.region"() ({
      %run_scoped3A_78 = tpu.sem_alloc : memref<!tpu.dma_semaphore, #tpu.memory_space<semaphore_mem>>
      %dma_start3A = arith.constant 0 : i32
      %dma_start3A_79 = arith.constant 0 : i32
      %dma_start3A_80 = tpu.memref_slice %arg2[%arg0, %arg1, %run_scoped3A_63, %dma_start3A, %dma_start3A_79] : memref<2x16x3x27x128xi32, #tpu.memory_space<hbm>> -> memref<1x1x1x27x128xi32, #tpu.memory_space<hbm>>
      %dma_start3A_81 = tpu.memref_squeeze %dma_start3A_80 : memref<1x1x1x27x128xi32, #tpu.memory_space<hbm>> -> memref<27x128xi32, #tpu.memory_space<hbm>>
      %dma_start3A_82 = arith.constant 0 : i32
      %dma_start3A_83 = arith.constant 0 : i32
      %dma_start3A_84 = tpu.memref_slice %arg2[%arg0, %arg1, %run_scoped3A_63, %dma_start3A_82, %dma_start3A_83] : memref<2x16x3x27x128xi32, #tpu.memory_space<hbm>> -> memref<1x1x1x27x128xi32, #tpu.memory_space<hbm>>
      %dma_start3A_85 = tpu.memref_squeeze %dma_start3A_84 : memref<1x1x1x27x128xi32, #tpu.memory_space<hbm>> -> memref<27x128xi32, #tpu.memory_space<hbm>>
      tpu.enqueue_dma source(%dma_start3A_85 : memref<27x128xi32, #tpu.memory_space<hbm>>) target(%arg6 : memref<27x128xi32, #tpu.memory_space<vmem>>) target_semaphore(%run_scoped3A_78 : memref<!tpu.dma_semaphore, #tpu.memory_space<semaphore_mem>>)
      %dma_wait3A = arith.constant 0 : i32
      %dma_wait3A_86 = arith.constant 0 : i32
      %dma_wait3A_87 = tpu.memref_slice %arg2[%arg0, %arg1, %run_scoped3A_63, %dma_wait3A, %dma_wait3A_86] : memref<2x16x3x27x128xi32, #tpu.memory_space<hbm>> -> memref<1x1x1x27x128xi32, #tpu.memory_space<hbm>>
      %dma_wait3A_88 = tpu.memref_squeeze %dma_wait3A_87 : memref<1x1x1x27x128xi32, #tpu.memory_space<hbm>> -> memref<27x128xi32, #tpu.memory_space<hbm>>
      %dma_wait3A_89 = arith.constant 0 : i32
      %dma_wait3A_90 = arith.constant 0 : i32
      %dma_wait3A_91 = tpu.memref_slice %arg2[%arg0, %arg1, %run_scoped3A_63, %dma_wait3A_89, %dma_wait3A_90] : memref<2x16x3x27x128xi32, #tpu.memory_space<hbm>> -> memref<1x1x1x27x128xi32, #tpu.memory_space<hbm>>
      %dma_wait3A_92 = tpu.memref_squeeze %dma_wait3A_91 : memref<1x1x1x27x128xi32, #tpu.memory_space<hbm>> -> memref<27x128xi32, #tpu.memory_space<hbm>>
      tpu.wait_dma2 semaphore(%run_scoped3A_78 : memref<!tpu.dma_semaphore, #tpu.memory_space<semaphore_mem>>) src(%dma_wait3A_92 : memref<27x128xi32, #tpu.memory_space<hbm>>) dst(%arg6 : memref<27x128xi32, #tpu.memory_space<vmem>>)
      tpu.yield
    }) : () -> ()
    %scan3A_64 = arith.constant 0 : i32
    %scan3A_65 = arith.constant 0 : i32
    %scan3A_66 = arith.constant 27 : i32
    %scan3A_67 = arith.addi %scan3A_65, %scan3A_66 : i32
    %scan3A_68 = arith.constant 1 : i32
    scf.for %scan3A_78 = %scan3A_65 to %scan3A_67 step %scan3A_68  : i32 {
      "tpu.region"() ({
        %run_scoped3A_79 = tpu.sem_alloc : memref<!tpu.dma_semaphore, #tpu.memory_space<semaphore_mem>>
        %dma_start3A = arith.constant 0 : i32
        %dma_start3A_80 = tpu.memref_slice %arg6[%scan3A_78, %dma_start3A] : memref<27x128xi32, #tpu.memory_space<vmem>> -> memref<1x128xi32, #tpu.memory_space<vmem>>
        %dma_start3A_81 = tpu.memref_squeeze %dma_start3A_80 : memref<1x128xi32, #tpu.memory_space<vmem>> -> memref<128xi32, #tpu.memory_space<vmem>>
        %dma_start3A_82 = arith.constant 0 : i32
        %dma_start3A_83 = tpu.memref_slice %arg5[%dma_start3A_82] : memref<10112xf32, #tpu.memory_space<vmem_shared>> -> memref<10112xf32, #tpu.memory_space<vmem_shared>>
        tpu.enqueue_indirect_dma source(%arg7 : memref<128xf32, #tpu.memory_space<vmem>>) target(%dma_start3A_83 : memref<10112xf32, #tpu.memory_space<vmem_shared>>) offsets(%dma_start3A_81 : memref<128xi32, #tpu.memory_space<vmem>>) semaphore(%run_scoped3A_79 : memref<!tpu.dma_semaphore, #tpu.memory_space<semaphore_mem>>) {add = true}
        %dma_wait3A = arith.constant 0 : i32
        %dma_wait3A_84 = tpu.memref_slice %arg6[%scan3A_78, %dma_wait3A] : memref<27x128xi32, #tpu.memory_space<vmem>> -> memref<1x128xi32, #tpu.memory_space<vmem>>
        %dma_wait3A_85 = tpu.memref_squeeze %dma_wait3A_84 : memref<1x128xi32, #tpu.memory_space<vmem>> -> memref<128xi32, #tpu.memory_space<vmem>>
        %dma_wait3A_86 = arith.constant 0 : i32
        %dma_wait3A_87 = tpu.memref_slice %arg5[%dma_wait3A_86] : memref<10112xf32, #tpu.memory_space<vmem_shared>> -> memref<10112xf32, #tpu.memory_space<vmem_shared>>
        tpu.wait_indirect_dma semaphore(%run_scoped3A_79 : memref<!tpu.dma_semaphore, #tpu.memory_space<semaphore_mem>>) src(%arg7 : memref<128xf32, #tpu.memory_space<vmem>>) dst(%dma_wait3A_87 : memref<10112xf32, #tpu.memory_space<vmem_shared>>)
        tpu.yield
      }) : () -> ()
    }
    %scan3A_69 = arith.constant 27 : i32
    %barrier3A_70 = arith.constant 0 : index
    tpu.barrier barrier_id(%barrier3A_70)
    %mul3A_71 = arith.constant 632 : i32
    %mul3A_72 = arith.muli %arg1, %mul3A_71 : i32
    "tpu.region"() ({
      %run_scoped3A_78 = tpu.sem_alloc : memref<!tpu.dma_semaphore, #tpu.memory_space<semaphore_mem>>
      %dma_start3A = tpu.memref_slice %arg5[%mul3A_72] : memref<10112xf32, #tpu.memory_space<vmem_shared>> -> memref<632xf32, #tpu.memory_space<vmem_shared>>
      %dma_start3A_79 = tpu.memref_slice %arg5[%mul3A_72] : memref<10112xf32, #tpu.memory_space<vmem_shared>> -> memref<632xf32, #tpu.memory_space<vmem_shared>>
      tpu.enqueue_dma source(%dma_start3A_79 : memref<632xf32, #tpu.memory_space<vmem_shared>>) target(%arg8 : memref<632xf32, #tpu.memory_space<vmem>>) target_semaphore(%run_scoped3A_78 : memref<!tpu.dma_semaphore, #tpu.memory_space<semaphore_mem>>)
      %dma_wait3A = tpu.memref_slice %arg5[%mul3A_72] : memref<10112xf32, #tpu.memory_space<vmem_shared>> -> memref<632xf32, #tpu.memory_space<vmem_shared>>
      %dma_wait3A_80 = tpu.memref_slice %arg5[%mul3A_72] : memref<10112xf32, #tpu.memory_space<vmem_shared>> -> memref<632xf32, #tpu.memory_space<vmem_shared>>
      tpu.wait_dma2 semaphore(%run_scoped3A_78 : memref<!tpu.dma_semaphore, #tpu.memory_space<semaphore_mem>>) src(%dma_wait3A_80 : memref<632xf32, #tpu.memory_space<vmem_shared>>) dst(%arg8 : memref<632xf32, #tpu.memory_space<vmem>>)
      tpu.yield
    }) : () -> ()
    %mul3A_73 = arith.constant 10112 : i32
    %mul3A_74 = arith.muli %arg0, %mul3A_73 : i32
    %mul3A_75 = arith.constant 632 : i32
    %mul3A_76 = arith.muli %arg1, %mul3A_75 : i32
    %add3A_77 = arith.addi %mul3A_74, %mul3A_76 : i32
    "tpu.region"() ({
      %run_scoped3A_78 = tpu.sem_alloc : memref<!tpu.dma_semaphore, #tpu.memory_space<semaphore_mem>>
      %dma_start3A = tpu.memref_slice %arg4[%add3A_77] : memref<20224xf32, #tpu.memory_space<hbm>> -> memref<632xf32, #tpu.memory_space<hbm>>
      %dma_start3A_79 = tpu.memref_slice %arg4[%add3A_77] : memref<20224xf32, #tpu.memory_space<hbm>> -> memref<632xf32, #tpu.memory_space<hbm>>
      tpu.enqueue_dma source(%arg8 : memref<632xf32, #tpu.memory_space<vmem>>) target(%dma_start3A_79 : memref<632xf32, #tpu.memory_space<hbm>>) target_semaphore(%run_scoped3A_78 : memref<!tpu.dma_semaphore, #tpu.memory_space<semaphore_mem>>)
      %dma_wait3A = tpu.memref_slice %arg4[%add3A_77] : memref<20224xf32, #tpu.memory_space<hbm>> -> memref<632xf32, #tpu.memory_space<hbm>>
      %dma_wait3A_80 = tpu.memref_slice %arg4[%add3A_77] : memref<20224xf32, #tpu.memory_space<hbm>> -> memref<632xf32, #tpu.memory_space<hbm>>
      tpu.wait_dma2 semaphore(%run_scoped3A_78 : memref<!tpu.dma_semaphore, #tpu.memory_space<semaphore_mem>>) src(%arg8 : memref<632xf32, #tpu.memory_space<vmem>>) dst(%dma_wait3A_80 : memref<632xf32, #tpu.memory_space<hbm>>)
      tpu.yield
    }) : () -> ()
    return
  }
}

#map = affine_map<(d0, d1) -> (0, 0)>
#map1 = affine_map<(d0, d1) -> (0, 0, 0, 0, 0)>
#map2 = affine_map<(d0, d1) -> (0, 0, 0)>
module attributes {stable_mosaic.version = 14 : i64} {
  func.func @_propagate(%arg0: i32, %arg1: i32, %arg2: memref<10112x128xf32, #tpu.memory_space<hbm>>, %arg3: memref<2x16x3x27x128xi32, #tpu.memory_space<hbm>>, %arg4: memref<2x16x3x27x128xi32, #tpu.memory_space<hbm>>, %arg5: memref<2x10112x128xf32, #tpu.memory_space<hbm>>, %arg6: memref<10112x128xf32, #tpu.memory_space<vmem_shared>>, %arg7: memref<27x128xi32, #tpu.memory_space<vmem>>, %arg8: memref<27x128xi32, #tpu.memory_space<vmem>>, %arg9: memref<128x128xf32, #tpu.memory_space<vmem>>) attributes {dimension_semantics = [#tpu.dimension_semantics<core_parallel>, #tpu.dimension_semantics<subcore_parallel>], iteration_bounds = array<i64: 2, 16>, scalar_prefetch = 0 : i64, scratch_operands = 4 : i64, tpu.core_type = #tpu.core_type<sc_vector_subcore>, window_params = [{transform_indices = #map}, {transform_indices = #map1}, {transform_indices = #map1}, {transform_indices = #map2}]} {
    %scan3A = arith.constant 0 : i32
    %scan3A_0 = arith.constant 0 : i32
    %scan3A_1 = arith.constant 128 : i32
    %scan3A_2 = arith.addi %scan3A_0, %scan3A_1 : i32
    %scan3A_3 = arith.constant 1 : i32
    scf.for %scan3A_87 = %scan3A_0 to %scan3A_2 step %scan3A_3  : i32 {
      %broadcast_in_dim3A = arith.constant 0.000000e+00 : f32
      %broadcast_in_dim3A_88 = vector.broadcast %broadcast_in_dim3A : f32 to vector<16xf32>
      %swap3A = arith.index_cast %scan3A_87 : i32 to index
      %swap3A_89 = arith.constant 0 : index
      %swap3A_90 = tpu.vector_load %arg9[%swap3A, %swap3A_89] {strides = array<i32>} : memref<128x128xf32, #tpu.memory_space<vmem>>, vector<1x16xf32>,
      %swap3A_91 = vector.shape_cast %swap3A_90 : vector<1x16xf32> to vector<16xf32>
      %swap3A_92 = vector.shape_cast %broadcast_in_dim3A_88 : vector<16xf32> to vector<1x16xf32>
      tpu.vector_store %arg9[%swap3A, %swap3A_89], %swap3A_92 {strides = array<i32>} : memref<128x128xf32, #tpu.memory_space<vmem>>, vector<1x16xf32>,
      %broadcast_in_dim3A_93 = arith.constant 0.000000e+00 : f32
      %broadcast_in_dim3A_94 = vector.broadcast %broadcast_in_dim3A_93 : f32 to vector<16xf32>
      %swap3A_95 = arith.index_cast %scan3A_87 : i32 to index
      %swap3A_96 = arith.constant 16 : index
      %swap3A_97 = tpu.vector_load %arg9[%swap3A_95, %swap3A_96] {strides = array<i32>} : memref<128x128xf32, #tpu.memory_space<vmem>>, vector<1x16xf32>,
      %swap3A_98 = vector.shape_cast %swap3A_97 : vector<1x16xf32> to vector<16xf32>
      %swap3A_99 = vector.shape_cast %broadcast_in_dim3A_94 : vector<16xf32> to vector<1x16xf32>
      tpu.vector_store %arg9[%swap3A_95, %swap3A_96], %swap3A_99 {strides = array<i32>} : memref<128x128xf32, #tpu.memory_space<vmem>>, vector<1x16xf32>,
      %broadcast_in_dim3A_100 = arith.constant 0.000000e+00 : f32
      %broadcast_in_dim3A_101 = vector.broadcast %broadcast_in_dim3A_100 : f32 to vector<16xf32>
      %swap3A_102 = arith.index_cast %scan3A_87 : i32 to index
      %swap3A_103 = arith.constant 32 : index
      %swap3A_104 = tpu.vector_load %arg9[%swap3A_102, %swap3A_103] {strides = array<i32>} : memref<128x128xf32, #tpu.memory_space<vmem>>, vector<1x16xf32>,
      %swap3A_105 = vector.shape_cast %swap3A_104 : vector<1x16xf32> to vector<16xf32>
      %swap3A_106 = vector.shape_cast %broadcast_in_dim3A_101 : vector<16xf32> to vector<1x16xf32>
      tpu.vector_store %arg9[%swap3A_102, %swap3A_103], %swap3A_106 {strides = array<i32>} : memref<128x128xf32, #tpu.memory_space<vmem>>, vector<1x16xf32>,
      %broadcast_in_dim3A_107 = arith.constant 0.000000e+00 : f32
      %broadcast_in_dim3A_108 = vector.broadcast %broadcast_in_dim3A_107 : f32 to vector<16xf32>
      %swap3A_109 = arith.index_cast %scan3A_87 : i32 to index
      %swap3A_110 = arith.constant 48 : index
      %swap3A_111 = tpu.vector_load %arg9[%swap3A_109, %swap3A_110] {strides = array<i32>} : memref<128x128xf32, #tpu.memory_space<vmem>>, vector<1x16xf32>,
      %swap3A_112 = vector.shape_cast %swap3A_111 : vector<1x16xf32> to vector<16xf32>
      %swap3A_113 = vector.shape_cast %broadcast_in_dim3A_108 : vector<16xf32> to vector<1x16xf32>
      tpu.vector_store %arg9[%swap3A_109, %swap3A_110], %swap3A_113 {strides = array<i32>} : memref<128x128xf32, #tpu.memory_space<vmem>>, vector<1x16xf32>,
      %broadcast_in_dim3A_114 = arith.constant 0.000000e+00 : f32
      %broadcast_in_dim3A_115 = vector.broadcast %broadcast_in_dim3A_114 : f32 to vector<16xf32>
      %swap3A_116 = arith.index_cast %scan3A_87 : i32 to index
      %swap3A_117 = arith.constant 64 : index
      %swap3A_118 = tpu.vector_load %arg9[%swap3A_116, %swap3A_117] {strides = array<i32>} : memref<128x128xf32, #tpu.memory_space<vmem>>, vector<1x16xf32>,
      %swap3A_119 = vector.shape_cast %swap3A_118 : vector<1x16xf32> to vector<16xf32>
      %swap3A_120 = vector.shape_cast %broadcast_in_dim3A_115 : vector<16xf32> to vector<1x16xf32>
      tpu.vector_store %arg9[%swap3A_116, %swap3A_117], %swap3A_120 {strides = array<i32>} : memref<128x128xf32, #tpu.memory_space<vmem>>, vector<1x16xf32>,
      %broadcast_in_dim3A_121 = arith.constant 0.000000e+00 : f32
      %broadcast_in_dim3A_122 = vector.broadcast %broadcast_in_dim3A_121 : f32 to vector<16xf32>
      %swap3A_123 = arith.index_cast %scan3A_87 : i32 to index
      %swap3A_124 = arith.constant 80 : index
      %swap3A_125 = tpu.vector_load %arg9[%swap3A_123, %swap3A_124] {strides = array<i32>} : memref<128x128xf32, #tpu.memory_space<vmem>>, vector<1x16xf32>,
      %swap3A_126 = vector.shape_cast %swap3A_125 : vector<1x16xf32> to vector<16xf32>
      %swap3A_127 = vector.shape_cast %broadcast_in_dim3A_122 : vector<16xf32> to vector<1x16xf32>
      tpu.vector_store %arg9[%swap3A_123, %swap3A_124], %swap3A_127 {strides = array<i32>} : memref<128x128xf32, #tpu.memory_space<vmem>>, vector<1x16xf32>,
      %broadcast_in_dim3A_128 = arith.constant 0.000000e+00 : f32
      %broadcast_in_dim3A_129 = vector.broadcast %broadcast_in_dim3A_128 : f32 to vector<16xf32>
      %swap3A_130 = arith.index_cast %scan3A_87 : i32 to index
      %swap3A_131 = arith.constant 96 : index
      %swap3A_132 = tpu.vector_load %arg9[%swap3A_130, %swap3A_131] {strides = array<i32>} : memref<128x128xf32, #tpu.memory_space<vmem>>, vector<1x16xf32>,
      %swap3A_133 = vector.shape_cast %swap3A_132 : vector<1x16xf32> to vector<16xf32>
      %swap3A_134 = vector.shape_cast %broadcast_in_dim3A_129 : vector<16xf32> to vector<1x16xf32>
      tpu.vector_store %arg9[%swap3A_130, %swap3A_131], %swap3A_134 {strides = array<i32>} : memref<128x128xf32, #tpu.memory_space<vmem>>, vector<1x16xf32>,
      %broadcast_in_dim3A_135 = arith.constant 0.000000e+00 : f32
      %broadcast_in_dim3A_136 = vector.broadcast %broadcast_in_dim3A_135 : f32 to vector<16xf32>
      %swap3A_137 = arith.index_cast %scan3A_87 : i32 to index
      %swap3A_138 = arith.constant 112 : index
      %swap3A_139 = tpu.vector_load %arg9[%swap3A_137, %swap3A_138] {strides = array<i32>} : memref<128x128xf32, #tpu.memory_space<vmem>>, vector<1x16xf32>,
      %swap3A_140 = vector.shape_cast %swap3A_139 : vector<1x16xf32> to vector<16xf32>
      %swap3A_141 = vector.shape_cast %broadcast_in_dim3A_136 : vector<16xf32> to vector<1x16xf32>
      tpu.vector_store %arg9[%swap3A_137, %swap3A_138], %swap3A_141 {strides = array<i32>} : memref<128x128xf32, #tpu.memory_space<vmem>>, vector<1x16xf32>,
    }
    %scan3A_4 = arith.constant 128 : i32
    %mul3A = arith.constant 632 : i32
    %mul3A_5 = arith.muli %arg1, %mul3A : i32
    %add3A = arith.constant 0 : i32
    %add3A_6 = arith.addi %mul3A_5, %add3A : i32
    "tpu.region"() ({
      %run_scoped3A_87 = tpu.sem_alloc : memref<!tpu.dma_semaphore, #tpu.memory_space<semaphore_mem>>
      %dma_start3A = arith.constant 0 : i32
      %dma_start3A_88 = arith.constant 0 : i32
      %dma_start3A_89 = tpu.memref_slice %arg9[%dma_start3A, %dma_start3A_88] : memref<128x128xf32, #tpu.memory_space<vmem>> -> memref<128x128xf32, #tpu.memory_space<vmem>>
      %dma_start3A_90 = arith.constant 0 : i32
      %dma_start3A_91 = tpu.memref_slice %arg6[%add3A_6, %dma_start3A_90] : memref<10112x128xf32, #tpu.memory_space<vmem_shared>> -> memref<128x128xf32, #tpu.memory_space<vmem_shared>>
      %dma_start3A_92 = arith.constant 0 : i32
      %dma_start3A_93 = tpu.memref_slice %arg6[%add3A_6, %dma_start3A_92] : memref<10112x128xf32, #tpu.memory_space<vmem_shared>> -> memref<128x128xf32, #tpu.memory_space<vmem_shared>>
      %dma_start3A_94 = arith.constant 0 : i32
      %dma_start3A_95 = arith.constant 0 : i32
      %dma_start3A_96 = tpu.memref_slice %arg9[%dma_start3A_94, %dma_start3A_95] : memref<128x128xf32, #tpu.memory_space<vmem>> -> memref<128x128xf32, #tpu.memory_space<vmem>>
      tpu.enqueue_dma source(%dma_start3A_96 : memref<128x128xf32, #tpu.memory_space<vmem>>) target(%dma_start3A_93 : memref<128x128xf32, #tpu.memory_space<vmem_shared>>) target_semaphore(%run_scoped3A_87 : memref<!tpu.dma_semaphore, #tpu.memory_space<semaphore_mem>>)
      %dma_wait3A = arith.constant 0 : i32
      %dma_wait3A_97 = arith.constant 0 : i32
      %dma_wait3A_98 = tpu.memref_slice %arg9[%dma_wait3A, %dma_wait3A_97] : memref<128x128xf32, #tpu.memory_space<vmem>> -> memref<128x128xf32, #tpu.memory_space<vmem>>
      %dma_wait3A_99 = arith.constant 0 : i32
      %dma_wait3A_100 = tpu.memref_slice %arg6[%add3A_6, %dma_wait3A_99] : memref<10112x128xf32, #tpu.memory_space<vmem_shared>> -> memref<128x128xf32, #tpu.memory_space<vmem_shared>>
      %dma_wait3A_101 = arith.constant 0 : i32
      %dma_wait3A_102 = tpu.memref_slice %arg6[%add3A_6, %dma_wait3A_101] : memref<10112x128xf32, #tpu.memory_space<vmem_shared>> -> memref<128x128xf32, #tpu.memory_space<vmem_shared>>
      %dma_wait3A_103 = arith.constant 0 : i32
      %dma_wait3A_104 = arith.constant 0 : i32
      %dma_wait3A_105 = tpu.memref_slice %arg9[%dma_wait3A_103, %dma_wait3A_104] : memref<128x128xf32, #tpu.memory_space<vmem>> -> memref<128x128xf32, #tpu.memory_space<vmem>>
      tpu.wait_dma2 semaphore(%run_scoped3A_87 : memref<!tpu.dma_semaphore, #tpu.memory_space<semaphore_mem>>) src(%dma_wait3A_105 : memref<128x128xf32, #tpu.memory_space<vmem>>) dst(%dma_wait3A_102 : memref<128x128xf32, #tpu.memory_space<vmem_shared>>)
      tpu.yield
    }) : () -> ()
    %mul3A_7 = arith.constant 632 : i32
    %mul3A_8 = arith.muli %arg1, %mul3A_7 : i32
    %add3A_9 = arith.constant 128 : i32
    %add3A_10 = arith.addi %mul3A_8, %add3A_9 : i32
    "tpu.region"() ({
      %run_scoped3A_87 = tpu.sem_alloc : memref<!tpu.dma_semaphore, #tpu.memory_space<semaphore_mem>>
      %dma_start3A = arith.constant 0 : i32
      %dma_start3A_88 = arith.constant 0 : i32
      %dma_start3A_89 = tpu.memref_slice %arg9[%dma_start3A, %dma_start3A_88] : memref<128x128xf32, #tpu.memory_space<vmem>> -> memref<128x128xf32, #tpu.memory_space<vmem>>
      %dma_start3A_90 = arith.constant 0 : i32
      %dma_start3A_91 = tpu.memref_slice %arg6[%add3A_10, %dma_start3A_90] : memref<10112x128xf32, #tpu.memory_space<vmem_shared>> -> memref<128x128xf32, #tpu.memory_space<vmem_shared>>
      %dma_start3A_92 = arith.constant 0 : i32
      %dma_start3A_93 = tpu.memref_slice %arg6[%add3A_10, %dma_start3A_92] : memref<10112x128xf32, #tpu.memory_space<vmem_shared>> -> memref<128x128xf32, #tpu.memory_space<vmem_shared>>
      %dma_start3A_94 = arith.constant 0 : i32
      %dma_start3A_95 = arith.constant 0 : i32
      %dma_start3A_96 = tpu.memref_slice %arg9[%dma_start3A_94, %dma_start3A_95] : memref<128x128xf32, #tpu.memory_space<vmem>> -> memref<128x128xf32, #tpu.memory_space<vmem>>
      tpu.enqueue_dma source(%dma_start3A_96 : memref<128x128xf32, #tpu.memory_space<vmem>>) target(%dma_start3A_93 : memref<128x128xf32, #tpu.memory_space<vmem_shared>>) target_semaphore(%run_scoped3A_87 : memref<!tpu.dma_semaphore, #tpu.memory_space<semaphore_mem>>)
      %dma_wait3A = arith.constant 0 : i32
      %dma_wait3A_97 = arith.constant 0 : i32
      %dma_wait3A_98 = tpu.memref_slice %arg9[%dma_wait3A, %dma_wait3A_97] : memref<128x128xf32, #tpu.memory_space<vmem>> -> memref<128x128xf32, #tpu.memory_space<vmem>>
      %dma_wait3A_99 = arith.constant 0 : i32
      %dma_wait3A_100 = tpu.memref_slice %arg6[%add3A_10, %dma_wait3A_99] : memref<10112x128xf32, #tpu.memory_space<vmem_shared>> -> memref<128x128xf32, #tpu.memory_space<vmem_shared>>
      %dma_wait3A_101 = arith.constant 0 : i32
      %dma_wait3A_102 = tpu.memref_slice %arg6[%add3A_10, %dma_wait3A_101] : memref<10112x128xf32, #tpu.memory_space<vmem_shared>> -> memref<128x128xf32, #tpu.memory_space<vmem_shared>>
      %dma_wait3A_103 = arith.constant 0 : i32
      %dma_wait3A_104 = arith.constant 0 : i32
      %dma_wait3A_105 = tpu.memref_slice %arg9[%dma_wait3A_103, %dma_wait3A_104] : memref<128x128xf32, #tpu.memory_space<vmem>> -> memref<128x128xf32, #tpu.memory_space<vmem>>
      tpu.wait_dma2 semaphore(%run_scoped3A_87 : memref<!tpu.dma_semaphore, #tpu.memory_space<semaphore_mem>>) src(%dma_wait3A_105 : memref<128x128xf32, #tpu.memory_space<vmem>>) dst(%dma_wait3A_102 : memref<128x128xf32, #tpu.memory_space<vmem_shared>>)
      tpu.yield
    }) : () -> ()
    %mul3A_11 = arith.constant 632 : i32
    %mul3A_12 = arith.muli %arg1, %mul3A_11 : i32
    %add3A_13 = arith.constant 256 : i32
    %add3A_14 = arith.addi %mul3A_12, %add3A_13 : i32
    "tpu.region"() ({
      %run_scoped3A_87 = tpu.sem_alloc : memref<!tpu.dma_semaphore, #tpu.memory_space<semaphore_mem>>
      %dma_start3A = arith.constant 0 : i32
      %dma_start3A_88 = arith.constant 0 : i32
      %dma_start3A_89 = tpu.memref_slice %arg9[%dma_start3A, %dma_start3A_88] : memref<128x128xf32, #tpu.memory_space<vmem>> -> memref<128x128xf32, #tpu.memory_space<vmem>>
      %dma_start3A_90 = arith.constant 0 : i32
      %dma_start3A_91 = tpu.memref_slice %arg6[%add3A_14, %dma_start3A_90] : memref<10112x128xf32, #tpu.memory_space<vmem_shared>> -> memref<128x128xf32, #tpu.memory_space<vmem_shared>>
      %dma_start3A_92 = arith.constant 0 : i32
      %dma_start3A_93 = tpu.memref_slice %arg6[%add3A_14, %dma_start3A_92] : memref<10112x128xf32, #tpu.memory_space<vmem_shared>> -> memref<128x128xf32, #tpu.memory_space<vmem_shared>>
      %dma_start3A_94 = arith.constant 0 : i32
      %dma_start3A_95 = arith.constant 0 : i32
      %dma_start3A_96 = tpu.memref_slice %arg9[%dma_start3A_94, %dma_start3A_95] : memref<128x128xf32, #tpu.memory_space<vmem>> -> memref<128x128xf32, #tpu.memory_space<vmem>>
      tpu.enqueue_dma source(%dma_start3A_96 : memref<128x128xf32, #tpu.memory_space<vmem>>) target(%dma_start3A_93 : memref<128x128xf32, #tpu.memory_space<vmem_shared>>) target_semaphore(%run_scoped3A_87 : memref<!tpu.dma_semaphore, #tpu.memory_space<semaphore_mem>>)
      %dma_wait3A = arith.constant 0 : i32
      %dma_wait3A_97 = arith.constant 0 : i32
      %dma_wait3A_98 = tpu.memref_slice %arg9[%dma_wait3A, %dma_wait3A_97] : memref<128x128xf32, #tpu.memory_space<vmem>> -> memref<128x128xf32, #tpu.memory_space<vmem>>
      %dma_wait3A_99 = arith.constant 0 : i32
      %dma_wait3A_100 = tpu.memref_slice %arg6[%add3A_14, %dma_wait3A_99] : memref<10112x128xf32, #tpu.memory_space<vmem_shared>> -> memref<128x128xf32, #tpu.memory_space<vmem_shared>>
      %dma_wait3A_101 = arith.constant 0 : i32
      %dma_wait3A_102 = tpu.memref_slice %arg6[%add3A_14, %dma_wait3A_101] : memref<10112x128xf32, #tpu.memory_space<vmem_shared>> -> memref<128x128xf32, #tpu.memory_space<vmem_shared>>
      %dma_wait3A_103 = arith.constant 0 : i32
      %dma_wait3A_104 = arith.constant 0 : i32
      %dma_wait3A_105 = tpu.memref_slice %arg9[%dma_wait3A_103, %dma_wait3A_104] : memref<128x128xf32, #tpu.memory_space<vmem>> -> memref<128x128xf32, #tpu.memory_space<vmem>>
      tpu.wait_dma2 semaphore(%run_scoped3A_87 : memref<!tpu.dma_semaphore, #tpu.memory_space<semaphore_mem>>) src(%dma_wait3A_105 : memref<128x128xf32, #tpu.memory_space<vmem>>) dst(%dma_wait3A_102 : memref<128x128xf32, #tpu.memory_space<vmem_shared>>)
      tpu.yield
    }) : () -> ()
    %mul3A_15 = arith.constant 632 : i32
    %mul3A_16 = arith.muli %arg1, %mul3A_15 : i32
    %add3A_17 = arith.constant 384 : i32
    %add3A_18 = arith.addi %mul3A_16, %add3A_17 : i32
    "tpu.region"() ({
      %run_scoped3A_87 = tpu.sem_alloc : memref<!tpu.dma_semaphore, #tpu.memory_space<semaphore_mem>>
      %dma_start3A = arith.constant 0 : i32
      %dma_start3A_88 = arith.constant 0 : i32
      %dma_start3A_89 = tpu.memref_slice %arg9[%dma_start3A, %dma_start3A_88] : memref<128x128xf32, #tpu.memory_space<vmem>> -> memref<128x128xf32, #tpu.memory_space<vmem>>
      %dma_start3A_90 = arith.constant 0 : i32
      %dma_start3A_91 = tpu.memref_slice %arg6[%add3A_18, %dma_start3A_90] : memref<10112x128xf32, #tpu.memory_space<vmem_shared>> -> memref<128x128xf32, #tpu.memory_space<vmem_shared>>
      %dma_start3A_92 = arith.constant 0 : i32
      %dma_start3A_93 = tpu.memref_slice %arg6[%add3A_18, %dma_start3A_92] : memref<10112x128xf32, #tpu.memory_space<vmem_shared>> -> memref<128x128xf32, #tpu.memory_space<vmem_shared>>
      %dma_start3A_94 = arith.constant 0 : i32
      %dma_start3A_95 = arith.constant 0 : i32
      %dma_start3A_96 = tpu.memref_slice %arg9[%dma_start3A_94, %dma_start3A_95] : memref<128x128xf32, #tpu.memory_space<vmem>> -> memref<128x128xf32, #tpu.memory_space<vmem>>
      tpu.enqueue_dma source(%dma_start3A_96 : memref<128x128xf32, #tpu.memory_space<vmem>>) target(%dma_start3A_93 : memref<128x128xf32, #tpu.memory_space<vmem_shared>>) target_semaphore(%run_scoped3A_87 : memref<!tpu.dma_semaphore, #tpu.memory_space<semaphore_mem>>)
      %dma_wait3A = arith.constant 0 : i32
      %dma_wait3A_97 = arith.constant 0 : i32
      %dma_wait3A_98 = tpu.memref_slice %arg9[%dma_wait3A, %dma_wait3A_97] : memref<128x128xf32, #tpu.memory_space<vmem>> -> memref<128x128xf32, #tpu.memory_space<vmem>>
      %dma_wait3A_99 = arith.constant 0 : i32
      %dma_wait3A_100 = tpu.memref_slice %arg6[%add3A_18, %dma_wait3A_99] : memref<10112x128xf32, #tpu.memory_space<vmem_shared>> -> memref<128x128xf32, #tpu.memory_space<vmem_shared>>
      %dma_wait3A_101 = arith.constant 0 : i32
      %dma_wait3A_102 = tpu.memref_slice %arg6[%add3A_18, %dma_wait3A_101] : memref<10112x128xf32, #tpu.memory_space<vmem_shared>> -> memref<128x128xf32, #tpu.memory_space<vmem_shared>>
      %dma_wait3A_103 = arith.constant 0 : i32
      %dma_wait3A_104 = arith.constant 0 : i32
      %dma_wait3A_105 = tpu.memref_slice %arg9[%dma_wait3A_103, %dma_wait3A_104] : memref<128x128xf32, #tpu.memory_space<vmem>> -> memref<128x128xf32, #tpu.memory_space<vmem>>
      tpu.wait_dma2 semaphore(%run_scoped3A_87 : memref<!tpu.dma_semaphore, #tpu.memory_space<semaphore_mem>>) src(%dma_wait3A_105 : memref<128x128xf32, #tpu.memory_space<vmem>>) dst(%dma_wait3A_102 : memref<128x128xf32, #tpu.memory_space<vmem_shared>>)
      tpu.yield
    }) : () -> ()
    %mul3A_19 = arith.constant 632 : i32
    %mul3A_20 = arith.muli %arg1, %mul3A_19 : i32
    %add3A_21 = arith.constant 512 : i32
    %add3A_22 = arith.addi %mul3A_20, %add3A_21 : i32
    "tpu.region"() ({
      %run_scoped3A_87 = tpu.sem_alloc : memref<!tpu.dma_semaphore, #tpu.memory_space<semaphore_mem>>
      %dma_start3A = arith.constant 0 : i32
      %dma_start3A_88 = arith.constant 0 : i32
      %dma_start3A_89 = tpu.memref_slice %arg9[%dma_start3A, %dma_start3A_88] : memref<128x128xf32, #tpu.memory_space<vmem>> -> memref<120x128xf32, #tpu.memory_space<vmem>>
      %dma_start3A_90 = arith.constant 0 : i32
      %dma_start3A_91 = tpu.memref_slice %arg6[%add3A_22, %dma_start3A_90] : memref<10112x128xf32, #tpu.memory_space<vmem_shared>> -> memref<120x128xf32, #tpu.memory_space<vmem_shared>>
      %dma_start3A_92 = arith.constant 0 : i32
      %dma_start3A_93 = tpu.memref_slice %arg6[%add3A_22, %dma_start3A_92] : memref<10112x128xf32, #tpu.memory_space<vmem_shared>> -> memref<120x128xf32, #tpu.memory_space<vmem_shared>>
      %dma_start3A_94 = arith.constant 0 : i32
      %dma_start3A_95 = arith.constant 0 : i32
      %dma_start3A_96 = tpu.memref_slice %arg9[%dma_start3A_94, %dma_start3A_95] : memref<128x128xf32, #tpu.memory_space<vmem>> -> memref<120x128xf32, #tpu.memory_space<vmem>>
      tpu.enqueue_dma source(%dma_start3A_96 : memref<120x128xf32, #tpu.memory_space<vmem>>) target(%dma_start3A_93 : memref<120x128xf32, #tpu.memory_space<vmem_shared>>) target_semaphore(%run_scoped3A_87 : memref<!tpu.dma_semaphore, #tpu.memory_space<semaphore_mem>>)
      %dma_wait3A = arith.constant 0 : i32
      %dma_wait3A_97 = arith.constant 0 : i32
      %dma_wait3A_98 = tpu.memref_slice %arg9[%dma_wait3A, %dma_wait3A_97] : memref<128x128xf32, #tpu.memory_space<vmem>> -> memref<120x128xf32, #tpu.memory_space<vmem>>
      %dma_wait3A_99 = arith.constant 0 : i32
      %dma_wait3A_100 = tpu.memref_slice %arg6[%add3A_22, %dma_wait3A_99] : memref<10112x128xf32, #tpu.memory_space<vmem_shared>> -> memref<120x128xf32, #tpu.memory_space<vmem_shared>>
      %dma_wait3A_101 = arith.constant 0 : i32
      %dma_wait3A_102 = tpu.memref_slice %arg6[%add3A_22, %dma_wait3A_101] : memref<10112x128xf32, #tpu.memory_space<vmem_shared>> -> memref<120x128xf32, #tpu.memory_space<vmem_shared>>
      %dma_wait3A_103 = arith.constant 0 : i32
      %dma_wait3A_104 = arith.constant 0 : i32
      %dma_wait3A_105 = tpu.memref_slice %arg9[%dma_wait3A_103, %dma_wait3A_104] : memref<128x128xf32, #tpu.memory_space<vmem>> -> memref<120x128xf32, #tpu.memory_space<vmem>>
      tpu.wait_dma2 semaphore(%run_scoped3A_87 : memref<!tpu.dma_semaphore, #tpu.memory_space<semaphore_mem>>) src(%dma_wait3A_105 : memref<120x128xf32, #tpu.memory_space<vmem>>) dst(%dma_wait3A_102 : memref<120x128xf32, #tpu.memory_space<vmem_shared>>)
      tpu.yield
    }) : () -> ()
    %barrier3A = arith.constant 0 : index
    tpu.barrier barrier_id(%barrier3A)
    %run_scoped3A = arith.constant 0 : i32
    "tpu.region"() ({
      %run_scoped3A_87 = tpu.sem_alloc : memref<!tpu.dma_semaphore, #tpu.memory_space<semaphore_mem>>
      %dma_start3A = arith.constant 0 : i32
      %dma_start3A_88 = arith.constant 0 : i32
      %dma_start3A_89 = tpu.memref_slice %arg3[%arg0, %arg1, %run_scoped3A, %dma_start3A, %dma_start3A_88] : memref<2x16x3x27x128xi32, #tpu.memory_space<hbm>> -> memref<1x1x1x27x128xi32, #tpu.memory_space<hbm>>
      %dma_start3A_90 = tpu.memref_squeeze %dma_start3A_89 : memref<1x1x1x27x128xi32, #tpu.memory_space<hbm>> -> memref<27x128xi32, #tpu.memory_space<hbm>>
      %dma_start3A_91 = arith.constant 0 : i32
      %dma_start3A_92 = arith.constant 0 : i32
      %dma_start3A_93 = tpu.memref_slice %arg3[%arg0, %arg1, %run_scoped3A, %dma_start3A_91, %dma_start3A_92] : memref<2x16x3x27x128xi32, #tpu.memory_space<hbm>> -> memref<1x1x1x27x128xi32, #tpu.memory_space<hbm>>
      %dma_start3A_94 = tpu.memref_squeeze %dma_start3A_93 : memref<1x1x1x27x128xi32, #tpu.memory_space<hbm>> -> memref<27x128xi32, #tpu.memory_space<hbm>>
      tpu.enqueue_dma source(%dma_start3A_94 : memref<27x128xi32, #tpu.memory_space<hbm>>) target(%arg7 : memref<27x128xi32, #tpu.memory_space<vmem>>) target_semaphore(%run_scoped3A_87 : memref<!tpu.dma_semaphore, #tpu.memory_space<semaphore_mem>>)
      %dma_wait3A = arith.constant 0 : i32
      %dma_wait3A_95 = arith.constant 0 : i32
      %dma_wait3A_96 = tpu.memref_slice %arg3[%arg0, %arg1, %run_scoped3A, %dma_wait3A, %dma_wait3A_95] : memref<2x16x3x27x128xi32, #tpu.memory_space<hbm>> -> memref<1x1x1x27x128xi32, #tpu.memory_space<hbm>>
      %dma_wait3A_97 = tpu.memref_squeeze %dma_wait3A_96 : memref<1x1x1x27x128xi32, #tpu.memory_space<hbm>> -> memref<27x128xi32, #tpu.memory_space<hbm>>
      %dma_wait3A_98 = arith.constant 0 : i32
      %dma_wait3A_99 = arith.constant 0 : i32
      %dma_wait3A_100 = tpu.memref_slice %arg3[%arg0, %arg1, %run_scoped3A, %dma_wait3A_98, %dma_wait3A_99] : memref<2x16x3x27x128xi32, #tpu.memory_space<hbm>> -> memref<1x1x1x27x128xi32, #tpu.memory_space<hbm>>
      %dma_wait3A_101 = tpu.memref_squeeze %dma_wait3A_100 : memref<1x1x1x27x128xi32, #tpu.memory_space<hbm>> -> memref<27x128xi32, #tpu.memory_space<hbm>>
      tpu.wait_dma2 semaphore(%run_scoped3A_87 : memref<!tpu.dma_semaphore, #tpu.memory_space<semaphore_mem>>) src(%dma_wait3A_101 : memref<27x128xi32, #tpu.memory_space<hbm>>) dst(%arg7 : memref<27x128xi32, #tpu.memory_space<vmem>>)
      tpu.yield
    }) : () -> ()
    %run_scoped3A_23 = arith.constant 0 : i32
    "tpu.region"() ({
      %run_scoped3A_87 = tpu.sem_alloc : memref<!tpu.dma_semaphore, #tpu.memory_space<semaphore_mem>>
      %dma_start3A = arith.constant 0 : i32
      %dma_start3A_88 = arith.constant 0 : i32
      %dma_start3A_89 = tpu.memref_slice %arg4[%arg0, %arg1, %run_scoped3A_23, %dma_start3A, %dma_start3A_88] : memref<2x16x3x27x128xi32, #tpu.memory_space<hbm>> -> memref<1x1x1x27x128xi32, #tpu.memory_space<hbm>>
      %dma_start3A_90 = tpu.memref_squeeze %dma_start3A_89 : memref<1x1x1x27x128xi32, #tpu.memory_space<hbm>> -> memref<27x128xi32, #tpu.memory_space<hbm>>
      %dma_start3A_91 = arith.constant 0 : i32
      %dma_start3A_92 = arith.constant 0 : i32
      %dma_start3A_93 = tpu.memref_slice %arg4[%arg0, %arg1, %run_scoped3A_23, %dma_start3A_91, %dma_start3A_92] : memref<2x16x3x27x128xi32, #tpu.memory_space<hbm>> -> memref<1x1x1x27x128xi32, #tpu.memory_space<hbm>>
      %dma_start3A_94 = tpu.memref_squeeze %dma_start3A_93 : memref<1x1x1x27x128xi32, #tpu.memory_space<hbm>> -> memref<27x128xi32, #tpu.memory_space<hbm>>
      tpu.enqueue_dma source(%dma_start3A_94 : memref<27x128xi32, #tpu.memory_space<hbm>>) target(%arg8 : memref<27x128xi32, #tpu.memory_space<vmem>>) target_semaphore(%run_scoped3A_87 : memref<!tpu.dma_semaphore, #tpu.memory_space<semaphore_mem>>)
      %dma_wait3A = arith.constant 0 : i32
      %dma_wait3A_95 = arith.constant 0 : i32
      %dma_wait3A_96 = tpu.memref_slice %arg4[%arg0, %arg1, %run_scoped3A_23, %dma_wait3A, %dma_wait3A_95] : memref<2x16x3x27x128xi32, #tpu.memory_space<hbm>> -> memref<1x1x1x27x128xi32, #tpu.memory_space<hbm>>
      %dma_wait3A_97 = tpu.memref_squeeze %dma_wait3A_96 : memref<1x1x1x27x128xi32, #tpu.memory_space<hbm>> -> memref<27x128xi32, #tpu.memory_space<hbm>>
      %dma_wait3A_98 = arith.constant 0 : i32
      %dma_wait3A_99 = arith.constant 0 : i32
      %dma_wait3A_100 = tpu.memref_slice %arg4[%arg0, %arg1, %run_scoped3A_23, %dma_wait3A_98, %dma_wait3A_99] : memref<2x16x3x27x128xi32, #tpu.memory_space<hbm>> -> memref<1x1x1x27x128xi32, #tpu.memory_space<hbm>>
      %dma_wait3A_101 = tpu.memref_squeeze %dma_wait3A_100 : memref<1x1x1x27x128xi32, #tpu.memory_space<hbm>> -> memref<27x128xi32, #tpu.memory_space<hbm>>
      tpu.wait_dma2 semaphore(%run_scoped3A_87 : memref<!tpu.dma_semaphore, #tpu.memory_space<semaphore_mem>>) src(%dma_wait3A_101 : memref<27x128xi32, #tpu.memory_space<hbm>>) dst(%arg8 : memref<27x128xi32, #tpu.memory_space<vmem>>)
      tpu.yield
    }) : () -> ()
    %scan3A_24 = arith.constant 0 : i32
    %scan3A_25 = arith.constant 0 : i32
    %scan3A_26 = arith.constant 27 : i32
    %scan3A_27 = arith.addi %scan3A_25, %scan3A_26 : i32
    %scan3A_28 = arith.constant 1 : i32
    scf.for %scan3A_87 = %scan3A_25 to %scan3A_27 step %scan3A_28  : i32 {
      "tpu.region"() ({
        %run_scoped3A_88 = tpu.sem_alloc : memref<!tpu.dma_semaphore, #tpu.memory_space<semaphore_mem>>
        %dma_start3A = arith.constant 0 : i32
        %dma_start3A_89 = tpu.memref_slice %arg7[%scan3A_87, %dma_start3A] : memref<27x128xi32, #tpu.memory_space<vmem>> -> memref<1x128xi32, #tpu.memory_space<vmem>>
        %dma_start3A_90 = tpu.memref_squeeze %dma_start3A_89 : memref<1x128xi32, #tpu.memory_space<vmem>> -> memref<128xi32, #tpu.memory_space<vmem>>
        %dma_start3A_91 = arith.constant 0 : i32
        %dma_start3A_92 = arith.constant 0 : i32
        %dma_start3A_93 = tpu.memref_slice %arg2[%dma_start3A_91, %dma_start3A_92] : memref<10112x128xf32, #tpu.memory_space<hbm>> -> memref<10112x128xf32, #tpu.memory_space<hbm>>
        tpu.enqueue_indirect_dma source(%dma_start3A_93 : memref<10112x128xf32, #tpu.memory_space<hbm>>) target(%arg9 : memref<128x128xf32, #tpu.memory_space<vmem>>) offsets(%dma_start3A_90 : memref<128xi32, #tpu.memory_space<vmem>>) semaphore(%run_scoped3A_88 : memref<!tpu.dma_semaphore, #tpu.memory_space<semaphore_mem>>)
        %dma_wait3A = arith.constant 0 : i32
        %dma_wait3A_94 = tpu.memref_slice %arg7[%scan3A_87, %dma_wait3A] : memref<27x128xi32, #tpu.memory_space<vmem>> -> memref<1x128xi32, #tpu.memory_space<vmem>>
        %dma_wait3A_95 = tpu.memref_squeeze %dma_wait3A_94 : memref<1x128xi32, #tpu.memory_space<vmem>> -> memref<128xi32, #tpu.memory_space<vmem>>
        %dma_wait3A_96 = arith.constant 0 : i32
        %dma_wait3A_97 = arith.constant 0 : i32
        %dma_wait3A_98 = tpu.memref_slice %arg2[%dma_wait3A_96, %dma_wait3A_97] : memref<10112x128xf32, #tpu.memory_space<hbm>> -> memref<10112x128xf32, #tpu.memory_space<hbm>>
        tpu.wait_indirect_dma semaphore(%run_scoped3A_88 : memref<!tpu.dma_semaphore, #tpu.memory_space<semaphore_mem>>) src(%dma_wait3A_98 : memref<10112x128xf32, #tpu.memory_space<hbm>>) dst(%arg9 : memref<128x128xf32, #tpu.memory_space<vmem>>)
        tpu.yield
      }) : () -> ()
      "tpu.region"() ({
        %run_scoped3A_88 = tpu.sem_alloc : memref<!tpu.dma_semaphore, #tpu.memory_space<semaphore_mem>>
        %dma_start3A = arith.constant 0 : i32
        %dma_start3A_89 = tpu.memref_slice %arg8[%scan3A_87, %dma_start3A] : memref<27x128xi32, #tpu.memory_space<vmem>> -> memref<1x128xi32, #tpu.memory_space<vmem>>
        %dma_start3A_90 = tpu.memref_squeeze %dma_start3A_89 : memref<1x128xi32, #tpu.memory_space<vmem>> -> memref<128xi32, #tpu.memory_space<vmem>>
        %dma_start3A_91 = arith.constant 0 : i32
        %dma_start3A_92 = arith.constant 0 : i32
        %dma_start3A_93 = tpu.memref_slice %arg6[%dma_start3A_91, %dma_start3A_92] : memref<10112x128xf32, #tpu.memory_space<vmem_shared>> -> memref<10112x128xf32, #tpu.memory_space<vmem_shared>>
        tpu.enqueue_indirect_dma source(%arg9 : memref<128x128xf32, #tpu.memory_space<vmem>>) target(%dma_start3A_93 : memref<10112x128xf32, #tpu.memory_space<vmem_shared>>) offsets(%dma_start3A_90 : memref<128xi32, #tpu.memory_space<vmem>>) semaphore(%run_scoped3A_88 : memref<!tpu.dma_semaphore, #tpu.memory_space<semaphore_mem>>) {add = true}
        %dma_wait3A = arith.constant 0 : i32
        %dma_wait3A_94 = tpu.memref_slice %arg8[%scan3A_87, %dma_wait3A] : memref<27x128xi32, #tpu.memory_space<vmem>> -> memref<1x128xi32, #tpu.memory_space<vmem>>
        %dma_wait3A_95 = tpu.memref_squeeze %dma_wait3A_94 : memref<1x128xi32, #tpu.memory_space<vmem>> -> memref<128xi32, #tpu.memory_space<vmem>>
        %dma_wait3A_96 = arith.constant 0 : i32
        %dma_wait3A_97 = arith.constant 0 : i32
        %dma_wait3A_98 = tpu.memref_slice %arg6[%dma_wait3A_96, %dma_wait3A_97] : memref<10112x128xf32, #tpu.memory_space<vmem_shared>> -> memref<10112x128xf32, #tpu.memory_space<vmem_shared>>
        tpu.wait_indirect_dma semaphore(%run_scoped3A_88 : memref<!tpu.dma_semaphore, #tpu.memory_space<semaphore_mem>>) src(%arg9 : memref<128x128xf32, #tpu.memory_space<vmem>>) dst(%dma_wait3A_98 : memref<10112x128xf32, #tpu.memory_space<vmem_shared>>)
        tpu.yield
      }) : () -> ()
    }
    %scan3A_29 = arith.constant 27 : i32
    %run_scoped3A_30 = arith.constant 1 : i32
    "tpu.region"() ({
      %run_scoped3A_87 = tpu.sem_alloc : memref<!tpu.dma_semaphore, #tpu.memory_space<semaphore_mem>>
      %dma_start3A = arith.constant 0 : i32
      %dma_start3A_88 = arith.constant 0 : i32
      %dma_start3A_89 = tpu.memref_slice %arg3[%arg0, %arg1, %run_scoped3A_30, %dma_start3A, %dma_start3A_88] : memref<2x16x3x27x128xi32, #tpu.memory_space<hbm>> -> memref<1x1x1x27x128xi32, #tpu.memory_space<hbm>>
      %dma_start3A_90 = tpu.memref_squeeze %dma_start3A_89 : memref<1x1x1x27x128xi32, #tpu.memory_space<hbm>> -> memref<27x128xi32, #tpu.memory_space<hbm>>
      %dma_start3A_91 = arith.constant 0 : i32
      %dma_start3A_92 = arith.constant 0 : i32
      %dma_start3A_93 = tpu.memref_slice %arg3[%arg0, %arg1, %run_scoped3A_30, %dma_start3A_91, %dma_start3A_92] : memref<2x16x3x27x128xi32, #tpu.memory_space<hbm>> -> memref<1x1x1x27x128xi32, #tpu.memory_space<hbm>>
      %dma_start3A_94 = tpu.memref_squeeze %dma_start3A_93 : memref<1x1x1x27x128xi32, #tpu.memory_space<hbm>> -> memref<27x128xi32, #tpu.memory_space<hbm>>
      tpu.enqueue_dma source(%dma_start3A_94 : memref<27x128xi32, #tpu.memory_space<hbm>>) target(%arg7 : memref<27x128xi32, #tpu.memory_space<vmem>>) target_semaphore(%run_scoped3A_87 : memref<!tpu.dma_semaphore, #tpu.memory_space<semaphore_mem>>)
      %dma_wait3A = arith.constant 0 : i32
      %dma_wait3A_95 = arith.constant 0 : i32
      %dma_wait3A_96 = tpu.memref_slice %arg3[%arg0, %arg1, %run_scoped3A_30, %dma_wait3A, %dma_wait3A_95] : memref<2x16x3x27x128xi32, #tpu.memory_space<hbm>> -> memref<1x1x1x27x128xi32, #tpu.memory_space<hbm>>
      %dma_wait3A_97 = tpu.memref_squeeze %dma_wait3A_96 : memref<1x1x1x27x128xi32, #tpu.memory_space<hbm>> -> memref<27x128xi32, #tpu.memory_space<hbm>>
      %dma_wait3A_98 = arith.constant 0 : i32
      %dma_wait3A_99 = arith.constant 0 : i32
      %dma_wait3A_100 = tpu.memref_slice %arg3[%arg0, %arg1, %run_scoped3A_30, %dma_wait3A_98, %dma_wait3A_99] : memref<2x16x3x27x128xi32, #tpu.memory_space<hbm>> -> memref<1x1x1x27x128xi32, #tpu.memory_space<hbm>>
      %dma_wait3A_101 = tpu.memref_squeeze %dma_wait3A_100 : memref<1x1x1x27x128xi32, #tpu.memory_space<hbm>> -> memref<27x128xi32, #tpu.memory_space<hbm>>
      tpu.wait_dma2 semaphore(%run_scoped3A_87 : memref<!tpu.dma_semaphore, #tpu.memory_space<semaphore_mem>>) src(%dma_wait3A_101 : memref<27x128xi32, #tpu.memory_space<hbm>>) dst(%arg7 : memref<27x128xi32, #tpu.memory_space<vmem>>)
      tpu.yield
    }) : () -> ()
    %run_scoped3A_31 = arith.constant 1 : i32
    "tpu.region"() ({
      %run_scoped3A_87 = tpu.sem_alloc : memref<!tpu.dma_semaphore, #tpu.memory_space<semaphore_mem>>
      %dma_start3A = arith.constant 0 : i32
      %dma_start3A_88 = arith.constant 0 : i32
      %dma_start3A_89 = tpu.memref_slice %arg4[%arg0, %arg1, %run_scoped3A_31, %dma_start3A, %dma_start3A_88] : memref<2x16x3x27x128xi32, #tpu.memory_space<hbm>> -> memref<1x1x1x27x128xi32, #tpu.memory_space<hbm>>
      %dma_start3A_90 = tpu.memref_squeeze %dma_start3A_89 : memref<1x1x1x27x128xi32, #tpu.memory_space<hbm>> -> memref<27x128xi32, #tpu.memory_space<hbm>>
      %dma_start3A_91 = arith.constant 0 : i32
      %dma_start3A_92 = arith.constant 0 : i32
      %dma_start3A_93 = tpu.memref_slice %arg4[%arg0, %arg1, %run_scoped3A_31, %dma_start3A_91, %dma_start3A_92] : memref<2x16x3x27x128xi32, #tpu.memory_space<hbm>> -> memref<1x1x1x27x128xi32, #tpu.memory_space<hbm>>
      %dma_start3A_94 = tpu.memref_squeeze %dma_start3A_93 : memref<1x1x1x27x128xi32, #tpu.memory_space<hbm>> -> memref<27x128xi32, #tpu.memory_space<hbm>>
      tpu.enqueue_dma source(%dma_start3A_94 : memref<27x128xi32, #tpu.memory_space<hbm>>) target(%arg8 : memref<27x128xi32, #tpu.memory_space<vmem>>) target_semaphore(%run_scoped3A_87 : memref<!tpu.dma_semaphore, #tpu.memory_space<semaphore_mem>>)
      %dma_wait3A = arith.constant 0 : i32
      %dma_wait3A_95 = arith.constant 0 : i32
      %dma_wait3A_96 = tpu.memref_slice %arg4[%arg0, %arg1, %run_scoped3A_31, %dma_wait3A, %dma_wait3A_95] : memref<2x16x3x27x128xi32, #tpu.memory_space<hbm>> -> memref<1x1x1x27x128xi32, #tpu.memory_space<hbm>>
      %dma_wait3A_97 = tpu.memref_squeeze %dma_wait3A_96 : memref<1x1x1x27x128xi32, #tpu.memory_space<hbm>> -> memref<27x128xi32, #tpu.memory_space<hbm>>
      %dma_wait3A_98 = arith.constant 0 : i32
      %dma_wait3A_99 = arith.constant 0 : i32
      %dma_wait3A_100 = tpu.memref_slice %arg4[%arg0, %arg1, %run_scoped3A_31, %dma_wait3A_98, %dma_wait3A_99] : memref<2x16x3x27x128xi32, #tpu.memory_space<hbm>> -> memref<1x1x1x27x128xi32, #tpu.memory_space<hbm>>
      %dma_wait3A_101 = tpu.memref_squeeze %dma_wait3A_100 : memref<1x1x1x27x128xi32, #tpu.memory_space<hbm>> -> memref<27x128xi32, #tpu.memory_space<hbm>>
      tpu.wait_dma2 semaphore(%run_scoped3A_87 : memref<!tpu.dma_semaphore, #tpu.memory_space<semaphore_mem>>) src(%dma_wait3A_101 : memref<27x128xi32, #tpu.memory_space<hbm>>) dst(%arg8 : memref<27x128xi32, #tpu.memory_space<vmem>>)
      tpu.yield
    }) : () -> ()
    %scan3A_32 = arith.constant 0 : i32
    %scan3A_33 = arith.constant 0 : i32
    %scan3A_34 = arith.constant 27 : i32
    %scan3A_35 = arith.addi %scan3A_33, %scan3A_34 : i32
    %scan3A_36 = arith.constant 1 : i32
    scf.for %scan3A_87 = %scan3A_33 to %scan3A_35 step %scan3A_36  : i32 {
      "tpu.region"() ({
        %run_scoped3A_88 = tpu.sem_alloc : memref<!tpu.dma_semaphore, #tpu.memory_space<semaphore_mem>>
        %dma_start3A = arith.constant 0 : i32
        %dma_start3A_89 = tpu.memref_slice %arg7[%scan3A_87, %dma_start3A] : memref<27x128xi32, #tpu.memory_space<vmem>> -> memref<1x128xi32, #tpu.memory_space<vmem>>
        %dma_start3A_90 = tpu.memref_squeeze %dma_start3A_89 : memref<1x128xi32, #tpu.memory_space<vmem>> -> memref<128xi32, #tpu.memory_space<vmem>>
        %dma_start3A_91 = arith.constant 0 : i32
        %dma_start3A_92 = arith.constant 0 : i32
        %dma_start3A_93 = tpu.memref_slice %arg2[%dma_start3A_91, %dma_start3A_92] : memref<10112x128xf32, #tpu.memory_space<hbm>> -> memref<10112x128xf32, #tpu.memory_space<hbm>>
        tpu.enqueue_indirect_dma source(%dma_start3A_93 : memref<10112x128xf32, #tpu.memory_space<hbm>>) target(%arg9 : memref<128x128xf32, #tpu.memory_space<vmem>>) offsets(%dma_start3A_90 : memref<128xi32, #tpu.memory_space<vmem>>) semaphore(%run_scoped3A_88 : memref<!tpu.dma_semaphore, #tpu.memory_space<semaphore_mem>>)
        %dma_wait3A = arith.constant 0 : i32
        %dma_wait3A_94 = tpu.memref_slice %arg7[%scan3A_87, %dma_wait3A] : memref<27x128xi32, #tpu.memory_space<vmem>> -> memref<1x128xi32, #tpu.memory_space<vmem>>
        %dma_wait3A_95 = tpu.memref_squeeze %dma_wait3A_94 : memref<1x128xi32, #tpu.memory_space<vmem>> -> memref<128xi32, #tpu.memory_space<vmem>>
        %dma_wait3A_96 = arith.constant 0 : i32
        %dma_wait3A_97 = arith.constant 0 : i32
        %dma_wait3A_98 = tpu.memref_slice %arg2[%dma_wait3A_96, %dma_wait3A_97] : memref<10112x128xf32, #tpu.memory_space<hbm>> -> memref<10112x128xf32, #tpu.memory_space<hbm>>
        tpu.wait_indirect_dma semaphore(%run_scoped3A_88 : memref<!tpu.dma_semaphore, #tpu.memory_space<semaphore_mem>>) src(%dma_wait3A_98 : memref<10112x128xf32, #tpu.memory_space<hbm>>) dst(%arg9 : memref<128x128xf32, #tpu.memory_space<vmem>>)
        tpu.yield
      }) : () -> ()
      "tpu.region"() ({
        %run_scoped3A_88 = tpu.sem_alloc : memref<!tpu.dma_semaphore, #tpu.memory_space<semaphore_mem>>
        %dma_start3A = arith.constant 0 : i32
        %dma_start3A_89 = tpu.memref_slice %arg8[%scan3A_87, %dma_start3A] : memref<27x128xi32, #tpu.memory_space<vmem>> -> memref<1x128xi32, #tpu.memory_space<vmem>>
        %dma_start3A_90 = tpu.memref_squeeze %dma_start3A_89 : memref<1x128xi32, #tpu.memory_space<vmem>> -> memref<128xi32, #tpu.memory_space<vmem>>
        %dma_start3A_91 = arith.constant 0 : i32
        %dma_start3A_92 = arith.constant 0 : i32
        %dma_start3A_93 = tpu.memref_slice %arg6[%dma_start3A_91, %dma_start3A_92] : memref<10112x128xf32, #tpu.memory_space<vmem_shared>> -> memref<10112x128xf32, #tpu.memory_space<vmem_shared>>
        tpu.enqueue_indirect_dma source(%arg9 : memref<128x128xf32, #tpu.memory_space<vmem>>) target(%dma_start3A_93 : memref<10112x128xf32, #tpu.memory_space<vmem_shared>>) offsets(%dma_start3A_90 : memref<128xi32, #tpu.memory_space<vmem>>) semaphore(%run_scoped3A_88 : memref<!tpu.dma_semaphore, #tpu.memory_space<semaphore_mem>>) {add = true}
        %dma_wait3A = arith.constant 0 : i32
        %dma_wait3A_94 = tpu.memref_slice %arg8[%scan3A_87, %dma_wait3A] : memref<27x128xi32, #tpu.memory_space<vmem>> -> memref<1x128xi32, #tpu.memory_space<vmem>>
        %dma_wait3A_95 = tpu.memref_squeeze %dma_wait3A_94 : memref<1x128xi32, #tpu.memory_space<vmem>> -> memref<128xi32, #tpu.memory_space<vmem>>
        %dma_wait3A_96 = arith.constant 0 : i32
        %dma_wait3A_97 = arith.constant 0 : i32
        %dma_wait3A_98 = tpu.memref_slice %arg6[%dma_wait3A_96, %dma_wait3A_97] : memref<10112x128xf32, #tpu.memory_space<vmem_shared>> -> memref<10112x128xf32, #tpu.memory_space<vmem_shared>>
        tpu.wait_indirect_dma semaphore(%run_scoped3A_88 : memref<!tpu.dma_semaphore, #tpu.memory_space<semaphore_mem>>) src(%arg9 : memref<128x128xf32, #tpu.memory_space<vmem>>) dst(%dma_wait3A_98 : memref<10112x128xf32, #tpu.memory_space<vmem_shared>>)
        tpu.yield
      }) : () -> ()
    }
    %scan3A_37 = arith.constant 27 : i32
    %run_scoped3A_38 = arith.constant 2 : i32
    "tpu.region"() ({
      %run_scoped3A_87 = tpu.sem_alloc : memref<!tpu.dma_semaphore, #tpu.memory_space<semaphore_mem>>
      %dma_start3A = arith.constant 0 : i32
      %dma_start3A_88 = arith.constant 0 : i32
      %dma_start3A_89 = tpu.memref_slice %arg3[%arg0, %arg1, %run_scoped3A_38, %dma_start3A, %dma_start3A_88] : memref<2x16x3x27x128xi32, #tpu.memory_space<hbm>> -> memref<1x1x1x27x128xi32, #tpu.memory_space<hbm>>
      %dma_start3A_90 = tpu.memref_squeeze %dma_start3A_89 : memref<1x1x1x27x128xi32, #tpu.memory_space<hbm>> -> memref<27x128xi32, #tpu.memory_space<hbm>>
      %dma_start3A_91 = arith.constant 0 : i32
      %dma_start3A_92 = arith.constant 0 : i32
      %dma_start3A_93 = tpu.memref_slice %arg3[%arg0, %arg1, %run_scoped3A_38, %dma_start3A_91, %dma_start3A_92] : memref<2x16x3x27x128xi32, #tpu.memory_space<hbm>> -> memref<1x1x1x27x128xi32, #tpu.memory_space<hbm>>
      %dma_start3A_94 = tpu.memref_squeeze %dma_start3A_93 : memref<1x1x1x27x128xi32, #tpu.memory_space<hbm>> -> memref<27x128xi32, #tpu.memory_space<hbm>>
      tpu.enqueue_dma source(%dma_start3A_94 : memref<27x128xi32, #tpu.memory_space<hbm>>) target(%arg7 : memref<27x128xi32, #tpu.memory_space<vmem>>) target_semaphore(%run_scoped3A_87 : memref<!tpu.dma_semaphore, #tpu.memory_space<semaphore_mem>>)
      %dma_wait3A = arith.constant 0 : i32
      %dma_wait3A_95 = arith.constant 0 : i32
      %dma_wait3A_96 = tpu.memref_slice %arg3[%arg0, %arg1, %run_scoped3A_38, %dma_wait3A, %dma_wait3A_95] : memref<2x16x3x27x128xi32, #tpu.memory_space<hbm>> -> memref<1x1x1x27x128xi32, #tpu.memory_space<hbm>>
      %dma_wait3A_97 = tpu.memref_squeeze %dma_wait3A_96 : memref<1x1x1x27x128xi32, #tpu.memory_space<hbm>> -> memref<27x128xi32, #tpu.memory_space<hbm>>
      %dma_wait3A_98 = arith.constant 0 : i32
      %dma_wait3A_99 = arith.constant 0 : i32
      %dma_wait3A_100 = tpu.memref_slice %arg3[%arg0, %arg1, %run_scoped3A_38, %dma_wait3A_98, %dma_wait3A_99] : memref<2x16x3x27x128xi32, #tpu.memory_space<hbm>> -> memref<1x1x1x27x128xi32, #tpu.memory_space<hbm>>
      %dma_wait3A_101 = tpu.memref_squeeze %dma_wait3A_100 : memref<1x1x1x27x128xi32, #tpu.memory_space<hbm>> -> memref<27x128xi32, #tpu.memory_space<hbm>>
      tpu.wait_dma2 semaphore(%run_scoped3A_87 : memref<!tpu.dma_semaphore, #tpu.memory_space<semaphore_mem>>) src(%dma_wait3A_101 : memref<27x128xi32, #tpu.memory_space<hbm>>) dst(%arg7 : memref<27x128xi32, #tpu.memory_space<vmem>>)
      tpu.yield
    }) : () -> ()
    %run_scoped3A_39 = arith.constant 2 : i32
    "tpu.region"() ({
      %run_scoped3A_87 = tpu.sem_alloc : memref<!tpu.dma_semaphore, #tpu.memory_space<semaphore_mem>>
      %dma_start3A = arith.constant 0 : i32
      %dma_start3A_88 = arith.constant 0 : i32
      %dma_start3A_89 = tpu.memref_slice %arg4[%arg0, %arg1, %run_scoped3A_39, %dma_start3A, %dma_start3A_88] : memref<2x16x3x27x128xi32, #tpu.memory_space<hbm>> -> memref<1x1x1x27x128xi32, #tpu.memory_space<hbm>>
      %dma_start3A_90 = tpu.memref_squeeze %dma_start3A_89 : memref<1x1x1x27x128xi32, #tpu.memory_space<hbm>> -> memref<27x128xi32, #tpu.memory_space<hbm>>
      %dma_start3A_91 = arith.constant 0 : i32
      %dma_start3A_92 = arith.constant 0 : i32
      %dma_start3A_93 = tpu.memref_slice %arg4[%arg0, %arg1, %run_scoped3A_39, %dma_start3A_91, %dma_start3A_92] : memref<2x16x3x27x128xi32, #tpu.memory_space<hbm>> -> memref<1x1x1x27x128xi32, #tpu.memory_space<hbm>>
      %dma_start3A_94 = tpu.memref_squeeze %dma_start3A_93 : memref<1x1x1x27x128xi32, #tpu.memory_space<hbm>> -> memref<27x128xi32, #tpu.memory_space<hbm>>
      tpu.enqueue_dma source(%dma_start3A_94 : memref<27x128xi32, #tpu.memory_space<hbm>>) target(%arg8 : memref<27x128xi32, #tpu.memory_space<vmem>>) target_semaphore(%run_scoped3A_87 : memref<!tpu.dma_semaphore, #tpu.memory_space<semaphore_mem>>)
      %dma_wait3A = arith.constant 0 : i32
      %dma_wait3A_95 = arith.constant 0 : i32
      %dma_wait3A_96 = tpu.memref_slice %arg4[%arg0, %arg1, %run_scoped3A_39, %dma_wait3A, %dma_wait3A_95] : memref<2x16x3x27x128xi32, #tpu.memory_space<hbm>> -> memref<1x1x1x27x128xi32, #tpu.memory_space<hbm>>
      %dma_wait3A_97 = tpu.memref_squeeze %dma_wait3A_96 : memref<1x1x1x27x128xi32, #tpu.memory_space<hbm>> -> memref<27x128xi32, #tpu.memory_space<hbm>>
      %dma_wait3A_98 = arith.constant 0 : i32
      %dma_wait3A_99 = arith.constant 0 : i32
      %dma_wait3A_100 = tpu.memref_slice %arg4[%arg0, %arg1, %run_scoped3A_39, %dma_wait3A_98, %dma_wait3A_99] : memref<2x16x3x27x128xi32, #tpu.memory_space<hbm>> -> memref<1x1x1x27x128xi32, #tpu.memory_space<hbm>>
      %dma_wait3A_101 = tpu.memref_squeeze %dma_wait3A_100 : memref<1x1x1x27x128xi32, #tpu.memory_space<hbm>> -> memref<27x128xi32, #tpu.memory_space<hbm>>
      tpu.wait_dma2 semaphore(%run_scoped3A_87 : memref<!tpu.dma_semaphore, #tpu.memory_space<semaphore_mem>>) src(%dma_wait3A_101 : memref<27x128xi32, #tpu.memory_space<hbm>>) dst(%arg8 : memref<27x128xi32, #tpu.memory_space<vmem>>)
      tpu.yield
    }) : () -> ()
    %scan3A_40 = arith.constant 0 : i32
    %scan3A_41 = arith.constant 0 : i32
    %scan3A_42 = arith.constant 27 : i32
    %scan3A_43 = arith.addi %scan3A_41, %scan3A_42 : i32
    %scan3A_44 = arith.constant 1 : i32
    scf.for %scan3A_87 = %scan3A_41 to %scan3A_43 step %scan3A_44  : i32 {
      "tpu.region"() ({
        %run_scoped3A_88 = tpu.sem_alloc : memref<!tpu.dma_semaphore, #tpu.memory_space<semaphore_mem>>
        %dma_start3A = arith.constant 0 : i32
        %dma_start3A_89 = tpu.memref_slice %arg7[%scan3A_87, %dma_start3A] : memref<27x128xi32, #tpu.memory_space<vmem>> -> memref<1x128xi32, #tpu.memory_space<vmem>>
        %dma_start3A_90 = tpu.memref_squeeze %dma_start3A_89 : memref<1x128xi32, #tpu.memory_space<vmem>> -> memref<128xi32, #tpu.memory_space<vmem>>
        %dma_start3A_91 = arith.constant 0 : i32
        %dma_start3A_92 = arith.constant 0 : i32
        %dma_start3A_93 = tpu.memref_slice %arg2[%dma_start3A_91, %dma_start3A_92] : memref<10112x128xf32, #tpu.memory_space<hbm>> -> memref<10112x128xf32, #tpu.memory_space<hbm>>
        tpu.enqueue_indirect_dma source(%dma_start3A_93 : memref<10112x128xf32, #tpu.memory_space<hbm>>) target(%arg9 : memref<128x128xf32, #tpu.memory_space<vmem>>) offsets(%dma_start3A_90 : memref<128xi32, #tpu.memory_space<vmem>>) semaphore(%run_scoped3A_88 : memref<!tpu.dma_semaphore, #tpu.memory_space<semaphore_mem>>)
        %dma_wait3A = arith.constant 0 : i32
        %dma_wait3A_94 = tpu.memref_slice %arg7[%scan3A_87, %dma_wait3A] : memref<27x128xi32, #tpu.memory_space<vmem>> -> memref<1x128xi32, #tpu.memory_space<vmem>>
        %dma_wait3A_95 = tpu.memref_squeeze %dma_wait3A_94 : memref<1x128xi32, #tpu.memory_space<vmem>> -> memref<128xi32, #tpu.memory_space<vmem>>
        %dma_wait3A_96 = arith.constant 0 : i32
        %dma_wait3A_97 = arith.constant 0 : i32
        %dma_wait3A_98 = tpu.memref_slice %arg2[%dma_wait3A_96, %dma_wait3A_97] : memref<10112x128xf32, #tpu.memory_space<hbm>> -> memref<10112x128xf32, #tpu.memory_space<hbm>>
        tpu.wait_indirect_dma semaphore(%run_scoped3A_88 : memref<!tpu.dma_semaphore, #tpu.memory_space<semaphore_mem>>) src(%dma_wait3A_98 : memref<10112x128xf32, #tpu.memory_space<hbm>>) dst(%arg9 : memref<128x128xf32, #tpu.memory_space<vmem>>)
        tpu.yield
      }) : () -> ()
      "tpu.region"() ({
        %run_scoped3A_88 = tpu.sem_alloc : memref<!tpu.dma_semaphore, #tpu.memory_space<semaphore_mem>>
        %dma_start3A = arith.constant 0 : i32
        %dma_start3A_89 = tpu.memref_slice %arg8[%scan3A_87, %dma_start3A] : memref<27x128xi32, #tpu.memory_space<vmem>> -> memref<1x128xi32, #tpu.memory_space<vmem>>
        %dma_start3A_90 = tpu.memref_squeeze %dma_start3A_89 : memref<1x128xi32, #tpu.memory_space<vmem>> -> memref<128xi32, #tpu.memory_space<vmem>>
        %dma_start3A_91 = arith.constant 0 : i32
        %dma_start3A_92 = arith.constant 0 : i32
        %dma_start3A_93 = tpu.memref_slice %arg6[%dma_start3A_91, %dma_start3A_92] : memref<10112x128xf32, #tpu.memory_space<vmem_shared>> -> memref<10112x128xf32, #tpu.memory_space<vmem_shared>>
        tpu.enqueue_indirect_dma source(%arg9 : memref<128x128xf32, #tpu.memory_space<vmem>>) target(%dma_start3A_93 : memref<10112x128xf32, #tpu.memory_space<vmem_shared>>) offsets(%dma_start3A_90 : memref<128xi32, #tpu.memory_space<vmem>>) semaphore(%run_scoped3A_88 : memref<!tpu.dma_semaphore, #tpu.memory_space<semaphore_mem>>) {add = true}
        %dma_wait3A = arith.constant 0 : i32
        %dma_wait3A_94 = tpu.memref_slice %arg8[%scan3A_87, %dma_wait3A] : memref<27x128xi32, #tpu.memory_space<vmem>> -> memref<1x128xi32, #tpu.memory_space<vmem>>
        %dma_wait3A_95 = tpu.memref_squeeze %dma_wait3A_94 : memref<1x128xi32, #tpu.memory_space<vmem>> -> memref<128xi32, #tpu.memory_space<vmem>>
        %dma_wait3A_96 = arith.constant 0 : i32
        %dma_wait3A_97 = arith.constant 0 : i32
        %dma_wait3A_98 = tpu.memref_slice %arg6[%dma_wait3A_96, %dma_wait3A_97] : memref<10112x128xf32, #tpu.memory_space<vmem_shared>> -> memref<10112x128xf32, #tpu.memory_space<vmem_shared>>
        tpu.wait_indirect_dma semaphore(%run_scoped3A_88 : memref<!tpu.dma_semaphore, #tpu.memory_space<semaphore_mem>>) src(%arg9 : memref<128x128xf32, #tpu.memory_space<vmem>>) dst(%dma_wait3A_98 : memref<10112x128xf32, #tpu.memory_space<vmem_shared>>)
        tpu.yield
      }) : () -> ()
    }
    %scan3A_45 = arith.constant 27 : i32
    %barrier3A_46 = arith.constant 0 : index
    tpu.barrier barrier_id(%barrier3A_46)
    %mul3A_47 = arith.constant 632 : i32
    %mul3A_48 = arith.muli %arg1, %mul3A_47 : i32
    %add3A_49 = arith.constant 0 : i32
    %add3A_50 = arith.addi %mul3A_48, %add3A_49 : i32
    "tpu.region"() ({
      %run_scoped3A_87 = tpu.sem_alloc : memref<!tpu.dma_semaphore, #tpu.memory_space<semaphore_mem>>
      %dma_start3A = arith.constant 0 : i32
      %dma_start3A_88 = arith.constant 0 : i32
      %dma_start3A_89 = tpu.memref_slice %arg9[%dma_start3A, %dma_start3A_88] : memref<128x128xf32, #tpu.memory_space<vmem>> -> memref<128x128xf32, #tpu.memory_space<vmem>>
      %dma_start3A_90 = arith.constant 0 : i32
      %dma_start3A_91 = tpu.memref_slice %arg6[%add3A_50, %dma_start3A_90] : memref<10112x128xf32, #tpu.memory_space<vmem_shared>> -> memref<128x128xf32, #tpu.memory_space<vmem_shared>>
      %dma_start3A_92 = arith.constant 0 : i32
      %dma_start3A_93 = arith.constant 0 : i32
      %dma_start3A_94 = tpu.memref_slice %arg9[%dma_start3A_92, %dma_start3A_93] : memref<128x128xf32, #tpu.memory_space<vmem>> -> memref<128x128xf32, #tpu.memory_space<vmem>>
      %dma_start3A_95 = arith.constant 0 : i32
      %dma_start3A_96 = tpu.memref_slice %arg6[%add3A_50, %dma_start3A_95] : memref<10112x128xf32, #tpu.memory_space<vmem_shared>> -> memref<128x128xf32, #tpu.memory_space<vmem_shared>>
      tpu.enqueue_dma source(%dma_start3A_96 : memref<128x128xf32, #tpu.memory_space<vmem_shared>>) target(%dma_start3A_94 : memref<128x128xf32, #tpu.memory_space<vmem>>) target_semaphore(%run_scoped3A_87 : memref<!tpu.dma_semaphore, #tpu.memory_space<semaphore_mem>>)
      %dma_wait3A = arith.constant 0 : i32
      %dma_wait3A_97 = arith.constant 0 : i32
      %dma_wait3A_98 = tpu.memref_slice %arg9[%dma_wait3A, %dma_wait3A_97] : memref<128x128xf32, #tpu.memory_space<vmem>> -> memref<128x128xf32, #tpu.memory_space<vmem>>
      %dma_wait3A_99 = arith.constant 0 : i32
      %dma_wait3A_100 = tpu.memref_slice %arg6[%add3A_50, %dma_wait3A_99] : memref<10112x128xf32, #tpu.memory_space<vmem_shared>> -> memref<128x128xf32, #tpu.memory_space<vmem_shared>>
      %dma_wait3A_101 = arith.constant 0 : i32
      %dma_wait3A_102 = arith.constant 0 : i32
      %dma_wait3A_103 = tpu.memref_slice %arg9[%dma_wait3A_101, %dma_wait3A_102] : memref<128x128xf32, #tpu.memory_space<vmem>> -> memref<128x128xf32, #tpu.memory_space<vmem>>
      %dma_wait3A_104 = arith.constant 0 : i32
      %dma_wait3A_105 = tpu.memref_slice %arg6[%add3A_50, %dma_wait3A_104] : memref<10112x128xf32, #tpu.memory_space<vmem_shared>> -> memref<128x128xf32, #tpu.memory_space<vmem_shared>>
      tpu.wait_dma2 semaphore(%run_scoped3A_87 : memref<!tpu.dma_semaphore, #tpu.memory_space<semaphore_mem>>) src(%dma_wait3A_105 : memref<128x128xf32, #tpu.memory_space<vmem_shared>>) dst(%dma_wait3A_103 : memref<128x128xf32, #tpu.memory_space<vmem>>)
      tpu.yield
    }) : () -> ()
    %mul3A_51 = arith.constant 632 : i32
    %mul3A_52 = arith.muli %arg1, %mul3A_51 : i32
    %add3A_53 = arith.constant 0 : i32
    %add3A_54 = arith.addi %mul3A_52, %add3A_53 : i32
    "tpu.region"() ({
      %run_scoped3A_87 = tpu.sem_alloc : memref<!tpu.dma_semaphore, #tpu.memory_space<semaphore_mem>>
      %dma_start3A = arith.constant 0 : i32
      %dma_start3A_88 = arith.constant 0 : i32
      %dma_start3A_89 = tpu.memref_slice %arg9[%dma_start3A, %dma_start3A_88] : memref<128x128xf32, #tpu.memory_space<vmem>> -> memref<128x128xf32, #tpu.memory_space<vmem>>
      %dma_start3A_90 = arith.constant 0 : i32
      %dma_start3A_91 = tpu.memref_slice %arg5[%arg0, %add3A_54, %dma_start3A_90] : memref<2x10112x128xf32, #tpu.memory_space<hbm>> -> memref<1x128x128xf32, #tpu.memory_space<hbm>>
      %dma_start3A_92 = tpu.memref_squeeze %dma_start3A_91 : memref<1x128x128xf32, #tpu.memory_space<hbm>> -> memref<128x128xf32, #tpu.memory_space<hbm>>
      %dma_start3A_93 = arith.constant 0 : i32
      %dma_start3A_94 = tpu.memref_slice %arg5[%arg0, %add3A_54, %dma_start3A_93] : memref<2x10112x128xf32, #tpu.memory_space<hbm>> -> memref<1x128x128xf32, #tpu.memory_space<hbm>>
      %dma_start3A_95 = tpu.memref_squeeze %dma_start3A_94 : memref<1x128x128xf32, #tpu.memory_space<hbm>> -> memref<128x128xf32, #tpu.memory_space<hbm>>
      %dma_start3A_96 = arith.constant 0 : i32
      %dma_start3A_97 = arith.constant 0 : i32
      %dma_start3A_98 = tpu.memref_slice %arg9[%dma_start3A_96, %dma_start3A_97] : memref<128x128xf32, #tpu.memory_space<vmem>> -> memref<128x128xf32, #tpu.memory_space<vmem>>
      tpu.enqueue_dma source(%dma_start3A_98 : memref<128x128xf32, #tpu.memory_space<vmem>>) target(%dma_start3A_95 : memref<128x128xf32, #tpu.memory_space<hbm>>) target_semaphore(%run_scoped3A_87 : memref<!tpu.dma_semaphore, #tpu.memory_space<semaphore_mem>>)
      %dma_wait3A = arith.constant 0 : i32
      %dma_wait3A_99 = arith.constant 0 : i32
      %dma_wait3A_100 = tpu.memref_slice %arg9[%dma_wait3A, %dma_wait3A_99] : memref<128x128xf32, #tpu.memory_space<vmem>> -> memref<128x128xf32, #tpu.memory_space<vmem>>
      %dma_wait3A_101 = arith.constant 0 : i32
      %dma_wait3A_102 = tpu.memref_slice %arg5[%arg0, %add3A_54, %dma_wait3A_101] : memref<2x10112x128xf32, #tpu.memory_space<hbm>> -> memref<1x128x128xf32, #tpu.memory_space<hbm>>
      %dma_wait3A_103 = tpu.memref_squeeze %dma_wait3A_102 : memref<1x128x128xf32, #tpu.memory_space<hbm>> -> memref<128x128xf32, #tpu.memory_space<hbm>>
      %dma_wait3A_104 = arith.constant 0 : i32
      %dma_wait3A_105 = tpu.memref_slice %arg5[%arg0, %add3A_54, %dma_wait3A_104] : memref<2x10112x128xf32, #tpu.memory_space<hbm>> -> memref<1x128x128xf32, #tpu.memory_space<hbm>>
      %dma_wait3A_106 = tpu.memref_squeeze %dma_wait3A_105 : memref<1x128x128xf32, #tpu.memory_space<hbm>> -> memref<128x128xf32, #tpu.memory_space<hbm>>
      %dma_wait3A_107 = arith.constant 0 : i32
      %dma_wait3A_108 = arith.constant 0 : i32
      %dma_wait3A_109 = tpu.memref_slice %arg9[%dma_wait3A_107, %dma_wait3A_108] : memref<128x128xf32, #tpu.memory_space<vmem>> -> memref<128x128xf32, #tpu.memory_space<vmem>>
      tpu.wait_dma2 semaphore(%run_scoped3A_87 : memref<!tpu.dma_semaphore, #tpu.memory_space<semaphore_mem>>) src(%dma_wait3A_109 : memref<128x128xf32, #tpu.memory_space<vmem>>) dst(%dma_wait3A_106 : memref<128x128xf32, #tpu.memory_space<hbm>>)
      tpu.yield
    }) : () -> ()
    %mul3A_55 = arith.constant 632 : i32
    %mul3A_56 = arith.muli %arg1, %mul3A_55 : i32
    %add3A_57 = arith.constant 128 : i32
    %add3A_58 = arith.addi %mul3A_56, %add3A_57 : i32
    "tpu.region"() ({
      %run_scoped3A_87 = tpu.sem_alloc : memref<!tpu.dma_semaphore, #tpu.memory_space<semaphore_mem>>
      %dma_start3A = arith.constant 0 : i32
      %dma_start3A_88 = arith.constant 0 : i32
      %dma_start3A_89 = tpu.memref_slice %arg9[%dma_start3A, %dma_start3A_88] : memref<128x128xf32, #tpu.memory_space<vmem>> -> memref<128x128xf32, #tpu.memory_space<vmem>>
      %dma_start3A_90 = arith.constant 0 : i32
      %dma_start3A_91 = tpu.memref_slice %arg6[%add3A_58, %dma_start3A_90] : memref<10112x128xf32, #tpu.memory_space<vmem_shared>> -> memref<128x128xf32, #tpu.memory_space<vmem_shared>>
      %dma_start3A_92 = arith.constant 0 : i32
      %dma_start3A_93 = arith.constant 0 : i32
      %dma_start3A_94 = tpu.memref_slice %arg9[%dma_start3A_92, %dma_start3A_93] : memref<128x128xf32, #tpu.memory_space<vmem>> -> memref<128x128xf32, #tpu.memory_space<vmem>>
      %dma_start3A_95 = arith.constant 0 : i32
      %dma_start3A_96 = tpu.memref_slice %arg6[%add3A_58, %dma_start3A_95] : memref<10112x128xf32, #tpu.memory_space<vmem_shared>> -> memref<128x128xf32, #tpu.memory_space<vmem_shared>>
      tpu.enqueue_dma source(%dma_start3A_96 : memref<128x128xf32, #tpu.memory_space<vmem_shared>>) target(%dma_start3A_94 : memref<128x128xf32, #tpu.memory_space<vmem>>) target_semaphore(%run_scoped3A_87 : memref<!tpu.dma_semaphore, #tpu.memory_space<semaphore_mem>>)
      %dma_wait3A = arith.constant 0 : i32
      %dma_wait3A_97 = arith.constant 0 : i32
      %dma_wait3A_98 = tpu.memref_slice %arg9[%dma_wait3A, %dma_wait3A_97] : memref<128x128xf32, #tpu.memory_space<vmem>> -> memref<128x128xf32, #tpu.memory_space<vmem>>
      %dma_wait3A_99 = arith.constant 0 : i32
      %dma_wait3A_100 = tpu.memref_slice %arg6[%add3A_58, %dma_wait3A_99] : memref<10112x128xf32, #tpu.memory_space<vmem_shared>> -> memref<128x128xf32, #tpu.memory_space<vmem_shared>>
      %dma_wait3A_101 = arith.constant 0 : i32
      %dma_wait3A_102 = arith.constant 0 : i32
      %dma_wait3A_103 = tpu.memref_slice %arg9[%dma_wait3A_101, %dma_wait3A_102] : memref<128x128xf32, #tpu.memory_space<vmem>> -> memref<128x128xf32, #tpu.memory_space<vmem>>
      %dma_wait3A_104 = arith.constant 0 : i32
      %dma_wait3A_105 = tpu.memref_slice %arg6[%add3A_58, %dma_wait3A_104] : memref<10112x128xf32, #tpu.memory_space<vmem_shared>> -> memref<128x128xf32, #tpu.memory_space<vmem_shared>>
      tpu.wait_dma2 semaphore(%run_scoped3A_87 : memref<!tpu.dma_semaphore, #tpu.memory_space<semaphore_mem>>) src(%dma_wait3A_105 : memref<128x128xf32, #tpu.memory_space<vmem_shared>>) dst(%dma_wait3A_103 : memref<128x128xf32, #tpu.memory_space<vmem>>)
      tpu.yield
    }) : () -> ()
    %mul3A_59 = arith.constant 632 : i32
    %mul3A_60 = arith.muli %arg1, %mul3A_59 : i32
    %add3A_61 = arith.constant 128 : i32
    %add3A_62 = arith.addi %mul3A_60, %add3A_61 : i32
    "tpu.region"() ({
      %run_scoped3A_87 = tpu.sem_alloc : memref<!tpu.dma_semaphore, #tpu.memory_space<semaphore_mem>>
      %dma_start3A = arith.constant 0 : i32
      %dma_start3A_88 = arith.constant 0 : i32
      %dma_start3A_89 = tpu.memref_slice %arg9[%dma_start3A, %dma_start3A_88] : memref<128x128xf32, #tpu.memory_space<vmem>> -> memref<128x128xf32, #tpu.memory_space<vmem>>
      %dma_start3A_90 = arith.constant 0 : i32
      %dma_start3A_91 = tpu.memref_slice %arg5[%arg0, %add3A_62, %dma_start3A_90] : memref<2x10112x128xf32, #tpu.memory_space<hbm>> -> memref<1x128x128xf32, #tpu.memory_space<hbm>>
      %dma_start3A_92 = tpu.memref_squeeze %dma_start3A_91 : memref<1x128x128xf32, #tpu.memory_space<hbm>> -> memref<128x128xf32, #tpu.memory_space<hbm>>
      %dma_start3A_93 = arith.constant 0 : i32
      %dma_start3A_94 = tpu.memref_slice %arg5[%arg0, %add3A_62, %dma_start3A_93] : memref<2x10112x128xf32, #tpu.memory_space<hbm>> -> memref<1x128x128xf32, #tpu.memory_space<hbm>>
      %dma_start3A_95 = tpu.memref_squeeze %dma_start3A_94 : memref<1x128x128xf32, #tpu.memory_space<hbm>> -> memref<128x128xf32, #tpu.memory_space<hbm>>
      %dma_start3A_96 = arith.constant 0 : i32
      %dma_start3A_97 = arith.constant 0 : i32
      %dma_start3A_98 = tpu.memref_slice %arg9[%dma_start3A_96, %dma_start3A_97] : memref<128x128xf32, #tpu.memory_space<vmem>> -> memref<128x128xf32, #tpu.memory_space<vmem>>
      tpu.enqueue_dma source(%dma_start3A_98 : memref<128x128xf32, #tpu.memory_space<vmem>>) target(%dma_start3A_95 : memref<128x128xf32, #tpu.memory_space<hbm>>) target_semaphore(%run_scoped3A_87 : memref<!tpu.dma_semaphore, #tpu.memory_space<semaphore_mem>>)
      %dma_wait3A = arith.constant 0 : i32
      %dma_wait3A_99 = arith.constant 0 : i32
      %dma_wait3A_100 = tpu.memref_slice %arg9[%dma_wait3A, %dma_wait3A_99] : memref<128x128xf32, #tpu.memory_space<vmem>> -> memref<128x128xf32, #tpu.memory_space<vmem>>
      %dma_wait3A_101 = arith.constant 0 : i32
      %dma_wait3A_102 = tpu.memref_slice %arg5[%arg0, %add3A_62, %dma_wait3A_101] : memref<2x10112x128xf32, #tpu.memory_space<hbm>> -> memref<1x128x128xf32, #tpu.memory_space<hbm>>
      %dma_wait3A_103 = tpu.memref_squeeze %dma_wait3A_102 : memref<1x128x128xf32, #tpu.memory_space<hbm>> -> memref<128x128xf32, #tpu.memory_space<hbm>>
      %dma_wait3A_104 = arith.constant 0 : i32
      %dma_wait3A_105 = tpu.memref_slice %arg5[%arg0, %add3A_62, %dma_wait3A_104] : memref<2x10112x128xf32, #tpu.memory_space<hbm>> -> memref<1x128x128xf32, #tpu.memory_space<hbm>>
      %dma_wait3A_106 = tpu.memref_squeeze %dma_wait3A_105 : memref<1x128x128xf32, #tpu.memory_space<hbm>> -> memref<128x128xf32, #tpu.memory_space<hbm>>
      %dma_wait3A_107 = arith.constant 0 : i32
      %dma_wait3A_108 = arith.constant 0 : i32
      %dma_wait3A_109 = tpu.memref_slice %arg9[%dma_wait3A_107, %dma_wait3A_108] : memref<128x128xf32, #tpu.memory_space<vmem>> -> memref<128x128xf32, #tpu.memory_space<vmem>>
      tpu.wait_dma2 semaphore(%run_scoped3A_87 : memref<!tpu.dma_semaphore, #tpu.memory_space<semaphore_mem>>) src(%dma_wait3A_109 : memref<128x128xf32, #tpu.memory_space<vmem>>) dst(%dma_wait3A_106 : memref<128x128xf32, #tpu.memory_space<hbm>>)
      tpu.yield
    }) : () -> ()
    %mul3A_63 = arith.constant 632 : i32
    %mul3A_64 = arith.muli %arg1, %mul3A_63 : i32
    %add3A_65 = arith.constant 256 : i32
    %add3A_66 = arith.addi %mul3A_64, %add3A_65 : i32
    "tpu.region"() ({
      %run_scoped3A_87 = tpu.sem_alloc : memref<!tpu.dma_semaphore, #tpu.memory_space<semaphore_mem>>
      %dma_start3A = arith.constant 0 : i32
      %dma_start3A_88 = arith.constant 0 : i32
      %dma_start3A_89 = tpu.memref_slice %arg9[%dma_start3A, %dma_start3A_88] : memref<128x128xf32, #tpu.memory_space<vmem>> -> memref<128x128xf32, #tpu.memory_space<vmem>>
      %dma_start3A_90 = arith.constant 0 : i32
      %dma_start3A_91 = tpu.memref_slice %arg6[%add3A_66, %dma_start3A_90] : memref<10112x128xf32, #tpu.memory_space<vmem_shared>> -> memref<128x128xf32, #tpu.memory_space<vmem_shared>>
      %dma_start3A_92 = arith.constant 0 : i32
      %dma_start3A_93 = arith.constant 0 : i32
      %dma_start3A_94 = tpu.memref_slice %arg9[%dma_start3A_92, %dma_start3A_93] : memref<128x128xf32, #tpu.memory_space<vmem>> -> memref<128x128xf32, #tpu.memory_space<vmem>>
      %dma_start3A_95 = arith.constant 0 : i32
      %dma_start3A_96 = tpu.memref_slice %arg6[%add3A_66, %dma_start3A_95] : memref<10112x128xf32, #tpu.memory_space<vmem_shared>> -> memref<128x128xf32, #tpu.memory_space<vmem_shared>>
      tpu.enqueue_dma source(%dma_start3A_96 : memref<128x128xf32, #tpu.memory_space<vmem_shared>>) target(%dma_start3A_94 : memref<128x128xf32, #tpu.memory_space<vmem>>) target_semaphore(%run_scoped3A_87 : memref<!tpu.dma_semaphore, #tpu.memory_space<semaphore_mem>>)
      %dma_wait3A = arith.constant 0 : i32
      %dma_wait3A_97 = arith.constant 0 : i32
      %dma_wait3A_98 = tpu.memref_slice %arg9[%dma_wait3A, %dma_wait3A_97] : memref<128x128xf32, #tpu.memory_space<vmem>> -> memref<128x128xf32, #tpu.memory_space<vmem>>
      %dma_wait3A_99 = arith.constant 0 : i32
      %dma_wait3A_100 = tpu.memref_slice %arg6[%add3A_66, %dma_wait3A_99] : memref<10112x128xf32, #tpu.memory_space<vmem_shared>> -> memref<128x128xf32, #tpu.memory_space<vmem_shared>>
      %dma_wait3A_101 = arith.constant 0 : i32
      %dma_wait3A_102 = arith.constant 0 : i32
      %dma_wait3A_103 = tpu.memref_slice %arg9[%dma_wait3A_101, %dma_wait3A_102] : memref<128x128xf32, #tpu.memory_space<vmem>> -> memref<128x128xf32, #tpu.memory_space<vmem>>
      %dma_wait3A_104 = arith.constant 0 : i32
      %dma_wait3A_105 = tpu.memref_slice %arg6[%add3A_66, %dma_wait3A_104] : memref<10112x128xf32, #tpu.memory_space<vmem_shared>> -> memref<128x128xf32, #tpu.memory_space<vmem_shared>>
      tpu.wait_dma2 semaphore(%run_scoped3A_87 : memref<!tpu.dma_semaphore, #tpu.memory_space<semaphore_mem>>) src(%dma_wait3A_105 : memref<128x128xf32, #tpu.memory_space<vmem_shared>>) dst(%dma_wait3A_103 : memref<128x128xf32, #tpu.memory_space<vmem>>)
      tpu.yield
    }) : () -> ()
    %mul3A_67 = arith.constant 632 : i32
    %mul3A_68 = arith.muli %arg1, %mul3A_67 : i32
    %add3A_69 = arith.constant 256 : i32
    %add3A_70 = arith.addi %mul3A_68, %add3A_69 : i32
    "tpu.region"() ({
      %run_scoped3A_87 = tpu.sem_alloc : memref<!tpu.dma_semaphore, #tpu.memory_space<semaphore_mem>>
      %dma_start3A = arith.constant 0 : i32
      %dma_start3A_88 = arith.constant 0 : i32
      %dma_start3A_89 = tpu.memref_slice %arg9[%dma_start3A, %dma_start3A_88] : memref<128x128xf32, #tpu.memory_space<vmem>> -> memref<128x128xf32, #tpu.memory_space<vmem>>
      %dma_start3A_90 = arith.constant 0 : i32
      %dma_start3A_91 = tpu.memref_slice %arg5[%arg0, %add3A_70, %dma_start3A_90] : memref<2x10112x128xf32, #tpu.memory_space<hbm>> -> memref<1x128x128xf32, #tpu.memory_space<hbm>>
      %dma_start3A_92 = tpu.memref_squeeze %dma_start3A_91 : memref<1x128x128xf32, #tpu.memory_space<hbm>> -> memref<128x128xf32, #tpu.memory_space<hbm>>
      %dma_start3A_93 = arith.constant 0 : i32
      %dma_start3A_94 = tpu.memref_slice %arg5[%arg0, %add3A_70, %dma_start3A_93] : memref<2x10112x128xf32, #tpu.memory_space<hbm>> -> memref<1x128x128xf32, #tpu.memory_space<hbm>>
      %dma_start3A_95 = tpu.memref_squeeze %dma_start3A_94 : memref<1x128x128xf32, #tpu.memory_space<hbm>> -> memref<128x128xf32, #tpu.memory_space<hbm>>
      %dma_start3A_96 = arith.constant 0 : i32
      %dma_start3A_97 = arith.constant 0 : i32
      %dma_start3A_98 = tpu.memref_slice %arg9[%dma_start3A_96, %dma_start3A_97] : memref<128x128xf32, #tpu.memory_space<vmem>> -> memref<128x128xf32, #tpu.memory_space<vmem>>
      tpu.enqueue_dma source(%dma_start3A_98 : memref<128x128xf32, #tpu.memory_space<vmem>>) target(%dma_start3A_95 : memref<128x128xf32, #tpu.memory_space<hbm>>) target_semaphore(%run_scoped3A_87 : memref<!tpu.dma_semaphore, #tpu.memory_space<semaphore_mem>>)
      %dma_wait3A = arith.constant 0 : i32
      %dma_wait3A_99 = arith.constant 0 : i32
      %dma_wait3A_100 = tpu.memref_slice %arg9[%dma_wait3A, %dma_wait3A_99] : memref<128x128xf32, #tpu.memory_space<vmem>> -> memref<128x128xf32, #tpu.memory_space<vmem>>
      %dma_wait3A_101 = arith.constant 0 : i32
      %dma_wait3A_102 = tpu.memref_slice %arg5[%arg0, %add3A_70, %dma_wait3A_101] : memref<2x10112x128xf32, #tpu.memory_space<hbm>> -> memref<1x128x128xf32, #tpu.memory_space<hbm>>
      %dma_wait3A_103 = tpu.memref_squeeze %dma_wait3A_102 : memref<1x128x128xf32, #tpu.memory_space<hbm>> -> memref<128x128xf32, #tpu.memory_space<hbm>>
      %dma_wait3A_104 = arith.constant 0 : i32
      %dma_wait3A_105 = tpu.memref_slice %arg5[%arg0, %add3A_70, %dma_wait3A_104] : memref<2x10112x128xf32, #tpu.memory_space<hbm>> -> memref<1x128x128xf32, #tpu.memory_space<hbm>>
      %dma_wait3A_106 = tpu.memref_squeeze %dma_wait3A_105 : memref<1x128x128xf32, #tpu.memory_space<hbm>> -> memref<128x128xf32, #tpu.memory_space<hbm>>
      %dma_wait3A_107 = arith.constant 0 : i32
      %dma_wait3A_108 = arith.constant 0 : i32
      %dma_wait3A_109 = tpu.memref_slice %arg9[%dma_wait3A_107, %dma_wait3A_108] : memref<128x128xf32, #tpu.memory_space<vmem>> -> memref<128x128xf32, #tpu.memory_space<vmem>>
      tpu.wait_dma2 semaphore(%run_scoped3A_87 : memref<!tpu.dma_semaphore, #tpu.memory_space<semaphore_mem>>) src(%dma_wait3A_109 : memref<128x128xf32, #tpu.memory_space<vmem>>) dst(%dma_wait3A_106 : memref<128x128xf32, #tpu.memory_space<hbm>>)
      tpu.yield
    }) : () -> ()
    %mul3A_71 = arith.constant 632 : i32
    %mul3A_72 = arith.muli %arg1, %mul3A_71 : i32
    %add3A_73 = arith.constant 384 : i32
    %add3A_74 = arith.addi %mul3A_72, %add3A_73 : i32
    "tpu.region"() ({
      %run_scoped3A_87 = tpu.sem_alloc : memref<!tpu.dma_semaphore, #tpu.memory_space<semaphore_mem>>
      %dma_start3A = arith.constant 0 : i32
      %dma_start3A_88 = arith.constant 0 : i32
      %dma_start3A_89 = tpu.memref_slice %arg9[%dma_start3A, %dma_start3A_88] : memref<128x128xf32, #tpu.memory_space<vmem>> -> memref<128x128xf32, #tpu.memory_space<vmem>>
      %dma_start3A_90 = arith.constant 0 : i32
      %dma_start3A_91 = tpu.memref_slice %arg6[%add3A_74, %dma_start3A_90] : memref<10112x128xf32, #tpu.memory_space<vmem_shared>> -> memref<128x128xf32, #tpu.memory_space<vmem_shared>>
      %dma_start3A_92 = arith.constant 0 : i32
      %dma_start3A_93 = arith.constant 0 : i32
      %dma_start3A_94 = tpu.memref_slice %arg9[%dma_start3A_92, %dma_start3A_93] : memref<128x128xf32, #tpu.memory_space<vmem>> -> memref<128x128xf32, #tpu.memory_space<vmem>>
      %dma_start3A_95 = arith.constant 0 : i32
      %dma_start3A_96 = tpu.memref_slice %arg6[%add3A_74, %dma_start3A_95] : memref<10112x128xf32, #tpu.memory_space<vmem_shared>> -> memref<128x128xf32, #tpu.memory_space<vmem_shared>>
      tpu.enqueue_dma source(%dma_start3A_96 : memref<128x128xf32, #tpu.memory_space<vmem_shared>>) target(%dma_start3A_94 : memref<128x128xf32, #tpu.memory_space<vmem>>) target_semaphore(%run_scoped3A_87 : memref<!tpu.dma_semaphore, #tpu.memory_space<semaphore_mem>>)
      %dma_wait3A = arith.constant 0 : i32
      %dma_wait3A_97 = arith.constant 0 : i32
      %dma_wait3A_98 = tpu.memref_slice %arg9[%dma_wait3A, %dma_wait3A_97] : memref<128x128xf32, #tpu.memory_space<vmem>> -> memref<128x128xf32, #tpu.memory_space<vmem>>
      %dma_wait3A_99 = arith.constant 0 : i32
      %dma_wait3A_100 = tpu.memref_slice %arg6[%add3A_74, %dma_wait3A_99] : memref<10112x128xf32, #tpu.memory_space<vmem_shared>> -> memref<128x128xf32, #tpu.memory_space<vmem_shared>>
      %dma_wait3A_101 = arith.constant 0 : i32
      %dma_wait3A_102 = arith.constant 0 : i32
      %dma_wait3A_103 = tpu.memref_slice %arg9[%dma_wait3A_101, %dma_wait3A_102] : memref<128x128xf32, #tpu.memory_space<vmem>> -> memref<128x128xf32, #tpu.memory_space<vmem>>
      %dma_wait3A_104 = arith.constant 0 : i32
      %dma_wait3A_105 = tpu.memref_slice %arg6[%add3A_74, %dma_wait3A_104] : memref<10112x128xf32, #tpu.memory_space<vmem_shared>> -> memref<128x128xf32, #tpu.memory_space<vmem_shared>>
      tpu.wait_dma2 semaphore(%run_scoped3A_87 : memref<!tpu.dma_semaphore, #tpu.memory_space<semaphore_mem>>) src(%dma_wait3A_105 : memref<128x128xf32, #tpu.memory_space<vmem_shared>>) dst(%dma_wait3A_103 : memref<128x128xf32, #tpu.memory_space<vmem>>)
      tpu.yield
    }) : () -> ()
    %mul3A_75 = arith.constant 632 : i32
    %mul3A_76 = arith.muli %arg1, %mul3A_75 : i32
    %add3A_77 = arith.constant 384 : i32
    %add3A_78 = arith.addi %mul3A_76, %add3A_77 : i32
    "tpu.region"() ({
      %run_scoped3A_87 = tpu.sem_alloc : memref<!tpu.dma_semaphore, #tpu.memory_space<semaphore_mem>>
      %dma_start3A = arith.constant 0 : i32
      %dma_start3A_88 = arith.constant 0 : i32
      %dma_start3A_89 = tpu.memref_slice %arg9[%dma_start3A, %dma_start3A_88] : memref<128x128xf32, #tpu.memory_space<vmem>> -> memref<128x128xf32, #tpu.memory_space<vmem>>
      %dma_start3A_90 = arith.constant 0 : i32
      %dma_start3A_91 = tpu.memref_slice %arg5[%arg0, %add3A_78, %dma_start3A_90] : memref<2x10112x128xf32, #tpu.memory_space<hbm>> -> memref<1x128x128xf32, #tpu.memory_space<hbm>>
      %dma_start3A_92 = tpu.memref_squeeze %dma_start3A_91 : memref<1x128x128xf32, #tpu.memory_space<hbm>> -> memref<128x128xf32, #tpu.memory_space<hbm>>
      %dma_start3A_93 = arith.constant 0 : i32
      %dma_start3A_94 = tpu.memref_slice %arg5[%arg0, %add3A_78, %dma_start3A_93] : memref<2x10112x128xf32, #tpu.memory_space<hbm>> -> memref<1x128x128xf32, #tpu.memory_space<hbm>>
      %dma_start3A_95 = tpu.memref_squeeze %dma_start3A_94 : memref<1x128x128xf32, #tpu.memory_space<hbm>> -> memref<128x128xf32, #tpu.memory_space<hbm>>
      %dma_start3A_96 = arith.constant 0 : i32
      %dma_start3A_97 = arith.constant 0 : i32
      %dma_start3A_98 = tpu.memref_slice %arg9[%dma_start3A_96, %dma_start3A_97] : memref<128x128xf32, #tpu.memory_space<vmem>> -> memref<128x128xf32, #tpu.memory_space<vmem>>
      tpu.enqueue_dma source(%dma_start3A_98 : memref<128x128xf32, #tpu.memory_space<vmem>>) target(%dma_start3A_95 : memref<128x128xf32, #tpu.memory_space<hbm>>) target_semaphore(%run_scoped3A_87 : memref<!tpu.dma_semaphore, #tpu.memory_space<semaphore_mem>>)
      %dma_wait3A = arith.constant 0 : i32
      %dma_wait3A_99 = arith.constant 0 : i32
      %dma_wait3A_100 = tpu.memref_slice %arg9[%dma_wait3A, %dma_wait3A_99] : memref<128x128xf32, #tpu.memory_space<vmem>> -> memref<128x128xf32, #tpu.memory_space<vmem>>
      %dma_wait3A_101 = arith.constant 0 : i32
      %dma_wait3A_102 = tpu.memref_slice %arg5[%arg0, %add3A_78, %dma_wait3A_101] : memref<2x10112x128xf32, #tpu.memory_space<hbm>> -> memref<1x128x128xf32, #tpu.memory_space<hbm>>
      %dma_wait3A_103 = tpu.memref_squeeze %dma_wait3A_102 : memref<1x128x128xf32, #tpu.memory_space<hbm>> -> memref<128x128xf32, #tpu.memory_space<hbm>>
      %dma_wait3A_104 = arith.constant 0 : i32
      %dma_wait3A_105 = tpu.memref_slice %arg5[%arg0, %add3A_78, %dma_wait3A_104] : memref<2x10112x128xf32, #tpu.memory_space<hbm>> -> memref<1x128x128xf32, #tpu.memory_space<hbm>>
      %dma_wait3A_106 = tpu.memref_squeeze %dma_wait3A_105 : memref<1x128x128xf32, #tpu.memory_space<hbm>> -> memref<128x128xf32, #tpu.memory_space<hbm>>
      %dma_wait3A_107 = arith.constant 0 : i32
      %dma_wait3A_108 = arith.constant 0 : i32
      %dma_wait3A_109 = tpu.memref_slice %arg9[%dma_wait3A_107, %dma_wait3A_108] : memref<128x128xf32, #tpu.memory_space<vmem>> -> memref<128x128xf32, #tpu.memory_space<vmem>>
      tpu.wait_dma2 semaphore(%run_scoped3A_87 : memref<!tpu.dma_semaphore, #tpu.memory_space<semaphore_mem>>) src(%dma_wait3A_109 : memref<128x128xf32, #tpu.memory_space<vmem>>) dst(%dma_wait3A_106 : memref<128x128xf32, #tpu.memory_space<hbm>>)
      tpu.yield
    }) : () -> ()
    %mul3A_79 = arith.constant 632 : i32
    %mul3A_80 = arith.muli %arg1, %mul3A_79 : i32
    %add3A_81 = arith.constant 512 : i32
    %add3A_82 = arith.addi %mul3A_80, %add3A_81 : i32
    "tpu.region"() ({
      %run_scoped3A_87 = tpu.sem_alloc : memref<!tpu.dma_semaphore, #tpu.memory_space<semaphore_mem>>
      %dma_start3A = arith.constant 0 : i32
      %dma_start3A_88 = arith.constant 0 : i32
      %dma_start3A_89 = tpu.memref_slice %arg9[%dma_start3A, %dma_start3A_88] : memref<128x128xf32, #tpu.memory_space<vmem>> -> memref<120x128xf32, #tpu.memory_space<vmem>>
      %dma_start3A_90 = arith.constant 0 : i32
      %dma_start3A_91 = tpu.memref_slice %arg6[%add3A_82, %dma_start3A_90] : memref<10112x128xf32, #tpu.memory_space<vmem_shared>> -> memref<120x128xf32, #tpu.memory_space<vmem_shared>>
      %dma_start3A_92 = arith.constant 0 : i32
      %dma_start3A_93 = arith.constant 0 : i32
      %dma_start3A_94 = tpu.memref_slice %arg9[%dma_start3A_92, %dma_start3A_93] : memref<128x128xf32, #tpu.memory_space<vmem>> -> memref<120x128xf32, #tpu.memory_space<vmem>>
      %dma_start3A_95 = arith.constant 0 : i32
      %dma_start3A_96 = tpu.memref_slice %arg6[%add3A_82, %dma_start3A_95] : memref<10112x128xf32, #tpu.memory_space<vmem_shared>> -> memref<120x128xf32, #tpu.memory_space<vmem_shared>>
      tpu.enqueue_dma source(%dma_start3A_96 : memref<120x128xf32, #tpu.memory_space<vmem_shared>>) target(%dma_start3A_94 : memref<120x128xf32, #tpu.memory_space<vmem>>) target_semaphore(%run_scoped3A_87 : memref<!tpu.dma_semaphore, #tpu.memory_space<semaphore_mem>>)
      %dma_wait3A = arith.constant 0 : i32
      %dma_wait3A_97 = arith.constant 0 : i32
      %dma_wait3A_98 = tpu.memref_slice %arg9[%dma_wait3A, %dma_wait3A_97] : memref<128x128xf32, #tpu.memory_space<vmem>> -> memref<120x128xf32, #tpu.memory_space<vmem>>
      %dma_wait3A_99 = arith.constant 0 : i32
      %dma_wait3A_100 = tpu.memref_slice %arg6[%add3A_82, %dma_wait3A_99] : memref<10112x128xf32, #tpu.memory_space<vmem_shared>> -> memref<120x128xf32, #tpu.memory_space<vmem_shared>>
      %dma_wait3A_101 = arith.constant 0 : i32
      %dma_wait3A_102 = arith.constant 0 : i32
      %dma_wait3A_103 = tpu.memref_slice %arg9[%dma_wait3A_101, %dma_wait3A_102] : memref<128x128xf32, #tpu.memory_space<vmem>> -> memref<120x128xf32, #tpu.memory_space<vmem>>
      %dma_wait3A_104 = arith.constant 0 : i32
      %dma_wait3A_105 = tpu.memref_slice %arg6[%add3A_82, %dma_wait3A_104] : memref<10112x128xf32, #tpu.memory_space<vmem_shared>> -> memref<120x128xf32, #tpu.memory_space<vmem_shared>>
      tpu.wait_dma2 semaphore(%run_scoped3A_87 : memref<!tpu.dma_semaphore, #tpu.memory_space<semaphore_mem>>) src(%dma_wait3A_105 : memref<120x128xf32, #tpu.memory_space<vmem_shared>>) dst(%dma_wait3A_103 : memref<120x128xf32, #tpu.memory_space<vmem>>)
      tpu.yield
    }) : () -> ()
    %mul3A_83 = arith.constant 632 : i32
    %mul3A_84 = arith.muli %arg1, %mul3A_83 : i32
    %add3A_85 = arith.constant 512 : i32
    %add3A_86 = arith.addi %mul3A_84, %add3A_85 : i32
    "tpu.region"() ({
      %run_scoped3A_87 = tpu.sem_alloc : memref<!tpu.dma_semaphore, #tpu.memory_space<semaphore_mem>>
      %dma_start3A = arith.constant 0 : i32
      %dma_start3A_88 = arith.constant 0 : i32
      %dma_start3A_89 = tpu.memref_slice %arg9[%dma_start3A, %dma_start3A_88] : memref<128x128xf32, #tpu.memory_space<vmem>> -> memref<120x128xf32, #tpu.memory_space<vmem>>
      %dma_start3A_90 = arith.constant 0 : i32
      %dma_start3A_91 = tpu.memref_slice %arg5[%arg0, %add3A_86, %dma_start3A_90] : memref<2x10112x128xf32, #tpu.memory_space<hbm>> -> memref<1x120x128xf32, #tpu.memory_space<hbm>>
      %dma_start3A_92 = tpu.memref_squeeze %dma_start3A_91 : memref<1x120x128xf32, #tpu.memory_space<hbm>> -> memref<120x128xf32, #tpu.memory_space<hbm>>
      %dma_start3A_93 = arith.constant 0 : i32
      %dma_start3A_94 = tpu.memref_slice %arg5[%arg0, %add3A_86, %dma_start3A_93] : memref<2x10112x128xf32, #tpu.memory_space<hbm>> -> memref<1x120x128xf32, #tpu.memory_space<hbm>>
      %dma_start3A_95 = tpu.memref_squeeze %dma_start3A_94 : memref<1x120x128xf32, #tpu.memory_space<hbm>> -> memref<120x128xf32, #tpu.memory_space<hbm>>
      %dma_start3A_96 = arith.constant 0 : i32
      %dma_start3A_97 = arith.constant 0 : i32
      %dma_start3A_98 = tpu.memref_slice %arg9[%dma_start3A_96, %dma_start3A_97] : memref<128x128xf32, #tpu.memory_space<vmem>> -> memref<120x128xf32, #tpu.memory_space<vmem>>
      tpu.enqueue_dma source(%dma_start3A_98 : memref<120x128xf32, #tpu.memory_space<vmem>>) target(%dma_start3A_95 : memref<120x128xf32, #tpu.memory_space<hbm>>) target_semaphore(%run_scoped3A_87 : memref<!tpu.dma_semaphore, #tpu.memory_space<semaphore_mem>>)
      %dma_wait3A = arith.constant 0 : i32
      %dma_wait3A_99 = arith.constant 0 : i32
      %dma_wait3A_100 = tpu.memref_slice %arg9[%dma_wait3A, %dma_wait3A_99] : memref<128x128xf32, #tpu.memory_space<vmem>> -> memref<120x128xf32, #tpu.memory_space<vmem>>
      %dma_wait3A_101 = arith.constant 0 : i32
      %dma_wait3A_102 = tpu.memref_slice %arg5[%arg0, %add3A_86, %dma_wait3A_101] : memref<2x10112x128xf32, #tpu.memory_space<hbm>> -> memref<1x120x128xf32, #tpu.memory_space<hbm>>
      %dma_wait3A_103 = tpu.memref_squeeze %dma_wait3A_102 : memref<1x120x128xf32, #tpu.memory_space<hbm>> -> memref<120x128xf32, #tpu.memory_space<hbm>>
      %dma_wait3A_104 = arith.constant 0 : i32
      %dma_wait3A_105 = tpu.memref_slice %arg5[%arg0, %add3A_86, %dma_wait3A_104] : memref<2x10112x128xf32, #tpu.memory_space<hbm>> -> memref<1x120x128xf32, #tpu.memory_space<hbm>>
      %dma_wait3A_106 = tpu.memref_squeeze %dma_wait3A_105 : memref<1x120x128xf32, #tpu.memory_space<hbm>> -> memref<120x128xf32, #tpu.memory_space<hbm>>
      %dma_wait3A_107 = arith.constant 0 : i32
      %dma_wait3A_108 = arith.constant 0 : i32
      %dma_wait3A_109 = tpu.memref_slice %arg9[%dma_wait3A_107, %dma_wait3A_108] : memref<128x128xf32, #tpu.memory_space<vmem>> -> memref<120x128xf32, #tpu.memory_space<vmem>>
      tpu.wait_dma2 semaphore(%run_scoped3A_87 : memref<!tpu.dma_semaphore, #tpu.memory_space<semaphore_mem>>) src(%dma_wait3A_109 : memref<120x128xf32, #tpu.memory_space<vmem>>) dst(%dma_wait3A_106 : memref<120x128xf32, #tpu.memory_space<hbm>>)
      tpu.yield
    }) : () -> ()
    return
  }
}

#map = affine_map<(d0, d1) -> (0, 0)>
#map1 = affine_map<(d0, d1) -> (0, 0, 0, 0, 0)>
#map2 = affine_map<(d0, d1) -> (0, 0, 0)>
module attributes {stable_mosaic.version = 14 : i64} {
  func.func @_propagate(%arg0: i32, %arg1: i32, %arg2: memref<10112x128xf32, #tpu.memory_space<hbm>>, %arg3: memref<2x16x3x27x128xi32, #tpu.memory_space<hbm>>, %arg4: memref<2x16x3x27x128xi32, #tpu.memory_space<hbm>>, %arg5: memref<2x10112x128xf32, #tpu.memory_space<hbm>>, %arg6: memref<10112x128xf32, #tpu.memory_space<vmem_shared>>, %arg7: memref<27x128xi32, #tpu.memory_space<vmem>>, %arg8: memref<27x128xi32, #tpu.memory_space<vmem>>, %arg9: memref<128x128xf32, #tpu.memory_space<vmem>>) attributes {dimension_semantics = [#tpu.dimension_semantics<core_parallel>, #tpu.dimension_semantics<subcore_parallel>], iteration_bounds = array<i64: 2, 16>, scalar_prefetch = 0 : i64, scratch_operands = 4 : i64, tpu.core_type = #tpu.core_type<sc_vector_subcore>, window_params = [{transform_indices = #map}, {transform_indices = #map1}, {transform_indices = #map1}, {transform_indices = #map2}]} {
    %scan3A = arith.constant 0 : i32
    %scan3A_0 = arith.constant 0 : i32
    %scan3A_1 = arith.constant 128 : i32
    %scan3A_2 = arith.addi %scan3A_0, %scan3A_1 : i32
    %scan3A_3 = arith.constant 1 : i32
    scf.for %scan3A_87 = %scan3A_0 to %scan3A_2 step %scan3A_3  : i32 {
      %broadcast_in_dim3A = arith.constant 0.000000e+00 : f32
      %broadcast_in_dim3A_88 = vector.broadcast %broadcast_in_dim3A : f32 to vector<16xf32>
      %swap3A = arith.index_cast %scan3A_87 : i32 to index
      %swap3A_89 = arith.constant 0 : index
      %swap3A_90 = tpu.vector_load %arg9[%swap3A, %swap3A_89] {strides = array<i32>} : memref<128x128xf32, #tpu.memory_space<vmem>>, vector<1x16xf32>,
      %swap3A_91 = vector.shape_cast %swap3A_90 : vector<1x16xf32> to vector<16xf32>
      %swap3A_92 = vector.shape_cast %broadcast_in_dim3A_88 : vector<16xf32> to vector<1x16xf32>
      tpu.vector_store %arg9[%swap3A, %swap3A_89], %swap3A_92 {strides = array<i32>} : memref<128x128xf32, #tpu.memory_space<vmem>>, vector<1x16xf32>,
      %broadcast_in_dim3A_93 = arith.constant 0.000000e+00 : f32
      %broadcast_in_dim3A_94 = vector.broadcast %broadcast_in_dim3A_93 : f32 to vector<16xf32>
      %swap3A_95 = arith.index_cast %scan3A_87 : i32 to index
      %swap3A_96 = arith.constant 16 : index
      %swap3A_97 = tpu.vector_load %arg9[%swap3A_95, %swap3A_96] {strides = array<i32>} : memref<128x128xf32, #tpu.memory_space<vmem>>, vector<1x16xf32>,
      %swap3A_98 = vector.shape_cast %swap3A_97 : vector<1x16xf32> to vector<16xf32>
      %swap3A_99 = vector.shape_cast %broadcast_in_dim3A_94 : vector<16xf32> to vector<1x16xf32>
      tpu.vector_store %arg9[%swap3A_95, %swap3A_96], %swap3A_99 {strides = array<i32>} : memref<128x128xf32, #tpu.memory_space<vmem>>, vector<1x16xf32>,
      %broadcast_in_dim3A_100 = arith.constant 0.000000e+00 : f32
      %broadcast_in_dim3A_101 = vector.broadcast %broadcast_in_dim3A_100 : f32 to vector<16xf32>
      %swap3A_102 = arith.index_cast %scan3A_87 : i32 to index
      %swap3A_103 = arith.constant 32 : index
      %swap3A_104 = tpu.vector_load %arg9[%swap3A_102, %swap3A_103] {strides = array<i32>} : memref<128x128xf32, #tpu.memory_space<vmem>>, vector<1x16xf32>,
      %swap3A_105 = vector.shape_cast %swap3A_104 : vector<1x16xf32> to vector<16xf32>
      %swap3A_106 = vector.shape_cast %broadcast_in_dim3A_101 : vector<16xf32> to vector<1x16xf32>
      tpu.vector_store %arg9[%swap3A_102, %swap3A_103], %swap3A_106 {strides = array<i32>} : memref<128x128xf32, #tpu.memory_space<vmem>>, vector<1x16xf32>,
      %broadcast_in_dim3A_107 = arith.constant 0.000000e+00 : f32
      %broadcast_in_dim3A_108 = vector.broadcast %broadcast_in_dim3A_107 : f32 to vector<16xf32>
      %swap3A_109 = arith.index_cast %scan3A_87 : i32 to index
      %swap3A_110 = arith.constant 48 : index
      %swap3A_111 = tpu.vector_load %arg9[%swap3A_109, %swap3A_110] {strides = array<i32>} : memref<128x128xf32, #tpu.memory_space<vmem>>, vector<1x16xf32>,
      %swap3A_112 = vector.shape_cast %swap3A_111 : vector<1x16xf32> to vector<16xf32>
      %swap3A_113 = vector.shape_cast %broadcast_in_dim3A_108 : vector<16xf32> to vector<1x16xf32>
      tpu.vector_store %arg9[%swap3A_109, %swap3A_110], %swap3A_113 {strides = array<i32>} : memref<128x128xf32, #tpu.memory_space<vmem>>, vector<1x16xf32>,
      %broadcast_in_dim3A_114 = arith.constant 0.000000e+00 : f32
      %broadcast_in_dim3A_115 = vector.broadcast %broadcast_in_dim3A_114 : f32 to vector<16xf32>
      %swap3A_116 = arith.index_cast %scan3A_87 : i32 to index
      %swap3A_117 = arith.constant 64 : index
      %swap3A_118 = tpu.vector_load %arg9[%swap3A_116, %swap3A_117] {strides = array<i32>} : memref<128x128xf32, #tpu.memory_space<vmem>>, vector<1x16xf32>,
      %swap3A_119 = vector.shape_cast %swap3A_118 : vector<1x16xf32> to vector<16xf32>
      %swap3A_120 = vector.shape_cast %broadcast_in_dim3A_115 : vector<16xf32> to vector<1x16xf32>
      tpu.vector_store %arg9[%swap3A_116, %swap3A_117], %swap3A_120 {strides = array<i32>} : memref<128x128xf32, #tpu.memory_space<vmem>>, vector<1x16xf32>,
      %broadcast_in_dim3A_121 = arith.constant 0.000000e+00 : f32
      %broadcast_in_dim3A_122 = vector.broadcast %broadcast_in_dim3A_121 : f32 to vector<16xf32>
      %swap3A_123 = arith.index_cast %scan3A_87 : i32 to index
      %swap3A_124 = arith.constant 80 : index
      %swap3A_125 = tpu.vector_load %arg9[%swap3A_123, %swap3A_124] {strides = array<i32>} : memref<128x128xf32, #tpu.memory_space<vmem>>, vector<1x16xf32>,
      %swap3A_126 = vector.shape_cast %swap3A_125 : vector<1x16xf32> to vector<16xf32>
      %swap3A_127 = vector.shape_cast %broadcast_in_dim3A_122 : vector<16xf32> to vector<1x16xf32>
      tpu.vector_store %arg9[%swap3A_123, %swap3A_124], %swap3A_127 {strides = array<i32>} : memref<128x128xf32, #tpu.memory_space<vmem>>, vector<1x16xf32>,
      %broadcast_in_dim3A_128 = arith.constant 0.000000e+00 : f32
      %broadcast_in_dim3A_129 = vector.broadcast %broadcast_in_dim3A_128 : f32 to vector<16xf32>
      %swap3A_130 = arith.index_cast %scan3A_87 : i32 to index
      %swap3A_131 = arith.constant 96 : index
      %swap3A_132 = tpu.vector_load %arg9[%swap3A_130, %swap3A_131] {strides = array<i32>} : memref<128x128xf32, #tpu.memory_space<vmem>>, vector<1x16xf32>,
      %swap3A_133 = vector.shape_cast %swap3A_132 : vector<1x16xf32> to vector<16xf32>
      %swap3A_134 = vector.shape_cast %broadcast_in_dim3A_129 : vector<16xf32> to vector<1x16xf32>
      tpu.vector_store %arg9[%swap3A_130, %swap3A_131], %swap3A_134 {strides = array<i32>} : memref<128x128xf32, #tpu.memory_space<vmem>>, vector<1x16xf32>,
      %broadcast_in_dim3A_135 = arith.constant 0.000000e+00 : f32
      %broadcast_in_dim3A_136 = vector.broadcast %broadcast_in_dim3A_135 : f32 to vector<16xf32>
      %swap3A_137 = arith.index_cast %scan3A_87 : i32 to index
      %swap3A_138 = arith.constant 112 : index
      %swap3A_139 = tpu.vector_load %arg9[%swap3A_137, %swap3A_138] {strides = array<i32>} : memref<128x128xf32, #tpu.memory_space<vmem>>, vector<1x16xf32>,
      %swap3A_140 = vector.shape_cast %swap3A_139 : vector<1x16xf32> to vector<16xf32>
      %swap3A_141 = vector.shape_cast %broadcast_in_dim3A_136 : vector<16xf32> to vector<1x16xf32>
      tpu.vector_store %arg9[%swap3A_137, %swap3A_138], %swap3A_141 {strides = array<i32>} : memref<128x128xf32, #tpu.memory_space<vmem>>, vector<1x16xf32>,
    }
    %scan3A_4 = arith.constant 128 : i32
    %mul3A = arith.constant 632 : i32
    %mul3A_5 = arith.muli %arg1, %mul3A : i32
    %add3A = arith.constant 0 : i32
    %add3A_6 = arith.addi %mul3A_5, %add3A : i32
    "tpu.region"() ({
      %run_scoped3A_87 = tpu.sem_alloc : memref<!tpu.dma_semaphore, #tpu.memory_space<semaphore_mem>>
      %dma_start3A = arith.constant 0 : i32
      %dma_start3A_88 = arith.constant 0 : i32
      %dma_start3A_89 = tpu.memref_slice %arg9[%dma_start3A, %dma_start3A_88] : memref<128x128xf32, #tpu.memory_space<vmem>> -> memref<128x128xf32, #tpu.memory_space<vmem>>
      %dma_start3A_90 = arith.constant 0 : i32
      %dma_start3A_91 = tpu.memref_slice %arg6[%add3A_6, %dma_start3A_90] : memref<10112x128xf32, #tpu.memory_space<vmem_shared>> -> memref<128x128xf32, #tpu.memory_space<vmem_shared>>
      %dma_start3A_92 = arith.constant 0 : i32
      %dma_start3A_93 = tpu.memref_slice %arg6[%add3A_6, %dma_start3A_92] : memref<10112x128xf32, #tpu.memory_space<vmem_shared>> -> memref<128x128xf32, #tpu.memory_space<vmem_shared>>
      %dma_start3A_94 = arith.constant 0 : i32
      %dma_start3A_95 = arith.constant 0 : i32
      %dma_start3A_96 = tpu.memref_slice %arg9[%dma_start3A_94, %dma_start3A_95] : memref<128x128xf32, #tpu.memory_space<vmem>> -> memref<128x128xf32, #tpu.memory_space<vmem>>
      tpu.enqueue_dma source(%dma_start3A_96 : memref<128x128xf32, #tpu.memory_space<vmem>>) target(%dma_start3A_93 : memref<128x128xf32, #tpu.memory_space<vmem_shared>>) target_semaphore(%run_scoped3A_87 : memref<!tpu.dma_semaphore, #tpu.memory_space<semaphore_mem>>)
      %dma_wait3A = arith.constant 0 : i32
      %dma_wait3A_97 = arith.constant 0 : i32
      %dma_wait3A_98 = tpu.memref_slice %arg9[%dma_wait3A, %dma_wait3A_97] : memref<128x128xf32, #tpu.memory_space<vmem>> -> memref<128x128xf32, #tpu.memory_space<vmem>>
      %dma_wait3A_99 = arith.constant 0 : i32
      %dma_wait3A_100 = tpu.memref_slice %arg6[%add3A_6, %dma_wait3A_99] : memref<10112x128xf32, #tpu.memory_space<vmem_shared>> -> memref<128x128xf32, #tpu.memory_space<vmem_shared>>
      %dma_wait3A_101 = arith.constant 0 : i32
      %dma_wait3A_102 = tpu.memref_slice %arg6[%add3A_6, %dma_wait3A_101] : memref<10112x128xf32, #tpu.memory_space<vmem_shared>> -> memref<128x128xf32, #tpu.memory_space<vmem_shared>>
      %dma_wait3A_103 = arith.constant 0 : i32
      %dma_wait3A_104 = arith.constant 0 : i32
      %dma_wait3A_105 = tpu.memref_slice %arg9[%dma_wait3A_103, %dma_wait3A_104] : memref<128x128xf32, #tpu.memory_space<vmem>> -> memref<128x128xf32, #tpu.memory_space<vmem>>
      tpu.wait_dma2 semaphore(%run_scoped3A_87 : memref<!tpu.dma_semaphore, #tpu.memory_space<semaphore_mem>>) src(%dma_wait3A_105 : memref<128x128xf32, #tpu.memory_space<vmem>>) dst(%dma_wait3A_102 : memref<128x128xf32, #tpu.memory_space<vmem_shared>>)
      tpu.yield
    }) : () -> ()
    %mul3A_7 = arith.constant 632 : i32
    %mul3A_8 = arith.muli %arg1, %mul3A_7 : i32
    %add3A_9 = arith.constant 128 : i32
    %add3A_10 = arith.addi %mul3A_8, %add3A_9 : i32
    "tpu.region"() ({
      %run_scoped3A_87 = tpu.sem_alloc : memref<!tpu.dma_semaphore, #tpu.memory_space<semaphore_mem>>
      %dma_start3A = arith.constant 0 : i32
      %dma_start3A_88 = arith.constant 0 : i32
      %dma_start3A_89 = tpu.memref_slice %arg9[%dma_start3A, %dma_start3A_88] : memref<128x128xf32, #tpu.memory_space<vmem>> -> memref<128x128xf32, #tpu.memory_space<vmem>>
      %dma_start3A_90 = arith.constant 0 : i32
      %dma_start3A_91 = tpu.memref_slice %arg6[%add3A_10, %dma_start3A_90] : memref<10112x128xf32, #tpu.memory_space<vmem_shared>> -> memref<128x128xf32, #tpu.memory_space<vmem_shared>>
      %dma_start3A_92 = arith.constant 0 : i32
      %dma_start3A_93 = tpu.memref_slice %arg6[%add3A_10, %dma_start3A_92] : memref<10112x128xf32, #tpu.memory_space<vmem_shared>> -> memref<128x128xf32, #tpu.memory_space<vmem_shared>>
      %dma_start3A_94 = arith.constant 0 : i32
      %dma_start3A_95 = arith.constant 0 : i32
      %dma_start3A_96 = tpu.memref_slice %arg9[%dma_start3A_94, %dma_start3A_95] : memref<128x128xf32, #tpu.memory_space<vmem>> -> memref<128x128xf32, #tpu.memory_space<vmem>>
      tpu.enqueue_dma source(%dma_start3A_96 : memref<128x128xf32, #tpu.memory_space<vmem>>) target(%dma_start3A_93 : memref<128x128xf32, #tpu.memory_space<vmem_shared>>) target_semaphore(%run_scoped3A_87 : memref<!tpu.dma_semaphore, #tpu.memory_space<semaphore_mem>>)
      %dma_wait3A = arith.constant 0 : i32
      %dma_wait3A_97 = arith.constant 0 : i32
      %dma_wait3A_98 = tpu.memref_slice %arg9[%dma_wait3A, %dma_wait3A_97] : memref<128x128xf32, #tpu.memory_space<vmem>> -> memref<128x128xf32, #tpu.memory_space<vmem>>
      %dma_wait3A_99 = arith.constant 0 : i32
      %dma_wait3A_100 = tpu.memref_slice %arg6[%add3A_10, %dma_wait3A_99] : memref<10112x128xf32, #tpu.memory_space<vmem_shared>> -> memref<128x128xf32, #tpu.memory_space<vmem_shared>>
      %dma_wait3A_101 = arith.constant 0 : i32
      %dma_wait3A_102 = tpu.memref_slice %arg6[%add3A_10, %dma_wait3A_101] : memref<10112x128xf32, #tpu.memory_space<vmem_shared>> -> memref<128x128xf32, #tpu.memory_space<vmem_shared>>
      %dma_wait3A_103 = arith.constant 0 : i32
      %dma_wait3A_104 = arith.constant 0 : i32
      %dma_wait3A_105 = tpu.memref_slice %arg9[%dma_wait3A_103, %dma_wait3A_104] : memref<128x128xf32, #tpu.memory_space<vmem>> -> memref<128x128xf32, #tpu.memory_space<vmem>>
      tpu.wait_dma2 semaphore(%run_scoped3A_87 : memref<!tpu.dma_semaphore, #tpu.memory_space<semaphore_mem>>) src(%dma_wait3A_105 : memref<128x128xf32, #tpu.memory_space<vmem>>) dst(%dma_wait3A_102 : memref<128x128xf32, #tpu.memory_space<vmem_shared>>)
      tpu.yield
    }) : () -> ()
    %mul3A_11 = arith.constant 632 : i32
    %mul3A_12 = arith.muli %arg1, %mul3A_11 : i32
    %add3A_13 = arith.constant 256 : i32
    %add3A_14 = arith.addi %mul3A_12, %add3A_13 : i32
    "tpu.region"() ({
      %run_scoped3A_87 = tpu.sem_alloc : memref<!tpu.dma_semaphore, #tpu.memory_space<semaphore_mem>>
      %dma_start3A = arith.constant 0 : i32
      %dma_start3A_88 = arith.constant 0 : i32
      %dma_start3A_89 = tpu.memref_slice %arg9[%dma_start3A, %dma_start3A_88] : memref<128x128xf32, #tpu.memory_space<vmem>> -> memref<128x128xf32, #tpu.memory_space<vmem>>
      %dma_start3A_90 = arith.constant 0 : i32
      %dma_start3A_91 = tpu.memref_slice %arg6[%add3A_14, %dma_start3A_90] : memref<10112x128xf32, #tpu.memory_space<vmem_shared>> -> memref<128x128xf32, #tpu.memory_space<vmem_shared>>
      %dma_start3A_92 = arith.constant 0 : i32
      %dma_start3A_93 = tpu.memref_slice %arg6[%add3A_14, %dma_start3A_92] : memref<10112x128xf32, #tpu.memory_space<vmem_shared>> -> memref<128x128xf32, #tpu.memory_space<vmem_shared>>
      %dma_start3A_94 = arith.constant 0 : i32
      %dma_start3A_95 = arith.constant 0 : i32
      %dma_start3A_96 = tpu.memref_slice %arg9[%dma_start3A_94, %dma_start3A_95] : memref<128x128xf32, #tpu.memory_space<vmem>> -> memref<128x128xf32, #tpu.memory_space<vmem>>
      tpu.enqueue_dma source(%dma_start3A_96 : memref<128x128xf32, #tpu.memory_space<vmem>>) target(%dma_start3A_93 : memref<128x128xf32, #tpu.memory_space<vmem_shared>>) target_semaphore(%run_scoped3A_87 : memref<!tpu.dma_semaphore, #tpu.memory_space<semaphore_mem>>)
      %dma_wait3A = arith.constant 0 : i32
      %dma_wait3A_97 = arith.constant 0 : i32
      %dma_wait3A_98 = tpu.memref_slice %arg9[%dma_wait3A, %dma_wait3A_97] : memref<128x128xf32, #tpu.memory_space<vmem>> -> memref<128x128xf32, #tpu.memory_space<vmem>>
      %dma_wait3A_99 = arith.constant 0 : i32
      %dma_wait3A_100 = tpu.memref_slice %arg6[%add3A_14, %dma_wait3A_99] : memref<10112x128xf32, #tpu.memory_space<vmem_shared>> -> memref<128x128xf32, #tpu.memory_space<vmem_shared>>
      %dma_wait3A_101 = arith.constant 0 : i32
      %dma_wait3A_102 = tpu.memref_slice %arg6[%add3A_14, %dma_wait3A_101] : memref<10112x128xf32, #tpu.memory_space<vmem_shared>> -> memref<128x128xf32, #tpu.memory_space<vmem_shared>>
      %dma_wait3A_103 = arith.constant 0 : i32
      %dma_wait3A_104 = arith.constant 0 : i32
      %dma_wait3A_105 = tpu.memref_slice %arg9[%dma_wait3A_103, %dma_wait3A_104] : memref<128x128xf32, #tpu.memory_space<vmem>> -> memref<128x128xf32, #tpu.memory_space<vmem>>
      tpu.wait_dma2 semaphore(%run_scoped3A_87 : memref<!tpu.dma_semaphore, #tpu.memory_space<semaphore_mem>>) src(%dma_wait3A_105 : memref<128x128xf32, #tpu.memory_space<vmem>>) dst(%dma_wait3A_102 : memref<128x128xf32, #tpu.memory_space<vmem_shared>>)
      tpu.yield
    }) : () -> ()
    %mul3A_15 = arith.constant 632 : i32
    %mul3A_16 = arith.muli %arg1, %mul3A_15 : i32
    %add3A_17 = arith.constant 384 : i32
    %add3A_18 = arith.addi %mul3A_16, %add3A_17 : i32
    "tpu.region"() ({
      %run_scoped3A_87 = tpu.sem_alloc : memref<!tpu.dma_semaphore, #tpu.memory_space<semaphore_mem>>
      %dma_start3A = arith.constant 0 : i32
      %dma_start3A_88 = arith.constant 0 : i32
      %dma_start3A_89 = tpu.memref_slice %arg9[%dma_start3A, %dma_start3A_88] : memref<128x128xf32, #tpu.memory_space<vmem>> -> memref<128x128xf32, #tpu.memory_space<vmem>>
      %dma_start3A_90 = arith.constant 0 : i32
      %dma_start3A_91 = tpu.memref_slice %arg6[%add3A_18, %dma_start3A_90] : memref<10112x128xf32, #tpu.memory_space<vmem_shared>> -> memref<128x128xf32, #tpu.memory_space<vmem_shared>>
      %dma_start3A_92 = arith.constant 0 : i32
      %dma_start3A_93 = tpu.memref_slice %arg6[%add3A_18, %dma_start3A_92] : memref<10112x128xf32, #tpu.memory_space<vmem_shared>> -> memref<128x128xf32, #tpu.memory_space<vmem_shared>>
      %dma_start3A_94 = arith.constant 0 : i32
      %dma_start3A_95 = arith.constant 0 : i32
      %dma_start3A_96 = tpu.memref_slice %arg9[%dma_start3A_94, %dma_start3A_95] : memref<128x128xf32, #tpu.memory_space<vmem>> -> memref<128x128xf32, #tpu.memory_space<vmem>>
      tpu.enqueue_dma source(%dma_start3A_96 : memref<128x128xf32, #tpu.memory_space<vmem>>) target(%dma_start3A_93 : memref<128x128xf32, #tpu.memory_space<vmem_shared>>) target_semaphore(%run_scoped3A_87 : memref<!tpu.dma_semaphore, #tpu.memory_space<semaphore_mem>>)
      %dma_wait3A = arith.constant 0 : i32
      %dma_wait3A_97 = arith.constant 0 : i32
      %dma_wait3A_98 = tpu.memref_slice %arg9[%dma_wait3A, %dma_wait3A_97] : memref<128x128xf32, #tpu.memory_space<vmem>> -> memref<128x128xf32, #tpu.memory_space<vmem>>
      %dma_wait3A_99 = arith.constant 0 : i32
      %dma_wait3A_100 = tpu.memref_slice %arg6[%add3A_18, %dma_wait3A_99] : memref<10112x128xf32, #tpu.memory_space<vmem_shared>> -> memref<128x128xf32, #tpu.memory_space<vmem_shared>>
      %dma_wait3A_101 = arith.constant 0 : i32
      %dma_wait3A_102 = tpu.memref_slice %arg6[%add3A_18, %dma_wait3A_101] : memref<10112x128xf32, #tpu.memory_space<vmem_shared>> -> memref<128x128xf32, #tpu.memory_space<vmem_shared>>
      %dma_wait3A_103 = arith.constant 0 : i32
      %dma_wait3A_104 = arith.constant 0 : i32
      %dma_wait3A_105 = tpu.memref_slice %arg9[%dma_wait3A_103, %dma_wait3A_104] : memref<128x128xf32, #tpu.memory_space<vmem>> -> memref<128x128xf32, #tpu.memory_space<vmem>>
      tpu.wait_dma2 semaphore(%run_scoped3A_87 : memref<!tpu.dma_semaphore, #tpu.memory_space<semaphore_mem>>) src(%dma_wait3A_105 : memref<128x128xf32, #tpu.memory_space<vmem>>) dst(%dma_wait3A_102 : memref<128x128xf32, #tpu.memory_space<vmem_shared>>)
      tpu.yield
    }) : () -> ()
    %mul3A_19 = arith.constant 632 : i32
    %mul3A_20 = arith.muli %arg1, %mul3A_19 : i32
    %add3A_21 = arith.constant 512 : i32
    %add3A_22 = arith.addi %mul3A_20, %add3A_21 : i32
    "tpu.region"() ({
      %run_scoped3A_87 = tpu.sem_alloc : memref<!tpu.dma_semaphore, #tpu.memory_space<semaphore_mem>>
      %dma_start3A = arith.constant 0 : i32
      %dma_start3A_88 = arith.constant 0 : i32
      %dma_start3A_89 = tpu.memref_slice %arg9[%dma_start3A, %dma_start3A_88] : memref<128x128xf32, #tpu.memory_space<vmem>> -> memref<120x128xf32, #tpu.memory_space<vmem>>
      %dma_start3A_90 = arith.constant 0 : i32
      %dma_start3A_91 = tpu.memref_slice %arg6[%add3A_22, %dma_start3A_90] : memref<10112x128xf32, #tpu.memory_space<vmem_shared>> -> memref<120x128xf32, #tpu.memory_space<vmem_shared>>
      %dma_start3A_92 = arith.constant 0 : i32
      %dma_start3A_93 = tpu.memref_slice %arg6[%add3A_22, %dma_start3A_92] : memref<10112x128xf32, #tpu.memory_space<vmem_shared>> -> memref<120x128xf32, #tpu.memory_space<vmem_shared>>
      %dma_start3A_94 = arith.constant 0 : i32
      %dma_start3A_95 = arith.constant 0 : i32
      %dma_start3A_96 = tpu.memref_slice %arg9[%dma_start3A_94, %dma_start3A_95] : memref<128x128xf32, #tpu.memory_space<vmem>> -> memref<120x128xf32, #tpu.memory_space<vmem>>
      tpu.enqueue_dma source(%dma_start3A_96 : memref<120x128xf32, #tpu.memory_space<vmem>>) target(%dma_start3A_93 : memref<120x128xf32, #tpu.memory_space<vmem_shared>>) target_semaphore(%run_scoped3A_87 : memref<!tpu.dma_semaphore, #tpu.memory_space<semaphore_mem>>)
      %dma_wait3A = arith.constant 0 : i32
      %dma_wait3A_97 = arith.constant 0 : i32
      %dma_wait3A_98 = tpu.memref_slice %arg9[%dma_wait3A, %dma_wait3A_97] : memref<128x128xf32, #tpu.memory_space<vmem>> -> memref<120x128xf32, #tpu.memory_space<vmem>>
      %dma_wait3A_99 = arith.constant 0 : i32
      %dma_wait3A_100 = tpu.memref_slice %arg6[%add3A_22, %dma_wait3A_99] : memref<10112x128xf32, #tpu.memory_space<vmem_shared>> -> memref<120x128xf32, #tpu.memory_space<vmem_shared>>
      %dma_wait3A_101 = arith.constant 0 : i32
      %dma_wait3A_102 = tpu.memref_slice %arg6[%add3A_22, %dma_wait3A_101] : memref<10112x128xf32, #tpu.memory_space<vmem_shared>> -> memref<120x128xf32, #tpu.memory_space<vmem_shared>>
      %dma_wait3A_103 = arith.constant 0 : i32
      %dma_wait3A_104 = arith.constant 0 : i32
      %dma_wait3A_105 = tpu.memref_slice %arg9[%dma_wait3A_103, %dma_wait3A_104] : memref<128x128xf32, #tpu.memory_space<vmem>> -> memref<120x128xf32, #tpu.memory_space<vmem>>
      tpu.wait_dma2 semaphore(%run_scoped3A_87 : memref<!tpu.dma_semaphore, #tpu.memory_space<semaphore_mem>>) src(%dma_wait3A_105 : memref<120x128xf32, #tpu.memory_space<vmem>>) dst(%dma_wait3A_102 : memref<120x128xf32, #tpu.memory_space<vmem_shared>>)
      tpu.yield
    }) : () -> ()
    %barrier3A = arith.constant 0 : index
    tpu.barrier barrier_id(%barrier3A)
    %run_scoped3A = arith.constant 0 : i32
    "tpu.region"() ({
      %run_scoped3A_87 = tpu.sem_alloc : memref<!tpu.dma_semaphore, #tpu.memory_space<semaphore_mem>>
      %dma_start3A = arith.constant 0 : i32
      %dma_start3A_88 = arith.constant 0 : i32
      %dma_start3A_89 = tpu.memref_slice %arg3[%arg0, %arg1, %run_scoped3A, %dma_start3A, %dma_start3A_88] : memref<2x16x3x27x128xi32, #tpu.memory_space<hbm>> -> memref<1x1x1x27x128xi32, #tpu.memory_space<hbm>>
      %dma_start3A_90 = tpu.memref_squeeze %dma_start3A_89 : memref<1x1x1x27x128xi32, #tpu.memory_space<hbm>> -> memref<27x128xi32, #tpu.memory_space<hbm>>
      %dma_start3A_91 = arith.constant 0 : i32
      %dma_start3A_92 = arith.constant 0 : i32
      %dma_start3A_93 = tpu.memref_slice %arg3[%arg0, %arg1, %run_scoped3A, %dma_start3A_91, %dma_start3A_92] : memref<2x16x3x27x128xi32, #tpu.memory_space<hbm>> -> memref<1x1x1x27x128xi32, #tpu.memory_space<hbm>>
      %dma_start3A_94 = tpu.memref_squeeze %dma_start3A_93 : memref<1x1x1x27x128xi32, #tpu.memory_space<hbm>> -> memref<27x128xi32, #tpu.memory_space<hbm>>
      tpu.enqueue_dma source(%dma_start3A_94 : memref<27x128xi32, #tpu.memory_space<hbm>>) target(%arg7 : memref<27x128xi32, #tpu.memory_space<vmem>>) target_semaphore(%run_scoped3A_87 : memref<!tpu.dma_semaphore, #tpu.memory_space<semaphore_mem>>)
      %dma_wait3A = arith.constant 0 : i32
      %dma_wait3A_95 = arith.constant 0 : i32
      %dma_wait3A_96 = tpu.memref_slice %arg3[%arg0, %arg1, %run_scoped3A, %dma_wait3A, %dma_wait3A_95] : memref<2x16x3x27x128xi32, #tpu.memory_space<hbm>> -> memref<1x1x1x27x128xi32, #tpu.memory_space<hbm>>
      %dma_wait3A_97 = tpu.memref_squeeze %dma_wait3A_96 : memref<1x1x1x27x128xi32, #tpu.memory_space<hbm>> -> memref<27x128xi32, #tpu.memory_space<hbm>>
      %dma_wait3A_98 = arith.constant 0 : i32
      %dma_wait3A_99 = arith.constant 0 : i32
      %dma_wait3A_100 = tpu.memref_slice %arg3[%arg0, %arg1, %run_scoped3A, %dma_wait3A_98, %dma_wait3A_99] : memref<2x16x3x27x128xi32, #tpu.memory_space<hbm>> -> memref<1x1x1x27x128xi32, #tpu.memory_space<hbm>>
      %dma_wait3A_101 = tpu.memref_squeeze %dma_wait3A_100 : memref<1x1x1x27x128xi32, #tpu.memory_space<hbm>> -> memref<27x128xi32, #tpu.memory_space<hbm>>
      tpu.wait_dma2 semaphore(%run_scoped3A_87 : memref<!tpu.dma_semaphore, #tpu.memory_space<semaphore_mem>>) src(%dma_wait3A_101 : memref<27x128xi32, #tpu.memory_space<hbm>>) dst(%arg7 : memref<27x128xi32, #tpu.memory_space<vmem>>)
      tpu.yield
    }) : () -> ()
    %run_scoped3A_23 = arith.constant 0 : i32
    "tpu.region"() ({
      %run_scoped3A_87 = tpu.sem_alloc : memref<!tpu.dma_semaphore, #tpu.memory_space<semaphore_mem>>
      %dma_start3A = arith.constant 0 : i32
      %dma_start3A_88 = arith.constant 0 : i32
      %dma_start3A_89 = tpu.memref_slice %arg4[%arg0, %arg1, %run_scoped3A_23, %dma_start3A, %dma_start3A_88] : memref<2x16x3x27x128xi32, #tpu.memory_space<hbm>> -> memref<1x1x1x27x128xi32, #tpu.memory_space<hbm>>
      %dma_start3A_90 = tpu.memref_squeeze %dma_start3A_89 : memref<1x1x1x27x128xi32, #tpu.memory_space<hbm>> -> memref<27x128xi32, #tpu.memory_space<hbm>>
      %dma_start3A_91 = arith.constant 0 : i32
      %dma_start3A_92 = arith.constant 0 : i32
      %dma_start3A_93 = tpu.memref_slice %arg4[%arg0, %arg1, %run_scoped3A_23, %dma_start3A_91, %dma_start3A_92] : memref<2x16x3x27x128xi32, #tpu.memory_space<hbm>> -> memref<1x1x1x27x128xi32, #tpu.memory_space<hbm>>
      %dma_start3A_94 = tpu.memref_squeeze %dma_start3A_93 : memref<1x1x1x27x128xi32, #tpu.memory_space<hbm>> -> memref<27x128xi32, #tpu.memory_space<hbm>>
      tpu.enqueue_dma source(%dma_start3A_94 : memref<27x128xi32, #tpu.memory_space<hbm>>) target(%arg8 : memref<27x128xi32, #tpu.memory_space<vmem>>) target_semaphore(%run_scoped3A_87 : memref<!tpu.dma_semaphore, #tpu.memory_space<semaphore_mem>>)
      %dma_wait3A = arith.constant 0 : i32
      %dma_wait3A_95 = arith.constant 0 : i32
      %dma_wait3A_96 = tpu.memref_slice %arg4[%arg0, %arg1, %run_scoped3A_23, %dma_wait3A, %dma_wait3A_95] : memref<2x16x3x27x128xi32, #tpu.memory_space<hbm>> -> memref<1x1x1x27x128xi32, #tpu.memory_space<hbm>>
      %dma_wait3A_97 = tpu.memref_squeeze %dma_wait3A_96 : memref<1x1x1x27x128xi32, #tpu.memory_space<hbm>> -> memref<27x128xi32, #tpu.memory_space<hbm>>
      %dma_wait3A_98 = arith.constant 0 : i32
      %dma_wait3A_99 = arith.constant 0 : i32
      %dma_wait3A_100 = tpu.memref_slice %arg4[%arg0, %arg1, %run_scoped3A_23, %dma_wait3A_98, %dma_wait3A_99] : memref<2x16x3x27x128xi32, #tpu.memory_space<hbm>> -> memref<1x1x1x27x128xi32, #tpu.memory_space<hbm>>
      %dma_wait3A_101 = tpu.memref_squeeze %dma_wait3A_100 : memref<1x1x1x27x128xi32, #tpu.memory_space<hbm>> -> memref<27x128xi32, #tpu.memory_space<hbm>>
      tpu.wait_dma2 semaphore(%run_scoped3A_87 : memref<!tpu.dma_semaphore, #tpu.memory_space<semaphore_mem>>) src(%dma_wait3A_101 : memref<27x128xi32, #tpu.memory_space<hbm>>) dst(%arg8 : memref<27x128xi32, #tpu.memory_space<vmem>>)
      tpu.yield
    }) : () -> ()
    %scan3A_24 = arith.constant 0 : i32
    %scan3A_25 = arith.constant 0 : i32
    %scan3A_26 = arith.constant 27 : i32
    %scan3A_27 = arith.addi %scan3A_25, %scan3A_26 : i32
    %scan3A_28 = arith.constant 1 : i32
    scf.for %scan3A_87 = %scan3A_25 to %scan3A_27 step %scan3A_28  : i32 {
      "tpu.region"() ({
        %run_scoped3A_88 = tpu.sem_alloc : memref<!tpu.dma_semaphore, #tpu.memory_space<semaphore_mem>>
        %dma_start3A = arith.constant 0 : i32
        %dma_start3A_89 = tpu.memref_slice %arg7[%scan3A_87, %dma_start3A] : memref<27x128xi32, #tpu.memory_space<vmem>> -> memref<1x128xi32, #tpu.memory_space<vmem>>
        %dma_start3A_90 = tpu.memref_squeeze %dma_start3A_89 : memref<1x128xi32, #tpu.memory_space<vmem>> -> memref<128xi32, #tpu.memory_space<vmem>>
        %dma_start3A_91 = arith.constant 0 : i32
        %dma_start3A_92 = arith.constant 0 : i32
        %dma_start3A_93 = tpu.memref_slice %arg2[%dma_start3A_91, %dma_start3A_92] : memref<10112x128xf32, #tpu.memory_space<hbm>> -> memref<10112x128xf32, #tpu.memory_space<hbm>>
        tpu.enqueue_indirect_dma source(%dma_start3A_93 : memref<10112x128xf32, #tpu.memory_space<hbm>>) target(%arg9 : memref<128x128xf32, #tpu.memory_space<vmem>>) offsets(%dma_start3A_90 : memref<128xi32, #tpu.memory_space<vmem>>) semaphore(%run_scoped3A_88 : memref<!tpu.dma_semaphore, #tpu.memory_space<semaphore_mem>>)
        %dma_wait3A = arith.constant 0 : i32
        %dma_wait3A_94 = tpu.memref_slice %arg7[%scan3A_87, %dma_wait3A] : memref<27x128xi32, #tpu.memory_space<vmem>> -> memref<1x128xi32, #tpu.memory_space<vmem>>
        %dma_wait3A_95 = tpu.memref_squeeze %dma_wait3A_94 : memref<1x128xi32, #tpu.memory_space<vmem>> -> memref<128xi32, #tpu.memory_space<vmem>>
        %dma_wait3A_96 = arith.constant 0 : i32
        %dma_wait3A_97 = arith.constant 0 : i32
        %dma_wait3A_98 = tpu.memref_slice %arg2[%dma_wait3A_96, %dma_wait3A_97] : memref<10112x128xf32, #tpu.memory_space<hbm>> -> memref<10112x128xf32, #tpu.memory_space<hbm>>
        tpu.wait_indirect_dma semaphore(%run_scoped3A_88 : memref<!tpu.dma_semaphore, #tpu.memory_space<semaphore_mem>>) src(%dma_wait3A_98 : memref<10112x128xf32, #tpu.memory_space<hbm>>) dst(%arg9 : memref<128x128xf32, #tpu.memory_space<vmem>>)
        tpu.yield
      }) : () -> ()
      "tpu.region"() ({
        %run_scoped3A_88 = tpu.sem_alloc : memref<!tpu.dma_semaphore, #tpu.memory_space<semaphore_mem>>
        %dma_start3A = arith.constant 0 : i32
        %dma_start3A_89 = tpu.memref_slice %arg8[%scan3A_87, %dma_start3A] : memref<27x128xi32, #tpu.memory_space<vmem>> -> memref<1x128xi32, #tpu.memory_space<vmem>>
        %dma_start3A_90 = tpu.memref_squeeze %dma_start3A_89 : memref<1x128xi32, #tpu.memory_space<vmem>> -> memref<128xi32, #tpu.memory_space<vmem>>
        %dma_start3A_91 = arith.constant 0 : i32
        %dma_start3A_92 = arith.constant 0 : i32
        %dma_start3A_93 = tpu.memref_slice %arg6[%dma_start3A_91, %dma_start3A_92] : memref<10112x128xf32, #tpu.memory_space<vmem_shared>> -> memref<10112x128xf32, #tpu.memory_space<vmem_shared>>
        tpu.enqueue_indirect_dma source(%arg9 : memref<128x128xf32, #tpu.memory_space<vmem>>) target(%dma_start3A_93 : memref<10112x128xf32, #tpu.memory_space<vmem_shared>>) offsets(%dma_start3A_90 : memref<128xi32, #tpu.memory_space<vmem>>) semaphore(%run_scoped3A_88 : memref<!tpu.dma_semaphore, #tpu.memory_space<semaphore_mem>>) {add = true}
        %dma_wait3A = arith.constant 0 : i32
        %dma_wait3A_94 = tpu.memref_slice %arg8[%scan3A_87, %dma_wait3A] : memref<27x128xi32, #tpu.memory_space<vmem>> -> memref<1x128xi32, #tpu.memory_space<vmem>>
        %dma_wait3A_95 = tpu.memref_squeeze %dma_wait3A_94 : memref<1x128xi32, #tpu.memory_space<vmem>> -> memref<128xi32, #tpu.memory_space<vmem>>
        %dma_wait3A_96 = arith.constant 0 : i32
        %dma_wait3A_97 = arith.constant 0 : i32
        %dma_wait3A_98 = tpu.memref_slice %arg6[%dma_wait3A_96, %dma_wait3A_97] : memref<10112x128xf32, #tpu.memory_space<vmem_shared>> -> memref<10112x128xf32, #tpu.memory_space<vmem_shared>>
        tpu.wait_indirect_dma semaphore(%run_scoped3A_88 : memref<!tpu.dma_semaphore, #tpu.memory_space<semaphore_mem>>) src(%arg9 : memref<128x128xf32, #tpu.memory_space<vmem>>) dst(%dma_wait3A_98 : memref<10112x128xf32, #tpu.memory_space<vmem_shared>>)
        tpu.yield
      }) : () -> ()
    }
    %scan3A_29 = arith.constant 27 : i32
    %run_scoped3A_30 = arith.constant 1 : i32
    "tpu.region"() ({
      %run_scoped3A_87 = tpu.sem_alloc : memref<!tpu.dma_semaphore, #tpu.memory_space<semaphore_mem>>
      %dma_start3A = arith.constant 0 : i32
      %dma_start3A_88 = arith.constant 0 : i32
      %dma_start3A_89 = tpu.memref_slice %arg3[%arg0, %arg1, %run_scoped3A_30, %dma_start3A, %dma_start3A_88] : memref<2x16x3x27x128xi32, #tpu.memory_space<hbm>> -> memref<1x1x1x27x128xi32, #tpu.memory_space<hbm>>
      %dma_start3A_90 = tpu.memref_squeeze %dma_start3A_89 : memref<1x1x1x27x128xi32, #tpu.memory_space<hbm>> -> memref<27x128xi32, #tpu.memory_space<hbm>>
      %dma_start3A_91 = arith.constant 0 : i32
      %dma_start3A_92 = arith.constant 0 : i32
      %dma_start3A_93 = tpu.memref_slice %arg3[%arg0, %arg1, %run_scoped3A_30, %dma_start3A_91, %dma_start3A_92] : memref<2x16x3x27x128xi32, #tpu.memory_space<hbm>> -> memref<1x1x1x27x128xi32, #tpu.memory_space<hbm>>
      %dma_start3A_94 = tpu.memref_squeeze %dma_start3A_93 : memref<1x1x1x27x128xi32, #tpu.memory_space<hbm>> -> memref<27x128xi32, #tpu.memory_space<hbm>>
      tpu.enqueue_dma source(%dma_start3A_94 : memref<27x128xi32, #tpu.memory_space<hbm>>) target(%arg7 : memref<27x128xi32, #tpu.memory_space<vmem>>) target_semaphore(%run_scoped3A_87 : memref<!tpu.dma_semaphore, #tpu.memory_space<semaphore_mem>>)
      %dma_wait3A = arith.constant 0 : i32
      %dma_wait3A_95 = arith.constant 0 : i32
      %dma_wait3A_96 = tpu.memref_slice %arg3[%arg0, %arg1, %run_scoped3A_30, %dma_wait3A, %dma_wait3A_95] : memref<2x16x3x27x128xi32, #tpu.memory_space<hbm>> -> memref<1x1x1x27x128xi32, #tpu.memory_space<hbm>>
      %dma_wait3A_97 = tpu.memref_squeeze %dma_wait3A_96 : memref<1x1x1x27x128xi32, #tpu.memory_space<hbm>> -> memref<27x128xi32, #tpu.memory_space<hbm>>
      %dma_wait3A_98 = arith.constant 0 : i32
      %dma_wait3A_99 = arith.constant 0 : i32
      %dma_wait3A_100 = tpu.memref_slice %arg3[%arg0, %arg1, %run_scoped3A_30, %dma_wait3A_98, %dma_wait3A_99] : memref<2x16x3x27x128xi32, #tpu.memory_space<hbm>> -> memref<1x1x1x27x128xi32, #tpu.memory_space<hbm>>
      %dma_wait3A_101 = tpu.memref_squeeze %dma_wait3A_100 : memref<1x1x1x27x128xi32, #tpu.memory_space<hbm>> -> memref<27x128xi32, #tpu.memory_space<hbm>>
      tpu.wait_dma2 semaphore(%run_scoped3A_87 : memref<!tpu.dma_semaphore, #tpu.memory_space<semaphore_mem>>) src(%dma_wait3A_101 : memref<27x128xi32, #tpu.memory_space<hbm>>) dst(%arg7 : memref<27x128xi32, #tpu.memory_space<vmem>>)
      tpu.yield
    }) : () -> ()
    %run_scoped3A_31 = arith.constant 1 : i32
    "tpu.region"() ({
      %run_scoped3A_87 = tpu.sem_alloc : memref<!tpu.dma_semaphore, #tpu.memory_space<semaphore_mem>>
      %dma_start3A = arith.constant 0 : i32
      %dma_start3A_88 = arith.constant 0 : i32
      %dma_start3A_89 = tpu.memref_slice %arg4[%arg0, %arg1, %run_scoped3A_31, %dma_start3A, %dma_start3A_88] : memref<2x16x3x27x128xi32, #tpu.memory_space<hbm>> -> memref<1x1x1x27x128xi32, #tpu.memory_space<hbm>>
      %dma_start3A_90 = tpu.memref_squeeze %dma_start3A_89 : memref<1x1x1x27x128xi32, #tpu.memory_space<hbm>> -> memref<27x128xi32, #tpu.memory_space<hbm>>
      %dma_start3A_91 = arith.constant 0 : i32
      %dma_start3A_92 = arith.constant 0 : i32
      %dma_start3A_93 = tpu.memref_slice %arg4[%arg0, %arg1, %run_scoped3A_31, %dma_start3A_91, %dma_start3A_92] : memref<2x16x3x27x128xi32, #tpu.memory_space<hbm>> -> memref<1x1x1x27x128xi32, #tpu.memory_space<hbm>>
      %dma_start3A_94 = tpu.memref_squeeze %dma_start3A_93 : memref<1x1x1x27x128xi32, #tpu.memory_space<hbm>> -> memref<27x128xi32, #tpu.memory_space<hbm>>
      tpu.enqueue_dma source(%dma_start3A_94 : memref<27x128xi32, #tpu.memory_space<hbm>>) target(%arg8 : memref<27x128xi32, #tpu.memory_space<vmem>>) target_semaphore(%run_scoped3A_87 : memref<!tpu.dma_semaphore, #tpu.memory_space<semaphore_mem>>)
      %dma_wait3A = arith.constant 0 : i32
      %dma_wait3A_95 = arith.constant 0 : i32
      %dma_wait3A_96 = tpu.memref_slice %arg4[%arg0, %arg1, %run_scoped3A_31, %dma_wait3A, %dma_wait3A_95] : memref<2x16x3x27x128xi32, #tpu.memory_space<hbm>> -> memref<1x1x1x27x128xi32, #tpu.memory_space<hbm>>
      %dma_wait3A_97 = tpu.memref_squeeze %dma_wait3A_96 : memref<1x1x1x27x128xi32, #tpu.memory_space<hbm>> -> memref<27x128xi32, #tpu.memory_space<hbm>>
      %dma_wait3A_98 = arith.constant 0 : i32
      %dma_wait3A_99 = arith.constant 0 : i32
      %dma_wait3A_100 = tpu.memref_slice %arg4[%arg0, %arg1, %run_scoped3A_31, %dma_wait3A_98, %dma_wait3A_99] : memref<2x16x3x27x128xi32, #tpu.memory_space<hbm>> -> memref<1x1x1x27x128xi32, #tpu.memory_space<hbm>>
      %dma_wait3A_101 = tpu.memref_squeeze %dma_wait3A_100 : memref<1x1x1x27x128xi32, #tpu.memory_space<hbm>> -> memref<27x128xi32, #tpu.memory_space<hbm>>
      tpu.wait_dma2 semaphore(%run_scoped3A_87 : memref<!tpu.dma_semaphore, #tpu.memory_space<semaphore_mem>>) src(%dma_wait3A_101 : memref<27x128xi32, #tpu.memory_space<hbm>>) dst(%arg8 : memref<27x128xi32, #tpu.memory_space<vmem>>)
      tpu.yield
    }) : () -> ()
    %scan3A_32 = arith.constant 0 : i32
    %scan3A_33 = arith.constant 0 : i32
    %scan3A_34 = arith.constant 27 : i32
    %scan3A_35 = arith.addi %scan3A_33, %scan3A_34 : i32
    %scan3A_36 = arith.constant 1 : i32
    scf.for %scan3A_87 = %scan3A_33 to %scan3A_35 step %scan3A_36  : i32 {
      "tpu.region"() ({
        %run_scoped3A_88 = tpu.sem_alloc : memref<!tpu.dma_semaphore, #tpu.memory_space<semaphore_mem>>
        %dma_start3A = arith.constant 0 : i32
        %dma_start3A_89 = tpu.memref_slice %arg7[%scan3A_87, %dma_start3A] : memref<27x128xi32, #tpu.memory_space<vmem>> -> memref<1x128xi32, #tpu.memory_space<vmem>>
        %dma_start3A_90 = tpu.memref_squeeze %dma_start3A_89 : memref<1x128xi32, #tpu.memory_space<vmem>> -> memref<128xi32, #tpu.memory_space<vmem>>
        %dma_start3A_91 = arith.constant 0 : i32
        %dma_start3A_92 = arith.constant 0 : i32
        %dma_start3A_93 = tpu.memref_slice %arg2[%dma_start3A_91, %dma_start3A_92] : memref<10112x128xf32, #tpu.memory_space<hbm>> -> memref<10112x128xf32, #tpu.memory_space<hbm>>
        tpu.enqueue_indirect_dma source(%dma_start3A_93 : memref<10112x128xf32, #tpu.memory_space<hbm>>) target(%arg9 : memref<128x128xf32, #tpu.memory_space<vmem>>) offsets(%dma_start3A_90 : memref<128xi32, #tpu.memory_space<vmem>>) semaphore(%run_scoped3A_88 : memref<!tpu.dma_semaphore, #tpu.memory_space<semaphore_mem>>)
        %dma_wait3A = arith.constant 0 : i32
        %dma_wait3A_94 = tpu.memref_slice %arg7[%scan3A_87, %dma_wait3A] : memref<27x128xi32, #tpu.memory_space<vmem>> -> memref<1x128xi32, #tpu.memory_space<vmem>>
        %dma_wait3A_95 = tpu.memref_squeeze %dma_wait3A_94 : memref<1x128xi32, #tpu.memory_space<vmem>> -> memref<128xi32, #tpu.memory_space<vmem>>
        %dma_wait3A_96 = arith.constant 0 : i32
        %dma_wait3A_97 = arith.constant 0 : i32
        %dma_wait3A_98 = tpu.memref_slice %arg2[%dma_wait3A_96, %dma_wait3A_97] : memref<10112x128xf32, #tpu.memory_space<hbm>> -> memref<10112x128xf32, #tpu.memory_space<hbm>>
        tpu.wait_indirect_dma semaphore(%run_scoped3A_88 : memref<!tpu.dma_semaphore, #tpu.memory_space<semaphore_mem>>) src(%dma_wait3A_98 : memref<10112x128xf32, #tpu.memory_space<hbm>>) dst(%arg9 : memref<128x128xf32, #tpu.memory_space<vmem>>)
        tpu.yield
      }) : () -> ()
      "tpu.region"() ({
        %run_scoped3A_88 = tpu.sem_alloc : memref<!tpu.dma_semaphore, #tpu.memory_space<semaphore_mem>>
        %dma_start3A = arith.constant 0 : i32
        %dma_start3A_89 = tpu.memref_slice %arg8[%scan3A_87, %dma_start3A] : memref<27x128xi32, #tpu.memory_space<vmem>> -> memref<1x128xi32, #tpu.memory_space<vmem>>
        %dma_start3A_90 = tpu.memref_squeeze %dma_start3A_89 : memref<1x128xi32, #tpu.memory_space<vmem>> -> memref<128xi32, #tpu.memory_space<vmem>>
        %dma_start3A_91 = arith.constant 0 : i32
        %dma_start3A_92 = arith.constant 0 : i32
        %dma_start3A_93 = tpu.memref_slice %arg6[%dma_start3A_91, %dma_start3A_92] : memref<10112x128xf32, #tpu.memory_space<vmem_shared>> -> memref<10112x128xf32, #tpu.memory_space<vmem_shared>>
        tpu.enqueue_indirect_dma source(%arg9 : memref<128x128xf32, #tpu.memory_space<vmem>>) target(%dma_start3A_93 : memref<10112x128xf32, #tpu.memory_space<vmem_shared>>) offsets(%dma_start3A_90 : memref<128xi32, #tpu.memory_space<vmem>>) semaphore(%run_scoped3A_88 : memref<!tpu.dma_semaphore, #tpu.memory_space<semaphore_mem>>) {add = true}
        %dma_wait3A = arith.constant 0 : i32
        %dma_wait3A_94 = tpu.memref_slice %arg8[%scan3A_87, %dma_wait3A] : memref<27x128xi32, #tpu.memory_space<vmem>> -> memref<1x128xi32, #tpu.memory_space<vmem>>
        %dma_wait3A_95 = tpu.memref_squeeze %dma_wait3A_94 : memref<1x128xi32, #tpu.memory_space<vmem>> -> memref<128xi32, #tpu.memory_space<vmem>>
        %dma_wait3A_96 = arith.constant 0 : i32
        %dma_wait3A_97 = arith.constant 0 : i32
        %dma_wait3A_98 = tpu.memref_slice %arg6[%dma_wait3A_96, %dma_wait3A_97] : memref<10112x128xf32, #tpu.memory_space<vmem_shared>> -> memref<10112x128xf32, #tpu.memory_space<vmem_shared>>
        tpu.wait_indirect_dma semaphore(%run_scoped3A_88 : memref<!tpu.dma_semaphore, #tpu.memory_space<semaphore_mem>>) src(%arg9 : memref<128x128xf32, #tpu.memory_space<vmem>>) dst(%dma_wait3A_98 : memref<10112x128xf32, #tpu.memory_space<vmem_shared>>)
        tpu.yield
      }) : () -> ()
    }
    %scan3A_37 = arith.constant 27 : i32
    %run_scoped3A_38 = arith.constant 2 : i32
    "tpu.region"() ({
      %run_scoped3A_87 = tpu.sem_alloc : memref<!tpu.dma_semaphore, #tpu.memory_space<semaphore_mem>>
      %dma_start3A = arith.constant 0 : i32
      %dma_start3A_88 = arith.constant 0 : i32
      %dma_start3A_89 = tpu.memref_slice %arg3[%arg0, %arg1, %run_scoped3A_38, %dma_start3A, %dma_start3A_88] : memref<2x16x3x27x128xi32, #tpu.memory_space<hbm>> -> memref<1x1x1x27x128xi32, #tpu.memory_space<hbm>>
      %dma_start3A_90 = tpu.memref_squeeze %dma_start3A_89 : memref<1x1x1x27x128xi32, #tpu.memory_space<hbm>> -> memref<27x128xi32, #tpu.memory_space<hbm>>
      %dma_start3A_91 = arith.constant 0 : i32
      %dma_start3A_92 = arith.constant 0 : i32
      %dma_start3A_93 = tpu.memref_slice %arg3[%arg0, %arg1, %run_scoped3A_38, %dma_start3A_91, %dma_start3A_92] : memref<2x16x3x27x128xi32, #tpu.memory_space<hbm>> -> memref<1x1x1x27x128xi32, #tpu.memory_space<hbm>>
      %dma_start3A_94 = tpu.memref_squeeze %dma_start3A_93 : memref<1x1x1x27x128xi32, #tpu.memory_space<hbm>> -> memref<27x128xi32, #tpu.memory_space<hbm>>
      tpu.enqueue_dma source(%dma_start3A_94 : memref<27x128xi32, #tpu.memory_space<hbm>>) target(%arg7 : memref<27x128xi32, #tpu.memory_space<vmem>>) target_semaphore(%run_scoped3A_87 : memref<!tpu.dma_semaphore, #tpu.memory_space<semaphore_mem>>)
      %dma_wait3A = arith.constant 0 : i32
      %dma_wait3A_95 = arith.constant 0 : i32
      %dma_wait3A_96 = tpu.memref_slice %arg3[%arg0, %arg1, %run_scoped3A_38, %dma_wait3A, %dma_wait3A_95] : memref<2x16x3x27x128xi32, #tpu.memory_space<hbm>> -> memref<1x1x1x27x128xi32, #tpu.memory_space<hbm>>
      %dma_wait3A_97 = tpu.memref_squeeze %dma_wait3A_96 : memref<1x1x1x27x128xi32, #tpu.memory_space<hbm>> -> memref<27x128xi32, #tpu.memory_space<hbm>>
      %dma_wait3A_98 = arith.constant 0 : i32
      %dma_wait3A_99 = arith.constant 0 : i32
      %dma_wait3A_100 = tpu.memref_slice %arg3[%arg0, %arg1, %run_scoped3A_38, %dma_wait3A_98, %dma_wait3A_99] : memref<2x16x3x27x128xi32, #tpu.memory_space<hbm>> -> memref<1x1x1x27x128xi32, #tpu.memory_space<hbm>>
      %dma_wait3A_101 = tpu.memref_squeeze %dma_wait3A_100 : memref<1x1x1x27x128xi32, #tpu.memory_space<hbm>> -> memref<27x128xi32, #tpu.memory_space<hbm>>
      tpu.wait_dma2 semaphore(%run_scoped3A_87 : memref<!tpu.dma_semaphore, #tpu.memory_space<semaphore_mem>>) src(%dma_wait3A_101 : memref<27x128xi32, #tpu.memory_space<hbm>>) dst(%arg7 : memref<27x128xi32, #tpu.memory_space<vmem>>)
      tpu.yield
    }) : () -> ()
    %run_scoped3A_39 = arith.constant 2 : i32
    "tpu.region"() ({
      %run_scoped3A_87 = tpu.sem_alloc : memref<!tpu.dma_semaphore, #tpu.memory_space<semaphore_mem>>
      %dma_start3A = arith.constant 0 : i32
      %dma_start3A_88 = arith.constant 0 : i32
      %dma_start3A_89 = tpu.memref_slice %arg4[%arg0, %arg1, %run_scoped3A_39, %dma_start3A, %dma_start3A_88] : memref<2x16x3x27x128xi32, #tpu.memory_space<hbm>> -> memref<1x1x1x27x128xi32, #tpu.memory_space<hbm>>
      %dma_start3A_90 = tpu.memref_squeeze %dma_start3A_89 : memref<1x1x1x27x128xi32, #tpu.memory_space<hbm>> -> memref<27x128xi32, #tpu.memory_space<hbm>>
      %dma_start3A_91 = arith.constant 0 : i32
      %dma_start3A_92 = arith.constant 0 : i32
      %dma_start3A_93 = tpu.memref_slice %arg4[%arg0, %arg1, %run_scoped3A_39, %dma_start3A_91, %dma_start3A_92] : memref<2x16x3x27x128xi32, #tpu.memory_space<hbm>> -> memref<1x1x1x27x128xi32, #tpu.memory_space<hbm>>
      %dma_start3A_94 = tpu.memref_squeeze %dma_start3A_93 : memref<1x1x1x27x128xi32, #tpu.memory_space<hbm>> -> memref<27x128xi32, #tpu.memory_space<hbm>>
      tpu.enqueue_dma source(%dma_start3A_94 : memref<27x128xi32, #tpu.memory_space<hbm>>) target(%arg8 : memref<27x128xi32, #tpu.memory_space<vmem>>) target_semaphore(%run_scoped3A_87 : memref<!tpu.dma_semaphore, #tpu.memory_space<semaphore_mem>>)
      %dma_wait3A = arith.constant 0 : i32
      %dma_wait3A_95 = arith.constant 0 : i32
      %dma_wait3A_96 = tpu.memref_slice %arg4[%arg0, %arg1, %run_scoped3A_39, %dma_wait3A, %dma_wait3A_95] : memref<2x16x3x27x128xi32, #tpu.memory_space<hbm>> -> memref<1x1x1x27x128xi32, #tpu.memory_space<hbm>>
      %dma_wait3A_97 = tpu.memref_squeeze %dma_wait3A_96 : memref<1x1x1x27x128xi32, #tpu.memory_space<hbm>> -> memref<27x128xi32, #tpu.memory_space<hbm>>
      %dma_wait3A_98 = arith.constant 0 : i32
      %dma_wait3A_99 = arith.constant 0 : i32
      %dma_wait3A_100 = tpu.memref_slice %arg4[%arg0, %arg1, %run_scoped3A_39, %dma_wait3A_98, %dma_wait3A_99] : memref<2x16x3x27x128xi32, #tpu.memory_space<hbm>> -> memref<1x1x1x27x128xi32, #tpu.memory_space<hbm>>
      %dma_wait3A_101 = tpu.memref_squeeze %dma_wait3A_100 : memref<1x1x1x27x128xi32, #tpu.memory_space<hbm>> -> memref<27x128xi32, #tpu.memory_space<hbm>>
      tpu.wait_dma2 semaphore(%run_scoped3A_87 : memref<!tpu.dma_semaphore, #tpu.memory_space<semaphore_mem>>) src(%dma_wait3A_101 : memref<27x128xi32, #tpu.memory_space<hbm>>) dst(%arg8 : memref<27x128xi32, #tpu.memory_space<vmem>>)
      tpu.yield
    }) : () -> ()
    %scan3A_40 = arith.constant 0 : i32
    %scan3A_41 = arith.constant 0 : i32
    %scan3A_42 = arith.constant 27 : i32
    %scan3A_43 = arith.addi %scan3A_41, %scan3A_42 : i32
    %scan3A_44 = arith.constant 1 : i32
    scf.for %scan3A_87 = %scan3A_41 to %scan3A_43 step %scan3A_44  : i32 {
      "tpu.region"() ({
        %run_scoped3A_88 = tpu.sem_alloc : memref<!tpu.dma_semaphore, #tpu.memory_space<semaphore_mem>>
        %dma_start3A = arith.constant 0 : i32
        %dma_start3A_89 = tpu.memref_slice %arg7[%scan3A_87, %dma_start3A] : memref<27x128xi32, #tpu.memory_space<vmem>> -> memref<1x128xi32, #tpu.memory_space<vmem>>
        %dma_start3A_90 = tpu.memref_squeeze %dma_start3A_89 : memref<1x128xi32, #tpu.memory_space<vmem>> -> memref<128xi32, #tpu.memory_space<vmem>>
        %dma_start3A_91 = arith.constant 0 : i32
        %dma_start3A_92 = arith.constant 0 : i32
        %dma_start3A_93 = tpu.memref_slice %arg2[%dma_start3A_91, %dma_start3A_92] : memref<10112x128xf32, #tpu.memory_space<hbm>> -> memref<10112x128xf32, #tpu.memory_space<hbm>>
        tpu.enqueue_indirect_dma source(%dma_start3A_93 : memref<10112x128xf32, #tpu.memory_space<hbm>>) target(%arg9 : memref<128x128xf32, #tpu.memory_space<vmem>>) offsets(%dma_start3A_90 : memref<128xi32, #tpu.memory_space<vmem>>) semaphore(%run_scoped3A_88 : memref<!tpu.dma_semaphore, #tpu.memory_space<semaphore_mem>>)
        %dma_wait3A = arith.constant 0 : i32
        %dma_wait3A_94 = tpu.memref_slice %arg7[%scan3A_87, %dma_wait3A] : memref<27x128xi32, #tpu.memory_space<vmem>> -> memref<1x128xi32, #tpu.memory_space<vmem>>
        %dma_wait3A_95 = tpu.memref_squeeze %dma_wait3A_94 : memref<1x128xi32, #tpu.memory_space<vmem>> -> memref<128xi32, #tpu.memory_space<vmem>>
        %dma_wait3A_96 = arith.constant 0 : i32
        %dma_wait3A_97 = arith.constant 0 : i32
        %dma_wait3A_98 = tpu.memref_slice %arg2[%dma_wait3A_96, %dma_wait3A_97] : memref<10112x128xf32, #tpu.memory_space<hbm>> -> memref<10112x128xf32, #tpu.memory_space<hbm>>
        tpu.wait_indirect_dma semaphore(%run_scoped3A_88 : memref<!tpu.dma_semaphore, #tpu.memory_space<semaphore_mem>>) src(%dma_wait3A_98 : memref<10112x128xf32, #tpu.memory_space<hbm>>) dst(%arg9 : memref<128x128xf32, #tpu.memory_space<vmem>>)
        tpu.yield
      }) : () -> ()
      "tpu.region"() ({
        %run_scoped3A_88 = tpu.sem_alloc : memref<!tpu.dma_semaphore, #tpu.memory_space<semaphore_mem>>
        %dma_start3A = arith.constant 0 : i32
        %dma_start3A_89 = tpu.memref_slice %arg8[%scan3A_87, %dma_start3A] : memref<27x128xi32, #tpu.memory_space<vmem>> -> memref<1x128xi32, #tpu.memory_space<vmem>>
        %dma_start3A_90 = tpu.memref_squeeze %dma_start3A_89 : memref<1x128xi32, #tpu.memory_space<vmem>> -> memref<128xi32, #tpu.memory_space<vmem>>
        %dma_start3A_91 = arith.constant 0 : i32
        %dma_start3A_92 = arith.constant 0 : i32
        %dma_start3A_93 = tpu.memref_slice %arg6[%dma_start3A_91, %dma_start3A_92] : memref<10112x128xf32, #tpu.memory_space<vmem_shared>> -> memref<10112x128xf32, #tpu.memory_space<vmem_shared>>
        tpu.enqueue_indirect_dma source(%arg9 : memref<128x128xf32, #tpu.memory_space<vmem>>) target(%dma_start3A_93 : memref<10112x128xf32, #tpu.memory_space<vmem_shared>>) offsets(%dma_start3A_90 : memref<128xi32, #tpu.memory_space<vmem>>) semaphore(%run_scoped3A_88 : memref<!tpu.dma_semaphore, #tpu.memory_space<semaphore_mem>>) {add = true}
        %dma_wait3A = arith.constant 0 : i32
        %dma_wait3A_94 = tpu.memref_slice %arg8[%scan3A_87, %dma_wait3A] : memref<27x128xi32, #tpu.memory_space<vmem>> -> memref<1x128xi32, #tpu.memory_space<vmem>>
        %dma_wait3A_95 = tpu.memref_squeeze %dma_wait3A_94 : memref<1x128xi32, #tpu.memory_space<vmem>> -> memref<128xi32, #tpu.memory_space<vmem>>
        %dma_wait3A_96 = arith.constant 0 : i32
        %dma_wait3A_97 = arith.constant 0 : i32
        %dma_wait3A_98 = tpu.memref_slice %arg6[%dma_wait3A_96, %dma_wait3A_97] : memref<10112x128xf32, #tpu.memory_space<vmem_shared>> -> memref<10112x128xf32, #tpu.memory_space<vmem_shared>>
        tpu.wait_indirect_dma semaphore(%run_scoped3A_88 : memref<!tpu.dma_semaphore, #tpu.memory_space<semaphore_mem>>) src(%arg9 : memref<128x128xf32, #tpu.memory_space<vmem>>) dst(%dma_wait3A_98 : memref<10112x128xf32, #tpu.memory_space<vmem_shared>>)
        tpu.yield
      }) : () -> ()
    }
    %scan3A_45 = arith.constant 27 : i32
    %barrier3A_46 = arith.constant 0 : index
    tpu.barrier barrier_id(%barrier3A_46)
    %mul3A_47 = arith.constant 632 : i32
    %mul3A_48 = arith.muli %arg1, %mul3A_47 : i32
    %add3A_49 = arith.constant 0 : i32
    %add3A_50 = arith.addi %mul3A_48, %add3A_49 : i32
    "tpu.region"() ({
      %run_scoped3A_87 = tpu.sem_alloc : memref<!tpu.dma_semaphore, #tpu.memory_space<semaphore_mem>>
      %dma_start3A = arith.constant 0 : i32
      %dma_start3A_88 = arith.constant 0 : i32
      %dma_start3A_89 = tpu.memref_slice %arg9[%dma_start3A, %dma_start3A_88] : memref<128x128xf32, #tpu.memory_space<vmem>> -> memref<128x128xf32, #tpu.memory_space<vmem>>
      %dma_start3A_90 = arith.constant 0 : i32
      %dma_start3A_91 = tpu.memref_slice %arg6[%add3A_50, %dma_start3A_90] : memref<10112x128xf32, #tpu.memory_space<vmem_shared>> -> memref<128x128xf32, #tpu.memory_space<vmem_shared>>
      %dma_start3A_92 = arith.constant 0 : i32
      %dma_start3A_93 = arith.constant 0 : i32
      %dma_start3A_94 = tpu.memref_slice %arg9[%dma_start3A_92, %dma_start3A_93] : memref<128x128xf32, #tpu.memory_space<vmem>> -> memref<128x128xf32, #tpu.memory_space<vmem>>
      %dma_start3A_95 = arith.constant 0 : i32
      %dma_start3A_96 = tpu.memref_slice %arg6[%add3A_50, %dma_start3A_95] : memref<10112x128xf32, #tpu.memory_space<vmem_shared>> -> memref<128x128xf32, #tpu.memory_space<vmem_shared>>
      tpu.enqueue_dma source(%dma_start3A_96 : memref<128x128xf32, #tpu.memory_space<vmem_shared>>) target(%dma_start3A_94 : memref<128x128xf32, #tpu.memory_space<vmem>>) target_semaphore(%run_scoped3A_87 : memref<!tpu.dma_semaphore, #tpu.memory_space<semaphore_mem>>)
      %dma_wait3A = arith.constant 0 : i32
      %dma_wait3A_97 = arith.constant 0 : i32
      %dma_wait3A_98 = tpu.memref_slice %arg9[%dma_wait3A, %dma_wait3A_97] : memref<128x128xf32, #tpu.memory_space<vmem>> -> memref<128x128xf32, #tpu.memory_space<vmem>>
      %dma_wait3A_99 = arith.constant 0 : i32
      %dma_wait3A_100 = tpu.memref_slice %arg6[%add3A_50, %dma_wait3A_99] : memref<10112x128xf32, #tpu.memory_space<vmem_shared>> -> memref<128x128xf32, #tpu.memory_space<vmem_shared>>
      %dma_wait3A_101 = arith.constant 0 : i32
      %dma_wait3A_102 = arith.constant 0 : i32
      %dma_wait3A_103 = tpu.memref_slice %arg9[%dma_wait3A_101, %dma_wait3A_102] : memref<128x128xf32, #tpu.memory_space<vmem>> -> memref<128x128xf32, #tpu.memory_space<vmem>>
      %dma_wait3A_104 = arith.constant 0 : i32
      %dma_wait3A_105 = tpu.memref_slice %arg6[%add3A_50, %dma_wait3A_104] : memref<10112x128xf32, #tpu.memory_space<vmem_shared>> -> memref<128x128xf32, #tpu.memory_space<vmem_shared>>
      tpu.wait_dma2 semaphore(%run_scoped3A_87 : memref<!tpu.dma_semaphore, #tpu.memory_space<semaphore_mem>>) src(%dma_wait3A_105 : memref<128x128xf32, #tpu.memory_space<vmem_shared>>) dst(%dma_wait3A_103 : memref<128x128xf32, #tpu.memory_space<vmem>>)
      tpu.yield
    }) : () -> ()
    %mul3A_51 = arith.constant 632 : i32
    %mul3A_52 = arith.muli %arg1, %mul3A_51 : i32
    %add3A_53 = arith.constant 0 : i32
    %add3A_54 = arith.addi %mul3A_52, %add3A_53 : i32
    "tpu.region"() ({
      %run_scoped3A_87 = tpu.sem_alloc : memref<!tpu.dma_semaphore, #tpu.memory_space<semaphore_mem>>
      %dma_start3A = arith.constant 0 : i32
      %dma_start3A_88 = arith.constant 0 : i32
      %dma_start3A_89 = tpu.memref_slice %arg9[%dma_start3A, %dma_start3A_88] : memref<128x128xf32, #tpu.memory_space<vmem>> -> memref<128x128xf32, #tpu.memory_space<vmem>>
      %dma_start3A_90 = arith.constant 0 : i32
      %dma_start3A_91 = tpu.memref_slice %arg5[%arg0, %add3A_54, %dma_start3A_90] : memref<2x10112x128xf32, #tpu.memory_space<hbm>> -> memref<1x128x128xf32, #tpu.memory_space<hbm>>
      %dma_start3A_92 = tpu.memref_squeeze %dma_start3A_91 : memref<1x128x128xf32, #tpu.memory_space<hbm>> -> memref<128x128xf32, #tpu.memory_space<hbm>>
      %dma_start3A_93 = arith.constant 0 : i32
      %dma_start3A_94 = tpu.memref_slice %arg5[%arg0, %add3A_54, %dma_start3A_93] : memref<2x10112x128xf32, #tpu.memory_space<hbm>> -> memref<1x128x128xf32, #tpu.memory_space<hbm>>
      %dma_start3A_95 = tpu.memref_squeeze %dma_start3A_94 : memref<1x128x128xf32, #tpu.memory_space<hbm>> -> memref<128x128xf32, #tpu.memory_space<hbm>>
      %dma_start3A_96 = arith.constant 0 : i32
      %dma_start3A_97 = arith.constant 0 : i32
      %dma_start3A_98 = tpu.memref_slice %arg9[%dma_start3A_96, %dma_start3A_97] : memref<128x128xf32, #tpu.memory_space<vmem>> -> memref<128x128xf32, #tpu.memory_space<vmem>>
      tpu.enqueue_dma source(%dma_start3A_98 : memref<128x128xf32, #tpu.memory_space<vmem>>) target(%dma_start3A_95 : memref<128x128xf32, #tpu.memory_space<hbm>>) target_semaphore(%run_scoped3A_87 : memref<!tpu.dma_semaphore, #tpu.memory_space<semaphore_mem>>)
      %dma_wait3A = arith.constant 0 : i32
      %dma_wait3A_99 = arith.constant 0 : i32
      %dma_wait3A_100 = tpu.memref_slice %arg9[%dma_wait3A, %dma_wait3A_99] : memref<128x128xf32, #tpu.memory_space<vmem>> -> memref<128x128xf32, #tpu.memory_space<vmem>>
      %dma_wait3A_101 = arith.constant 0 : i32
      %dma_wait3A_102 = tpu.memref_slice %arg5[%arg0, %add3A_54, %dma_wait3A_101] : memref<2x10112x128xf32, #tpu.memory_space<hbm>> -> memref<1x128x128xf32, #tpu.memory_space<hbm>>
      %dma_wait3A_103 = tpu.memref_squeeze %dma_wait3A_102 : memref<1x128x128xf32, #tpu.memory_space<hbm>> -> memref<128x128xf32, #tpu.memory_space<hbm>>
      %dma_wait3A_104 = arith.constant 0 : i32
      %dma_wait3A_105 = tpu.memref_slice %arg5[%arg0, %add3A_54, %dma_wait3A_104] : memref<2x10112x128xf32, #tpu.memory_space<hbm>> -> memref<1x128x128xf32, #tpu.memory_space<hbm>>
      %dma_wait3A_106 = tpu.memref_squeeze %dma_wait3A_105 : memref<1x128x128xf32, #tpu.memory_space<hbm>> -> memref<128x128xf32, #tpu.memory_space<hbm>>
      %dma_wait3A_107 = arith.constant 0 : i32
      %dma_wait3A_108 = arith.constant 0 : i32
      %dma_wait3A_109 = tpu.memref_slice %arg9[%dma_wait3A_107, %dma_wait3A_108] : memref<128x128xf32, #tpu.memory_space<vmem>> -> memref<128x128xf32, #tpu.memory_space<vmem>>
      tpu.wait_dma2 semaphore(%run_scoped3A_87 : memref<!tpu.dma_semaphore, #tpu.memory_space<semaphore_mem>>) src(%dma_wait3A_109 : memref<128x128xf32, #tpu.memory_space<vmem>>) dst(%dma_wait3A_106 : memref<128x128xf32, #tpu.memory_space<hbm>>)
      tpu.yield
    }) : () -> ()
    %mul3A_55 = arith.constant 632 : i32
    %mul3A_56 = arith.muli %arg1, %mul3A_55 : i32
    %add3A_57 = arith.constant 128 : i32
    %add3A_58 = arith.addi %mul3A_56, %add3A_57 : i32
    "tpu.region"() ({
      %run_scoped3A_87 = tpu.sem_alloc : memref<!tpu.dma_semaphore, #tpu.memory_space<semaphore_mem>>
      %dma_start3A = arith.constant 0 : i32
      %dma_start3A_88 = arith.constant 0 : i32
      %dma_start3A_89 = tpu.memref_slice %arg9[%dma_start3A, %dma_start3A_88] : memref<128x128xf32, #tpu.memory_space<vmem>> -> memref<128x128xf32, #tpu.memory_space<vmem>>
      %dma_start3A_90 = arith.constant 0 : i32
      %dma_start3A_91 = tpu.memref_slice %arg6[%add3A_58, %dma_start3A_90] : memref<10112x128xf32, #tpu.memory_space<vmem_shared>> -> memref<128x128xf32, #tpu.memory_space<vmem_shared>>
      %dma_start3A_92 = arith.constant 0 : i32
      %dma_start3A_93 = arith.constant 0 : i32
      %dma_start3A_94 = tpu.memref_slice %arg9[%dma_start3A_92, %dma_start3A_93] : memref<128x128xf32, #tpu.memory_space<vmem>> -> memref<128x128xf32, #tpu.memory_space<vmem>>
      %dma_start3A_95 = arith.constant 0 : i32
      %dma_start3A_96 = tpu.memref_slice %arg6[%add3A_58, %dma_start3A_95] : memref<10112x128xf32, #tpu.memory_space<vmem_shared>> -> memref<128x128xf32, #tpu.memory_space<vmem_shared>>
      tpu.enqueue_dma source(%dma_start3A_96 : memref<128x128xf32, #tpu.memory_space<vmem_shared>>) target(%dma_start3A_94 : memref<128x128xf32, #tpu.memory_space<vmem>>) target_semaphore(%run_scoped3A_87 : memref<!tpu.dma_semaphore, #tpu.memory_space<semaphore_mem>>)
      %dma_wait3A = arith.constant 0 : i32
      %dma_wait3A_97 = arith.constant 0 : i32
      %dma_wait3A_98 = tpu.memref_slice %arg9[%dma_wait3A, %dma_wait3A_97] : memref<128x128xf32, #tpu.memory_space<vmem>> -> memref<128x128xf32, #tpu.memory_space<vmem>>
      %dma_wait3A_99 = arith.constant 0 : i32
      %dma_wait3A_100 = tpu.memref_slice %arg6[%add3A_58, %dma_wait3A_99] : memref<10112x128xf32, #tpu.memory_space<vmem_shared>> -> memref<128x128xf32, #tpu.memory_space<vmem_shared>>
      %dma_wait3A_101 = arith.constant 0 : i32
      %dma_wait3A_102 = arith.constant 0 : i32
      %dma_wait3A_103 = tpu.memref_slice %arg9[%dma_wait3A_101, %dma_wait3A_102] : memref<128x128xf32, #tpu.memory_space<vmem>> -> memref<128x128xf32, #tpu.memory_space<vmem>>
      %dma_wait3A_104 = arith.constant 0 : i32
      %dma_wait3A_105 = tpu.memref_slice %arg6[%add3A_58, %dma_wait3A_104] : memref<10112x128xf32, #tpu.memory_space<vmem_shared>> -> memref<128x128xf32, #tpu.memory_space<vmem_shared>>
      tpu.wait_dma2 semaphore(%run_scoped3A_87 : memref<!tpu.dma_semaphore, #tpu.memory_space<semaphore_mem>>) src(%dma_wait3A_105 : memref<128x128xf32, #tpu.memory_space<vmem_shared>>) dst(%dma_wait3A_103 : memref<128x128xf32, #tpu.memory_space<vmem>>)
      tpu.yield
    }) : () -> ()
    %mul3A_59 = arith.constant 632 : i32
    %mul3A_60 = arith.muli %arg1, %mul3A_59 : i32
    %add3A_61 = arith.constant 128 : i32
    %add3A_62 = arith.addi %mul3A_60, %add3A_61 : i32
    "tpu.region"() ({
      %run_scoped3A_87 = tpu.sem_alloc : memref<!tpu.dma_semaphore, #tpu.memory_space<semaphore_mem>>
      %dma_start3A = arith.constant 0 : i32
      %dma_start3A_88 = arith.constant 0 : i32
      %dma_start3A_89 = tpu.memref_slice %arg9[%dma_start3A, %dma_start3A_88] : memref<128x128xf32, #tpu.memory_space<vmem>> -> memref<128x128xf32, #tpu.memory_space<vmem>>
      %dma_start3A_90 = arith.constant 0 : i32
      %dma_start3A_91 = tpu.memref_slice %arg5[%arg0, %add3A_62, %dma_start3A_90] : memref<2x10112x128xf32, #tpu.memory_space<hbm>> -> memref<1x128x128xf32, #tpu.memory_space<hbm>>
      %dma_start3A_92 = tpu.memref_squeeze %dma_start3A_91 : memref<1x128x128xf32, #tpu.memory_space<hbm>> -> memref<128x128xf32, #tpu.memory_space<hbm>>
      %dma_start3A_93 = arith.constant 0 : i32
      %dma_start3A_94 = tpu.memref_slice %arg5[%arg0, %add3A_62, %dma_start3A_93] : memref<2x10112x128xf32, #tpu.memory_space<hbm>> -> memref<1x128x128xf32, #tpu.memory_space<hbm>>
      %dma_start3A_95 = tpu.memref_squeeze %dma_start3A_94 : memref<1x128x128xf32, #tpu.memory_space<hbm>> -> memref<128x128xf32, #tpu.memory_space<hbm>>
      %dma_start3A_96 = arith.constant 0 : i32
      %dma_start3A_97 = arith.constant 0 : i32
      %dma_start3A_98 = tpu.memref_slice %arg9[%dma_start3A_96, %dma_start3A_97] : memref<128x128xf32, #tpu.memory_space<vmem>> -> memref<128x128xf32, #tpu.memory_space<vmem>>
      tpu.enqueue_dma source(%dma_start3A_98 : memref<128x128xf32, #tpu.memory_space<vmem>>) target(%dma_start3A_95 : memref<128x128xf32, #tpu.memory_space<hbm>>) target_semaphore(%run_scoped3A_87 : memref<!tpu.dma_semaphore, #tpu.memory_space<semaphore_mem>>)
      %dma_wait3A = arith.constant 0 : i32
      %dma_wait3A_99 = arith.constant 0 : i32
      %dma_wait3A_100 = tpu.memref_slice %arg9[%dma_wait3A, %dma_wait3A_99] : memref<128x128xf32, #tpu.memory_space<vmem>> -> memref<128x128xf32, #tpu.memory_space<vmem>>
      %dma_wait3A_101 = arith.constant 0 : i32
      %dma_wait3A_102 = tpu.memref_slice %arg5[%arg0, %add3A_62, %dma_wait3A_101] : memref<2x10112x128xf32, #tpu.memory_space<hbm>> -> memref<1x128x128xf32, #tpu.memory_space<hbm>>
      %dma_wait3A_103 = tpu.memref_squeeze %dma_wait3A_102 : memref<1x128x128xf32, #tpu.memory_space<hbm>> -> memref<128x128xf32, #tpu.memory_space<hbm>>
      %dma_wait3A_104 = arith.constant 0 : i32
      %dma_wait3A_105 = tpu.memref_slice %arg5[%arg0, %add3A_62, %dma_wait3A_104] : memref<2x10112x128xf32, #tpu.memory_space<hbm>> -> memref<1x128x128xf32, #tpu.memory_space<hbm>>
      %dma_wait3A_106 = tpu.memref_squeeze %dma_wait3A_105 : memref<1x128x128xf32, #tpu.memory_space<hbm>> -> memref<128x128xf32, #tpu.memory_space<hbm>>
      %dma_wait3A_107 = arith.constant 0 : i32
      %dma_wait3A_108 = arith.constant 0 : i32
      %dma_wait3A_109 = tpu.memref_slice %arg9[%dma_wait3A_107, %dma_wait3A_108] : memref<128x128xf32, #tpu.memory_space<vmem>> -> memref<128x128xf32, #tpu.memory_space<vmem>>
      tpu.wait_dma2 semaphore(%run_scoped3A_87 : memref<!tpu.dma_semaphore, #tpu.memory_space<semaphore_mem>>) src(%dma_wait3A_109 : memref<128x128xf32, #tpu.memory_space<vmem>>) dst(%dma_wait3A_106 : memref<128x128xf32, #tpu.memory_space<hbm>>)
      tpu.yield
    }) : () -> ()
    %mul3A_63 = arith.constant 632 : i32
    %mul3A_64 = arith.muli %arg1, %mul3A_63 : i32
    %add3A_65 = arith.constant 256 : i32
    %add3A_66 = arith.addi %mul3A_64, %add3A_65 : i32
    "tpu.region"() ({
      %run_scoped3A_87 = tpu.sem_alloc : memref<!tpu.dma_semaphore, #tpu.memory_space<semaphore_mem>>
      %dma_start3A = arith.constant 0 : i32
      %dma_start3A_88 = arith.constant 0 : i32
      %dma_start3A_89 = tpu.memref_slice %arg9[%dma_start3A, %dma_start3A_88] : memref<128x128xf32, #tpu.memory_space<vmem>> -> memref<128x128xf32, #tpu.memory_space<vmem>>
      %dma_start3A_90 = arith.constant 0 : i32
      %dma_start3A_91 = tpu.memref_slice %arg6[%add3A_66, %dma_start3A_90] : memref<10112x128xf32, #tpu.memory_space<vmem_shared>> -> memref<128x128xf32, #tpu.memory_space<vmem_shared>>
      %dma_start3A_92 = arith.constant 0 : i32
      %dma_start3A_93 = arith.constant 0 : i32
      %dma_start3A_94 = tpu.memref_slice %arg9[%dma_start3A_92, %dma_start3A_93] : memref<128x128xf32, #tpu.memory_space<vmem>> -> memref<128x128xf32, #tpu.memory_space<vmem>>
      %dma_start3A_95 = arith.constant 0 : i32
      %dma_start3A_96 = tpu.memref_slice %arg6[%add3A_66, %dma_start3A_95] : memref<10112x128xf32, #tpu.memory_space<vmem_shared>> -> memref<128x128xf32, #tpu.memory_space<vmem_shared>>
      tpu.enqueue_dma source(%dma_start3A_96 : memref<128x128xf32, #tpu.memory_space<vmem_shared>>) target(%dma_start3A_94 : memref<128x128xf32, #tpu.memory_space<vmem>>) target_semaphore(%run_scoped3A_87 : memref<!tpu.dma_semaphore, #tpu.memory_space<semaphore_mem>>)
      %dma_wait3A = arith.constant 0 : i32
      %dma_wait3A_97 = arith.constant 0 : i32
      %dma_wait3A_98 = tpu.memref_slice %arg9[%dma_wait3A, %dma_wait3A_97] : memref<128x128xf32, #tpu.memory_space<vmem>> -> memref<128x128xf32, #tpu.memory_space<vmem>>
      %dma_wait3A_99 = arith.constant 0 : i32
      %dma_wait3A_100 = tpu.memref_slice %arg6[%add3A_66, %dma_wait3A_99] : memref<10112x128xf32, #tpu.memory_space<vmem_shared>> -> memref<128x128xf32, #tpu.memory_space<vmem_shared>>
      %dma_wait3A_101 = arith.constant 0 : i32
      %dma_wait3A_102 = arith.constant 0 : i32
      %dma_wait3A_103 = tpu.memref_slice %arg9[%dma_wait3A_101, %dma_wait3A_102] : memref<128x128xf32, #tpu.memory_space<vmem>> -> memref<128x128xf32, #tpu.memory_space<vmem>>
      %dma_wait3A_104 = arith.constant 0 : i32
      %dma_wait3A_105 = tpu.memref_slice %arg6[%add3A_66, %dma_wait3A_104] : memref<10112x128xf32, #tpu.memory_space<vmem_shared>> -> memref<128x128xf32, #tpu.memory_space<vmem_shared>>
      tpu.wait_dma2 semaphore(%run_scoped3A_87 : memref<!tpu.dma_semaphore, #tpu.memory_space<semaphore_mem>>) src(%dma_wait3A_105 : memref<128x128xf32, #tpu.memory_space<vmem_shared>>) dst(%dma_wait3A_103 : memref<128x128xf32, #tpu.memory_space<vmem>>)
      tpu.yield
    }) : () -> ()
    %mul3A_67 = arith.constant 632 : i32
    %mul3A_68 = arith.muli %arg1, %mul3A_67 : i32
    %add3A_69 = arith.constant 256 : i32
    %add3A_70 = arith.addi %mul3A_68, %add3A_69 : i32
    "tpu.region"() ({
      %run_scoped3A_87 = tpu.sem_alloc : memref<!tpu.dma_semaphore, #tpu.memory_space<semaphore_mem>>
      %dma_start3A = arith.constant 0 : i32
      %dma_start3A_88 = arith.constant 0 : i32
      %dma_start3A_89 = tpu.memref_slice %arg9[%dma_start3A, %dma_start3A_88] : memref<128x128xf32, #tpu.memory_space<vmem>> -> memref<128x128xf32, #tpu.memory_space<vmem>>
      %dma_start3A_90 = arith.constant 0 : i32
      %dma_start3A_91 = tpu.memref_slice %arg5[%arg0, %add3A_70, %dma_start3A_90] : memref<2x10112x128xf32, #tpu.memory_space<hbm>> -> memref<1x128x128xf32, #tpu.memory_space<hbm>>
      %dma_start3A_92 = tpu.memref_squeeze %dma_start3A_91 : memref<1x128x128xf32, #tpu.memory_space<hbm>> -> memref<128x128xf32, #tpu.memory_space<hbm>>
      %dma_start3A_93 = arith.constant 0 : i32
      %dma_start3A_94 = tpu.memref_slice %arg5[%arg0, %add3A_70, %dma_start3A_93] : memref<2x10112x128xf32, #tpu.memory_space<hbm>> -> memref<1x128x128xf32, #tpu.memory_space<hbm>>
      %dma_start3A_95 = tpu.memref_squeeze %dma_start3A_94 : memref<1x128x128xf32, #tpu.memory_space<hbm>> -> memref<128x128xf32, #tpu.memory_space<hbm>>
      %dma_start3A_96 = arith.constant 0 : i32
      %dma_start3A_97 = arith.constant 0 : i32
      %dma_start3A_98 = tpu.memref_slice %arg9[%dma_start3A_96, %dma_start3A_97] : memref<128x128xf32, #tpu.memory_space<vmem>> -> memref<128x128xf32, #tpu.memory_space<vmem>>
      tpu.enqueue_dma source(%dma_start3A_98 : memref<128x128xf32, #tpu.memory_space<vmem>>) target(%dma_start3A_95 : memref<128x128xf32, #tpu.memory_space<hbm>>) target_semaphore(%run_scoped3A_87 : memref<!tpu.dma_semaphore, #tpu.memory_space<semaphore_mem>>)
      %dma_wait3A = arith.constant 0 : i32
      %dma_wait3A_99 = arith.constant 0 : i32
      %dma_wait3A_100 = tpu.memref_slice %arg9[%dma_wait3A, %dma_wait3A_99] : memref<128x128xf32, #tpu.memory_space<vmem>> -> memref<128x128xf32, #tpu.memory_space<vmem>>
      %dma_wait3A_101 = arith.constant 0 : i32
      %dma_wait3A_102 = tpu.memref_slice %arg5[%arg0, %add3A_70, %dma_wait3A_101] : memref<2x10112x128xf32, #tpu.memory_space<hbm>> -> memref<1x128x128xf32, #tpu.memory_space<hbm>>
      %dma_wait3A_103 = tpu.memref_squeeze %dma_wait3A_102 : memref<1x128x128xf32, #tpu.memory_space<hbm>> -> memref<128x128xf32, #tpu.memory_space<hbm>>
      %dma_wait3A_104 = arith.constant 0 : i32
      %dma_wait3A_105 = tpu.memref_slice %arg5[%arg0, %add3A_70, %dma_wait3A_104] : memref<2x10112x128xf32, #tpu.memory_space<hbm>> -> memref<1x128x128xf32, #tpu.memory_space<hbm>>
      %dma_wait3A_106 = tpu.memref_squeeze %dma_wait3A_105 : memref<1x128x128xf32, #tpu.memory_space<hbm>> -> memref<128x128xf32, #tpu.memory_space<hbm>>
      %dma_wait3A_107 = arith.constant 0 : i32
      %dma_wait3A_108 = arith.constant 0 : i32
      %dma_wait3A_109 = tpu.memref_slice %arg9[%dma_wait3A_107, %dma_wait3A_108] : memref<128x128xf32, #tpu.memory_space<vmem>> -> memref<128x128xf32, #tpu.memory_space<vmem>>
      tpu.wait_dma2 semaphore(%run_scoped3A_87 : memref<!tpu.dma_semaphore, #tpu.memory_space<semaphore_mem>>) src(%dma_wait3A_109 : memref<128x128xf32, #tpu.memory_space<vmem>>) dst(%dma_wait3A_106 : memref<128x128xf32, #tpu.memory_space<hbm>>)
      tpu.yield
    }) : () -> ()
    %mul3A_71 = arith.constant 632 : i32
    %mul3A_72 = arith.muli %arg1, %mul3A_71 : i32
    %add3A_73 = arith.constant 384 : i32
    %add3A_74 = arith.addi %mul3A_72, %add3A_73 : i32
    "tpu.region"() ({
      %run_scoped3A_87 = tpu.sem_alloc : memref<!tpu.dma_semaphore, #tpu.memory_space<semaphore_mem>>
      %dma_start3A = arith.constant 0 : i32
      %dma_start3A_88 = arith.constant 0 : i32
      %dma_start3A_89 = tpu.memref_slice %arg9[%dma_start3A, %dma_start3A_88] : memref<128x128xf32, #tpu.memory_space<vmem>> -> memref<128x128xf32, #tpu.memory_space<vmem>>
      %dma_start3A_90 = arith.constant 0 : i32
      %dma_start3A_91 = tpu.memref_slice %arg6[%add3A_74, %dma_start3A_90] : memref<10112x128xf32, #tpu.memory_space<vmem_shared>> -> memref<128x128xf32, #tpu.memory_space<vmem_shared>>
      %dma_start3A_92 = arith.constant 0 : i32
      %dma_start3A_93 = arith.constant 0 : i32
      %dma_start3A_94 = tpu.memref_slice %arg9[%dma_start3A_92, %dma_start3A_93] : memref<128x128xf32, #tpu.memory_space<vmem>> -> memref<128x128xf32, #tpu.memory_space<vmem>>
      %dma_start3A_95 = arith.constant 0 : i32
      %dma_start3A_96 = tpu.memref_slice %arg6[%add3A_74, %dma_start3A_95] : memref<10112x128xf32, #tpu.memory_space<vmem_shared>> -> memref<128x128xf32, #tpu.memory_space<vmem_shared>>
      tpu.enqueue_dma source(%dma_start3A_96 : memref<128x128xf32, #tpu.memory_space<vmem_shared>>) target(%dma_start3A_94 : memref<128x128xf32, #tpu.memory_space<vmem>>) target_semaphore(%run_scoped3A_87 : memref<!tpu.dma_semaphore, #tpu.memory_space<semaphore_mem>>)
      %dma_wait3A = arith.constant 0 : i32
      %dma_wait3A_97 = arith.constant 0 : i32
      %dma_wait3A_98 = tpu.memref_slice %arg9[%dma_wait3A, %dma_wait3A_97] : memref<128x128xf32, #tpu.memory_space<vmem>> -> memref<128x128xf32, #tpu.memory_space<vmem>>
      %dma_wait3A_99 = arith.constant 0 : i32
      %dma_wait3A_100 = tpu.memref_slice %arg6[%add3A_74, %dma_wait3A_99] : memref<10112x128xf32, #tpu.memory_space<vmem_shared>> -> memref<128x128xf32, #tpu.memory_space<vmem_shared>>
      %dma_wait3A_101 = arith.constant 0 : i32
      %dma_wait3A_102 = arith.constant 0 : i32
      %dma_wait3A_103 = tpu.memref_slice %arg9[%dma_wait3A_101, %dma_wait3A_102] : memref<128x128xf32, #tpu.memory_space<vmem>> -> memref<128x128xf32, #tpu.memory_space<vmem>>
      %dma_wait3A_104 = arith.constant 0 : i32
      %dma_wait3A_105 = tpu.memref_slice %arg6[%add3A_74, %dma_wait3A_104] : memref<10112x128xf32, #tpu.memory_space<vmem_shared>> -> memref<128x128xf32, #tpu.memory_space<vmem_shared>>
      tpu.wait_dma2 semaphore(%run_scoped3A_87 : memref<!tpu.dma_semaphore, #tpu.memory_space<semaphore_mem>>) src(%dma_wait3A_105 : memref<128x128xf32, #tpu.memory_space<vmem_shared>>) dst(%dma_wait3A_103 : memref<128x128xf32, #tpu.memory_space<vmem>>)
      tpu.yield
    }) : () -> ()
    %mul3A_75 = arith.constant 632 : i32
    %mul3A_76 = arith.muli %arg1, %mul3A_75 : i32
    %add3A_77 = arith.constant 384 : i32
    %add3A_78 = arith.addi %mul3A_76, %add3A_77 : i32
    "tpu.region"() ({
      %run_scoped3A_87 = tpu.sem_alloc : memref<!tpu.dma_semaphore, #tpu.memory_space<semaphore_mem>>
      %dma_start3A = arith.constant 0 : i32
      %dma_start3A_88 = arith.constant 0 : i32
      %dma_start3A_89 = tpu.memref_slice %arg9[%dma_start3A, %dma_start3A_88] : memref<128x128xf32, #tpu.memory_space<vmem>> -> memref<128x128xf32, #tpu.memory_space<vmem>>
      %dma_start3A_90 = arith.constant 0 : i32
      %dma_start3A_91 = tpu.memref_slice %arg5[%arg0, %add3A_78, %dma_start3A_90] : memref<2x10112x128xf32, #tpu.memory_space<hbm>> -> memref<1x128x128xf32, #tpu.memory_space<hbm>>
      %dma_start3A_92 = tpu.memref_squeeze %dma_start3A_91 : memref<1x128x128xf32, #tpu.memory_space<hbm>> -> memref<128x128xf32, #tpu.memory_space<hbm>>
      %dma_start3A_93 = arith.constant 0 : i32
      %dma_start3A_94 = tpu.memref_slice %arg5[%arg0, %add3A_78, %dma_start3A_93] : memref<2x10112x128xf32, #tpu.memory_space<hbm>> -> memref<1x128x128xf32, #tpu.memory_space<hbm>>
      %dma_start3A_95 = tpu.memref_squeeze %dma_start3A_94 : memref<1x128x128xf32, #tpu.memory_space<hbm>> -> memref<128x128xf32, #tpu.memory_space<hbm>>
      %dma_start3A_96 = arith.constant 0 : i32
      %dma_start3A_97 = arith.constant 0 : i32
      %dma_start3A_98 = tpu.memref_slice %arg9[%dma_start3A_96, %dma_start3A_97] : memref<128x128xf32, #tpu.memory_space<vmem>> -> memref<128x128xf32, #tpu.memory_space<vmem>>
      tpu.enqueue_dma source(%dma_start3A_98 : memref<128x128xf32, #tpu.memory_space<vmem>>) target(%dma_start3A_95 : memref<128x128xf32, #tpu.memory_space<hbm>>) target_semaphore(%run_scoped3A_87 : memref<!tpu.dma_semaphore, #tpu.memory_space<semaphore_mem>>)
      %dma_wait3A = arith.constant 0 : i32
      %dma_wait3A_99 = arith.constant 0 : i32
      %dma_wait3A_100 = tpu.memref_slice %arg9[%dma_wait3A, %dma_wait3A_99] : memref<128x128xf32, #tpu.memory_space<vmem>> -> memref<128x128xf32, #tpu.memory_space<vmem>>
      %dma_wait3A_101 = arith.constant 0 : i32
      %dma_wait3A_102 = tpu.memref_slice %arg5[%arg0, %add3A_78, %dma_wait3A_101] : memref<2x10112x128xf32, #tpu.memory_space<hbm>> -> memref<1x128x128xf32, #tpu.memory_space<hbm>>
      %dma_wait3A_103 = tpu.memref_squeeze %dma_wait3A_102 : memref<1x128x128xf32, #tpu.memory_space<hbm>> -> memref<128x128xf32, #tpu.memory_space<hbm>>
      %dma_wait3A_104 = arith.constant 0 : i32
      %dma_wait3A_105 = tpu.memref_slice %arg5[%arg0, %add3A_78, %dma_wait3A_104] : memref<2x10112x128xf32, #tpu.memory_space<hbm>> -> memref<1x128x128xf32, #tpu.memory_space<hbm>>
      %dma_wait3A_106 = tpu.memref_squeeze %dma_wait3A_105 : memref<1x128x128xf32, #tpu.memory_space<hbm>> -> memref<128x128xf32, #tpu.memory_space<hbm>>
      %dma_wait3A_107 = arith.constant 0 : i32
      %dma_wait3A_108 = arith.constant 0 : i32
      %dma_wait3A_109 = tpu.memref_slice %arg9[%dma_wait3A_107, %dma_wait3A_108] : memref<128x128xf32, #tpu.memory_space<vmem>> -> memref<128x128xf32, #tpu.memory_space<vmem>>
      tpu.wait_dma2 semaphore(%run_scoped3A_87 : memref<!tpu.dma_semaphore, #tpu.memory_space<semaphore_mem>>) src(%dma_wait3A_109 : memref<128x128xf32, #tpu.memory_space<vmem>>) dst(%dma_wait3A_106 : memref<128x128xf32, #tpu.memory_space<hbm>>)
      tpu.yield
    }) : () -> ()
    %mul3A_79 = arith.constant 632 : i32
    %mul3A_80 = arith.muli %arg1, %mul3A_79 : i32
    %add3A_81 = arith.constant 512 : i32
    %add3A_82 = arith.addi %mul3A_80, %add3A_81 : i32
    "tpu.region"() ({
      %run_scoped3A_87 = tpu.sem_alloc : memref<!tpu.dma_semaphore, #tpu.memory_space<semaphore_mem>>
      %dma_start3A = arith.constant 0 : i32
      %dma_start3A_88 = arith.constant 0 : i32
      %dma_start3A_89 = tpu.memref_slice %arg9[%dma_start3A, %dma_start3A_88] : memref<128x128xf32, #tpu.memory_space<vmem>> -> memref<120x128xf32, #tpu.memory_space<vmem>>
      %dma_start3A_90 = arith.constant 0 : i32
      %dma_start3A_91 = tpu.memref_slice %arg6[%add3A_82, %dma_start3A_90] : memref<10112x128xf32, #tpu.memory_space<vmem_shared>> -> memref<120x128xf32, #tpu.memory_space<vmem_shared>>
      %dma_start3A_92 = arith.constant 0 : i32
      %dma_start3A_93 = arith.constant 0 : i32
      %dma_start3A_94 = tpu.memref_slice %arg9[%dma_start3A_92, %dma_start3A_93] : memref<128x128xf32, #tpu.memory_space<vmem>> -> memref<120x128xf32, #tpu.memory_space<vmem>>
      %dma_start3A_95 = arith.constant 0 : i32
      %dma_start3A_96 = tpu.memref_slice %arg6[%add3A_82, %dma_start3A_95] : memref<10112x128xf32, #tpu.memory_space<vmem_shared>> -> memref<120x128xf32, #tpu.memory_space<vmem_shared>>
      tpu.enqueue_dma source(%dma_start3A_96 : memref<120x128xf32, #tpu.memory_space<vmem_shared>>) target(%dma_start3A_94 : memref<120x128xf32, #tpu.memory_space<vmem>>) target_semaphore(%run_scoped3A_87 : memref<!tpu.dma_semaphore, #tpu.memory_space<semaphore_mem>>)
      %dma_wait3A = arith.constant 0 : i32
      %dma_wait3A_97 = arith.constant 0 : i32
      %dma_wait3A_98 = tpu.memref_slice %arg9[%dma_wait3A, %dma_wait3A_97] : memref<128x128xf32, #tpu.memory_space<vmem>> -> memref<120x128xf32, #tpu.memory_space<vmem>>
      %dma_wait3A_99 = arith.constant 0 : i32
      %dma_wait3A_100 = tpu.memref_slice %arg6[%add3A_82, %dma_wait3A_99] : memref<10112x128xf32, #tpu.memory_space<vmem_shared>> -> memref<120x128xf32, #tpu.memory_space<vmem_shared>>
      %dma_wait3A_101 = arith.constant 0 : i32
      %dma_wait3A_102 = arith.constant 0 : i32
      %dma_wait3A_103 = tpu.memref_slice %arg9[%dma_wait3A_101, %dma_wait3A_102] : memref<128x128xf32, #tpu.memory_space<vmem>> -> memref<120x128xf32, #tpu.memory_space<vmem>>
      %dma_wait3A_104 = arith.constant 0 : i32
      %dma_wait3A_105 = tpu.memref_slice %arg6[%add3A_82, %dma_wait3A_104] : memref<10112x128xf32, #tpu.memory_space<vmem_shared>> -> memref<120x128xf32, #tpu.memory_space<vmem_shared>>
      tpu.wait_dma2 semaphore(%run_scoped3A_87 : memref<!tpu.dma_semaphore, #tpu.memory_space<semaphore_mem>>) src(%dma_wait3A_105 : memref<120x128xf32, #tpu.memory_space<vmem_shared>>) dst(%dma_wait3A_103 : memref<120x128xf32, #tpu.memory_space<vmem>>)
      tpu.yield
    }) : () -> ()
    %mul3A_83 = arith.constant 632 : i32
    %mul3A_84 = arith.muli %arg1, %mul3A_83 : i32
    %add3A_85 = arith.constant 512 : i32
    %add3A_86 = arith.addi %mul3A_84, %add3A_85 : i32
    "tpu.region"() ({
      %run_scoped3A_87 = tpu.sem_alloc : memref<!tpu.dma_semaphore, #tpu.memory_space<semaphore_mem>>
      %dma_start3A = arith.constant 0 : i32
      %dma_start3A_88 = arith.constant 0 : i32
      %dma_start3A_89 = tpu.memref_slice %arg9[%dma_start3A, %dma_start3A_88] : memref<128x128xf32, #tpu.memory_space<vmem>> -> memref<120x128xf32, #tpu.memory_space<vmem>>
      %dma_start3A_90 = arith.constant 0 : i32
      %dma_start3A_91 = tpu.memref_slice %arg5[%arg0, %add3A_86, %dma_start3A_90] : memref<2x10112x128xf32, #tpu.memory_space<hbm>> -> memref<1x120x128xf32, #tpu.memory_space<hbm>>
      %dma_start3A_92 = tpu.memref_squeeze %dma_start3A_91 : memref<1x120x128xf32, #tpu.memory_space<hbm>> -> memref<120x128xf32, #tpu.memory_space<hbm>>
      %dma_start3A_93 = arith.constant 0 : i32
      %dma_start3A_94 = tpu.memref_slice %arg5[%arg0, %add3A_86, %dma_start3A_93] : memref<2x10112x128xf32, #tpu.memory_space<hbm>> -> memref<1x120x128xf32, #tpu.memory_space<hbm>>
      %dma_start3A_95 = tpu.memref_squeeze %dma_start3A_94 : memref<1x120x128xf32, #tpu.memory_space<hbm>> -> memref<120x128xf32, #tpu.memory_space<hbm>>
      %dma_start3A_96 = arith.constant 0 : i32
      %dma_start3A_97 = arith.constant 0 : i32
      %dma_start3A_98 = tpu.memref_slice %arg9[%dma_start3A_96, %dma_start3A_97] : memref<128x128xf32, #tpu.memory_space<vmem>> -> memref<120x128xf32, #tpu.memory_space<vmem>>
      tpu.enqueue_dma source(%dma_start3A_98 : memref<120x128xf32, #tpu.memory_space<vmem>>) target(%dma_start3A_95 : memref<120x128xf32, #tpu.memory_space<hbm>>) target_semaphore(%run_scoped3A_87 : memref<!tpu.dma_semaphore, #tpu.memory_space<semaphore_mem>>)
      %dma_wait3A = arith.constant 0 : i32
      %dma_wait3A_99 = arith.constant 0 : i32
      %dma_wait3A_100 = tpu.memref_slice %arg9[%dma_wait3A, %dma_wait3A_99] : memref<128x128xf32, #tpu.memory_space<vmem>> -> memref<120x128xf32, #tpu.memory_space<vmem>>
      %dma_wait3A_101 = arith.constant 0 : i32
      %dma_wait3A_102 = tpu.memref_slice %arg5[%arg0, %add3A_86, %dma_wait3A_101] : memref<2x10112x128xf32, #tpu.memory_space<hbm>> -> memref<1x120x128xf32, #tpu.memory_space<hbm>>
      %dma_wait3A_103 = tpu.memref_squeeze %dma_wait3A_102 : memref<1x120x128xf32, #tpu.memory_space<hbm>> -> memref<120x128xf32, #tpu.memory_space<hbm>>
      %dma_wait3A_104 = arith.constant 0 : i32
      %dma_wait3A_105 = tpu.memref_slice %arg5[%arg0, %add3A_86, %dma_wait3A_104] : memref<2x10112x128xf32, #tpu.memory_space<hbm>> -> memref<1x120x128xf32, #tpu.memory_space<hbm>>
      %dma_wait3A_106 = tpu.memref_squeeze %dma_wait3A_105 : memref<1x120x128xf32, #tpu.memory_space<hbm>> -> memref<120x128xf32, #tpu.memory_space<hbm>>
      %dma_wait3A_107 = arith.constant 0 : i32
      %dma_wait3A_108 = arith.constant 0 : i32
      %dma_wait3A_109 = tpu.memref_slice %arg9[%dma_wait3A_107, %dma_wait3A_108] : memref<128x128xf32, #tpu.memory_space<vmem>> -> memref<120x128xf32, #tpu.memory_space<vmem>>
      tpu.wait_dma2 semaphore(%run_scoped3A_87 : memref<!tpu.dma_semaphore, #tpu.memory_space<semaphore_mem>>) src(%dma_wait3A_109 : memref<120x128xf32, #tpu.memory_space<vmem>>) dst(%dma_wait3A_106 : memref<120x128xf32, #tpu.memory_space<hbm>>)
      tpu.yield
    }) : () -> ()
    return
  }
}

#map = affine_map<(d0, d1) -> (0, 0)>
#map1 = affine_map<(d0, d1) -> (0, 0, 0, 0, 0)>
#map2 = affine_map<(d0, d1) -> (0, 0, 0)>
module attributes {stable_mosaic.version = 14 : i64} {
  func.func @_propagate(%arg0: i32, %arg1: i32, %arg2: memref<10112x128xf32, #tpu.memory_space<hbm>>, %arg3: memref<2x16x3x27x128xi32, #tpu.memory_space<hbm>>, %arg4: memref<2x16x3x27x128xi32, #tpu.memory_space<hbm>>, %arg5: memref<2x10112x128xf32, #tpu.memory_space<hbm>>, %arg6: memref<10112x128xf32, #tpu.memory_space<vmem_shared>>, %arg7: memref<27x128xi32, #tpu.memory_space<vmem>>, %arg8: memref<27x128xi32, #tpu.memory_space<vmem>>, %arg9: memref<128x128xf32, #tpu.memory_space<vmem>>) attributes {dimension_semantics = [#tpu.dimension_semantics<core_parallel>, #tpu.dimension_semantics<subcore_parallel>], iteration_bounds = array<i64: 2, 16>, scalar_prefetch = 0 : i64, scratch_operands = 4 : i64, tpu.core_type = #tpu.core_type<sc_vector_subcore>, window_params = [{transform_indices = #map}, {transform_indices = #map1}, {transform_indices = #map1}, {transform_indices = #map2}]} {
    %scan3A = arith.constant 0 : i32
    %scan3A_0 = arith.constant 0 : i32
    %scan3A_1 = arith.constant 128 : i32
    %scan3A_2 = arith.addi %scan3A_0, %scan3A_1 : i32
    %scan3A_3 = arith.constant 1 : i32
    scf.for %scan3A_87 = %scan3A_0 to %scan3A_2 step %scan3A_3  : i32 {
      %broadcast_in_dim3A = arith.constant 0.000000e+00 : f32
      %broadcast_in_dim3A_88 = vector.broadcast %broadcast_in_dim3A : f32 to vector<16xf32>
      %swap3A = arith.index_cast %scan3A_87 : i32 to index
      %swap3A_89 = arith.constant 0 : index
      %swap3A_90 = tpu.vector_load %arg9[%swap3A, %swap3A_89] {strides = array<i32>} : memref<128x128xf32, #tpu.memory_space<vmem>>, vector<1x16xf32>,
      %swap3A_91 = vector.shape_cast %swap3A_90 : vector<1x16xf32> to vector<16xf32>
      %swap3A_92 = vector.shape_cast %broadcast_in_dim3A_88 : vector<16xf32> to vector<1x16xf32>
      tpu.vector_store %arg9[%swap3A, %swap3A_89], %swap3A_92 {strides = array<i32>} : memref<128x128xf32, #tpu.memory_space<vmem>>, vector<1x16xf32>,
      %broadcast_in_dim3A_93 = arith.constant 0.000000e+00 : f32
      %broadcast_in_dim3A_94 = vector.broadcast %broadcast_in_dim3A_93 : f32 to vector<16xf32>
      %swap3A_95 = arith.index_cast %scan3A_87 : i32 to index
      %swap3A_96 = arith.constant 16 : index
      %swap3A_97 = tpu.vector_load %arg9[%swap3A_95, %swap3A_96] {strides = array<i32>} : memref<128x128xf32, #tpu.memory_space<vmem>>, vector<1x16xf32>,
      %swap3A_98 = vector.shape_cast %swap3A_97 : vector<1x16xf32> to vector<16xf32>
      %swap3A_99 = vector.shape_cast %broadcast_in_dim3A_94 : vector<16xf32> to vector<1x16xf32>
      tpu.vector_store %arg9[%swap3A_95, %swap3A_96], %swap3A_99 {strides = array<i32>} : memref<128x128xf32, #tpu.memory_space<vmem>>, vector<1x16xf32>,
      %broadcast_in_dim3A_100 = arith.constant 0.000000e+00 : f32
      %broadcast_in_dim3A_101 = vector.broadcast %broadcast_in_dim3A_100 : f32 to vector<16xf32>
      %swap3A_102 = arith.index_cast %scan3A_87 : i32 to index
      %swap3A_103 = arith.constant 32 : index
      %swap3A_104 = tpu.vector_load %arg9[%swap3A_102, %swap3A_103] {strides = array<i32>} : memref<128x128xf32, #tpu.memory_space<vmem>>, vector<1x16xf32>,
      %swap3A_105 = vector.shape_cast %swap3A_104 : vector<1x16xf32> to vector<16xf32>
      %swap3A_106 = vector.shape_cast %broadcast_in_dim3A_101 : vector<16xf32> to vector<1x16xf32>
      tpu.vector_store %arg9[%swap3A_102, %swap3A_103], %swap3A_106 {strides = array<i32>} : memref<128x128xf32, #tpu.memory_space<vmem>>, vector<1x16xf32>,
      %broadcast_in_dim3A_107 = arith.constant 0.000000e+00 : f32
      %broadcast_in_dim3A_108 = vector.broadcast %broadcast_in_dim3A_107 : f32 to vector<16xf32>
      %swap3A_109 = arith.index_cast %scan3A_87 : i32 to index
      %swap3A_110 = arith.constant 48 : index
      %swap3A_111 = tpu.vector_load %arg9[%swap3A_109, %swap3A_110] {strides = array<i32>} : memref<128x128xf32, #tpu.memory_space<vmem>>, vector<1x16xf32>,
      %swap3A_112 = vector.shape_cast %swap3A_111 : vector<1x16xf32> to vector<16xf32>
      %swap3A_113 = vector.shape_cast %broadcast_in_dim3A_108 : vector<16xf32> to vector<1x16xf32>
      tpu.vector_store %arg9[%swap3A_109, %swap3A_110], %swap3A_113 {strides = array<i32>} : memref<128x128xf32, #tpu.memory_space<vmem>>, vector<1x16xf32>,
      %broadcast_in_dim3A_114 = arith.constant 0.000000e+00 : f32
      %broadcast_in_dim3A_115 = vector.broadcast %broadcast_in_dim3A_114 : f32 to vector<16xf32>
      %swap3A_116 = arith.index_cast %scan3A_87 : i32 to index
      %swap3A_117 = arith.constant 64 : index
      %swap3A_118 = tpu.vector_load %arg9[%swap3A_116, %swap3A_117] {strides = array<i32>} : memref<128x128xf32, #tpu.memory_space<vmem>>, vector<1x16xf32>,
      %swap3A_119 = vector.shape_cast %swap3A_118 : vector<1x16xf32> to vector<16xf32>
      %swap3A_120 = vector.shape_cast %broadcast_in_dim3A_115 : vector<16xf32> to vector<1x16xf32>
      tpu.vector_store %arg9[%swap3A_116, %swap3A_117], %swap3A_120 {strides = array<i32>} : memref<128x128xf32, #tpu.memory_space<vmem>>, vector<1x16xf32>,
      %broadcast_in_dim3A_121 = arith.constant 0.000000e+00 : f32
      %broadcast_in_dim3A_122 = vector.broadcast %broadcast_in_dim3A_121 : f32 to vector<16xf32>
      %swap3A_123 = arith.index_cast %scan3A_87 : i32 to index
      %swap3A_124 = arith.constant 80 : index
      %swap3A_125 = tpu.vector_load %arg9[%swap3A_123, %swap3A_124] {strides = array<i32>} : memref<128x128xf32, #tpu.memory_space<vmem>>, vector<1x16xf32>,
      %swap3A_126 = vector.shape_cast %swap3A_125 : vector<1x16xf32> to vector<16xf32>
      %swap3A_127 = vector.shape_cast %broadcast_in_dim3A_122 : vector<16xf32> to vector<1x16xf32>
      tpu.vector_store %arg9[%swap3A_123, %swap3A_124], %swap3A_127 {strides = array<i32>} : memref<128x128xf32, #tpu.memory_space<vmem>>, vector<1x16xf32>,
      %broadcast_in_dim3A_128 = arith.constant 0.000000e+00 : f32
      %broadcast_in_dim3A_129 = vector.broadcast %broadcast_in_dim3A_128 : f32 to vector<16xf32>
      %swap3A_130 = arith.index_cast %scan3A_87 : i32 to index
      %swap3A_131 = arith.constant 96 : index
      %swap3A_132 = tpu.vector_load %arg9[%swap3A_130, %swap3A_131] {strides = array<i32>} : memref<128x128xf32, #tpu.memory_space<vmem>>, vector<1x16xf32>,
      %swap3A_133 = vector.shape_cast %swap3A_132 : vector<1x16xf32> to vector<16xf32>
      %swap3A_134 = vector.shape_cast %broadcast_in_dim3A_129 : vector<16xf32> to vector<1x16xf32>
      tpu.vector_store %arg9[%swap3A_130, %swap3A_131], %swap3A_134 {strides = array<i32>} : memref<128x128xf32, #tpu.memory_space<vmem>>, vector<1x16xf32>,
      %broadcast_in_dim3A_135 = arith.constant 0.000000e+00 : f32
      %broadcast_in_dim3A_136 = vector.broadcast %broadcast_in_dim3A_135 : f32 to vector<16xf32>
      %swap3A_137 = arith.index_cast %scan3A_87 : i32 to index
      %swap3A_138 = arith.constant 112 : index
      %swap3A_139 = tpu.vector_load %arg9[%swap3A_137, %swap3A_138] {strides = array<i32>} : memref<128x128xf32, #tpu.memory_space<vmem>>, vector<1x16xf32>,
      %swap3A_140 = vector.shape_cast %swap3A_139 : vector<1x16xf32> to vector<16xf32>
      %swap3A_141 = vector.shape_cast %broadcast_in_dim3A_136 : vector<16xf32> to vector<1x16xf32>
      tpu.vector_store %arg9[%swap3A_137, %swap3A_138], %swap3A_141 {strides = array<i32>} : memref<128x128xf32, #tpu.memory_space<vmem>>, vector<1x16xf32>,
    }
    %scan3A_4 = arith.constant 128 : i32
    %mul3A = arith.constant 632 : i32
    %mul3A_5 = arith.muli %arg1, %mul3A : i32
    %add3A = arith.constant 0 : i32
    %add3A_6 = arith.addi %mul3A_5, %add3A : i32
    "tpu.region"() ({
      %run_scoped3A_87 = tpu.sem_alloc : memref<!tpu.dma_semaphore, #tpu.memory_space<semaphore_mem>>
      %dma_start3A = arith.constant 0 : i32
      %dma_start3A_88 = arith.constant 0 : i32
      %dma_start3A_89 = tpu.memref_slice %arg9[%dma_start3A, %dma_start3A_88] : memref<128x128xf32, #tpu.memory_space<vmem>> -> memref<128x128xf32, #tpu.memory_space<vmem>>
      %dma_start3A_90 = arith.constant 0 : i32
      %dma_start3A_91 = tpu.memref_slice %arg6[%add3A_6, %dma_start3A_90] : memref<10112x128xf32, #tpu.memory_space<vmem_shared>> -> memref<128x128xf32, #tpu.memory_space<vmem_shared>>
      %dma_start3A_92 = arith.constant 0 : i32
      %dma_start3A_93 = tpu.memref_slice %arg6[%add3A_6, %dma_start3A_92] : memref<10112x128xf32, #tpu.memory_space<vmem_shared>> -> memref<128x128xf32, #tpu.memory_space<vmem_shared>>
      %dma_start3A_94 = arith.constant 0 : i32
      %dma_start3A_95 = arith.constant 0 : i32
      %dma_start3A_96 = tpu.memref_slice %arg9[%dma_start3A_94, %dma_start3A_95] : memref<128x128xf32, #tpu.memory_space<vmem>> -> memref<128x128xf32, #tpu.memory_space<vmem>>
      tpu.enqueue_dma source(%dma_start3A_96 : memref<128x128xf32, #tpu.memory_space<vmem>>) target(%dma_start3A_93 : memref<128x128xf32, #tpu.memory_space<vmem_shared>>) target_semaphore(%run_scoped3A_87 : memref<!tpu.dma_semaphore, #tpu.memory_space<semaphore_mem>>)
      %dma_wait3A = arith.constant 0 : i32
      %dma_wait3A_97 = arith.constant 0 : i32
      %dma_wait3A_98 = tpu.memref_slice %arg9[%dma_wait3A, %dma_wait3A_97] : memref<128x128xf32, #tpu.memory_space<vmem>> -> memref<128x128xf32, #tpu.memory_space<vmem>>
      %dma_wait3A_99 = arith.constant 0 : i32
      %dma_wait3A_100 = tpu.memref_slice %arg6[%add3A_6, %dma_wait3A_99] : memref<10112x128xf32, #tpu.memory_space<vmem_shared>> -> memref<128x128xf32, #tpu.memory_space<vmem_shared>>
      %dma_wait3A_101 = arith.constant 0 : i32
      %dma_wait3A_102 = tpu.memref_slice %arg6[%add3A_6, %dma_wait3A_101] : memref<10112x128xf32, #tpu.memory_space<vmem_shared>> -> memref<128x128xf32, #tpu.memory_space<vmem_shared>>
      %dma_wait3A_103 = arith.constant 0 : i32
      %dma_wait3A_104 = arith.constant 0 : i32
      %dma_wait3A_105 = tpu.memref_slice %arg9[%dma_wait3A_103, %dma_wait3A_104] : memref<128x128xf32, #tpu.memory_space<vmem>> -> memref<128x128xf32, #tpu.memory_space<vmem>>
      tpu.wait_dma2 semaphore(%run_scoped3A_87 : memref<!tpu.dma_semaphore, #tpu.memory_space<semaphore_mem>>) src(%dma_wait3A_105 : memref<128x128xf32, #tpu.memory_space<vmem>>) dst(%dma_wait3A_102 : memref<128x128xf32, #tpu.memory_space<vmem_shared>>)
      tpu.yield
    }) : () -> ()
    %mul3A_7 = arith.constant 632 : i32
    %mul3A_8 = arith.muli %arg1, %mul3A_7 : i32
    %add3A_9 = arith.constant 128 : i32
    %add3A_10 = arith.addi %mul3A_8, %add3A_9 : i32
    "tpu.region"() ({
      %run_scoped3A_87 = tpu.sem_alloc : memref<!tpu.dma_semaphore, #tpu.memory_space<semaphore_mem>>
      %dma_start3A = arith.constant 0 : i32
      %dma_start3A_88 = arith.constant 0 : i32
      %dma_start3A_89 = tpu.memref_slice %arg9[%dma_start3A, %dma_start3A_88] : memref<128x128xf32, #tpu.memory_space<vmem>> -> memref<128x128xf32, #tpu.memory_space<vmem>>
      %dma_start3A_90 = arith.constant 0 : i32
      %dma_start3A_91 = tpu.memref_slice %arg6[%add3A_10, %dma_start3A_90] : memref<10112x128xf32, #tpu.memory_space<vmem_shared>> -> memref<128x128xf32, #tpu.memory_space<vmem_shared>>
      %dma_start3A_92 = arith.constant 0 : i32
      %dma_start3A_93 = tpu.memref_slice %arg6[%add3A_10, %dma_start3A_92] : memref<10112x128xf32, #tpu.memory_space<vmem_shared>> -> memref<128x128xf32, #tpu.memory_space<vmem_shared>>
      %dma_start3A_94 = arith.constant 0 : i32
      %dma_start3A_95 = arith.constant 0 : i32
      %dma_start3A_96 = tpu.memref_slice %arg9[%dma_start3A_94, %dma_start3A_95] : memref<128x128xf32, #tpu.memory_space<vmem>> -> memref<128x128xf32, #tpu.memory_space<vmem>>
      tpu.enqueue_dma source(%dma_start3A_96 : memref<128x128xf32, #tpu.memory_space<vmem>>) target(%dma_start3A_93 : memref<128x128xf32, #tpu.memory_space<vmem_shared>>) target_semaphore(%run_scoped3A_87 : memref<!tpu.dma_semaphore, #tpu.memory_space<semaphore_mem>>)
      %dma_wait3A = arith.constant 0 : i32
      %dma_wait3A_97 = arith.constant 0 : i32
      %dma_wait3A_98 = tpu.memref_slice %arg9[%dma_wait3A, %dma_wait3A_97] : memref<128x128xf32, #tpu.memory_space<vmem>> -> memref<128x128xf32, #tpu.memory_space<vmem>>
      %dma_wait3A_99 = arith.constant 0 : i32
      %dma_wait3A_100 = tpu.memref_slice %arg6[%add3A_10, %dma_wait3A_99] : memref<10112x128xf32, #tpu.memory_space<vmem_shared>> -> memref<128x128xf32, #tpu.memory_space<vmem_shared>>
      %dma_wait3A_101 = arith.constant 0 : i32
      %dma_wait3A_102 = tpu.memref_slice %arg6[%add3A_10, %dma_wait3A_101] : memref<10112x128xf32, #tpu.memory_space<vmem_shared>> -> memref<128x128xf32, #tpu.memory_space<vmem_shared>>
      %dma_wait3A_103 = arith.constant 0 : i32
      %dma_wait3A_104 = arith.constant 0 : i32
      %dma_wait3A_105 = tpu.memref_slice %arg9[%dma_wait3A_103, %dma_wait3A_104] : memref<128x128xf32, #tpu.memory_space<vmem>> -> memref<128x128xf32, #tpu.memory_space<vmem>>
      tpu.wait_dma2 semaphore(%run_scoped3A_87 : memref<!tpu.dma_semaphore, #tpu.memory_space<semaphore_mem>>) src(%dma_wait3A_105 : memref<128x128xf32, #tpu.memory_space<vmem>>) dst(%dma_wait3A_102 : memref<128x128xf32, #tpu.memory_space<vmem_shared>>)
      tpu.yield
    }) : () -> ()
    %mul3A_11 = arith.constant 632 : i32
    %mul3A_12 = arith.muli %arg1, %mul3A_11 : i32
    %add3A_13 = arith.constant 256 : i32
    %add3A_14 = arith.addi %mul3A_12, %add3A_13 : i32
    "tpu.region"() ({
      %run_scoped3A_87 = tpu.sem_alloc : memref<!tpu.dma_semaphore, #tpu.memory_space<semaphore_mem>>
      %dma_start3A = arith.constant 0 : i32
      %dma_start3A_88 = arith.constant 0 : i32
      %dma_start3A_89 = tpu.memref_slice %arg9[%dma_start3A, %dma_start3A_88] : memref<128x128xf32, #tpu.memory_space<vmem>> -> memref<128x128xf32, #tpu.memory_space<vmem>>
      %dma_start3A_90 = arith.constant 0 : i32
      %dma_start3A_91 = tpu.memref_slice %arg6[%add3A_14, %dma_start3A_90] : memref<10112x128xf32, #tpu.memory_space<vmem_shared>> -> memref<128x128xf32, #tpu.memory_space<vmem_shared>>
      %dma_start3A_92 = arith.constant 0 : i32
      %dma_start3A_93 = tpu.memref_slice %arg6[%add3A_14, %dma_start3A_92] : memref<10112x128xf32, #tpu.memory_space<vmem_shared>> -> memref<128x128xf32, #tpu.memory_space<vmem_shared>>
      %dma_start3A_94 = arith.constant 0 : i32
      %dma_start3A_95 = arith.constant 0 : i32
      %dma_start3A_96 = tpu.memref_slice %arg9[%dma_start3A_94, %dma_start3A_95] : memref<128x128xf32, #tpu.memory_space<vmem>> -> memref<128x128xf32, #tpu.memory_space<vmem>>
      tpu.enqueue_dma source(%dma_start3A_96 : memref<128x128xf32, #tpu.memory_space<vmem>>) target(%dma_start3A_93 : memref<128x128xf32, #tpu.memory_space<vmem_shared>>) target_semaphore(%run_scoped3A_87 : memref<!tpu.dma_semaphore, #tpu.memory_space<semaphore_mem>>)
      %dma_wait3A = arith.constant 0 : i32
      %dma_wait3A_97 = arith.constant 0 : i32
      %dma_wait3A_98 = tpu.memref_slice %arg9[%dma_wait3A, %dma_wait3A_97] : memref<128x128xf32, #tpu.memory_space<vmem>> -> memref<128x128xf32, #tpu.memory_space<vmem>>
      %dma_wait3A_99 = arith.constant 0 : i32
      %dma_wait3A_100 = tpu.memref_slice %arg6[%add3A_14, %dma_wait3A_99] : memref<10112x128xf32, #tpu.memory_space<vmem_shared>> -> memref<128x128xf32, #tpu.memory_space<vmem_shared>>
      %dma_wait3A_101 = arith.constant 0 : i32
      %dma_wait3A_102 = tpu.memref_slice %arg6[%add3A_14, %dma_wait3A_101] : memref<10112x128xf32, #tpu.memory_space<vmem_shared>> -> memref<128x128xf32, #tpu.memory_space<vmem_shared>>
      %dma_wait3A_103 = arith.constant 0 : i32
      %dma_wait3A_104 = arith.constant 0 : i32
      %dma_wait3A_105 = tpu.memref_slice %arg9[%dma_wait3A_103, %dma_wait3A_104] : memref<128x128xf32, #tpu.memory_space<vmem>> -> memref<128x128xf32, #tpu.memory_space<vmem>>
      tpu.wait_dma2 semaphore(%run_scoped3A_87 : memref<!tpu.dma_semaphore, #tpu.memory_space<semaphore_mem>>) src(%dma_wait3A_105 : memref<128x128xf32, #tpu.memory_space<vmem>>) dst(%dma_wait3A_102 : memref<128x128xf32, #tpu.memory_space<vmem_shared>>)
      tpu.yield
    }) : () -> ()
    %mul3A_15 = arith.constant 632 : i32
    %mul3A_16 = arith.muli %arg1, %mul3A_15 : i32
    %add3A_17 = arith.constant 384 : i32
    %add3A_18 = arith.addi %mul3A_16, %add3A_17 : i32
    "tpu.region"() ({
      %run_scoped3A_87 = tpu.sem_alloc : memref<!tpu.dma_semaphore, #tpu.memory_space<semaphore_mem>>
      %dma_start3A = arith.constant 0 : i32
      %dma_start3A_88 = arith.constant 0 : i32
      %dma_start3A_89 = tpu.memref_slice %arg9[%dma_start3A, %dma_start3A_88] : memref<128x128xf32, #tpu.memory_space<vmem>> -> memref<128x128xf32, #tpu.memory_space<vmem>>
      %dma_start3A_90 = arith.constant 0 : i32
      %dma_start3A_91 = tpu.memref_slice %arg6[%add3A_18, %dma_start3A_90] : memref<10112x128xf32, #tpu.memory_space<vmem_shared>> -> memref<128x128xf32, #tpu.memory_space<vmem_shared>>
      %dma_start3A_92 = arith.constant 0 : i32
      %dma_start3A_93 = tpu.memref_slice %arg6[%add3A_18, %dma_start3A_92] : memref<10112x128xf32, #tpu.memory_space<vmem_shared>> -> memref<128x128xf32, #tpu.memory_space<vmem_shared>>
      %dma_start3A_94 = arith.constant 0 : i32
      %dma_start3A_95 = arith.constant 0 : i32
      %dma_start3A_96 = tpu.memref_slice %arg9[%dma_start3A_94, %dma_start3A_95] : memref<128x128xf32, #tpu.memory_space<vmem>> -> memref<128x128xf32, #tpu.memory_space<vmem>>
      tpu.enqueue_dma source(%dma_start3A_96 : memref<128x128xf32, #tpu.memory_space<vmem>>) target(%dma_start3A_93 : memref<128x128xf32, #tpu.memory_space<vmem_shared>>) target_semaphore(%run_scoped3A_87 : memref<!tpu.dma_semaphore, #tpu.memory_space<semaphore_mem>>)
      %dma_wait3A = arith.constant 0 : i32
      %dma_wait3A_97 = arith.constant 0 : i32
      %dma_wait3A_98 = tpu.memref_slice %arg9[%dma_wait3A, %dma_wait3A_97] : memref<128x128xf32, #tpu.memory_space<vmem>> -> memref<128x128xf32, #tpu.memory_space<vmem>>
      %dma_wait3A_99 = arith.constant 0 : i32
      %dma_wait3A_100 = tpu.memref_slice %arg6[%add3A_18, %dma_wait3A_99] : memref<10112x128xf32, #tpu.memory_space<vmem_shared>> -> memref<128x128xf32, #tpu.memory_space<vmem_shared>>
      %dma_wait3A_101 = arith.constant 0 : i32
      %dma_wait3A_102 = tpu.memref_slice %arg6[%add3A_18, %dma_wait3A_101] : memref<10112x128xf32, #tpu.memory_space<vmem_shared>> -> memref<128x128xf32, #tpu.memory_space<vmem_shared>>
      %dma_wait3A_103 = arith.constant 0 : i32
      %dma_wait3A_104 = arith.constant 0 : i32
      %dma_wait3A_105 = tpu.memref_slice %arg9[%dma_wait3A_103, %dma_wait3A_104] : memref<128x128xf32, #tpu.memory_space<vmem>> -> memref<128x128xf32, #tpu.memory_space<vmem>>
      tpu.wait_dma2 semaphore(%run_scoped3A_87 : memref<!tpu.dma_semaphore, #tpu.memory_space<semaphore_mem>>) src(%dma_wait3A_105 : memref<128x128xf32, #tpu.memory_space<vmem>>) dst(%dma_wait3A_102 : memref<128x128xf32, #tpu.memory_space<vmem_shared>>)
      tpu.yield
    }) : () -> ()
    %mul3A_19 = arith.constant 632 : i32
    %mul3A_20 = arith.muli %arg1, %mul3A_19 : i32
    %add3A_21 = arith.constant 512 : i32
    %add3A_22 = arith.addi %mul3A_20, %add3A_21 : i32
    "tpu.region"() ({
      %run_scoped3A_87 = tpu.sem_alloc : memref<!tpu.dma_semaphore, #tpu.memory_space<semaphore_mem>>
      %dma_start3A = arith.constant 0 : i32
      %dma_start3A_88 = arith.constant 0 : i32
      %dma_start3A_89 = tpu.memref_slice %arg9[%dma_start3A, %dma_start3A_88] : memref<128x128xf32, #tpu.memory_space<vmem>> -> memref<120x128xf32, #tpu.memory_space<vmem>>
      %dma_start3A_90 = arith.constant 0 : i32
      %dma_start3A_91 = tpu.memref_slice %arg6[%add3A_22, %dma_start3A_90] : memref<10112x128xf32, #tpu.memory_space<vmem_shared>> -> memref<120x128xf32, #tpu.memory_space<vmem_shared>>
      %dma_start3A_92 = arith.constant 0 : i32
      %dma_start3A_93 = tpu.memref_slice %arg6[%add3A_22, %dma_start3A_92] : memref<10112x128xf32, #tpu.memory_space<vmem_shared>> -> memref<120x128xf32, #tpu.memory_space<vmem_shared>>
      %dma_start3A_94 = arith.constant 0 : i32
      %dma_start3A_95 = arith.constant 0 : i32
      %dma_start3A_96 = tpu.memref_slice %arg9[%dma_start3A_94, %dma_start3A_95] : memref<128x128xf32, #tpu.memory_space<vmem>> -> memref<120x128xf32, #tpu.memory_space<vmem>>
      tpu.enqueue_dma source(%dma_start3A_96 : memref<120x128xf32, #tpu.memory_space<vmem>>) target(%dma_start3A_93 : memref<120x128xf32, #tpu.memory_space<vmem_shared>>) target_semaphore(%run_scoped3A_87 : memref<!tpu.dma_semaphore, #tpu.memory_space<semaphore_mem>>)
      %dma_wait3A = arith.constant 0 : i32
      %dma_wait3A_97 = arith.constant 0 : i32
      %dma_wait3A_98 = tpu.memref_slice %arg9[%dma_wait3A, %dma_wait3A_97] : memref<128x128xf32, #tpu.memory_space<vmem>> -> memref<120x128xf32, #tpu.memory_space<vmem>>
      %dma_wait3A_99 = arith.constant 0 : i32
      %dma_wait3A_100 = tpu.memref_slice %arg6[%add3A_22, %dma_wait3A_99] : memref<10112x128xf32, #tpu.memory_space<vmem_shared>> -> memref<120x128xf32, #tpu.memory_space<vmem_shared>>
      %dma_wait3A_101 = arith.constant 0 : i32
      %dma_wait3A_102 = tpu.memref_slice %arg6[%add3A_22, %dma_wait3A_101] : memref<10112x128xf32, #tpu.memory_space<vmem_shared>> -> memref<120x128xf32, #tpu.memory_space<vmem_shared>>
      %dma_wait3A_103 = arith.constant 0 : i32
      %dma_wait3A_104 = arith.constant 0 : i32
      %dma_wait3A_105 = tpu.memref_slice %arg9[%dma_wait3A_103, %dma_wait3A_104] : memref<128x128xf32, #tpu.memory_space<vmem>> -> memref<120x128xf32, #tpu.memory_space<vmem>>
      tpu.wait_dma2 semaphore(%run_scoped3A_87 : memref<!tpu.dma_semaphore, #tpu.memory_space<semaphore_mem>>) src(%dma_wait3A_105 : memref<120x128xf32, #tpu.memory_space<vmem>>) dst(%dma_wait3A_102 : memref<120x128xf32, #tpu.memory_space<vmem_shared>>)
      tpu.yield
    }) : () -> ()
    %barrier3A = arith.constant 0 : index
    tpu.barrier barrier_id(%barrier3A)
    %run_scoped3A = arith.constant 0 : i32
    "tpu.region"() ({
      %run_scoped3A_87 = tpu.sem_alloc : memref<!tpu.dma_semaphore, #tpu.memory_space<semaphore_mem>>
      %dma_start3A = arith.constant 0 : i32
      %dma_start3A_88 = arith.constant 0 : i32
      %dma_start3A_89 = tpu.memref_slice %arg3[%arg0, %arg1, %run_scoped3A, %dma_start3A, %dma_start3A_88] : memref<2x16x3x27x128xi32, #tpu.memory_space<hbm>> -> memref<1x1x1x27x128xi32, #tpu.memory_space<hbm>>
      %dma_start3A_90 = tpu.memref_squeeze %dma_start3A_89 : memref<1x1x1x27x128xi32, #tpu.memory_space<hbm>> -> memref<27x128xi32, #tpu.memory_space<hbm>>
      %dma_start3A_91 = arith.constant 0 : i32
      %dma_start3A_92 = arith.constant 0 : i32
      %dma_start3A_93 = tpu.memref_slice %arg3[%arg0, %arg1, %run_scoped3A, %dma_start3A_91, %dma_start3A_92] : memref<2x16x3x27x128xi32, #tpu.memory_space<hbm>> -> memref<1x1x1x27x128xi32, #tpu.memory_space<hbm>>
      %dma_start3A_94 = tpu.memref_squeeze %dma_start3A_93 : memref<1x1x1x27x128xi32, #tpu.memory_space<hbm>> -> memref<27x128xi32, #tpu.memory_space<hbm>>
      tpu.enqueue_dma source(%dma_start3A_94 : memref<27x128xi32, #tpu.memory_space<hbm>>) target(%arg7 : memref<27x128xi32, #tpu.memory_space<vmem>>) target_semaphore(%run_scoped3A_87 : memref<!tpu.dma_semaphore, #tpu.memory_space<semaphore_mem>>)
      %dma_wait3A = arith.constant 0 : i32
      %dma_wait3A_95 = arith.constant 0 : i32
      %dma_wait3A_96 = tpu.memref_slice %arg3[%arg0, %arg1, %run_scoped3A, %dma_wait3A, %dma_wait3A_95] : memref<2x16x3x27x128xi32, #tpu.memory_space<hbm>> -> memref<1x1x1x27x128xi32, #tpu.memory_space<hbm>>
      %dma_wait3A_97 = tpu.memref_squeeze %dma_wait3A_96 : memref<1x1x1x27x128xi32, #tpu.memory_space<hbm>> -> memref<27x128xi32, #tpu.memory_space<hbm>>
      %dma_wait3A_98 = arith.constant 0 : i32
      %dma_wait3A_99 = arith.constant 0 : i32
      %dma_wait3A_100 = tpu.memref_slice %arg3[%arg0, %arg1, %run_scoped3A, %dma_wait3A_98, %dma_wait3A_99] : memref<2x16x3x27x128xi32, #tpu.memory_space<hbm>> -> memref<1x1x1x27x128xi32, #tpu.memory_space<hbm>>
      %dma_wait3A_101 = tpu.memref_squeeze %dma_wait3A_100 : memref<1x1x1x27x128xi32, #tpu.memory_space<hbm>> -> memref<27x128xi32, #tpu.memory_space<hbm>>
      tpu.wait_dma2 semaphore(%run_scoped3A_87 : memref<!tpu.dma_semaphore, #tpu.memory_space<semaphore_mem>>) src(%dma_wait3A_101 : memref<27x128xi32, #tpu.memory_space<hbm>>) dst(%arg7 : memref<27x128xi32, #tpu.memory_space<vmem>>)
      tpu.yield
    }) : () -> ()
    %run_scoped3A_23 = arith.constant 0 : i32
    "tpu.region"() ({
      %run_scoped3A_87 = tpu.sem_alloc : memref<!tpu.dma_semaphore, #tpu.memory_space<semaphore_mem>>
      %dma_start3A = arith.constant 0 : i32
      %dma_start3A_88 = arith.constant 0 : i32
      %dma_start3A_89 = tpu.memref_slice %arg4[%arg0, %arg1, %run_scoped3A_23, %dma_start3A, %dma_start3A_88] : memref<2x16x3x27x128xi32, #tpu.memory_space<hbm>> -> memref<1x1x1x27x128xi32, #tpu.memory_space<hbm>>
      %dma_start3A_90 = tpu.memref_squeeze %dma_start3A_89 : memref<1x1x1x27x128xi32, #tpu.memory_space<hbm>> -> memref<27x128xi32, #tpu.memory_space<hbm>>
      %dma_start3A_91 = arith.constant 0 : i32
      %dma_start3A_92 = arith.constant 0 : i32
      %dma_start3A_93 = tpu.memref_slice %arg4[%arg0, %arg1, %run_scoped3A_23, %dma_start3A_91, %dma_start3A_92] : memref<2x16x3x27x128xi32, #tpu.memory_space<hbm>> -> memref<1x1x1x27x128xi32, #tpu.memory_space<hbm>>
      %dma_start3A_94 = tpu.memref_squeeze %dma_start3A_93 : memref<1x1x1x27x128xi32, #tpu.memory_space<hbm>> -> memref<27x128xi32, #tpu.memory_space<hbm>>
      tpu.enqueue_dma source(%dma_start3A_94 : memref<27x128xi32, #tpu.memory_space<hbm>>) target(%arg8 : memref<27x128xi32, #tpu.memory_space<vmem>>) target_semaphore(%run_scoped3A_87 : memref<!tpu.dma_semaphore, #tpu.memory_space<semaphore_mem>>)
      %dma_wait3A = arith.constant 0 : i32
      %dma_wait3A_95 = arith.constant 0 : i32
      %dma_wait3A_96 = tpu.memref_slice %arg4[%arg0, %arg1, %run_scoped3A_23, %dma_wait3A, %dma_wait3A_95] : memref<2x16x3x27x128xi32, #tpu.memory_space<hbm>> -> memref<1x1x1x27x128xi32, #tpu.memory_space<hbm>>
      %dma_wait3A_97 = tpu.memref_squeeze %dma_wait3A_96 : memref<1x1x1x27x128xi32, #tpu.memory_space<hbm>> -> memref<27x128xi32, #tpu.memory_space<hbm>>
      %dma_wait3A_98 = arith.constant 0 : i32
      %dma_wait3A_99 = arith.constant 0 : i32
      %dma_wait3A_100 = tpu.memref_slice %arg4[%arg0, %arg1, %run_scoped3A_23, %dma_wait3A_98, %dma_wait3A_99] : memref<2x16x3x27x128xi32, #tpu.memory_space<hbm>> -> memref<1x1x1x27x128xi32, #tpu.memory_space<hbm>>
      %dma_wait3A_101 = tpu.memref_squeeze %dma_wait3A_100 : memref<1x1x1x27x128xi32, #tpu.memory_space<hbm>> -> memref<27x128xi32, #tpu.memory_space<hbm>>
      tpu.wait_dma2 semaphore(%run_scoped3A_87 : memref<!tpu.dma_semaphore, #tpu.memory_space<semaphore_mem>>) src(%dma_wait3A_101 : memref<27x128xi32, #tpu.memory_space<hbm>>) dst(%arg8 : memref<27x128xi32, #tpu.memory_space<vmem>>)
      tpu.yield
    }) : () -> ()
    %scan3A_24 = arith.constant 0 : i32
    %scan3A_25 = arith.constant 0 : i32
    %scan3A_26 = arith.constant 27 : i32
    %scan3A_27 = arith.addi %scan3A_25, %scan3A_26 : i32
    %scan3A_28 = arith.constant 1 : i32
    scf.for %scan3A_87 = %scan3A_25 to %scan3A_27 step %scan3A_28  : i32 {
      "tpu.region"() ({
        %run_scoped3A_88 = tpu.sem_alloc : memref<!tpu.dma_semaphore, #tpu.memory_space<semaphore_mem>>
        %dma_start3A = arith.constant 0 : i32
        %dma_start3A_89 = tpu.memref_slice %arg7[%scan3A_87, %dma_start3A] : memref<27x128xi32, #tpu.memory_space<vmem>> -> memref<1x128xi32, #tpu.memory_space<vmem>>
        %dma_start3A_90 = tpu.memref_squeeze %dma_start3A_89 : memref<1x128xi32, #tpu.memory_space<vmem>> -> memref<128xi32, #tpu.memory_space<vmem>>
        %dma_start3A_91 = arith.constant 0 : i32
        %dma_start3A_92 = arith.constant 0 : i32
        %dma_start3A_93 = tpu.memref_slice %arg2[%dma_start3A_91, %dma_start3A_92] : memref<10112x128xf32, #tpu.memory_space<hbm>> -> memref<10112x128xf32, #tpu.memory_space<hbm>>
        tpu.enqueue_indirect_dma source(%dma_start3A_93 : memref<10112x128xf32, #tpu.memory_space<hbm>>) target(%arg9 : memref<128x128xf32, #tpu.memory_space<vmem>>) offsets(%dma_start3A_90 : memref<128xi32, #tpu.memory_space<vmem>>) semaphore(%run_scoped3A_88 : memref<!tpu.dma_semaphore, #tpu.memory_space<semaphore_mem>>)
        %dma_wait3A = arith.constant 0 : i32
        %dma_wait3A_94 = tpu.memref_slice %arg7[%scan3A_87, %dma_wait3A] : memref<27x128xi32, #tpu.memory_space<vmem>> -> memref<1x128xi32, #tpu.memory_space<vmem>>
        %dma_wait3A_95 = tpu.memref_squeeze %dma_wait3A_94 : memref<1x128xi32, #tpu.memory_space<vmem>> -> memref<128xi32, #tpu.memory_space<vmem>>
        %dma_wait3A_96 = arith.constant 0 : i32
        %dma_wait3A_97 = arith.constant 0 : i32
        %dma_wait3A_98 = tpu.memref_slice %arg2[%dma_wait3A_96, %dma_wait3A_97] : memref<10112x128xf32, #tpu.memory_space<hbm>> -> memref<10112x128xf32, #tpu.memory_space<hbm>>
        tpu.wait_indirect_dma semaphore(%run_scoped3A_88 : memref<!tpu.dma_semaphore, #tpu.memory_space<semaphore_mem>>) src(%dma_wait3A_98 : memref<10112x128xf32, #tpu.memory_space<hbm>>) dst(%arg9 : memref<128x128xf32, #tpu.memory_space<vmem>>)
        tpu.yield
      }) : () -> ()
      "tpu.region"() ({
        %run_scoped3A_88 = tpu.sem_alloc : memref<!tpu.dma_semaphore, #tpu.memory_space<semaphore_mem>>
        %dma_start3A = arith.constant 0 : i32
        %dma_start3A_89 = tpu.memref_slice %arg8[%scan3A_87, %dma_start3A] : memref<27x128xi32, #tpu.memory_space<vmem>> -> memref<1x128xi32, #tpu.memory_space<vmem>>
        %dma_start3A_90 = tpu.memref_squeeze %dma_start3A_89 : memref<1x128xi32, #tpu.memory_space<vmem>> -> memref<128xi32, #tpu.memory_space<vmem>>
        %dma_start3A_91 = arith.constant 0 : i32
        %dma_start3A_92 = arith.constant 0 : i32
        %dma_start3A_93 = tpu.memref_slice %arg6[%dma_start3A_91, %dma_start3A_92] : memref<10112x128xf32, #tpu.memory_space<vmem_shared>> -> memref<10112x128xf32, #tpu.memory_space<vmem_shared>>
        tpu.enqueue_indirect_dma source(%arg9 : memref<128x128xf32, #tpu.memory_space<vmem>>) target(%dma_start3A_93 : memref<10112x128xf32, #tpu.memory_space<vmem_shared>>) offsets(%dma_start3A_90 : memref<128xi32, #tpu.memory_space<vmem>>) semaphore(%run_scoped3A_88 : memref<!tpu.dma_semaphore, #tpu.memory_space<semaphore_mem>>) {add = true}
        %dma_wait3A = arith.constant 0 : i32
        %dma_wait3A_94 = tpu.memref_slice %arg8[%scan3A_87, %dma_wait3A] : memref<27x128xi32, #tpu.memory_space<vmem>> -> memref<1x128xi32, #tpu.memory_space<vmem>>
        %dma_wait3A_95 = tpu.memref_squeeze %dma_wait3A_94 : memref<1x128xi32, #tpu.memory_space<vmem>> -> memref<128xi32, #tpu.memory_space<vmem>>
        %dma_wait3A_96 = arith.constant 0 : i32
        %dma_wait3A_97 = arith.constant 0 : i32
        %dma_wait3A_98 = tpu.memref_slice %arg6[%dma_wait3A_96, %dma_wait3A_97] : memref<10112x128xf32, #tpu.memory_space<vmem_shared>> -> memref<10112x128xf32, #tpu.memory_space<vmem_shared>>
        tpu.wait_indirect_dma semaphore(%run_scoped3A_88 : memref<!tpu.dma_semaphore, #tpu.memory_space<semaphore_mem>>) src(%arg9 : memref<128x128xf32, #tpu.memory_space<vmem>>) dst(%dma_wait3A_98 : memref<10112x128xf32, #tpu.memory_space<vmem_shared>>)
        tpu.yield
      }) : () -> ()
    }
    %scan3A_29 = arith.constant 27 : i32
    %run_scoped3A_30 = arith.constant 1 : i32
    "tpu.region"() ({
      %run_scoped3A_87 = tpu.sem_alloc : memref<!tpu.dma_semaphore, #tpu.memory_space<semaphore_mem>>
      %dma_start3A = arith.constant 0 : i32
      %dma_start3A_88 = arith.constant 0 : i32
      %dma_start3A_89 = tpu.memref_slice %arg3[%arg0, %arg1, %run_scoped3A_30, %dma_start3A, %dma_start3A_88] : memref<2x16x3x27x128xi32, #tpu.memory_space<hbm>> -> memref<1x1x1x27x128xi32, #tpu.memory_space<hbm>>
      %dma_start3A_90 = tpu.memref_squeeze %dma_start3A_89 : memref<1x1x1x27x128xi32, #tpu.memory_space<hbm>> -> memref<27x128xi32, #tpu.memory_space<hbm>>
      %dma_start3A_91 = arith.constant 0 : i32
      %dma_start3A_92 = arith.constant 0 : i32
      %dma_start3A_93 = tpu.memref_slice %arg3[%arg0, %arg1, %run_scoped3A_30, %dma_start3A_91, %dma_start3A_92] : memref<2x16x3x27x128xi32, #tpu.memory_space<hbm>> -> memref<1x1x1x27x128xi32, #tpu.memory_space<hbm>>
      %dma_start3A_94 = tpu.memref_squeeze %dma_start3A_93 : memref<1x1x1x27x128xi32, #tpu.memory_space<hbm>> -> memref<27x128xi32, #tpu.memory_space<hbm>>
      tpu.enqueue_dma source(%dma_start3A_94 : memref<27x128xi32, #tpu.memory_space<hbm>>) target(%arg7 : memref<27x128xi32, #tpu.memory_space<vmem>>) target_semaphore(%run_scoped3A_87 : memref<!tpu.dma_semaphore, #tpu.memory_space<semaphore_mem>>)
      %dma_wait3A = arith.constant 0 : i32
      %dma_wait3A_95 = arith.constant 0 : i32
      %dma_wait3A_96 = tpu.memref_slice %arg3[%arg0, %arg1, %run_scoped3A_30, %dma_wait3A, %dma_wait3A_95] : memref<2x16x3x27x128xi32, #tpu.memory_space<hbm>> -> memref<1x1x1x27x128xi32, #tpu.memory_space<hbm>>
      %dma_wait3A_97 = tpu.memref_squeeze %dma_wait3A_96 : memref<1x1x1x27x128xi32, #tpu.memory_space<hbm>> -> memref<27x128xi32, #tpu.memory_space<hbm>>
      %dma_wait3A_98 = arith.constant 0 : i32
      %dma_wait3A_99 = arith.constant 0 : i32
      %dma_wait3A_100 = tpu.memref_slice %arg3[%arg0, %arg1, %run_scoped3A_30, %dma_wait3A_98, %dma_wait3A_99] : memref<2x16x3x27x128xi32, #tpu.memory_space<hbm>> -> memref<1x1x1x27x128xi32, #tpu.memory_space<hbm>>
      %dma_wait3A_101 = tpu.memref_squeeze %dma_wait3A_100 : memref<1x1x1x27x128xi32, #tpu.memory_space<hbm>> -> memref<27x128xi32, #tpu.memory_space<hbm>>
      tpu.wait_dma2 semaphore(%run_scoped3A_87 : memref<!tpu.dma_semaphore, #tpu.memory_space<semaphore_mem>>) src(%dma_wait3A_101 : memref<27x128xi32, #tpu.memory_space<hbm>>) dst(%arg7 : memref<27x128xi32, #tpu.memory_space<vmem>>)
      tpu.yield
    }) : () -> ()
    %run_scoped3A_31 = arith.constant 1 : i32
    "tpu.region"() ({
      %run_scoped3A_87 = tpu.sem_alloc : memref<!tpu.dma_semaphore, #tpu.memory_space<semaphore_mem>>
      %dma_start3A = arith.constant 0 : i32
      %dma_start3A_88 = arith.constant 0 : i32
      %dma_start3A_89 = tpu.memref_slice %arg4[%arg0, %arg1, %run_scoped3A_31, %dma_start3A, %dma_start3A_88] : memref<2x16x3x27x128xi32, #tpu.memory_space<hbm>> -> memref<1x1x1x27x128xi32, #tpu.memory_space<hbm>>
      %dma_start3A_90 = tpu.memref_squeeze %dma_start3A_89 : memref<1x1x1x27x128xi32, #tpu.memory_space<hbm>> -> memref<27x128xi32, #tpu.memory_space<hbm>>
      %dma_start3A_91 = arith.constant 0 : i32
      %dma_start3A_92 = arith.constant 0 : i32
      %dma_start3A_93 = tpu.memref_slice %arg4[%arg0, %arg1, %run_scoped3A_31, %dma_start3A_91, %dma_start3A_92] : memref<2x16x3x27x128xi32, #tpu.memory_space<hbm>> -> memref<1x1x1x27x128xi32, #tpu.memory_space<hbm>>
      %dma_start3A_94 = tpu.memref_squeeze %dma_start3A_93 : memref<1x1x1x27x128xi32, #tpu.memory_space<hbm>> -> memref<27x128xi32, #tpu.memory_space<hbm>>
      tpu.enqueue_dma source(%dma_start3A_94 : memref<27x128xi32, #tpu.memory_space<hbm>>) target(%arg8 : memref<27x128xi32, #tpu.memory_space<vmem>>) target_semaphore(%run_scoped3A_87 : memref<!tpu.dma_semaphore, #tpu.memory_space<semaphore_mem>>)
      %dma_wait3A = arith.constant 0 : i32
      %dma_wait3A_95 = arith.constant 0 : i32
      %dma_wait3A_96 = tpu.memref_slice %arg4[%arg0, %arg1, %run_scoped3A_31, %dma_wait3A, %dma_wait3A_95] : memref<2x16x3x27x128xi32, #tpu.memory_space<hbm>> -> memref<1x1x1x27x128xi32, #tpu.memory_space<hbm>>
      %dma_wait3A_97 = tpu.memref_squeeze %dma_wait3A_96 : memref<1x1x1x27x128xi32, #tpu.memory_space<hbm>> -> memref<27x128xi32, #tpu.memory_space<hbm>>
      %dma_wait3A_98 = arith.constant 0 : i32
      %dma_wait3A_99 = arith.constant 0 : i32
      %dma_wait3A_100 = tpu.memref_slice %arg4[%arg0, %arg1, %run_scoped3A_31, %dma_wait3A_98, %dma_wait3A_99] : memref<2x16x3x27x128xi32, #tpu.memory_space<hbm>> -> memref<1x1x1x27x128xi32, #tpu.memory_space<hbm>>
      %dma_wait3A_101 = tpu.memref_squeeze %dma_wait3A_100 : memref<1x1x1x27x128xi32, #tpu.memory_space<hbm>> -> memref<27x128xi32, #tpu.memory_space<hbm>>
      tpu.wait_dma2 semaphore(%run_scoped3A_87 : memref<!tpu.dma_semaphore, #tpu.memory_space<semaphore_mem>>) src(%dma_wait3A_101 : memref<27x128xi32, #tpu.memory_space<hbm>>) dst(%arg8 : memref<27x128xi32, #tpu.memory_space<vmem>>)
      tpu.yield
    }) : () -> ()
    %scan3A_32 = arith.constant 0 : i32
    %scan3A_33 = arith.constant 0 : i32
    %scan3A_34 = arith.constant 27 : i32
    %scan3A_35 = arith.addi %scan3A_33, %scan3A_34 : i32
    %scan3A_36 = arith.constant 1 : i32
    scf.for %scan3A_87 = %scan3A_33 to %scan3A_35 step %scan3A_36  : i32 {
      "tpu.region"() ({
        %run_scoped3A_88 = tpu.sem_alloc : memref<!tpu.dma_semaphore, #tpu.memory_space<semaphore_mem>>
        %dma_start3A = arith.constant 0 : i32
        %dma_start3A_89 = tpu.memref_slice %arg7[%scan3A_87, %dma_start3A] : memref<27x128xi32, #tpu.memory_space<vmem>> -> memref<1x128xi32, #tpu.memory_space<vmem>>
        %dma_start3A_90 = tpu.memref_squeeze %dma_start3A_89 : memref<1x128xi32, #tpu.memory_space<vmem>> -> memref<128xi32, #tpu.memory_space<vmem>>
        %dma_start3A_91 = arith.constant 0 : i32
        %dma_start3A_92 = arith.constant 0 : i32
        %dma_start3A_93 = tpu.memref_slice %arg2[%dma_start3A_91, %dma_start3A_92] : memref<10112x128xf32, #tpu.memory_space<hbm>> -> memref<10112x128xf32, #tpu.memory_space<hbm>>
        tpu.enqueue_indirect_dma source(%dma_start3A_93 : memref<10112x128xf32, #tpu.memory_space<hbm>>) target(%arg9 : memref<128x128xf32, #tpu.memory_space<vmem>>) offsets(%dma_start3A_90 : memref<128xi32, #tpu.memory_space<vmem>>) semaphore(%run_scoped3A_88 : memref<!tpu.dma_semaphore, #tpu.memory_space<semaphore_mem>>)
        %dma_wait3A = arith.constant 0 : i32
        %dma_wait3A_94 = tpu.memref_slice %arg7[%scan3A_87, %dma_wait3A] : memref<27x128xi32, #tpu.memory_space<vmem>> -> memref<1x128xi32, #tpu.memory_space<vmem>>
        %dma_wait3A_95 = tpu.memref_squeeze %dma_wait3A_94 : memref<1x128xi32, #tpu.memory_space<vmem>> -> memref<128xi32, #tpu.memory_space<vmem>>
        %dma_wait3A_96 = arith.constant 0 : i32
        %dma_wait3A_97 = arith.constant 0 : i32
        %dma_wait3A_98 = tpu.memref_slice %arg2[%dma_wait3A_96, %dma_wait3A_97] : memref<10112x128xf32, #tpu.memory_space<hbm>> -> memref<10112x128xf32, #tpu.memory_space<hbm>>
        tpu.wait_indirect_dma semaphore(%run_scoped3A_88 : memref<!tpu.dma_semaphore, #tpu.memory_space<semaphore_mem>>) src(%dma_wait3A_98 : memref<10112x128xf32, #tpu.memory_space<hbm>>) dst(%arg9 : memref<128x128xf32, #tpu.memory_space<vmem>>)
        tpu.yield
      }) : () -> ()
      "tpu.region"() ({
        %run_scoped3A_88 = tpu.sem_alloc : memref<!tpu.dma_semaphore, #tpu.memory_space<semaphore_mem>>
        %dma_start3A = arith.constant 0 : i32
        %dma_start3A_89 = tpu.memref_slice %arg8[%scan3A_87, %dma_start3A] : memref<27x128xi32, #tpu.memory_space<vmem>> -> memref<1x128xi32, #tpu.memory_space<vmem>>
        %dma_start3A_90 = tpu.memref_squeeze %dma_start3A_89 : memref<1x128xi32, #tpu.memory_space<vmem>> -> memref<128xi32, #tpu.memory_space<vmem>>
        %dma_start3A_91 = arith.constant 0 : i32
        %dma_start3A_92 = arith.constant 0 : i32
        %dma_start3A_93 = tpu.memref_slice %arg6[%dma_start3A_91, %dma_start3A_92] : memref<10112x128xf32, #tpu.memory_space<vmem_shared>> -> memref<10112x128xf32, #tpu.memory_space<vmem_shared>>
        tpu.enqueue_indirect_dma source(%arg9 : memref<128x128xf32, #tpu.memory_space<vmem>>) target(%dma_start3A_93 : memref<10112x128xf32, #tpu.memory_space<vmem_shared>>) offsets(%dma_start3A_90 : memref<128xi32, #tpu.memory_space<vmem>>) semaphore(%run_scoped3A_88 : memref<!tpu.dma_semaphore, #tpu.memory_space<semaphore_mem>>) {add = true}
        %dma_wait3A = arith.constant 0 : i32
        %dma_wait3A_94 = tpu.memref_slice %arg8[%scan3A_87, %dma_wait3A] : memref<27x128xi32, #tpu.memory_space<vmem>> -> memref<1x128xi32, #tpu.memory_space<vmem>>
        %dma_wait3A_95 = tpu.memref_squeeze %dma_wait3A_94 : memref<1x128xi32, #tpu.memory_space<vmem>> -> memref<128xi32, #tpu.memory_space<vmem>>
        %dma_wait3A_96 = arith.constant 0 : i32
        %dma_wait3A_97 = arith.constant 0 : i32
        %dma_wait3A_98 = tpu.memref_slice %arg6[%dma_wait3A_96, %dma_wait3A_97] : memref<10112x128xf32, #tpu.memory_space<vmem_shared>> -> memref<10112x128xf32, #tpu.memory_space<vmem_shared>>
        tpu.wait_indirect_dma semaphore(%run_scoped3A_88 : memref<!tpu.dma_semaphore, #tpu.memory_space<semaphore_mem>>) src(%arg9 : memref<128x128xf32, #tpu.memory_space<vmem>>) dst(%dma_wait3A_98 : memref<10112x128xf32, #tpu.memory_space<vmem_shared>>)
        tpu.yield
      }) : () -> ()
    }
    %scan3A_37 = arith.constant 27 : i32
    %run_scoped3A_38 = arith.constant 2 : i32
    "tpu.region"() ({
      %run_scoped3A_87 = tpu.sem_alloc : memref<!tpu.dma_semaphore, #tpu.memory_space<semaphore_mem>>
      %dma_start3A = arith.constant 0 : i32
      %dma_start3A_88 = arith.constant 0 : i32
      %dma_start3A_89 = tpu.memref_slice %arg3[%arg0, %arg1, %run_scoped3A_38, %dma_start3A, %dma_start3A_88] : memref<2x16x3x27x128xi32, #tpu.memory_space<hbm>> -> memref<1x1x1x27x128xi32, #tpu.memory_space<hbm>>
      %dma_start3A_90 = tpu.memref_squeeze %dma_start3A_89 : memref<1x1x1x27x128xi32, #tpu.memory_space<hbm>> -> memref<27x128xi32, #tpu.memory_space<hbm>>
      %dma_start3A_91 = arith.constant 0 : i32
      %dma_start3A_92 = arith.constant 0 : i32
      %dma_start3A_93 = tpu.memref_slice %arg3[%arg0, %arg1, %run_scoped3A_38, %dma_start3A_91, %dma_start3A_92] : memref<2x16x3x27x128xi32, #tpu.memory_space<hbm>> -> memref<1x1x1x27x128xi32, #tpu.memory_space<hbm>>
      %dma_start3A_94 = tpu.memref_squeeze %dma_start3A_93 : memref<1x1x1x27x128xi32, #tpu.memory_space<hbm>> -> memref<27x128xi32, #tpu.memory_space<hbm>>
      tpu.enqueue_dma source(%dma_start3A_94 : memref<27x128xi32, #tpu.memory_space<hbm>>) target(%arg7 : memref<27x128xi32, #tpu.memory_space<vmem>>) target_semaphore(%run_scoped3A_87 : memref<!tpu.dma_semaphore, #tpu.memory_space<semaphore_mem>>)
      %dma_wait3A = arith.constant 0 : i32
      %dma_wait3A_95 = arith.constant 0 : i32
      %dma_wait3A_96 = tpu.memref_slice %arg3[%arg0, %arg1, %run_scoped3A_38, %dma_wait3A, %dma_wait3A_95] : memref<2x16x3x27x128xi32, #tpu.memory_space<hbm>> -> memref<1x1x1x27x128xi32, #tpu.memory_space<hbm>>
      %dma_wait3A_97 = tpu.memref_squeeze %dma_wait3A_96 : memref<1x1x1x27x128xi32, #tpu.memory_space<hbm>> -> memref<27x128xi32, #tpu.memory_space<hbm>>
      %dma_wait3A_98 = arith.constant 0 : i32
      %dma_wait3A_99 = arith.constant 0 : i32
      %dma_wait3A_100 = tpu.memref_slice %arg3[%arg0, %arg1, %run_scoped3A_38, %dma_wait3A_98, %dma_wait3A_99] : memref<2x16x3x27x128xi32, #tpu.memory_space<hbm>> -> memref<1x1x1x27x128xi32, #tpu.memory_space<hbm>>
      %dma_wait3A_101 = tpu.memref_squeeze %dma_wait3A_100 : memref<1x1x1x27x128xi32, #tpu.memory_space<hbm>> -> memref<27x128xi32, #tpu.memory_space<hbm>>
      tpu.wait_dma2 semaphore(%run_scoped3A_87 : memref<!tpu.dma_semaphore, #tpu.memory_space<semaphore_mem>>) src(%dma_wait3A_101 : memref<27x128xi32, #tpu.memory_space<hbm>>) dst(%arg7 : memref<27x128xi32, #tpu.memory_space<vmem>>)
      tpu.yield
    }) : () -> ()
    %run_scoped3A_39 = arith.constant 2 : i32
    "tpu.region"() ({
      %run_scoped3A_87 = tpu.sem_alloc : memref<!tpu.dma_semaphore, #tpu.memory_space<semaphore_mem>>
      %dma_start3A = arith.constant 0 : i32
      %dma_start3A_88 = arith.constant 0 : i32
      %dma_start3A_89 = tpu.memref_slice %arg4[%arg0, %arg1, %run_scoped3A_39, %dma_start3A, %dma_start3A_88] : memref<2x16x3x27x128xi32, #tpu.memory_space<hbm>> -> memref<1x1x1x27x128xi32, #tpu.memory_space<hbm>>
      %dma_start3A_90 = tpu.memref_squeeze %dma_start3A_89 : memref<1x1x1x27x128xi32, #tpu.memory_space<hbm>> -> memref<27x128xi32, #tpu.memory_space<hbm>>
      %dma_start3A_91 = arith.constant 0 : i32
      %dma_start3A_92 = arith.constant 0 : i32
      %dma_start3A_93 = tpu.memref_slice %arg4[%arg0, %arg1, %run_scoped3A_39, %dma_start3A_91, %dma_start3A_92] : memref<2x16x3x27x128xi32, #tpu.memory_space<hbm>> -> memref<1x1x1x27x128xi32, #tpu.memory_space<hbm>>
      %dma_start3A_94 = tpu.memref_squeeze %dma_start3A_93 : memref<1x1x1x27x128xi32, #tpu.memory_space<hbm>> -> memref<27x128xi32, #tpu.memory_space<hbm>>
      tpu.enqueue_dma source(%dma_start3A_94 : memref<27x128xi32, #tpu.memory_space<hbm>>) target(%arg8 : memref<27x128xi32, #tpu.memory_space<vmem>>) target_semaphore(%run_scoped3A_87 : memref<!tpu.dma_semaphore, #tpu.memory_space<semaphore_mem>>)
      %dma_wait3A = arith.constant 0 : i32
      %dma_wait3A_95 = arith.constant 0 : i32
      %dma_wait3A_96 = tpu.memref_slice %arg4[%arg0, %arg1, %run_scoped3A_39, %dma_wait3A, %dma_wait3A_95] : memref<2x16x3x27x128xi32, #tpu.memory_space<hbm>> -> memref<1x1x1x27x128xi32, #tpu.memory_space<hbm>>
      %dma_wait3A_97 = tpu.memref_squeeze %dma_wait3A_96 : memref<1x1x1x27x128xi32, #tpu.memory_space<hbm>> -> memref<27x128xi32, #tpu.memory_space<hbm>>
      %dma_wait3A_98 = arith.constant 0 : i32
      %dma_wait3A_99 = arith.constant 0 : i32
      %dma_wait3A_100 = tpu.memref_slice %arg4[%arg0, %arg1, %run_scoped3A_39, %dma_wait3A_98, %dma_wait3A_99] : memref<2x16x3x27x128xi32, #tpu.memory_space<hbm>> -> memref<1x1x1x27x128xi32, #tpu.memory_space<hbm>>
      %dma_wait3A_101 = tpu.memref_squeeze %dma_wait3A_100 : memref<1x1x1x27x128xi32, #tpu.memory_space<hbm>> -> memref<27x128xi32, #tpu.memory_space<hbm>>
      tpu.wait_dma2 semaphore(%run_scoped3A_87 : memref<!tpu.dma_semaphore, #tpu.memory_space<semaphore_mem>>) src(%dma_wait3A_101 : memref<27x128xi32, #tpu.memory_space<hbm>>) dst(%arg8 : memref<27x128xi32, #tpu.memory_space<vmem>>)
      tpu.yield
    }) : () -> ()
    %scan3A_40 = arith.constant 0 : i32
    %scan3A_41 = arith.constant 0 : i32
    %scan3A_42 = arith.constant 27 : i32
    %scan3A_43 = arith.addi %scan3A_41, %scan3A_42 : i32
    %scan3A_44 = arith.constant 1 : i32
    scf.for %scan3A_87 = %scan3A_41 to %scan3A_43 step %scan3A_44  : i32 {
      "tpu.region"() ({
        %run_scoped3A_88 = tpu.sem_alloc : memref<!tpu.dma_semaphore, #tpu.memory_space<semaphore_mem>>
        %dma_start3A = arith.constant 0 : i32
        %dma_start3A_89 = tpu.memref_slice %arg7[%scan3A_87, %dma_start3A] : memref<27x128xi32, #tpu.memory_space<vmem>> -> memref<1x128xi32, #tpu.memory_space<vmem>>
        %dma_start3A_90 = tpu.memref_squeeze %dma_start3A_89 : memref<1x128xi32, #tpu.memory_space<vmem>> -> memref<128xi32, #tpu.memory_space<vmem>>
        %dma_start3A_91 = arith.constant 0 : i32
        %dma_start3A_92 = arith.constant 0 : i32
        %dma_start3A_93 = tpu.memref_slice %arg2[%dma_start3A_91, %dma_start3A_92] : memref<10112x128xf32, #tpu.memory_space<hbm>> -> memref<10112x128xf32, #tpu.memory_space<hbm>>
        tpu.enqueue_indirect_dma source(%dma_start3A_93 : memref<10112x128xf32, #tpu.memory_space<hbm>>) target(%arg9 : memref<128x128xf32, #tpu.memory_space<vmem>>) offsets(%dma_start3A_90 : memref<128xi32, #tpu.memory_space<vmem>>) semaphore(%run_scoped3A_88 : memref<!tpu.dma_semaphore, #tpu.memory_space<semaphore_mem>>)
        %dma_wait3A = arith.constant 0 : i32
        %dma_wait3A_94 = tpu.memref_slice %arg7[%scan3A_87, %dma_wait3A] : memref<27x128xi32, #tpu.memory_space<vmem>> -> memref<1x128xi32, #tpu.memory_space<vmem>>
        %dma_wait3A_95 = tpu.memref_squeeze %dma_wait3A_94 : memref<1x128xi32, #tpu.memory_space<vmem>> -> memref<128xi32, #tpu.memory_space<vmem>>
        %dma_wait3A_96 = arith.constant 0 : i32
        %dma_wait3A_97 = arith.constant 0 : i32
        %dma_wait3A_98 = tpu.memref_slice %arg2[%dma_wait3A_96, %dma_wait3A_97] : memref<10112x128xf32, #tpu.memory_space<hbm>> -> memref<10112x128xf32, #tpu.memory_space<hbm>>
        tpu.wait_indirect_dma semaphore(%run_scoped3A_88 : memref<!tpu.dma_semaphore, #tpu.memory_space<semaphore_mem>>) src(%dma_wait3A_98 : memref<10112x128xf32, #tpu.memory_space<hbm>>) dst(%arg9 : memref<128x128xf32, #tpu.memory_space<vmem>>)
        tpu.yield
      }) : () -> ()
      "tpu.region"() ({
        %run_scoped3A_88 = tpu.sem_alloc : memref<!tpu.dma_semaphore, #tpu.memory_space<semaphore_mem>>
        %dma_start3A = arith.constant 0 : i32
        %dma_start3A_89 = tpu.memref_slice %arg8[%scan3A_87, %dma_start3A] : memref<27x128xi32, #tpu.memory_space<vmem>> -> memref<1x128xi32, #tpu.memory_space<vmem>>
        %dma_start3A_90 = tpu.memref_squeeze %dma_start3A_89 : memref<1x128xi32, #tpu.memory_space<vmem>> -> memref<128xi32, #tpu.memory_space<vmem>>
        %dma_start3A_91 = arith.constant 0 : i32
        %dma_start3A_92 = arith.constant 0 : i32
        %dma_start3A_93 = tpu.memref_slice %arg6[%dma_start3A_91, %dma_start3A_92] : memref<10112x128xf32, #tpu.memory_space<vmem_shared>> -> memref<10112x128xf32, #tpu.memory_space<vmem_shared>>
        tpu.enqueue_indirect_dma source(%arg9 : memref<128x128xf32, #tpu.memory_space<vmem>>) target(%dma_start3A_93 : memref<10112x128xf32, #tpu.memory_space<vmem_shared>>) offsets(%dma_start3A_90 : memref<128xi32, #tpu.memory_space<vmem>>) semaphore(%run_scoped3A_88 : memref<!tpu.dma_semaphore, #tpu.memory_space<semaphore_mem>>) {add = true}
        %dma_wait3A = arith.constant 0 : i32
        %dma_wait3A_94 = tpu.memref_slice %arg8[%scan3A_87, %dma_wait3A] : memref<27x128xi32, #tpu.memory_space<vmem>> -> memref<1x128xi32, #tpu.memory_space<vmem>>
        %dma_wait3A_95 = tpu.memref_squeeze %dma_wait3A_94 : memref<1x128xi32, #tpu.memory_space<vmem>> -> memref<128xi32, #tpu.memory_space<vmem>>
        %dma_wait3A_96 = arith.constant 0 : i32
        %dma_wait3A_97 = arith.constant 0 : i32
        %dma_wait3A_98 = tpu.memref_slice %arg6[%dma_wait3A_96, %dma_wait3A_97] : memref<10112x128xf32, #tpu.memory_space<vmem_shared>> -> memref<10112x128xf32, #tpu.memory_space<vmem_shared>>
        tpu.wait_indirect_dma semaphore(%run_scoped3A_88 : memref<!tpu.dma_semaphore, #tpu.memory_space<semaphore_mem>>) src(%arg9 : memref<128x128xf32, #tpu.memory_space<vmem>>) dst(%dma_wait3A_98 : memref<10112x128xf32, #tpu.memory_space<vmem_shared>>)
        tpu.yield
      }) : () -> ()
    }
    %scan3A_45 = arith.constant 27 : i32
    %barrier3A_46 = arith.constant 0 : index
    tpu.barrier barrier_id(%barrier3A_46)
    %mul3A_47 = arith.constant 632 : i32
    %mul3A_48 = arith.muli %arg1, %mul3A_47 : i32
    %add3A_49 = arith.constant 0 : i32
    %add3A_50 = arith.addi %mul3A_48, %add3A_49 : i32
    "tpu.region"() ({
      %run_scoped3A_87 = tpu.sem_alloc : memref<!tpu.dma_semaphore, #tpu.memory_space<semaphore_mem>>
      %dma_start3A = arith.constant 0 : i32
      %dma_start3A_88 = arith.constant 0 : i32
      %dma_start3A_89 = tpu.memref_slice %arg9[%dma_start3A, %dma_start3A_88] : memref<128x128xf32, #tpu.memory_space<vmem>> -> memref<128x128xf32, #tpu.memory_space<vmem>>
      %dma_start3A_90 = arith.constant 0 : i32
      %dma_start3A_91 = tpu.memref_slice %arg6[%add3A_50, %dma_start3A_90] : memref<10112x128xf32, #tpu.memory_space<vmem_shared>> -> memref<128x128xf32, #tpu.memory_space<vmem_shared>>
      %dma_start3A_92 = arith.constant 0 : i32
      %dma_start3A_93 = arith.constant 0 : i32
      %dma_start3A_94 = tpu.memref_slice %arg9[%dma_start3A_92, %dma_start3A_93] : memref<128x128xf32, #tpu.memory_space<vmem>> -> memref<128x128xf32, #tpu.memory_space<vmem>>
      %dma_start3A_95 = arith.constant 0 : i32
      %dma_start3A_96 = tpu.memref_slice %arg6[%add3A_50, %dma_start3A_95] : memref<10112x128xf32, #tpu.memory_space<vmem_shared>> -> memref<128x128xf32, #tpu.memory_space<vmem_shared>>
      tpu.enqueue_dma source(%dma_start3A_96 : memref<128x128xf32, #tpu.memory_space<vmem_shared>>) target(%dma_start3A_94 : memref<128x128xf32, #tpu.memory_space<vmem>>) target_semaphore(%run_scoped3A_87 : memref<!tpu.dma_semaphore, #tpu.memory_space<semaphore_mem>>)
      %dma_wait3A = arith.constant 0 : i32
      %dma_wait3A_97 = arith.constant 0 : i32
      %dma_wait3A_98 = tpu.memref_slice %arg9[%dma_wait3A, %dma_wait3A_97] : memref<128x128xf32, #tpu.memory_space<vmem>> -> memref<128x128xf32, #tpu.memory_space<vmem>>
      %dma_wait3A_99 = arith.constant 0 : i32
      %dma_wait3A_100 = tpu.memref_slice %arg6[%add3A_50, %dma_wait3A_99] : memref<10112x128xf32, #tpu.memory_space<vmem_shared>> -> memref<128x128xf32, #tpu.memory_space<vmem_shared>>
      %dma_wait3A_101 = arith.constant 0 : i32
      %dma_wait3A_102 = arith.constant 0 : i32
      %dma_wait3A_103 = tpu.memref_slice %arg9[%dma_wait3A_101, %dma_wait3A_102] : memref<128x128xf32, #tpu.memory_space<vmem>> -> memref<128x128xf32, #tpu.memory_space<vmem>>
      %dma_wait3A_104 = arith.constant 0 : i32
      %dma_wait3A_105 = tpu.memref_slice %arg6[%add3A_50, %dma_wait3A_104] : memref<10112x128xf32, #tpu.memory_space<vmem_shared>> -> memref<128x128xf32, #tpu.memory_space<vmem_shared>>
      tpu.wait_dma2 semaphore(%run_scoped3A_87 : memref<!tpu.dma_semaphore, #tpu.memory_space<semaphore_mem>>) src(%dma_wait3A_105 : memref<128x128xf32, #tpu.memory_space<vmem_shared>>) dst(%dma_wait3A_103 : memref<128x128xf32, #tpu.memory_space<vmem>>)
      tpu.yield
    }) : () -> ()
    %mul3A_51 = arith.constant 632 : i32
    %mul3A_52 = arith.muli %arg1, %mul3A_51 : i32
    %add3A_53 = arith.constant 0 : i32
    %add3A_54 = arith.addi %mul3A_52, %add3A_53 : i32
    "tpu.region"() ({
      %run_scoped3A_87 = tpu.sem_alloc : memref<!tpu.dma_semaphore, #tpu.memory_space<semaphore_mem>>
      %dma_start3A = arith.constant 0 : i32
      %dma_start3A_88 = arith.constant 0 : i32
      %dma_start3A_89 = tpu.memref_slice %arg9[%dma_start3A, %dma_start3A_88] : memref<128x128xf32, #tpu.memory_space<vmem>> -> memref<128x128xf32, #tpu.memory_space<vmem>>
      %dma_start3A_90 = arith.constant 0 : i32
      %dma_start3A_91 = tpu.memref_slice %arg5[%arg0, %add3A_54, %dma_start3A_90] : memref<2x10112x128xf32, #tpu.memory_space<hbm>> -> memref<1x128x128xf32, #tpu.memory_space<hbm>>
      %dma_start3A_92 = tpu.memref_squeeze %dma_start3A_91 : memref<1x128x128xf32, #tpu.memory_space<hbm>> -> memref<128x128xf32, #tpu.memory_space<hbm>>
      %dma_start3A_93 = arith.constant 0 : i32
      %dma_start3A_94 = tpu.memref_slice %arg5[%arg0, %add3A_54, %dma_start3A_93] : memref<2x10112x128xf32, #tpu.memory_space<hbm>> -> memref<1x128x128xf32, #tpu.memory_space<hbm>>
      %dma_start3A_95 = tpu.memref_squeeze %dma_start3A_94 : memref<1x128x128xf32, #tpu.memory_space<hbm>> -> memref<128x128xf32, #tpu.memory_space<hbm>>
      %dma_start3A_96 = arith.constant 0 : i32
      %dma_start3A_97 = arith.constant 0 : i32
      %dma_start3A_98 = tpu.memref_slice %arg9[%dma_start3A_96, %dma_start3A_97] : memref<128x128xf32, #tpu.memory_space<vmem>> -> memref<128x128xf32, #tpu.memory_space<vmem>>
      tpu.enqueue_dma source(%dma_start3A_98 : memref<128x128xf32, #tpu.memory_space<vmem>>) target(%dma_start3A_95 : memref<128x128xf32, #tpu.memory_space<hbm>>) target_semaphore(%run_scoped3A_87 : memref<!tpu.dma_semaphore, #tpu.memory_space<semaphore_mem>>)
      %dma_wait3A = arith.constant 0 : i32
      %dma_wait3A_99 = arith.constant 0 : i32
      %dma_wait3A_100 = tpu.memref_slice %arg9[%dma_wait3A, %dma_wait3A_99] : memref<128x128xf32, #tpu.memory_space<vmem>> -> memref<128x128xf32, #tpu.memory_space<vmem>>
      %dma_wait3A_101 = arith.constant 0 : i32
      %dma_wait3A_102 = tpu.memref_slice %arg5[%arg0, %add3A_54, %dma_wait3A_101] : memref<2x10112x128xf32, #tpu.memory_space<hbm>> -> memref<1x128x128xf32, #tpu.memory_space<hbm>>
      %dma_wait3A_103 = tpu.memref_squeeze %dma_wait3A_102 : memref<1x128x128xf32, #tpu.memory_space<hbm>> -> memref<128x128xf32, #tpu.memory_space<hbm>>
      %dma_wait3A_104 = arith.constant 0 : i32
      %dma_wait3A_105 = tpu.memref_slice %arg5[%arg0, %add3A_54, %dma_wait3A_104] : memref<2x10112x128xf32, #tpu.memory_space<hbm>> -> memref<1x128x128xf32, #tpu.memory_space<hbm>>
      %dma_wait3A_106 = tpu.memref_squeeze %dma_wait3A_105 : memref<1x128x128xf32, #tpu.memory_space<hbm>> -> memref<128x128xf32, #tpu.memory_space<hbm>>
      %dma_wait3A_107 = arith.constant 0 : i32
      %dma_wait3A_108 = arith.constant 0 : i32
      %dma_wait3A_109 = tpu.memref_slice %arg9[%dma_wait3A_107, %dma_wait3A_108] : memref<128x128xf32, #tpu.memory_space<vmem>> -> memref<128x128xf32, #tpu.memory_space<vmem>>
      tpu.wait_dma2 semaphore(%run_scoped3A_87 : memref<!tpu.dma_semaphore, #tpu.memory_space<semaphore_mem>>) src(%dma_wait3A_109 : memref<128x128xf32, #tpu.memory_space<vmem>>) dst(%dma_wait3A_106 : memref<128x128xf32, #tpu.memory_space<hbm>>)
      tpu.yield
    }) : () -> ()
    %mul3A_55 = arith.constant 632 : i32
    %mul3A_56 = arith.muli %arg1, %mul3A_55 : i32
    %add3A_57 = arith.constant 128 : i32
    %add3A_58 = arith.addi %mul3A_56, %add3A_57 : i32
    "tpu.region"() ({
      %run_scoped3A_87 = tpu.sem_alloc : memref<!tpu.dma_semaphore, #tpu.memory_space<semaphore_mem>>
      %dma_start3A = arith.constant 0 : i32
      %dma_start3A_88 = arith.constant 0 : i32
      %dma_start3A_89 = tpu.memref_slice %arg9[%dma_start3A, %dma_start3A_88] : memref<128x128xf32, #tpu.memory_space<vmem>> -> memref<128x128xf32, #tpu.memory_space<vmem>>
      %dma_start3A_90 = arith.constant 0 : i32
      %dma_start3A_91 = tpu.memref_slice %arg6[%add3A_58, %dma_start3A_90] : memref<10112x128xf32, #tpu.memory_space<vmem_shared>> -> memref<128x128xf32, #tpu.memory_space<vmem_shared>>
      %dma_start3A_92 = arith.constant 0 : i32
      %dma_start3A_93 = arith.constant 0 : i32
      %dma_start3A_94 = tpu.memref_slice %arg9[%dma_start3A_92, %dma_start3A_93] : memref<128x128xf32, #tpu.memory_space<vmem>> -> memref<128x128xf32, #tpu.memory_space<vmem>>
      %dma_start3A_95 = arith.constant 0 : i32
      %dma_start3A_96 = tpu.memref_slice %arg6[%add3A_58, %dma_start3A_95] : memref<10112x128xf32, #tpu.memory_space<vmem_shared>> -> memref<128x128xf32, #tpu.memory_space<vmem_shared>>
      tpu.enqueue_dma source(%dma_start3A_96 : memref<128x128xf32, #tpu.memory_space<vmem_shared>>) target(%dma_start3A_94 : memref<128x128xf32, #tpu.memory_space<vmem>>) target_semaphore(%run_scoped3A_87 : memref<!tpu.dma_semaphore, #tpu.memory_space<semaphore_mem>>)
      %dma_wait3A = arith.constant 0 : i32
      %dma_wait3A_97 = arith.constant 0 : i32
      %dma_wait3A_98 = tpu.memref_slice %arg9[%dma_wait3A, %dma_wait3A_97] : memref<128x128xf32, #tpu.memory_space<vmem>> -> memref<128x128xf32, #tpu.memory_space<vmem>>
      %dma_wait3A_99 = arith.constant 0 : i32
      %dma_wait3A_100 = tpu.memref_slice %arg6[%add3A_58, %dma_wait3A_99] : memref<10112x128xf32, #tpu.memory_space<vmem_shared>> -> memref<128x128xf32, #tpu.memory_space<vmem_shared>>
      %dma_wait3A_101 = arith.constant 0 : i32
      %dma_wait3A_102 = arith.constant 0 : i32
      %dma_wait3A_103 = tpu.memref_slice %arg9[%dma_wait3A_101, %dma_wait3A_102] : memref<128x128xf32, #tpu.memory_space<vmem>> -> memref<128x128xf32, #tpu.memory_space<vmem>>
      %dma_wait3A_104 = arith.constant 0 : i32
      %dma_wait3A_105 = tpu.memref_slice %arg6[%add3A_58, %dma_wait3A_104] : memref<10112x128xf32, #tpu.memory_space<vmem_shared>> -> memref<128x128xf32, #tpu.memory_space<vmem_shared>>
      tpu.wait_dma2 semaphore(%run_scoped3A_87 : memref<!tpu.dma_semaphore, #tpu.memory_space<semaphore_mem>>) src(%dma_wait3A_105 : memref<128x128xf32, #tpu.memory_space<vmem_shared>>) dst(%dma_wait3A_103 : memref<128x128xf32, #tpu.memory_space<vmem>>)
      tpu.yield
    }) : () -> ()
    %mul3A_59 = arith.constant 632 : i32
    %mul3A_60 = arith.muli %arg1, %mul3A_59 : i32
    %add3A_61 = arith.constant 128 : i32
    %add3A_62 = arith.addi %mul3A_60, %add3A_61 : i32
    "tpu.region"() ({
      %run_scoped3A_87 = tpu.sem_alloc : memref<!tpu.dma_semaphore, #tpu.memory_space<semaphore_mem>>
      %dma_start3A = arith.constant 0 : i32
      %dma_start3A_88 = arith.constant 0 : i32
      %dma_start3A_89 = tpu.memref_slice %arg9[%dma_start3A, %dma_start3A_88] : memref<128x128xf32, #tpu.memory_space<vmem>> -> memref<128x128xf32, #tpu.memory_space<vmem>>
      %dma_start3A_90 = arith.constant 0 : i32
      %dma_start3A_91 = tpu.memref_slice %arg5[%arg0, %add3A_62, %dma_start3A_90] : memref<2x10112x128xf32, #tpu.memory_space<hbm>> -> memref<1x128x128xf32, #tpu.memory_space<hbm>>
      %dma_start3A_92 = tpu.memref_squeeze %dma_start3A_91 : memref<1x128x128xf32, #tpu.memory_space<hbm>> -> memref<128x128xf32, #tpu.memory_space<hbm>>
      %dma_start3A_93 = arith.constant 0 : i32
      %dma_start3A_94 = tpu.memref_slice %arg5[%arg0, %add3A_62, %dma_start3A_93] : memref<2x10112x128xf32, #tpu.memory_space<hbm>> -> memref<1x128x128xf32, #tpu.memory_space<hbm>>
      %dma_start3A_95 = tpu.memref_squeeze %dma_start3A_94 : memref<1x128x128xf32, #tpu.memory_space<hbm>> -> memref<128x128xf32, #tpu.memory_space<hbm>>
      %dma_start3A_96 = arith.constant 0 : i32
      %dma_start3A_97 = arith.constant 0 : i32
      %dma_start3A_98 = tpu.memref_slice %arg9[%dma_start3A_96, %dma_start3A_97] : memref<128x128xf32, #tpu.memory_space<vmem>> -> memref<128x128xf32, #tpu.memory_space<vmem>>
      tpu.enqueue_dma source(%dma_start3A_98 : memref<128x128xf32, #tpu.memory_space<vmem>>) target(%dma_start3A_95 : memref<128x128xf32, #tpu.memory_space<hbm>>) target_semaphore(%run_scoped3A_87 : memref<!tpu.dma_semaphore, #tpu.memory_space<semaphore_mem>>)
      %dma_wait3A = arith.constant 0 : i32
      %dma_wait3A_99 = arith.constant 0 : i32
      %dma_wait3A_100 = tpu.memref_slice %arg9[%dma_wait3A, %dma_wait3A_99] : memref<128x128xf32, #tpu.memory_space<vmem>> -> memref<128x128xf32, #tpu.memory_space<vmem>>
      %dma_wait3A_101 = arith.constant 0 : i32
      %dma_wait3A_102 = tpu.memref_slice %arg5[%arg0, %add3A_62, %dma_wait3A_101] : memref<2x10112x128xf32, #tpu.memory_space<hbm>> -> memref<1x128x128xf32, #tpu.memory_space<hbm>>
      %dma_wait3A_103 = tpu.memref_squeeze %dma_wait3A_102 : memref<1x128x128xf32, #tpu.memory_space<hbm>> -> memref<128x128xf32, #tpu.memory_space<hbm>>
      %dma_wait3A_104 = arith.constant 0 : i32
      %dma_wait3A_105 = tpu.memref_slice %arg5[%arg0, %add3A_62, %dma_wait3A_104] : memref<2x10112x128xf32, #tpu.memory_space<hbm>> -> memref<1x128x128xf32, #tpu.memory_space<hbm>>
      %dma_wait3A_106 = tpu.memref_squeeze %dma_wait3A_105 : memref<1x128x128xf32, #tpu.memory_space<hbm>> -> memref<128x128xf32, #tpu.memory_space<hbm>>
      %dma_wait3A_107 = arith.constant 0 : i32
      %dma_wait3A_108 = arith.constant 0 : i32
      %dma_wait3A_109 = tpu.memref_slice %arg9[%dma_wait3A_107, %dma_wait3A_108] : memref<128x128xf32, #tpu.memory_space<vmem>> -> memref<128x128xf32, #tpu.memory_space<vmem>>
      tpu.wait_dma2 semaphore(%run_scoped3A_87 : memref<!tpu.dma_semaphore, #tpu.memory_space<semaphore_mem>>) src(%dma_wait3A_109 : memref<128x128xf32, #tpu.memory_space<vmem>>) dst(%dma_wait3A_106 : memref<128x128xf32, #tpu.memory_space<hbm>>)
      tpu.yield
    }) : () -> ()
    %mul3A_63 = arith.constant 632 : i32
    %mul3A_64 = arith.muli %arg1, %mul3A_63 : i32
    %add3A_65 = arith.constant 256 : i32
    %add3A_66 = arith.addi %mul3A_64, %add3A_65 : i32
    "tpu.region"() ({
      %run_scoped3A_87 = tpu.sem_alloc : memref<!tpu.dma_semaphore, #tpu.memory_space<semaphore_mem>>
      %dma_start3A = arith.constant 0 : i32
      %dma_start3A_88 = arith.constant 0 : i32
      %dma_start3A_89 = tpu.memref_slice %arg9[%dma_start3A, %dma_start3A_88] : memref<128x128xf32, #tpu.memory_space<vmem>> -> memref<128x128xf32, #tpu.memory_space<vmem>>
      %dma_start3A_90 = arith.constant 0 : i32
      %dma_start3A_91 = tpu.memref_slice %arg6[%add3A_66, %dma_start3A_90] : memref<10112x128xf32, #tpu.memory_space<vmem_shared>> -> memref<128x128xf32, #tpu.memory_space<vmem_shared>>
      %dma_start3A_92 = arith.constant 0 : i32
      %dma_start3A_93 = arith.constant 0 : i32
      %dma_start3A_94 = tpu.memref_slice %arg9[%dma_start3A_92, %dma_start3A_93] : memref<128x128xf32, #tpu.memory_space<vmem>> -> memref<128x128xf32, #tpu.memory_space<vmem>>
      %dma_start3A_95 = arith.constant 0 : i32
      %dma_start3A_96 = tpu.memref_slice %arg6[%add3A_66, %dma_start3A_95] : memref<10112x128xf32, #tpu.memory_space<vmem_shared>> -> memref<128x128xf32, #tpu.memory_space<vmem_shared>>
      tpu.enqueue_dma source(%dma_start3A_96 : memref<128x128xf32, #tpu.memory_space<vmem_shared>>) target(%dma_start3A_94 : memref<128x128xf32, #tpu.memory_space<vmem>>) target_semaphore(%run_scoped3A_87 : memref<!tpu.dma_semaphore, #tpu.memory_space<semaphore_mem>>)
      %dma_wait3A = arith.constant 0 : i32
      %dma_wait3A_97 = arith.constant 0 : i32
      %dma_wait3A_98 = tpu.memref_slice %arg9[%dma_wait3A, %dma_wait3A_97] : memref<128x128xf32, #tpu.memory_space<vmem>> -> memref<128x128xf32, #tpu.memory_space<vmem>>
      %dma_wait3A_99 = arith.constant 0 : i32
      %dma_wait3A_100 = tpu.memref_slice %arg6[%add3A_66, %dma_wait3A_99] : memref<10112x128xf32, #tpu.memory_space<vmem_shared>> -> memref<128x128xf32, #tpu.memory_space<vmem_shared>>
      %dma_wait3A_101 = arith.constant 0 : i32
      %dma_wait3A_102 = arith.constant 0 : i32
      %dma_wait3A_103 = tpu.memref_slice %arg9[%dma_wait3A_101, %dma_wait3A_102] : memref<128x128xf32, #tpu.memory_space<vmem>> -> memref<128x128xf32, #tpu.memory_space<vmem>>
      %dma_wait3A_104 = arith.constant 0 : i32
      %dma_wait3A_105 = tpu.memref_slice %arg6[%add3A_66, %dma_wait3A_104] : memref<10112x128xf32, #tpu.memory_space<vmem_shared>> -> memref<128x128xf32, #tpu.memory_space<vmem_shared>>
      tpu.wait_dma2 semaphore(%run_scoped3A_87 : memref<!tpu.dma_semaphore, #tpu.memory_space<semaphore_mem>>) src(%dma_wait3A_105 : memref<128x128xf32, #tpu.memory_space<vmem_shared>>) dst(%dma_wait3A_103 : memref<128x128xf32, #tpu.memory_space<vmem>>)
      tpu.yield
    }) : () -> ()
    %mul3A_67 = arith.constant 632 : i32
    %mul3A_68 = arith.muli %arg1, %mul3A_67 : i32
    %add3A_69 = arith.constant 256 : i32
    %add3A_70 = arith.addi %mul3A_68, %add3A_69 : i32
    "tpu.region"() ({
      %run_scoped3A_87 = tpu.sem_alloc : memref<!tpu.dma_semaphore, #tpu.memory_space<semaphore_mem>>
      %dma_start3A = arith.constant 0 : i32
      %dma_start3A_88 = arith.constant 0 : i32
      %dma_start3A_89 = tpu.memref_slice %arg9[%dma_start3A, %dma_start3A_88] : memref<128x128xf32, #tpu.memory_space<vmem>> -> memref<128x128xf32, #tpu.memory_space<vmem>>
      %dma_start3A_90 = arith.constant 0 : i32
      %dma_start3A_91 = tpu.memref_slice %arg5[%arg0, %add3A_70, %dma_start3A_90] : memref<2x10112x128xf32, #tpu.memory_space<hbm>> -> memref<1x128x128xf32, #tpu.memory_space<hbm>>
      %dma_start3A_92 = tpu.memref_squeeze %dma_start3A_91 : memref<1x128x128xf32, #tpu.memory_space<hbm>> -> memref<128x128xf32, #tpu.memory_space<hbm>>
      %dma_start3A_93 = arith.constant 0 : i32
      %dma_start3A_94 = tpu.memref_slice %arg5[%arg0, %add3A_70, %dma_start3A_93] : memref<2x10112x128xf32, #tpu.memory_space<hbm>> -> memref<1x128x128xf32, #tpu.memory_space<hbm>>
      %dma_start3A_95 = tpu.memref_squeeze %dma_start3A_94 : memref<1x128x128xf32, #tpu.memory_space<hbm>> -> memref<128x128xf32, #tpu.memory_space<hbm>>
      %dma_start3A_96 = arith.constant 0 : i32
      %dma_start3A_97 = arith.constant 0 : i32
      %dma_start3A_98 = tpu.memref_slice %arg9[%dma_start3A_96, %dma_start3A_97] : memref<128x128xf32, #tpu.memory_space<vmem>> -> memref<128x128xf32, #tpu.memory_space<vmem>>
      tpu.enqueue_dma source(%dma_start3A_98 : memref<128x128xf32, #tpu.memory_space<vmem>>) target(%dma_start3A_95 : memref<128x128xf32, #tpu.memory_space<hbm>>) target_semaphore(%run_scoped3A_87 : memref<!tpu.dma_semaphore, #tpu.memory_space<semaphore_mem>>)
      %dma_wait3A = arith.constant 0 : i32
      %dma_wait3A_99 = arith.constant 0 : i32
      %dma_wait3A_100 = tpu.memref_slice %arg9[%dma_wait3A, %dma_wait3A_99] : memref<128x128xf32, #tpu.memory_space<vmem>> -> memref<128x128xf32, #tpu.memory_space<vmem>>
      %dma_wait3A_101 = arith.constant 0 : i32
      %dma_wait3A_102 = tpu.memref_slice %arg5[%arg0, %add3A_70, %dma_wait3A_101] : memref<2x10112x128xf32, #tpu.memory_space<hbm>> -> memref<1x128x128xf32, #tpu.memory_space<hbm>>
      %dma_wait3A_103 = tpu.memref_squeeze %dma_wait3A_102 : memref<1x128x128xf32, #tpu.memory_space<hbm>> -> memref<128x128xf32, #tpu.memory_space<hbm>>
      %dma_wait3A_104 = arith.constant 0 : i32
      %dma_wait3A_105 = tpu.memref_slice %arg5[%arg0, %add3A_70, %dma_wait3A_104] : memref<2x10112x128xf32, #tpu.memory_space<hbm>> -> memref<1x128x128xf32, #tpu.memory_space<hbm>>
      %dma_wait3A_106 = tpu.memref_squeeze %dma_wait3A_105 : memref<1x128x128xf32, #tpu.memory_space<hbm>> -> memref<128x128xf32, #tpu.memory_space<hbm>>
      %dma_wait3A_107 = arith.constant 0 : i32
      %dma_wait3A_108 = arith.constant 0 : i32
      %dma_wait3A_109 = tpu.memref_slice %arg9[%dma_wait3A_107, %dma_wait3A_108] : memref<128x128xf32, #tpu.memory_space<vmem>> -> memref<128x128xf32, #tpu.memory_space<vmem>>
      tpu.wait_dma2 semaphore(%run_scoped3A_87 : memref<!tpu.dma_semaphore, #tpu.memory_space<semaphore_mem>>) src(%dma_wait3A_109 : memref<128x128xf32, #tpu.memory_space<vmem>>) dst(%dma_wait3A_106 : memref<128x128xf32, #tpu.memory_space<hbm>>)
      tpu.yield
    }) : () -> ()
    %mul3A_71 = arith.constant 632 : i32
    %mul3A_72 = arith.muli %arg1, %mul3A_71 : i32
    %add3A_73 = arith.constant 384 : i32
    %add3A_74 = arith.addi %mul3A_72, %add3A_73 : i32
    "tpu.region"() ({
      %run_scoped3A_87 = tpu.sem_alloc : memref<!tpu.dma_semaphore, #tpu.memory_space<semaphore_mem>>
      %dma_start3A = arith.constant 0 : i32
      %dma_start3A_88 = arith.constant 0 : i32
      %dma_start3A_89 = tpu.memref_slice %arg9[%dma_start3A, %dma_start3A_88] : memref<128x128xf32, #tpu.memory_space<vmem>> -> memref<128x128xf32, #tpu.memory_space<vmem>>
      %dma_start3A_90 = arith.constant 0 : i32
      %dma_start3A_91 = tpu.memref_slice %arg6[%add3A_74, %dma_start3A_90] : memref<10112x128xf32, #tpu.memory_space<vmem_shared>> -> memref<128x128xf32, #tpu.memory_space<vmem_shared>>
      %dma_start3A_92 = arith.constant 0 : i32
      %dma_start3A_93 = arith.constant 0 : i32
      %dma_start3A_94 = tpu.memref_slice %arg9[%dma_start3A_92, %dma_start3A_93] : memref<128x128xf32, #tpu.memory_space<vmem>> -> memref<128x128xf32, #tpu.memory_space<vmem>>
      %dma_start3A_95 = arith.constant 0 : i32
      %dma_start3A_96 = tpu.memref_slice %arg6[%add3A_74, %dma_start3A_95] : memref<10112x128xf32, #tpu.memory_space<vmem_shared>> -> memref<128x128xf32, #tpu.memory_space<vmem_shared>>
      tpu.enqueue_dma source(%dma_start3A_96 : memref<128x128xf32, #tpu.memory_space<vmem_shared>>) target(%dma_start3A_94 : memref<128x128xf32, #tpu.memory_space<vmem>>) target_semaphore(%run_scoped3A_87 : memref<!tpu.dma_semaphore, #tpu.memory_space<semaphore_mem>>)
      %dma_wait3A = arith.constant 0 : i32
      %dma_wait3A_97 = arith.constant 0 : i32
      %dma_wait3A_98 = tpu.memref_slice %arg9[%dma_wait3A, %dma_wait3A_97] : memref<128x128xf32, #tpu.memory_space<vmem>> -> memref<128x128xf32, #tpu.memory_space<vmem>>
      %dma_wait3A_99 = arith.constant 0 : i32
      %dma_wait3A_100 = tpu.memref_slice %arg6[%add3A_74, %dma_wait3A_99] : memref<10112x128xf32, #tpu.memory_space<vmem_shared>> -> memref<128x128xf32, #tpu.memory_space<vmem_shared>>
      %dma_wait3A_101 = arith.constant 0 : i32
      %dma_wait3A_102 = arith.constant 0 : i32
      %dma_wait3A_103 = tpu.memref_slice %arg9[%dma_wait3A_101, %dma_wait3A_102] : memref<128x128xf32, #tpu.memory_space<vmem>> -> memref<128x128xf32, #tpu.memory_space<vmem>>
      %dma_wait3A_104 = arith.constant 0 : i32
      %dma_wait3A_105 = tpu.memref_slice %arg6[%add3A_74, %dma_wait3A_104] : memref<10112x128xf32, #tpu.memory_space<vmem_shared>> -> memref<128x128xf32, #tpu.memory_space<vmem_shared>>
      tpu.wait_dma2 semaphore(%run_scoped3A_87 : memref<!tpu.dma_semaphore, #tpu.memory_space<semaphore_mem>>) src(%dma_wait3A_105 : memref<128x128xf32, #tpu.memory_space<vmem_shared>>) dst(%dma_wait3A_103 : memref<128x128xf32, #tpu.memory_space<vmem>>)
      tpu.yield
    }) : () -> ()
    %mul3A_75 = arith.constant 632 : i32
    %mul3A_76 = arith.muli %arg1, %mul3A_75 : i32
    %add3A_77 = arith.constant 384 : i32
    %add3A_78 = arith.addi %mul3A_76, %add3A_77 : i32
    "tpu.region"() ({
      %run_scoped3A_87 = tpu.sem_alloc : memref<!tpu.dma_semaphore, #tpu.memory_space<semaphore_mem>>
      %dma_start3A = arith.constant 0 : i32
      %dma_start3A_88 = arith.constant 0 : i32
      %dma_start3A_89 = tpu.memref_slice %arg9[%dma_start3A, %dma_start3A_88] : memref<128x128xf32, #tpu.memory_space<vmem>> -> memref<128x128xf32, #tpu.memory_space<vmem>>
      %dma_start3A_90 = arith.constant 0 : i32
      %dma_start3A_91 = tpu.memref_slice %arg5[%arg0, %add3A_78, %dma_start3A_90] : memref<2x10112x128xf32, #tpu.memory_space<hbm>> -> memref<1x128x128xf32, #tpu.memory_space<hbm>>
      %dma_start3A_92 = tpu.memref_squeeze %dma_start3A_91 : memref<1x128x128xf32, #tpu.memory_space<hbm>> -> memref<128x128xf32, #tpu.memory_space<hbm>>
      %dma_start3A_93 = arith.constant 0 : i32
      %dma_start3A_94 = tpu.memref_slice %arg5[%arg0, %add3A_78, %dma_start3A_93] : memref<2x10112x128xf32, #tpu.memory_space<hbm>> -> memref<1x128x128xf32, #tpu.memory_space<hbm>>
      %dma_start3A_95 = tpu.memref_squeeze %dma_start3A_94 : memref<1x128x128xf32, #tpu.memory_space<hbm>> -> memref<128x128xf32, #tpu.memory_space<hbm>>
      %dma_start3A_96 = arith.constant 0 : i32
      %dma_start3A_97 = arith.constant 0 : i32
      %dma_start3A_98 = tpu.memref_slice %arg9[%dma_start3A_96, %dma_start3A_97] : memref<128x128xf32, #tpu.memory_space<vmem>> -> memref<128x128xf32, #tpu.memory_space<vmem>>
      tpu.enqueue_dma source(%dma_start3A_98 : memref<128x128xf32, #tpu.memory_space<vmem>>) target(%dma_start3A_95 : memref<128x128xf32, #tpu.memory_space<hbm>>) target_semaphore(%run_scoped3A_87 : memref<!tpu.dma_semaphore, #tpu.memory_space<semaphore_mem>>)
      %dma_wait3A = arith.constant 0 : i32
      %dma_wait3A_99 = arith.constant 0 : i32
      %dma_wait3A_100 = tpu.memref_slice %arg9[%dma_wait3A, %dma_wait3A_99] : memref<128x128xf32, #tpu.memory_space<vmem>> -> memref<128x128xf32, #tpu.memory_space<vmem>>
      %dma_wait3A_101 = arith.constant 0 : i32
      %dma_wait3A_102 = tpu.memref_slice %arg5[%arg0, %add3A_78, %dma_wait3A_101] : memref<2x10112x128xf32, #tpu.memory_space<hbm>> -> memref<1x128x128xf32, #tpu.memory_space<hbm>>
      %dma_wait3A_103 = tpu.memref_squeeze %dma_wait3A_102 : memref<1x128x128xf32, #tpu.memory_space<hbm>> -> memref<128x128xf32, #tpu.memory_space<hbm>>
      %dma_wait3A_104 = arith.constant 0 : i32
      %dma_wait3A_105 = tpu.memref_slice %arg5[%arg0, %add3A_78, %dma_wait3A_104] : memref<2x10112x128xf32, #tpu.memory_space<hbm>> -> memref<1x128x128xf32, #tpu.memory_space<hbm>>
      %dma_wait3A_106 = tpu.memref_squeeze %dma_wait3A_105 : memref<1x128x128xf32, #tpu.memory_space<hbm>> -> memref<128x128xf32, #tpu.memory_space<hbm>>
      %dma_wait3A_107 = arith.constant 0 : i32
      %dma_wait3A_108 = arith.constant 0 : i32
      %dma_wait3A_109 = tpu.memref_slice %arg9[%dma_wait3A_107, %dma_wait3A_108] : memref<128x128xf32, #tpu.memory_space<vmem>> -> memref<128x128xf32, #tpu.memory_space<vmem>>
      tpu.wait_dma2 semaphore(%run_scoped3A_87 : memref<!tpu.dma_semaphore, #tpu.memory_space<semaphore_mem>>) src(%dma_wait3A_109 : memref<128x128xf32, #tpu.memory_space<vmem>>) dst(%dma_wait3A_106 : memref<128x128xf32, #tpu.memory_space<hbm>>)
      tpu.yield
    }) : () -> ()
    %mul3A_79 = arith.constant 632 : i32
    %mul3A_80 = arith.muli %arg1, %mul3A_79 : i32
    %add3A_81 = arith.constant 512 : i32
    %add3A_82 = arith.addi %mul3A_80, %add3A_81 : i32
    "tpu.region"() ({
      %run_scoped3A_87 = tpu.sem_alloc : memref<!tpu.dma_semaphore, #tpu.memory_space<semaphore_mem>>
      %dma_start3A = arith.constant 0 : i32
      %dma_start3A_88 = arith.constant 0 : i32
      %dma_start3A_89 = tpu.memref_slice %arg9[%dma_start3A, %dma_start3A_88] : memref<128x128xf32, #tpu.memory_space<vmem>> -> memref<120x128xf32, #tpu.memory_space<vmem>>
      %dma_start3A_90 = arith.constant 0 : i32
      %dma_start3A_91 = tpu.memref_slice %arg6[%add3A_82, %dma_start3A_90] : memref<10112x128xf32, #tpu.memory_space<vmem_shared>> -> memref<120x128xf32, #tpu.memory_space<vmem_shared>>
      %dma_start3A_92 = arith.constant 0 : i32
      %dma_start3A_93 = arith.constant 0 : i32
      %dma_start3A_94 = tpu.memref_slice %arg9[%dma_start3A_92, %dma_start3A_93] : memref<128x128xf32, #tpu.memory_space<vmem>> -> memref<120x128xf32, #tpu.memory_space<vmem>>
      %dma_start3A_95 = arith.constant 0 : i32
      %dma_start3A_96 = tpu.memref_slice %arg6[%add3A_82, %dma_start3A_95] : memref<10112x128xf32, #tpu.memory_space<vmem_shared>> -> memref<120x128xf32, #tpu.memory_space<vmem_shared>>
      tpu.enqueue_dma source(%dma_start3A_96 : memref<120x128xf32, #tpu.memory_space<vmem_shared>>) target(%dma_start3A_94 : memref<120x128xf32, #tpu.memory_space<vmem>>) target_semaphore(%run_scoped3A_87 : memref<!tpu.dma_semaphore, #tpu.memory_space<semaphore_mem>>)
      %dma_wait3A = arith.constant 0 : i32
      %dma_wait3A_97 = arith.constant 0 : i32
      %dma_wait3A_98 = tpu.memref_slice %arg9[%dma_wait3A, %dma_wait3A_97] : memref<128x128xf32, #tpu.memory_space<vmem>> -> memref<120x128xf32, #tpu.memory_space<vmem>>
      %dma_wait3A_99 = arith.constant 0 : i32
      %dma_wait3A_100 = tpu.memref_slice %arg6[%add3A_82, %dma_wait3A_99] : memref<10112x128xf32, #tpu.memory_space<vmem_shared>> -> memref<120x128xf32, #tpu.memory_space<vmem_shared>>
      %dma_wait3A_101 = arith.constant 0 : i32
      %dma_wait3A_102 = arith.constant 0 : i32
      %dma_wait3A_103 = tpu.memref_slice %arg9[%dma_wait3A_101, %dma_wait3A_102] : memref<128x128xf32, #tpu.memory_space<vmem>> -> memref<120x128xf32, #tpu.memory_space<vmem>>
      %dma_wait3A_104 = arith.constant 0 : i32
      %dma_wait3A_105 = tpu.memref_slice %arg6[%add3A_82, %dma_wait3A_104] : memref<10112x128xf32, #tpu.memory_space<vmem_shared>> -> memref<120x128xf32, #tpu.memory_space<vmem_shared>>
      tpu.wait_dma2 semaphore(%run_scoped3A_87 : memref<!tpu.dma_semaphore, #tpu.memory_space<semaphore_mem>>) src(%dma_wait3A_105 : memref<120x128xf32, #tpu.memory_space<vmem_shared>>) dst(%dma_wait3A_103 : memref<120x128xf32, #tpu.memory_space<vmem>>)
      tpu.yield
    }) : () -> ()
    %mul3A_83 = arith.constant 632 : i32
    %mul3A_84 = arith.muli %arg1, %mul3A_83 : i32
    %add3A_85 = arith.constant 512 : i32
    %add3A_86 = arith.addi %mul3A_84, %add3A_85 : i32
    "tpu.region"() ({
      %run_scoped3A_87 = tpu.sem_alloc : memref<!tpu.dma_semaphore, #tpu.memory_space<semaphore_mem>>
      %dma_start3A = arith.constant 0 : i32
      %dma_start3A_88 = arith.constant 0 : i32
      %dma_start3A_89 = tpu.memref_slice %arg9[%dma_start3A, %dma_start3A_88] : memref<128x128xf32, #tpu.memory_space<vmem>> -> memref<120x128xf32, #tpu.memory_space<vmem>>
      %dma_start3A_90 = arith.constant 0 : i32
      %dma_start3A_91 = tpu.memref_slice %arg5[%arg0, %add3A_86, %dma_start3A_90] : memref<2x10112x128xf32, #tpu.memory_space<hbm>> -> memref<1x120x128xf32, #tpu.memory_space<hbm>>
      %dma_start3A_92 = tpu.memref_squeeze %dma_start3A_91 : memref<1x120x128xf32, #tpu.memory_space<hbm>> -> memref<120x128xf32, #tpu.memory_space<hbm>>
      %dma_start3A_93 = arith.constant 0 : i32
      %dma_start3A_94 = tpu.memref_slice %arg5[%arg0, %add3A_86, %dma_start3A_93] : memref<2x10112x128xf32, #tpu.memory_space<hbm>> -> memref<1x120x128xf32, #tpu.memory_space<hbm>>
      %dma_start3A_95 = tpu.memref_squeeze %dma_start3A_94 : memref<1x120x128xf32, #tpu.memory_space<hbm>> -> memref<120x128xf32, #tpu.memory_space<hbm>>
      %dma_start3A_96 = arith.constant 0 : i32
      %dma_start3A_97 = arith.constant 0 : i32
      %dma_start3A_98 = tpu.memref_slice %arg9[%dma_start3A_96, %dma_start3A_97] : memref<128x128xf32, #tpu.memory_space<vmem>> -> memref<120x128xf32, #tpu.memory_space<vmem>>
      tpu.enqueue_dma source(%dma_start3A_98 : memref<120x128xf32, #tpu.memory_space<vmem>>) target(%dma_start3A_95 : memref<120x128xf32, #tpu.memory_space<hbm>>) target_semaphore(%run_scoped3A_87 : memref<!tpu.dma_semaphore, #tpu.memory_space<semaphore_mem>>)
      %dma_wait3A = arith.constant 0 : i32
      %dma_wait3A_99 = arith.constant 0 : i32
      %dma_wait3A_100 = tpu.memref_slice %arg9[%dma_wait3A, %dma_wait3A_99] : memref<128x128xf32, #tpu.memory_space<vmem>> -> memref<120x128xf32, #tpu.memory_space<vmem>>
      %dma_wait3A_101 = arith.constant 0 : i32
      %dma_wait3A_102 = tpu.memref_slice %arg5[%arg0, %add3A_86, %dma_wait3A_101] : memref<2x10112x128xf32, #tpu.memory_space<hbm>> -> memref<1x120x128xf32, #tpu.memory_space<hbm>>
      %dma_wait3A_103 = tpu.memref_squeeze %dma_wait3A_102 : memref<1x120x128xf32, #tpu.memory_space<hbm>> -> memref<120x128xf32, #tpu.memory_space<hbm>>
      %dma_wait3A_104 = arith.constant 0 : i32
      %dma_wait3A_105 = tpu.memref_slice %arg5[%arg0, %add3A_86, %dma_wait3A_104] : memref<2x10112x128xf32, #tpu.memory_space<hbm>> -> memref<1x120x128xf32, #tpu.memory_space<hbm>>
      %dma_wait3A_106 = tpu.memref_squeeze %dma_wait3A_105 : memref<1x120x128xf32, #tpu.memory_space<hbm>> -> memref<120x128xf32, #tpu.memory_space<hbm>>
      %dma_wait3A_107 = arith.constant 0 : i32
      %dma_wait3A_108 = arith.constant 0 : i32
      %dma_wait3A_109 = tpu.memref_slice %arg9[%dma_wait3A_107, %dma_wait3A_108] : memref<128x128xf32, #tpu.memory_space<vmem>> -> memref<120x128xf32, #tpu.memory_space<vmem>>
      tpu.wait_dma2 semaphore(%run_scoped3A_87 : memref<!tpu.dma_semaphore, #tpu.memory_space<semaphore_mem>>) src(%dma_wait3A_109 : memref<120x128xf32, #tpu.memory_space<vmem>>) dst(%dma_wait3A_106 : memref<120x128xf32, #tpu.memory_space<hbm>>)
      tpu.yield
    }) : () -> ()
    return
  }
}

module attributes {stable_mosaic.version = 14 : i64} {
  func.func @_entry_body(%arg0: memref<2x10112xf32, #tpu.memory_space<vmem>>, %arg1: memref<10112x128xf32, #tpu.memory_space<vmem>>, %arg2: memref<128x128xf32, #tpu.memory_space<vmem>>, %arg3: memref<10112x1xf32, #tpu.memory_space<vmem>>, %arg4: memref<10112x128xf32, #tpu.memory_space<vmem>>) attributes {dimension_semantics = [], scalar_prefetch = 0 : i64, scratch_operands = 0 : i64, tpu.core_type = #tpu.core_type<tc>} {
    %get3A = arith.constant 0 : index
    %get3A_0 = arith.constant 0 : index
    %get3A_1 = vector.load %arg0[%get3A, %get3A_0] : memref<2x10112xf32, #tpu.memory_space<vmem>>, vector<1x10112xf32>
    %get3A_2 = vector.shape_cast %get3A_1 : vector<1x10112xf32> to vector<10112xf32>
    %get3A_3 = arith.constant 1 : index
    %get3A_4 = arith.constant 0 : index
    %get3A_5 = vector.load %arg0[%get3A_3, %get3A_4] : memref<2x10112xf32, #tpu.memory_space<vmem>>, vector<1x10112xf32>
    %get3A_6 = vector.shape_cast %get3A_5 : vector<1x10112xf32> to vector<10112xf32>
    %add3A = arith.addf %get3A_2, %get3A_6 : vector<10112xf32>
    %rsqrt3A = math.rsqrt %add3A : vector<10112xf32>
    %broadcast_in_dim3A = vector.shape_cast %rsqrt3A : vector<10112xf32> to vector<10112x1xf32>
    %swap3A = arith.constant 0 : index
    %swap3A_7 = arith.constant 0 : index
    %swap3A_8 = vector.load %arg3[%swap3A, %swap3A_7] : memref<10112x1xf32, #tpu.memory_space<vmem>>, vector<10112x1xf32>
    tpu.vector_store %arg3[%swap3A, %swap3A_7], %broadcast_in_dim3A {strides = array<i32>} : memref<10112x1xf32, #tpu.memory_space<vmem>>, vector<10112x1xf32>,
    %broadcast_in_dim3A_9 = vector.shape_cast %rsqrt3A : vector<10112xf32> to vector<10112x1xf32>
    %get3A_10 = arith.constant 0 : index
    %get3A_11 = arith.constant 0 : index
    %get3A_12 = vector.load %arg1[%get3A_10, %get3A_11] : memref<10112x128xf32, #tpu.memory_space<vmem>>, vector<10112x128xf32>
    %get3A_13 = arith.constant 0 : index
    %get3A_14 = arith.constant 0 : index
    %get3A_15 = vector.load %arg2[%get3A_13, %get3A_14] : memref<128x128xf32, #tpu.memory_space<vmem>>, vector<128x128xf32>
    %dot_general3A = arith.constant dense<0.000000e+00> : vector<10112x128xf32>
    %dot_general3A_16 = tpu.matmul %get3A_12, %get3A_15, %dot_general3A {dimension_numbers = #tpu.dot_dimension_numbers<[1], [0], [0], [1], [0, 0, 1, 1], [], []>, transpose_lhs_hint = false} : vector<10112x128xf32>, vector<128x128xf32>, vector<10112x128xf32> -> vector<10112x128xf32>
    %mul3A = vector.broadcast %broadcast_in_dim3A_9 : vector<10112x1xf32> to vector<10112x128xf32>
    %mul3A_17 = arith.mulf %mul3A, %dot_general3A_16 : vector<10112x128xf32>
    %swap3A_18 = arith.constant 0 : index
    %swap3A_19 = arith.constant 0 : index
    %swap3A_20 = vector.load %arg4[%swap3A_18, %swap3A_19] : memref<10112x128xf32, #tpu.memory_space<vmem>>, vector<10112x128xf32>
    tpu.vector_store %arg4[%swap3A_18, %swap3A_19], %mul3A_17 {strides = array<i32>} : memref<10112x128xf32, #tpu.memory_space<vmem>>, vector<10112x128xf32>,
    return
  }
}

module attributes {stable_mosaic.version = 14 : i64} {
  func.func @_mid_body(%arg0: memref<2x10112x128xf32, #tpu.memory_space<vmem>>, %arg1: memref<10112x1xf32, #tpu.memory_space<vmem>>, %arg2: memref<1x128xf32, #tpu.memory_space<vmem>>, %arg3: memref<128x128xf32, #tpu.memory_space<vmem>>, %arg4: memref<10112x128xf32, #tpu.memory_space<vmem>>) attributes {dimension_semantics = [], scalar_prefetch = 0 : i64, scratch_operands = 0 : i64, tpu.core_type = #tpu.core_type<tc>} {
    %get3A = arith.constant 0 : index
    %get3A_0 = arith.constant 0 : index
    %get3A_1 = vector.load %arg1[%get3A, %get3A_0] : memref<10112x1xf32, #tpu.memory_space<vmem>>, vector<10112x1xf32>
    %get3A_2 = arith.constant 0 : index
    %get3A_3 = arith.constant 0 : index
    %get3A_4 = arith.constant 0 : index
    %get3A_5 = vector.load %arg0[%get3A_2, %get3A_3, %get3A_4] : memref<2x10112x128xf32, #tpu.memory_space<vmem>>, vector<1x10112x128xf32>
    %get3A_6 = vector.shape_cast %get3A_5 : vector<1x10112x128xf32> to vector<10112x128xf32>
    %get3A_7 = arith.constant 1 : index
    %get3A_8 = arith.constant 0 : index
    %get3A_9 = arith.constant 0 : index
    %get3A_10 = vector.load %arg0[%get3A_7, %get3A_8, %get3A_9] : memref<2x10112x128xf32, #tpu.memory_space<vmem>>, vector<1x10112x128xf32>
    %get3A_11 = vector.shape_cast %get3A_10 : vector<1x10112x128xf32> to vector<10112x128xf32>
    %add3A = arith.addf %get3A_6, %get3A_11 : vector<10112x128xf32>
    %mul3A = vector.broadcast %get3A_1 : vector<10112x1xf32> to vector<10112x128xf32>
    %mul3A_12 = arith.mulf %mul3A, %add3A : vector<10112x128xf32>
    %get3A_13 = arith.constant 0 : index
    %get3A_14 = arith.constant 0 : index
    %get3A_15 = vector.load %arg2[%get3A_13, %get3A_14] : memref<1x128xf32, #tpu.memory_space<vmem>>, vector<1x128xf32>
    %add3A_16 = vector.broadcast %get3A_15 : vector<1x128xf32> to vector<10112x128xf32>
    %add3A_17 = arith.addf %mul3A_12, %add3A_16 : vector<10112x128xf32>
    %max3A = arith.constant 0.000000e+00 : f32
    %max3A_18 = vector.broadcast %max3A : f32 to vector<10112x128xf32>
    %max3A_19 = arith.maximumf %add3A_17, %max3A_18 : vector<10112x128xf32>
    %get3A_20 = arith.constant 0 : index
    %get3A_21 = arith.constant 0 : index
    %get3A_22 = vector.load %arg1[%get3A_20, %get3A_21] : memref<10112x1xf32, #tpu.memory_space<vmem>>, vector<10112x1xf32>
    %get3A_23 = arith.constant 0 : index
    %get3A_24 = arith.constant 0 : index
    %get3A_25 = vector.load %arg3[%get3A_23, %get3A_24] : memref<128x128xf32, #tpu.memory_space<vmem>>, vector<128x128xf32>
    %dot_general3A = arith.constant dense<0.000000e+00> : vector<10112x128xf32>
    %dot_general3A_26 = tpu.matmul %max3A_19, %get3A_25, %dot_general3A {dimension_numbers = #tpu.dot_dimension_numbers<[1], [0], [0], [1], [0, 0, 1, 1], [], []>, transpose_lhs_hint = false} : vector<10112x128xf32>, vector<128x128xf32>, vector<10112x128xf32> -> vector<10112x128xf32>
    %mul3A_27 = vector.broadcast %get3A_22 : vector<10112x1xf32> to vector<10112x128xf32>
    %mul3A_28 = arith.mulf %mul3A_27, %dot_general3A_26 : vector<10112x128xf32>
    %swap3A = arith.constant 0 : index
    %swap3A_29 = arith.constant 0 : index
    %swap3A_30 = vector.load %arg4[%swap3A, %swap3A_29] : memref<10112x128xf32, #tpu.memory_space<vmem>>, vector<10112x128xf32>
    tpu.vector_store %arg4[%swap3A, %swap3A_29], %mul3A_28 {strides = array<i32>} : memref<10112x128xf32, #tpu.memory_space<vmem>>, vector<10112x128xf32>,
    return
  }
}

module attributes {stable_mosaic.version = 14 : i64} {
  func.func @_final_body(%arg0: memref<2x10112x128xf32, #tpu.memory_space<vmem>>, %arg1: memref<10112x1xf32, #tpu.memory_space<vmem>>, %arg2: memref<1x64xf32, #tpu.memory_space<vmem>>, %arg3: memref<10112x64xf32, #tpu.memory_space<vmem>>) attributes {dimension_semantics = [], scalar_prefetch = 0 : i64, scratch_operands = 0 : i64, tpu.core_type = #tpu.core_type<tc>} {
    %get3A = arith.constant 0 : index
    %get3A_0 = arith.constant 0 : index
    %get3A_1 = vector.load %arg1[%get3A, %get3A_0] : memref<10112x1xf32, #tpu.memory_space<vmem>>, vector<10112x1xf32>
    %get3A_2 = arith.constant 0 : index
    %get3A_3 = arith.constant 0 : index
    %get3A_4 = arith.constant 0 : index
    %get3A_5 = vector.load %arg0[%get3A_2, %get3A_3, %get3A_4] : memref<2x10112x128xf32, #tpu.memory_space<vmem>>, vector<1x10112x64xf32>
    %get3A_6 = vector.shape_cast %get3A_5 : vector<1x10112x64xf32> to vector<10112x64xf32>
    %get3A_7 = arith.constant 1 : index
    %get3A_8 = arith.constant 0 : index
    %get3A_9 = arith.constant 0 : index
    %get3A_10 = vector.load %arg0[%get3A_7, %get3A_8, %get3A_9] : memref<2x10112x128xf32, #tpu.memory_space<vmem>>, vector<1x10112x64xf32>
    %get3A_11 = vector.shape_cast %get3A_10 : vector<1x10112x64xf32> to vector<10112x64xf32>
    %add3A = arith.addf %get3A_6, %get3A_11 : vector<10112x64xf32>
    %mul3A = vector.broadcast %get3A_1 : vector<10112x1xf32> to vector<10112x64xf32>
    %mul3A_12 = arith.mulf %mul3A, %add3A : vector<10112x64xf32>
    %get3A_13 = arith.constant 0 : index
    %get3A_14 = arith.constant 0 : index
    %get3A_15 = vector.load %arg2[%get3A_13, %get3A_14] : memref<1x64xf32, #tpu.memory_space<vmem>>, vector<1x64xf32>
    %add3A_16 = vector.broadcast %get3A_15 : vector<1x64xf32> to vector<10112x64xf32>
    %add3A_17 = arith.addf %mul3A_12, %add3A_16 : vector<10112x64xf32>
    %swap3A = arith.constant 0 : index
    %swap3A_18 = arith.constant 0 : index
    %swap3A_19 = vector.load %arg3[%swap3A, %swap3A_18] : memref<10112x64xf32, #tpu.memory_space<vmem>>, vector<10112x64xf32>
    tpu.vector_store %arg3[%swap3A, %swap3A_18], %add3A_17 {strides = array<i32>} : memref<10112x64xf32, #tpu.memory_space<vmem>>, vector<10112x64xf32>,
    return
  }
}

</mosaic_0001>

<sc_bundles>
// kernel: kernel.10.cloned.1.call-start
scs
__scs_entry_jumppad:
0x0: {  	(pc) =	sbr.rel $0x88, $3  }
0x1: {  	(tag) =	ssettag $0x0;
	lr =	simm.s32 $0x1  }
0x2: {  	[smem:$0x3F99] =	sst lr;
	_ =	strace $0xD0000000  }
0x3: {  	_ = 	snop  }
0x4: {  	_ = 	snop  }
0x5: {  	_ = 	snop  }
0x6: {  	_ = 	snop  }
0x7: {  	_ = 	snop  }
__scs_overlays_trampoline_lowered:
0x8: {  	[smem:$0x3FA8] =	sst s0  }
0x9: {  	[smem:$0x3FA9] =	sst s1  }
0xa: {  	[smem:$0x3FAA] =	sst s2  }
0xb: {  	[smem:$0x3FAB] =	sst s3  }
0xc: {  	[smem:$0x3FAC] =	sst s4  }
0xd: {  	[smem:$0x3FAD] =	sst s5  }
0xe: {  	[smem:$0x3FAE] =	sst s6  }
0xf: {  	[smem:$0x3FAF] =	sst s7  }
0x10: {  	[smem:$0x3FB0] =	sst s8  }
0x11: {  	[smem:$0x3FB1] =	sst s9;
	s0 =	simm.s32 @!p0 $0x0  }
0x12: {  	s1 =	sld [smem:$0x3F97];
	s0 =	simm.s32 @p0 $0x1  }
0x13: {  	[smem:$0x3FB2] =	sst s0;
	s0 =	simm.s32 @!p1 $0x0  }
0x14: {  	s2 =	sld [smem:$0x3F96];
	s0 =	simm.s32 @p1 $0x1  }
0x15: {  	[smem:$0x3FB3] =	sst s0;
	s0 =	simm.s32 @!p2 $0x0  }
0x16: {  	s3 =	sld [smem:$0x3FDB];
	s0 =	simm.s32 @p2 $0x1  }
0x17: {  	s4 =	simm.s32 $0x1BF5;
	[smem:$0x3FB5] =	sst s0  }
0x18: {  	s0 =	sld [smem:$0x3F98];
	_ =	swait.ge [sflag:s4], $0x0  }
0x19: {  	s7 =	sld [smem:$0x3F99]  }
0x1a: {  	s8 =	sadd.s32 $0xFFFFE003, lr  }
0x1b: {  	s9 =	sadd.s32 $0xFFFFFEF7, lr;
	s5 =	simm.s32 $0xFFFFFFFF;
	p2 =	slt.u32 s8, $0xFFFFF086  }
0x1c: {  	p1 =	slt.u32 s9, $0xF7A;
	s5 =	simm.s32 @!p2 $0x0  }
0x1d: {  	s5 =	simm.s32 @p1 $0x1;
	p0 =	seq.s32 s7, s2  }
0x1e: {  	s7 =	smul.u32 @!p0 $0xF7A, s2;
	p2 =	seq.s32 @!p0 s5, $0x0  }
0x1f: {  	s9 =	smul.u32 $0xF7A, s1;
	s8 =	simm.s32 @!p0 $0x1BF5;
	p2 =	por !p2, p0  }
0x20: {  	[sflag:s8] =	ssyncset.s32 @!p0 $0xFFFFF086;
	s6 =	sadd.s32 @!p0 s3, s7;
	s7 =	simm.s32 @!p0 $0x108  }
0x21: {  	s3 =	sadd.s32 s3, s9;
	s6 =	sadd.s32 @!p0 $0x88, s6;
	s7 =	simm.s32 @p2 $0x1082  }
0x22: {  	[simem:s7], [sflag:s8] =	dma.local @!p0 [hbm:s6], $0xF7A  }
0x23: {  	s9 =	sor.u32 $0xD0000000, s2;
	s6 =	simm.s32 $0x108;
	_ =	swait.ge @!p0 [sflag:s8], $0x0  }
0x24: {  	s3 =	sadd.s32 $0x88, s3;
	s6 =	simm.s32 @!p1 $0x1082;
	[sflag:s4] =	ssyncset.s32 $0xFFFFF086  }
0x25: {  	[simem:s6], [sflag:s4] =	dma.local [hbm:s3], $0xF7A  }
0x26: {  	[smem:$0x3F99] =	sst s1;
	(tag) =	ssettag s2;
	_ =	strace s9  }
0x27: {  	s1 =	sld [smem:$0x3FA9]  }
0x28: {  	s2 =	sld [smem:$0x3FAA]  }
0x29: {  	s4 =	sld [smem:$0x3FAC]  }
0x2a: {  	p0 =	seq.s32 s5, $0x0;
	s5 =	sld [smem:$0x3FAD]  }
0x2b: {  	s6 =	sld [smem:$0x3FAE]  }
0x2c: {  	s7 =	sld [smem:$0x3FAF]  }
0x2d: {  	s3 =	simm.s32 $0x108;
	s8 =	sld [smem:$0x3FB0]  }
0x2e: {  	s3 =	simm.s32 @!p0 $0x1082;
	s9 =	sld [smem:$0x3FB1]  }
0x2f: {  	lr =	sadd.s32 s0, s3;
	s0 =	sld [smem:$0x3FA8]  }
0x30: {  	s3 =	sld [smem:$0x3FAB]  }
0x31: {  	[smem:$0x3FB4] =	sst s10  }
0x32: {  	s10 =	sld [smem:$0x3FB2];
	_ =	sdelay $0x3  }
0x33: {  	p0 =	seq.s32 s10, $0x1;
	s10 =	sld [smem:$0x3FB4];
	_ =	sdelay $0x3  }
0x34: {  	[smem:$0x3FB4] =	sst s10  }
0x35: {  	s10 =	sld [smem:$0x3FB3];
	_ =	sdelay $0x3  }
0x36: {  	p1 =	seq.s32 s10, $0x1;
	s10 =	sld [smem:$0x3FB4];
	_ =	sdelay $0x3  }
0x37: {  	[smem:$0x3FB4] =	sst s10  }
0x38: {  	s10 =	sld [smem:$0x3FB5]  }
0x39: {  	_ = 	snop;
	(pc) =	sbr.ind lr, $3  }
0x3a: {  	_ = 	snop  }
0x3b: {  	_ = 	snop  }
0x3c: {  	p2 =	seq.s32 s10, $0x1;
	s10 =	sld [smem:$0x3FB4]  }
0x3d: {  	_ =	shalt  }
0x3e: {  	_ =	shalt  }
0x3f: {  	_ =	shalt  }
0x40: {  	_ =	shalt  }
0x41: {  	_ =	shalt  }
0x42: {  	_ =	shalt  }
0x43: {  	_ =	shalt  }
0x44: {  	_ =	shalt  }
0x45: {  	_ =	shalt  }
0x46: {  	_ =	shalt  }
0x47: {  	_ =	shalt  }
0x48: {  	_ =	shalt  }
0x49: {  	_ =	shalt  }
0x4a: {  	_ =	shalt  }
0x4b: {  	_ =	shalt  }
0x4c: {  	_ =	shalt  }
0x4d: {  	_ =	shalt  }
0x4e: {  	_ =	shalt  }
0x4f: {  	_ =	shalt  }
0x50: {  	_ =	shalt  }
0x51: {  	_ =	shalt  }
0x52: {  	_ =	shalt  }
0x53: {  	_ =	shalt  }
0x54: {  	_ =	shalt  }
0x55: {  	_ =	shalt  }
0x56: {  	_ =	shalt  }
0x57: {  	_ =	shalt  }
0x58: {  	_ =	shalt  }
0x59: {  	_ =	shalt  }
0x5a: {  	_ =	shalt  }
0x5b: {  	_ =	shalt  }
0x5c: {  	_ =	shalt  }
0x5d: {  	_ =	shalt  }
0x5e: {  	_ =	shalt  }
0x5f: {  	_ =	shalt  }
0x60: {  	_ =	shalt  }
0x61: {  	_ =	shalt  }
0x62: {  	_ =	shalt  }
0x63: {  	_ =	shalt  }
0x64: {  	_ =	shalt  }
0x65: {  	_ =	shalt  }
0x66: {  	_ =	shalt  }
0x67: {  	_ =	shalt  }
0x68: {  	_ =	shalt  }
0x69: {  	_ =	shalt  }
0x6a: {  	_ =	shalt  }
0x6b: {  	_ =	shalt  }
0x6c: {  	_ =	shalt  }
0x6d: {  	_ =	shalt  }
0x6e: {  	_ =	shalt  }
0x6f: {  	_ =	shalt  }
0x70: {  	_ =	shalt  }
0x71: {  	_ =	shalt  }
0x72: {  	_ =	shalt  }
0x73: {  	_ =	shalt  }
0x74: {  	_ =	shalt  }
0x75: {  	_ =	shalt  }
0x76: {  	_ =	shalt  }
0x77: {  	_ =	shalt  }
0x78: {  	_ =	shalt  }
0x79: {  	_ =	shalt  }
0x7a: {  	_ =	shalt  }
0x7b: {  	_ =	shalt  }
0x7c: {  	_ =	shalt  }
0x7d: {  	_ =	shalt  }
0x7e: {  	_ =	shalt  }
0x7f: {  	_ =	shalt  }
0x80: {  	_ =	shalt  }
0x81: {  	_ =	shalt  }
0x82: {  	_ =	shalt  }
0x83: {  	_ =	shalt  }
0x84: {  	_ =	shalt  }
0x85: {  	_ =	shalt  }
0x86: {  	_ =	shalt  }
0x87: {  	_ =	shalt  }
.Lfunc_end0:
.L_simem_size_0:
called_computation_lowered:
.L_overlay_start_0:
0x88: {  	s2 =	sld [smem:$0x3FD9]  }
0x89: {  	s3 =	sld [smem:$0x3FFE];
	_ =	sdelay $0x1  }
0x8a: {  	s1 =	srdreg.scid  }
0x8b: {  	s0 =	sand.u32 $0x1, s1  }
0x8c: {  	s17 =	sshll.u32 s0, $0xA;
	s2 =	sadd.s32 s3, s2  }
0x8d: {  	s2 =	sadd.s32 s2, s17  }
0x8e: {  	[smem:$0x3FC0] =	sst s2  }
0x8f: {  	_ = 	snop  }
0x90: {  	s2 =	sld [smem:$0x3FD0];
	(tm) =	ssettm $0x1  }
0x91: {  	s18 =	sld [smem:$0x3FFB];
	_ =	sdelay $0x3  }
0x92: {  	_ =	strace s18  }
0x93: {  	s3 =	sld [smem:$0x3FFC];
	_ =	sdelay $0x3  }
0x94: {  	_ =	strace s3  }
0x95: {  	s3 =	sld [smem:$0x3FFD];
	_ =	sdelay $0x3  }
0x96: {  	_ =	strace s3  }
0x97: {  	_ =	strace $0x8FFFFFFF  }
0x98: {  	s19 =	sld [smem:$0x3FDB];
	_ =	sdelay $0x1  }
0x99: {  	s4 =	simm.s32 $_scs_section_size  }
0x9a: {  	s5 =	simm.s32 $_size__tile_overlayer_lowered;
	s6 =	simm.s32 $_tile_overlayer_lowered  }
0x9b: {  	s22 =	simm.s32 $0x1BFF;
	s21 =	sshll.u32 s6, $0x1;
	s3 =	sadd.s32 s4, s19  }
0x9c: {  	s7 =	simm.s32 $0x0;
	s20 =	sshll.u32 s5, $0x1;
	s5 =	sadd.s32 s21, s3  }
0x9d: {  	[timem:s7], [sflag:s22] =	dma.local [hbm:s5], s20  }
0x9e: {  	_ =	swait.ge [sflag:s22], s20  }
0x9f: {  	s4 =	ssub.s32 $0x0, s20;
	[sflag:s22] =	ssyncset.done $0x0  }
0xa0: {  	[sflag:s22] =	ssyncadd.s32 s4;
	_ =	sdelay $0x1  }
0xa1: {  	s23 =	simm.s32 $0x1B8B  }
0xa2: {  	_ =	swait.ge [sflag:s23], $0x1  }
0xa3: {  	[sflag:s23] =	ssyncset.done $0x0  }
0xa4: {  	s25 =	simm.s32 $0x1B8E;
	s24 =	sld [smem:$0x3FFE];
	[sflag:s23] =	ssyncadd.s32 $0xFFFFFFFF  }
0xa5: {  	s26 =	simm.s32 $execute0_lowered;
	[smem:$0x3FD2] =	sst s25  }
0xa6: {  	s5 =	sshll.u32 s26, $0x1;
	_ =	strace $0x80000046;
	[dreg:$0x1] =	wrdreg $0xFFFFFFFF  }
0xa7: {  	s28 =	simm.s32 $_size_execute0_lowered;
	s3 =	sadd.s32 s3, s5;
	[dreg:$0x0] =	wrdreg $0x0  }
0xa8: {  	s5 =	sshll.u32 s28, $0x1;
	[dreg:$0x2] =	wrdreg s3  }
0xa9: {  	[dreg:$0x3] =	wrdreg s5  }
0xaa: {  	[dreg:$0x4] =	wrdreg $0xC0  }
0xab: {  	_ =	task [dreg:s7], $0x5FFFF  }
0xac: {  	[dreg:$0x1] =	wrdreg $0xFFFFFFFF  }
0xad: {  	[dreg:$0x0] =	wrdreg $0x60  }
0xae: {  	[dreg:$0x2] =	wrdreg s2  }
0xaf: {  	[dreg:$0x3] =	wrdreg s24  }
0xb0: {  	[dreg:$0x4] =	wrdreg $0x0  }
0xb1: {  	[dreg:$0x5] =	wrdreg $0x9  }
0xb2: {  	_ =	task.clear_ibuf [dreg:s7], $0x6FFFF;
	_ =	strace $0x90000046  }
0xb3: {  	s29 =	simm.s32 $0x9;
	_ =	strace $0x80000048  }
0xb4: {  	_ =	swait.ge [sflag:s29], $0x1  }
0xb5: {  	[sflag:s29] =	ssyncadd.s32 $0xFFFFFFFF  }
0xb6: {  	_ =	strace $0x90000048  }
0xb7: {  	_ =	sfence  }
0xb8: {  	s30 =	sld [smem:$0x0];
	_ =	sdelay $0x2  }
0xb9: {  	s31 =	sshll.u32 s1, $0xD;
	s1 =	sshrl.u32 s1, $0x2  }
0xba: {  	s3 =	sand.u32 $0x4000, s31;
	s1 =	sadd.s32 s1, s30  }
0xbb: {  	s0 =	sor.u32 s3, s0;
	s1 =	sshll.u32 s1, $0x11  }
0xbc: {  	s0 =	sor.u32 s1, s0  }
0xbd: {  	s0 =	sadd.s32 $0x8F2B, s0  }
0xbe: {  	[sflag:s0] =	ssyncadd.remote.s32 $0x1  }
0xbf: {  	_ =	sfence.sel $0xFFFF  }
0xc0: {  	[dreg:$0x0] =	wrdreg $0xFFFFFFFF;
	(pc) =	sbr.abs _section_cstart, $3  }
0xc1: {  	[dreg:$0x1] =	wrdreg $0xFFFFFFFF  }
0xc2: {  	_ =	task.clear_ibuf [dreg:s7], $0x2FFFF;
	_ =	strace $0x9FFFFFFF  }
0xc3: {  	(tm) =	ssettm $0x7FFFFFFF  }
tec
execute0_lowered:
.L_overlay_start_1:
0x0: {  	(tag) =	ssettag $0x1  }
0x1: {  	s4 =	rddreg [dreg:$0x0]  }
0x2: {  	s5 =	rddreg [dreg:$0x1]  }
0x3: {  	s0 =	srdreg.scid;
	s2 =	rddreg [dreg:$0x2]  }
0x4: {  	s1 =	rddreg [dreg:$0x3];
	s6 =	sand.u32 $0x1, s0  }
0x5: {  	s0 =	stileid.u32;
	s7 =	smul.u32 $0x2780, s6  }
0x6: {  	s3 =	simm.s32 $0x0;
	s12 =	simm.s32 $0x1;
	s8 =	smul.u32 $0x278, s0  }
0x7: {  	s13 =	simm.s32 $0x278;
	s14 =	simm.s32 $0x80;
	s9 =	smul.u32 $0x30000, s6  }
0x8: {  	s15 =	simm.s32 $0x1278;
	[smem:$0x7FF] =	sst s3;
	s10 =	smul.u32 $0x3000, s0  }
0x9: {  	s16 =	simm.s32 $0x0;
	_ =	strace $0x80000047;
	s6 =	ssub.s32 $0x2, s6  }
0xa: {  	s31 =	sshrl.u32 s6, $0x1;
	s7 =	sadd.s32 s8, s7;
	s9 =	sadd.s32 s10, s9  }
0xb: {  	s10 =	ssub.s32 s6, s31;
	s7 =	sshrl.u32 s7, $0x3;
	s9 =	sshrl.u32 s9, $0x3  }
0xc: {  	s6 =	sadd.s32 s8, s2;
	s11 =	sadd.s32 s7, s5;
	s4 =	sadd.s32 s4, s9  }
0xd: {  	s10 =	smax.u32 s10, $0x1;
	s5 =	sadd.s32 $0xE800, s11;
	s7 =	sadd.s32 $0x200, s4  }
0xe: {  	v0 =	vimm.f32 $1.000000000e+00;
	s8 =	sadd.s32 $0x400, s4;
	s9 =	sadd.s32 $0xF200, s11;
	s11 =	simm.s32 $0x12F8  }
.LBB2_1:
0xf: {  	[tilespmem:s11], [sflag:$0x1] =	stream.linear.gather [hbm4b:s5+s3], $0x278, $0x38;
	[tilespmem:$0x1578] =	vst v63  }
0x10: {  	_ =	swait.ge [sflag:s12], $0x278  }
0x11: {  	[sflag:s12] =	ssyncset.done $0x0  }
0x12: {  	[sflag:s12] =	ssyncadd.s32 $0xFFFFFD88  }
0x13: {  	[spmem:s6] =	stream.linear.scatter [tilespmem:s11], [sflag:$0x1], $0x278, $0x38;
	[tilespmem:$0x1578] =	vst v63  }
0x14: {  	_ =	swait.ge [sflag:s12], $0x278  }
0x15: {  	[sflag:s12] =	ssyncset.done $0x0  }
0x16: {  	[sflag:s12] =	ssyncadd.s32 $0xFFFFFD88  }
0x17: {  	[tilespmem:$0x1278] =	vst v0  }
0x18: {  	[tilespmem:$0x1288] =	vst v0  }
0x19: {  	[tilespmem:$0x1298] =	vst v0  }
0x1a: {  	[tilespmem:$0x12A8] =	vst v0  }
0x1b: {  	[tilespmem:$0x12B8] =	vst v0  }
0x1c: {  	[tilespmem:$0x12C8] =	vst v0  }
0x1d: {  	[tilespmem:$0x12D8] =	vst v0  }
0x1e: {  	[tilespmem:$0x12E8] =	vst v0  }
0x1f: {  	[bflag:$0x0] =	sbarrier.arrive $0xFFFF  }
0x20: {  	[tilespmem:s13], [sflag:$0x1] =	stream.linear.gather [hbm4b:s4+s3], $0xD80, $0x38;
	[tilespmem:$0x1578] =	vst v63  }
0x21: {  	_ =	swait.ge [sflag:s12], $0xD80  }
0x22: {  	[sflag:s12] =	ssyncset.done $0x0  }
0x23: {  	s17 =	simm.s32 $0x278;
	[sflag:s12] =	ssyncadd.s32 $0xFFFFF280  }
0x24: {  	[spmem:s2] =	stream.indirect.scatter.add.f32 [tilespmem:s15], [sflag:$0x1], $0x1, s17, s14, $0xb8;
	[tilespmem:$0x1578] =	vst v63  }
0x25: {  	s17 =	simm.s32 $0x200;
	_ =	swait.ge [sflag:s12], $0x80  }
.LBB2_2:
0x26: {  	s18 =	sshra.s32 s17, $0x2;
	[sflag:s12] =	ssyncset.done $0x0;
	p0 =	sne.s32 s17, $0x3400  }
.Ltmp0:
0x27: {  	s18 =	sadd.s32 $0x278, s18;
	[sflag:s12] =	ssyncadd.s32 $0xFFFFFF80;
	(pc) =	sbr.rel @p0 .LBB2_2-.Ltmp0, $3  }
0x28: {  	[spmem:s2] =	stream.indirect.scatter.add.f32 [tilespmem:s15], [sflag:$0x1], $0x1, s18, s14, $0xb8;
	[tilespmem:$0x1578] =	vst v63  }
0x29: {  	s17 =	sadd.s32 $0x200, s17;
	_ =	sdelay $0x1  }
0x2a: {  	_ =	swait.ge [sflag:s12], $0x80  }
0x2b: {  	[sflag:s12] =	ssyncset.done $0x0  }
0x2c: {  	s17 =	simm.s32 $0x0;
	[sflag:s12] =	ssyncadd.s32 $0xFFFFFF80  }
0x2d: {  	[tilespmem:s13], [sflag:$0x1] =	stream.linear.gather [hbm4b:s7+s17], $0xD80, $0x38;
	[tilespmem:$0x1578] =	vst v63  }
0x2e: {  	_ =	swait.ge [sflag:s12], $0xD80  }
0x2f: {  	[sflag:s12] =	ssyncset.done $0x0  }
0x30: {  	s31 =	simm.s32 $0x278;
	[sflag:s12] =	ssyncadd.s32 $0xFFFFF280  }
0x31: {  	[spmem:s2] =	stream.indirect.scatter.add.f32 [tilespmem:s15], [sflag:$0x1], $0x1, s31, s14, $0xb8;
	[tilespmem:$0x1578] =	vst v63  }
0x32: {  	s17 =	simm.s32 $0x200;
	_ =	swait.ge [sflag:s12], $0x80  }
.LBB2_4:
0x33: {  	s18 =	sshra.s32 s17, $0x2;
	[sflag:s12] =	ssyncset.done $0x0;
	p0 =	sne.s32 s17, $0x3400  }
.Ltmp1:
0x34: {  	s18 =	sadd.s32 $0x278, s18;
	[sflag:s12] =	ssyncadd.s32 $0xFFFFFF80;
	(pc) =	sbr.rel @p0 .LBB2_4-.Ltmp1, $3  }
0x35: {  	[spmem:s2] =	stream.indirect.scatter.add.f32 [tilespmem:s15], [sflag:$0x1], $0x1, s18, s14, $0xb8;
	[tilespmem:$0x1578] =	vst v63  }
0x36: {  	s17 =	sadd.s32 $0x200, s17;
	_ =	sdelay $0x1  }
0x37: {  	_ =	swait.ge [sflag:s12], $0x80  }
0x38: {  	[sflag:s12] =	ssyncset.done $0x0  }
0x39: {  	s17 =	simm.s32 $0x0;
	[sflag:s12] =	ssyncadd.s32 $0xFFFFFF80  }
0x3a: {  	[tilespmem:s13], [sflag:$0x1] =	stream.linear.gather [hbm4b:s8+s17], $0xD80, $0x38;
	[tilespmem:$0x1578] =	vst v63  }
0x3b: {  	_ =	swait.ge [sflag:s12], $0xD80  }
0x3c: {  	[sflag:s12] =	ssyncset.done $0x0  }
0x3d: {  	s31 =	simm.s32 $0x278;
	[sflag:s12] =	ssyncadd.s32 $0xFFFFF280  }
0x3e: {  	[spmem:s2] =	stream.indirect.scatter.add.f32 [tilespmem:s15], [sflag:$0x1], $0x1, s31, s14, $0xb8;
	[tilespmem:$0x1578] =	vst v63  }
0x3f: {  	s17 =	simm.s32 $0x200;
	_ =	swait.ge [sflag:s12], $0x80  }
.LBB2_6:
0x40: {  	s18 =	sshra.s32 s17, $0x2;
	[sflag:s12] =	ssyncset.done $0x0;
	p0 =	sne.s32 s17, $0x3400  }
.Ltmp2:
0x41: {  	s18 =	sadd.s32 $0x278, s18;
	[sflag:s12] =	ssyncadd.s32 $0xFFFFFF80;
	(pc) =	sbr.rel @p0 .LBB2_6-.Ltmp2, $3  }
0x42: {  	[spmem:s2] =	stream.indirect.scatter.add.f32 [tilespmem:s15], [sflag:$0x1], $0x1, s18, s14, $0xb8;
	[tilespmem:$0x1578] =	vst v63  }
0x43: {  	s17 =	sadd.s32 $0x200, s17;
	_ =	sdelay $0x1  }
0x44: {  	_ =	swait.ge [sflag:s12], $0x80  }
0x45: {  	[sflag:s12] =	ssyncset.done $0x0  }
0x46: {  	[sflag:s12] =	ssyncadd.s32 $0xFFFFFF80  }
0x47: {  	[bflag:$0x0] =	sbarrier.arrive $0xFFFF  }
0x48: {  	[tilespmem:s11], [sflag:$0x1] =	stream.linear.gather [spmem:s6], $0x278, $0x38;
	[tilespmem:$0x1578] =	vst v63  }
0x49: {  	s16 =	sadd.s32 $0x1, s16;
	_ =	swait.ge [sflag:s12], $0x278  }
0x4a: {  	p0 =	sne.s32 s16, s10;
	[sflag:s12] =	ssyncset.done $0x0  }
.Ltmp3:
0x4b: {  	[sflag:s12] =	ssyncadd.s32 $0xFFFFFD88;
	(pc) =	sbr.rel @p0 .LBB2_1-.Ltmp3, $4  }
0x4c: {  	[hbm4b:s9+s3] =	stream.linear.scatter [tilespmem:s11], [sflag:$0x1], $0x278, $0x38;
	[tilespmem:$0x1578] =	vst v63  }
0x4d: {  	_ =	swait.ge [sflag:s12], $0x278  }
0x4e: {  	[sflag:s12] =	ssyncset.done $0x0  }
0x4f: {  	[sflag:s12] =	ssyncadd.s32 $0xFFFFFD88  }
0x50: {  	_ =	sfence.sel $0x180000  }
0x51: {  	[bflag:$0x0] =	sbarrier.arrive $0xFFFF  }
0x52: {  	p0 =	sne.s32 s0, $0x0;
	_ =	strace $0x90000047  }
0x53: {  	s0 =	sadd.s32 @!p0 $0x100000, s1;
	[bflag:$0x2] =	sbarrier.arrive $0xFFFF  }
0x54: {  	[sflag:s0] =	ssyncadd.tile.s32 @!p0 $0x1;
	_ =	shalt  }
.Lfunc_end2:
_tile_overlayer_lowered:
.L_overlay_start_2:
0x55: {  	(tag) =	ssettag $0x2  }
0x56: {  	s0 =	rddreg [dreg:$0x0];
	s2 =	stileid.u32  }
0x57: {  	s1 =	rddreg [dreg:$0x1];
	p0 =	sne.s32 s2, $0x0  }
0x58: {  	s3 =	rddreg [dreg:$0x2];
	[bflag:$0x3] =	sbarrier.arrive $0xFFFF;
	s2 =	simm.s32 @!p0 $0x1C01  }
0x59: {  	[timem:s3], [sflag:s2] =	dma.local @!p0 [hbm:s0], s1  }
0x5a: {  	s0 =	simm.s32 @!p0 $0x1  }
0x5b: {  	_ =	swait.ge @!p0 [sflag:s0], s1  }
0x5c: {  	s1 =	ssub.s32 @!p0 $0x0, s1;
	[sflag:s0] =	ssyncset.done @!p0 $0x0  }
0x5d: {  	[sflag:s0] =	ssyncadd.s32 @!p0 s1  }
0x5e: {  	[bflag:$0x3] =	sbarrier.arrive $0xFFFF  }
0x5f: {  	_ =	shalt  }

// kernel: kernel.13.cloned.1.call-start
scs
__scs_entry_jumppad:
0x0: {  	(pc) =	sbr.rel $0x88, $3  }
0x1: {  	(tag) =	ssettag $0x0;
	lr =	simm.s32 $0x1  }
0x2: {  	[smem:$0x3F99] =	sst lr;
	_ =	strace $0xD0000000  }
0x3: {  	_ = 	snop  }
0x4: {  	_ = 	snop  }
0x5: {  	_ = 	snop  }
0x6: {  	_ = 	snop  }
0x7: {  	_ = 	snop  }
__scs_overlays_trampoline_lowered:
0x8: {  	[smem:$0x3FA8] =	sst s0  }
0x9: {  	[smem:$0x3FA9] =	sst s1  }
0xa: {  	[smem:$0x3FAA] =	sst s2  }
0xb: {  	[smem:$0x3FAB] =	sst s3  }
0xc: {  	[smem:$0x3FAC] =	sst s4  }
0xd: {  	[smem:$0x3FAD] =	sst s5  }
0xe: {  	[smem:$0x3FAE] =	sst s6  }
0xf: {  	[smem:$0x3FAF] =	sst s7  }
0x10: {  	[smem:$0x3FB0] =	sst s8  }
0x11: {  	[smem:$0x3FB1] =	sst s9;
	s0 =	simm.s32 @!p0 $0x0  }
0x12: {  	s1 =	sld [smem:$0x3F97];
	s0 =	simm.s32 @p0 $0x1  }
0x13: {  	[smem:$0x3FB2] =	sst s0;
	s0 =	simm.s32 @!p1 $0x0  }
0x14: {  	s2 =	sld [smem:$0x3F96];
	s0 =	simm.s32 @p1 $0x1  }
0x15: {  	[smem:$0x3FB3] =	sst s0;
	s0 =	simm.s32 @!p2 $0x0  }
0x16: {  	s3 =	sld [smem:$0x3FDB];
	s0 =	simm.s32 @p2 $0x1  }
0x17: {  	s4 =	simm.s32 $0x1BF5;
	[smem:$0x3FB5] =	sst s0  }
0x18: {  	s0 =	sld [smem:$0x3F98];
	_ =	swait.ge [sflag:s4], $0x0  }
0x19: {  	s7 =	sld [smem:$0x3F99]  }
0x1a: {  	s8 =	sadd.s32 $0xFFFFE003, lr  }
0x1b: {  	s9 =	sadd.s32 $0xFFFFFEF7, lr;
	s5 =	simm.s32 $0xFFFFFFFF;
	p2 =	slt.u32 s8, $0xFFFFF086  }
0x1c: {  	p1 =	slt.u32 s9, $0xF7A;
	s5 =	simm.s32 @!p2 $0x0  }
0x1d: {  	s5 =	simm.s32 @p1 $0x1;
	p0 =	seq.s32 s7, s2  }
0x1e: {  	s7 =	smul.u32 @!p0 $0xF7A, s2;
	p2 =	seq.s32 @!p0 s5, $0x0  }
0x1f: {  	s9 =	smul.u32 $0xF7A, s1;
	s8 =	simm.s32 @!p0 $0x1BF5;
	p2 =	por !p2, p0  }
0x20: {  	[sflag:s8] =	ssyncset.s32 @!p0 $0xFFFFF086;
	s6 =	sadd.s32 @!p0 s3, s7;
	s7 =	simm.s32 @!p0 $0x108  }
0x21: {  	s3 =	sadd.s32 s3, s9;
	s6 =	sadd.s32 @!p0 $0x88, s6;
	s7 =	simm.s32 @p2 $0x1082  }
0x22: {  	[simem:s7], [sflag:s8] =	dma.local @!p0 [hbm:s6], $0xF7A  }
0x23: {  	s9 =	sor.u32 $0xD0000000, s2;
	s6 =	simm.s32 $0x108;
	_ =	swait.ge @!p0 [sflag:s8], $0x0  }
0x24: {  	s3 =	sadd.s32 $0x88, s3;
	s6 =	simm.s32 @!p1 $0x1082;
	[sflag:s4] =	ssyncset.s32 $0xFFFFF086  }
0x25: {  	[simem:s6], [sflag:s4] =	dma.local [hbm:s3], $0xF7A  }
0x26: {  	[smem:$0x3F99] =	sst s1;
	(tag) =	ssettag s2;
	_ =	strace s9  }
0x27: {  	s1 =	sld [smem:$0x3FA9]  }
0x28: {  	s2 =	sld [smem:$0x3FAA]  }
0x29: {  	s4 =	sld [smem:$0x3FAC]  }
0x2a: {  	p0 =	seq.s32 s5, $0x0;
	s5 =	sld [smem:$0x3FAD]  }
0x2b: {  	s6 =	sld [smem:$0x3FAE]  }
0x2c: {  	s7 =	sld [smem:$0x3FAF]  }
0x2d: {  	s3 =	simm.s32 $0x108;
	s8 =	sld [smem:$0x3FB0]  }
0x2e: {  	s3 =	simm.s32 @!p0 $0x1082;
	s9 =	sld [smem:$0x3FB1]  }
0x2f: {  	lr =	sadd.s32 s0, s3;
	s0 =	sld [smem:$0x3FA8]  }
0x30: {  	s3 =	sld [smem:$0x3FAB]  }
0x31: {  	[smem:$0x3FB4] =	sst s10  }
0x32: {  	s10 =	sld [smem:$0x3FB2];
	_ =	sdelay $0x3  }
0x33: {  	p0 =	seq.s32 s10, $0x1;
	s10 =	sld [smem:$0x3FB4];
	_ =	sdelay $0x3  }
0x34: {  	[smem:$0x3FB4] =	sst s10  }
0x35: {  	s10 =	sld [smem:$0x3FB3];
	_ =	sdelay $0x3  }
0x36: {  	p1 =	seq.s32 s10, $0x1;
	s10 =	sld [smem:$0x3FB4];
	_ =	sdelay $0x3  }
0x37: {  	[smem:$0x3FB4] =	sst s10  }
0x38: {  	s10 =	sld [smem:$0x3FB5]  }
0x39: {  	_ = 	snop;
	(pc) =	sbr.ind lr, $3  }
0x3a: {  	_ = 	snop  }
0x3b: {  	_ = 	snop  }
0x3c: {  	p2 =	seq.s32 s10, $0x1;
	s10 =	sld [smem:$0x3FB4]  }
0x3d: {  	_ =	shalt  }
0x3e: {  	_ =	shalt  }
0x3f: {  	_ =	shalt  }
0x40: {  	_ =	shalt  }
0x41: {  	_ =	shalt  }
0x42: {  	_ =	shalt  }
0x43: {  	_ =	shalt  }
0x44: {  	_ =	shalt  }
0x45: {  	_ =	shalt  }
0x46: {  	_ =	shalt  }
0x47: {  	_ =	shalt  }
0x48: {  	_ =	shalt  }
0x49: {  	_ =	shalt  }
0x4a: {  	_ =	shalt  }
0x4b: {  	_ =	shalt  }
0x4c: {  	_ =	shalt  }
0x4d: {  	_ =	shalt  }
0x4e: {  	_ =	shalt  }
0x4f: {  	_ =	shalt  }
0x50: {  	_ =	shalt  }
0x51: {  	_ =	shalt  }
0x52: {  	_ =	shalt  }
0x53: {  	_ =	shalt  }
0x54: {  	_ =	shalt  }
0x55: {  	_ =	shalt  }
0x56: {  	_ =	shalt  }
0x57: {  	_ =	shalt  }
0x58: {  	_ =	shalt  }
0x59: {  	_ =	shalt  }
0x5a: {  	_ =	shalt  }
0x5b: {  	_ =	shalt  }
0x5c: {  	_ =	shalt  }
0x5d: {  	_ =	shalt  }
0x5e: {  	_ =	shalt  }
0x5f: {  	_ =	shalt  }
0x60: {  	_ =	shalt  }
0x61: {  	_ =	shalt  }
0x62: {  	_ =	shalt  }
0x63: {  	_ =	shalt  }
0x64: {  	_ =	shalt  }
0x65: {  	_ =	shalt  }
0x66: {  	_ =	shalt  }
0x67: {  	_ =	shalt  }
0x68: {  	_ =	shalt  }
0x69: {  	_ =	shalt  }
0x6a: {  	_ =	shalt  }
0x6b: {  	_ =	shalt  }
0x6c: {  	_ =	shalt  }
0x6d: {  	_ =	shalt  }
0x6e: {  	_ =	shalt  }
0x6f: {  	_ =	shalt  }
0x70: {  	_ =	shalt  }
0x71: {  	_ =	shalt  }
0x72: {  	_ =	shalt  }
0x73: {  	_ =	shalt  }
0x74: {  	_ =	shalt  }
0x75: {  	_ =	shalt  }
0x76: {  	_ =	shalt  }
0x77: {  	_ =	shalt  }
0x78: {  	_ =	shalt  }
0x79: {  	_ =	shalt  }
0x7a: {  	_ =	shalt  }
0x7b: {  	_ =	shalt  }
0x7c: {  	_ =	shalt  }
0x7d: {  	_ =	shalt  }
0x7e: {  	_ =	shalt  }
0x7f: {  	_ =	shalt  }
0x80: {  	_ =	shalt  }
0x81: {  	_ =	shalt  }
0x82: {  	_ =	shalt  }
0x83: {  	_ =	shalt  }
0x84: {  	_ =	shalt  }
0x85: {  	_ =	shalt  }
0x86: {  	_ =	shalt  }
0x87: {  	_ =	shalt  }
.Lfunc_end0:
.L_simem_size_0:
called_computation.1_lowered:
.L_overlay_start_0:
0x88: {  	s2 =	sld [smem:$0x3FD9]  }
0x89: {  	s3 =	sld [smem:$0x3FFE];
	_ =	sdelay $0x1  }
0x8a: {  	s1 =	srdreg.scid  }
0x8b: {  	s0 =	sand.u32 $0x1, s1  }
0x8c: {  	s17 =	sshll.u32 s0, $0xA;
	s2 =	sadd.s32 s3, s2  }
0x8d: {  	s2 =	sadd.s32 s2, s17  }
0x8e: {  	[smem:$0x3FC0] =	sst s2  }
0x8f: {  	_ = 	snop  }
0x90: {  	s2 =	sld [smem:$0x3FD0];
	(tm) =	ssettm $0x1  }
0x91: {  	s18 =	sld [smem:$0x3FFB];
	_ =	sdelay $0x3  }
0x92: {  	_ =	strace s18  }
0x93: {  	s3 =	sld [smem:$0x3FFC];
	_ =	sdelay $0x3  }
0x94: {  	_ =	strace s3  }
0x95: {  	s3 =	sld [smem:$0x3FFD];
	_ =	sdelay $0x3  }
0x96: {  	_ =	strace s3  }
0x97: {  	_ =	strace $0x8FFFFFFF  }
0x98: {  	s19 =	sld [smem:$0x3FDB];
	_ =	sdelay $0x1  }
0x99: {  	s4 =	simm.s32 $_scs_section_size  }
0x9a: {  	s5 =	simm.s32 $_size__tile_overlayer_lowered;
	s6 =	simm.s32 $_tile_overlayer_lowered  }
0x9b: {  	s22 =	simm.s32 $0x1BFF;
	s21 =	sshll.u32 s6, $0x1;
	s3 =	sadd.s32 s4, s19  }
0x9c: {  	s7 =	simm.s32 $0x0;
	s20 =	sshll.u32 s5, $0x1;
	s5 =	sadd.s32 s21, s3  }
0x9d: {  	[timem:s7], [sflag:s22] =	dma.local [hbm:s5], s20  }
0x9e: {  	_ =	swait.ge [sflag:s22], s20  }
0x9f: {  	s4 =	ssub.s32 $0x0, s20;
	[sflag:s22] =	ssyncset.done $0x0  }
0xa0: {  	[sflag:s22] =	ssyncadd.s32 s4;
	_ =	sdelay $0x1  }
0xa1: {  	s23 =	simm.s32 $0x1B8B  }
0xa2: {  	_ =	swait.ge [sflag:s23], $0x1  }
0xa3: {  	[sflag:s23] =	ssyncset.done $0x0  }
0xa4: {  	s25 =	simm.s32 $0x1B8E;
	s24 =	sld [smem:$0x3FFE];
	[sflag:s23] =	ssyncadd.s32 $0xFFFFFFFF  }
0xa5: {  	s26 =	simm.s32 $execute0_lowered;
	[smem:$0x3FD2] =	sst s25  }
0xa6: {  	s5 =	sshll.u32 s26, $0x1;
	_ =	strace $0x80000049;
	[dreg:$0x1] =	wrdreg $0xFFFFFFFF  }
0xa7: {  	s28 =	simm.s32 $_size_execute0_lowered;
	s3 =	sadd.s32 s3, s5;
	[dreg:$0x0] =	wrdreg $0x0  }
0xa8: {  	s5 =	sshll.u32 s28, $0x1;
	[dreg:$0x2] =	wrdreg s3  }
0xa9: {  	[dreg:$0x3] =	wrdreg s5  }
0xaa: {  	[dreg:$0x4] =	wrdreg $0xC0  }
0xab: {  	_ =	task [dreg:s7], $0x5FFFF  }
0xac: {  	[dreg:$0x1] =	wrdreg $0xFFFFFFFF  }
0xad: {  	[dreg:$0x0] =	wrdreg $0x60  }
0xae: {  	[dreg:$0x2] =	wrdreg s24  }
0xaf: {  	[dreg:$0x3] =	wrdreg s2  }
0xb0: {  	[dreg:$0x4] =	wrdreg $0x0  }
0xb1: {  	[dreg:$0x5] =	wrdreg $0x9  }
0xb2: {  	_ =	task.clear_ibuf [dreg:s7], $0x6FFFF;
	_ =	strace $0x90000049  }
0xb3: {  	s29 =	simm.s32 $0x9;
	_ =	strace $0x8000004B  }
0xb4: {  	_ =	swait.ge [sflag:s29], $0x1  }
0xb5: {  	[sflag:s29] =	ssyncadd.s32 $0xFFFFFFFF  }
0xb6: {  	_ =	strace $0x9000004B  }
0xb7: {  	_ =	sfence  }
0xb8: {  	s30 =	sld [smem:$0x0];
	_ =	sdelay $0x2  }
0xb9: {  	s31 =	sshll.u32 s1, $0xD;
	s1 =	sshrl.u32 s1, $0x2  }
0xba: {  	s3 =	sand.u32 $0x4000, s31;
	s1 =	sadd.s32 s1, s30  }
0xbb: {  	s0 =	sor.u32 s3, s0;
	s1 =	sshll.u32 s1, $0x11  }
0xbc: {  	s0 =	sor.u32 s1, s0  }
0xbd: {  	s0 =	sadd.s32 $0x8F2B, s0  }
0xbe: {  	[sflag:s0] =	ssyncadd.remote.s32 $0x1  }
0xbf: {  	_ =	sfence.sel $0xFFFF  }
0xc0: {  	[dreg:$0x0] =	wrdreg $0xFFFFFFFF;
	(pc) =	sbr.abs _section_cstart, $3  }
0xc1: {  	[dreg:$0x1] =	wrdreg $0xFFFFFFFF  }
0xc2: {  	_ =	task.clear_ibuf [dreg:s7], $0x2FFFF;
	_ =	strace $0x9FFFFFFF  }
0xc3: {  	(tm) =	ssettm $0x7FFFFFFF  }
tec
execute0_lowered:
.L_overlay_start_1:
0x0: {  	(tag) =	ssettag $0x1  }
0x1: {  	s5 =	rddreg [dreg:$0x0]  }
0x2: {  	s15 =	rddreg [dreg:$0x1]  }
0x3: {  	s1 =	rddreg [dreg:$0x2];
	s3 =	simm.s32 $0x0;
	s6 =	srdreg.scid  }
0x4: {  	s0 =	stileid.u32;
	s25 =	simm.s32 $0x14C00;
	s26 =	simm.s32 $0x80  }
0x5: {  	s28 =	simm.s32 $0x0;
	[smem:$0x7FF] =	sst s3;
	s29 =	smul.u32 $0x4F000, s0  }
0x6: {  	s4 =	sadd.s32 $0xE800, s5;
	s12 =	sand.u32 $0x1, s6;
	s16 =	smul.u32 $0x13C00, s0  }
0x7: {  	s14 =	sadd.s32 $0x2800, s5;
	s20 =	sadd.s32 $0x36000, s5;
	s9 =	smul.u32 $0x3000, s0  }
0x8: {  	_ =	strace $0x8000004A;
	s7 =	ssub.s32 $0x2, s12;
	s8 =	smul.u32 $0x30000, s12  }
0x9: {  	s24 =	smul.u32 $0x13C000, s12;
	s30 =	sshrl.u32 s7, $0x1;
	s31 =	sshrl.u32 s29, $0x2  }
0xa: {  	s17 =	sadd.s32 $0x4000, s16;
	s18 =	sadd.s32 $0x8000, s16;
	s19 =	sadd.s32 $0xC000, s16  }
0xb: {  	s22 =	sadd.s32 $0x10000, s16;
	s21 =	ssub.s32 s7, s30;
	s5 =	sadd.s32 s31, s1  }
0xc: {  	s6 =	sadd.s32 s17, s1;
	s7 =	sadd.s32 s18, s1;
	s8 =	sadd.s32 s9, s8  }
0xd: {  	s9 =	sadd.s32 s22, s1;
	s16 =	sadd.s32 s16, s24;
	s17 =	sadd.s32 s24, s17  }
0xe: {  	s18 =	sadd.s32 s24, s18;
	s22 =	sadd.s32 s24, s22;
	s23 =	sshrl.u32 s8, $0x3  }
0xf: {  	s8 =	sadd.s32 s19, s1;
	s16 =	sshrl.u32 s16, $0x3;
	s17 =	sshrl.u32 s17, $0x3  }
0x10: {  	s18 =	sshrl.u32 s18, $0x3;
	s19 =	sadd.s32 s24, s19;
	s22 =	sshrl.u32 s22, $0x3  }
0x11: {  	s21 =	smax.u32 s21, $0x1;
	s24 =	simm.s32 $0x13C00;
	s10 =	sadd.s32 s14, s23  }
0x12: {  	s11 =	sadd.s32 s15, s23;
	s13 =	sadd.s32 $0x200, s23;
	s23 =	sadd.s32 $0x400, s23  }
0x13: {  	s16 =	sadd.s32 s20, s16;
	s17 =	sadd.s32 s20, s17;
	s18 =	sadd.s32 s20, s18  }
0x14: {  	s19 =	sshrl.u32 s19, $0x3;
	s12 =	sadd.s32 s14, s13;
	s13 =	sadd.s32 s15, s13  }
0x15: {  	s14 =	sadd.s32 s14, s23;
	s15 =	sadd.s32 s15, s23;
	s19 =	sadd.s32 s20, s19  }
0x16: {  	v0 =	vimm.f32 $0.0e+00;
	s20 =	sadd.s32 s20, s22;
	s22 =	simm.s32 $0x15C00;
	s23 =	simm.s32 $0x1  }
.LBB2_1:
0x17: {  	s29 =	simm.s32 $0x0;
	s30 =	simm.s32 $0x200  }
.LBB2_2:
0x18: {  	p0 =	sne.s32 s30, $0xFE00;
	[tilespmem:s29+$0x15C70] =	vst v0  }
0x19: {  	[tilespmem:s29+$0x15C00] =	vst v0  }
0x1a: {  	[tilespmem:s29+$0x15C10] =	vst v0  }
.Ltmp0:
0x1b: {  	[tilespmem:s29+$0x15C20] =	vst v0;
	(pc) =	sbr.rel @p0 .LBB2_2-.Ltmp0, $4  }
0x1c: {  	[tilespmem:s29+$0x15C30] =	vst v0  }
0x1d: {  	[tilespmem:s29+$0x15C40] =	vst v0  }
0x1e: {  	[tilespmem:s29+$0x15C50] =	vst v0  }
0x1f: {  	[tilespmem:s29+$0x15C60] =	vst v0;
	s29 =	sshra.s32 s30, $0x2;
	s30 =	sadd.s32 $0x200, s30  }
0x20: {  	[tilespmem:s29+$0x15C70] =	vst v0  }
0x21: {  	[tilespmem:s29+$0x15C00] =	vst v0  }
0x22: {  	[tilespmem:s29+$0x15C10] =	vst v0  }
0x23: {  	[tilespmem:s29+$0x15C20] =	vst v0  }
0x24: {  	[tilespmem:s29+$0x15C30] =	vst v0  }
0x25: {  	[tilespmem:s29+$0x15C40] =	vst v0  }
0x26: {  	[tilespmem:s29+$0x15C50] =	vst v0  }
0x27: {  	[tilespmem:s29+$0x15C60] =	vst v0  }
0x28: {  	[spmem:s5] =	stream.linear.scatter [tilespmem:s22], [sflag:$0x1], $0x4000, $0x38;
	[tilespmem:$0x19C00] =	vst v63  }
0x29: {  	_ =	swait.ge [sflag:s23], $0x4000  }
0x2a: {  	[sflag:s23] =	ssyncset.done $0x0  }
0x2b: {  	[sflag:s23] =	ssyncadd.s32 $0xFFFFC000  }
0x2c: {  	[spmem:s6] =	stream.linear.scatter [tilespmem:s22], [sflag:$0x1], $0x4000, $0x38;
	[tilespmem:$0x19C00] =	vst v63  }
0x2d: {  	_ =	swait.ge [sflag:s23], $0x4000  }
0x2e: {  	[sflag:s23] =	ssyncset.done $0x0  }
0x2f: {  	[sflag:s23] =	ssyncadd.s32 $0xFFFFC000  }
0x30: {  	[spmem:s7] =	stream.linear.scatter [tilespmem:s22], [sflag:$0x1], $0x4000, $0x38;
	[tilespmem:$0x19C00] =	vst v63  }
0x31: {  	_ =	swait.ge [sflag:s23], $0x4000  }
0x32: {  	[sflag:s23] =	ssyncset.done $0x0  }
0x33: {  	[sflag:s23] =	ssyncadd.s32 $0xFFFFC000  }
0x34: {  	[spmem:s8] =	stream.linear.scatter [tilespmem:s22], [sflag:$0x1], $0x4000, $0x38;
	[tilespmem:$0x19C00] =	vst v63  }
0x35: {  	_ =	swait.ge [sflag:s23], $0x4000  }
0x36: {  	[sflag:s23] =	ssyncset.done $0x0  }
0x37: {  	[sflag:s23] =	ssyncadd.s32 $0xFFFFC000  }
0x38: {  	[spmem:s9] =	stream.linear.scatter [tilespmem:s22], [sflag:$0x1], $0x3C00, $0x38;
	[tilespmem:$0x19C00] =	vst v63  }
0x39: {  	_ =	swait.ge [sflag:s23], $0x3C00  }
0x3a: {  	[sflag:s23] =	ssyncset.done $0x0  }
0x3b: {  	[sflag:s23] =	ssyncadd.s32 $0xFFFFC400  }
0x3c: {  	s29 =	simm.s32 $0x0;
	[bflag:$0x0] =	sbarrier.arrive $0xFFFF  }
0x3d: {  	[tilespmem:s24], [sflag:$0x1] =	stream.linear.gather [hbm4b:s10+s29], $0xD80, $0x38;
	[tilespmem:$0x19C00] =	vst v63  }
0x3e: {  	_ =	swait.ge [sflag:s23], $0xD80  }
0x3f: {  	[sflag:s23] =	ssyncset.done $0x0  }
0x40: {  	[sflag:s23] =	ssyncadd.s32 $0xFFFFF280  }
0x41: {  	[tilespmem:s25], [sflag:$0x1] =	stream.linear.gather [hbm4b:s11+s29], $0xD80, $0x38;
	[tilespmem:$0x19C00] =	vst v63  }
0x42: {  	_ =	swait.ge [sflag:s23], $0xD80  }
0x43: {  	[sflag:s23] =	ssyncset.done $0x0  }
0x44: {  	s29 =	simm.s32 $0x13C00;
	[sflag:s23] =	ssyncadd.s32 $0xFFFFF280  }
0x45: {  	[tilespmem:s22], [sflag:$0x1] =	stream.indirect.gather [hbm4b:s4+s26], $0x80, s29, s26, $0xb8;
	[tilespmem:$0x19C00] =	vst v63  }
0x46: {  	_ =	swait.ge [sflag:s23], $0x4000  }
0x47: {  	[sflag:s23] =	ssyncset.done $0x0  }
0x48: {  	s29 =	simm.s32 $0x14C00;
	[sflag:s23] =	ssyncadd.s32 $0xFFFFC000  }
0x49: {  	[spmem:s1] =	stream.indirect.scatter.add.f32 [tilespmem:s22], [sflag:$0x1], $0x80, s29, s26, $0xb8;
	[tilespmem:$0x19C00] =	vst v63  }
0x4a: {  	_ =	swait.ge [sflag:s23], $0x4000  }
0x4b: {  	s30 =	simm.s32 $0x400;
	s29 =	simm.s32 $0x80;
	[sflag:s23] =	ssyncset.done $0x0  }
.LBB2_4:
0x4c: {  	s31 =	sadd.s32 $0x13C00, s29  }
0x4d: {  	[sflag:s23] =	ssyncadd.s32 $0xFFFFC000;
	s0 =	smov.u32 s30;
	s2 =	sadd.s32 $0x200, s30  }
0x4e: {  	[tilespmem:s22], [sflag:$0x1] =	stream.indirect.gather [hbm4b:s4+s26], $0x80, s31, s26, $0xb8;
	[tilespmem:$0x19C00] =	vst v63  }
0x4f: {  	p0 =	sne.s32 s30, $0x3400;
	_ =	swait.ge [sflag:s23], $0x4000  }
.Ltmp1:
0x50: {  	[sflag:s23] =	ssyncset.done $0x0;
	(pc) =	sbr.rel @p0 .LBB2_4-.Ltmp1, $4  }
0x51: {  	s29 =	sadd.s32 $0x14C00, s29;
	[sflag:s23] =	ssyncadd.s32 $0xFFFFC000  }
0x52: {  	[spmem:s1] =	stream.indirect.scatter.add.f32 [tilespmem:s22], [sflag:$0x1], $0x80, s29, s26, $0xb8;
	[tilespmem:$0x19C00] =	vst v63  }
0x53: {  	_ =	swait.ge [sflag:s23], $0x4000  }
0x54: {  	s30 =	smov.u32 s2;
	s29 =	sshra.s32 s0, $0x2;
	[sflag:s23] =	ssyncset.done $0x0  }
0x55: {  	s0 =	sadd.s32 $0x13C00, s29;
	[sflag:s23] =	ssyncadd.s32 $0xFFFFC000  }
0x56: {  	[tilespmem:s22], [sflag:$0x1] =	stream.indirect.gather [hbm4b:s4+s26], $0x80, s0, s26, $0xb8;
	[tilespmem:$0x19C00] =	vst v63  }
0x57: {  	_ =	swait.ge [sflag:s23], $0x4000  }
0x58: {  	[sflag:s23] =	ssyncset.done $0x0  }
0x59: {  	s2 =	sadd.s32 $0x14C00, s29;
	[sflag:s23] =	ssyncadd.s32 $0xFFFFC000  }
0x5a: {  	[spmem:s1] =	stream.indirect.scatter.add.f32 [tilespmem:s22], [sflag:$0x1], $0x80, s2, s26, $0xb8;
	[tilespmem:$0x19C00] =	vst v63  }
0x5b: {  	_ =	swait.ge [sflag:s23], $0x4000  }
0x5c: {  	[sflag:s23] =	ssyncset.done $0x0  }
0x5d: {  	s31 =	simm.s32 $0x0;
	[sflag:s23] =	ssyncadd.s32 $0xFFFFC000  }
0x5e: {  	[tilespmem:s24], [sflag:$0x1] =	stream.linear.gather [hbm4b:s12+s31], $0xD80, $0x38;
	[tilespmem:$0x19C00] =	vst v63  }
0x5f: {  	_ =	swait.ge [sflag:s23], $0xD80  }
0x60: {  	[sflag:s23] =	ssyncset.done $0x0  }
0x61: {  	[sflag:s23] =	ssyncadd.s32 $0xFFFFF280  }
0x62: {  	[tilespmem:s25], [sflag:$0x1] =	stream.linear.gather [hbm4b:s13+s31], $0xD80, $0x38;
	[tilespmem:$0x19C00] =	vst v63  }
0x63: {  	_ =	swait.ge [sflag:s23], $0xD80  }
0x64: {  	[sflag:s23] =	ssyncset.done $0x0  }
0x65: {  	s2 =	simm.s32 $0x13C00;
	[sflag:s23] =	ssyncadd.s32 $0xFFFFF280  }
0x66: {  	[tilespmem:s22], [sflag:$0x1] =	stream.indirect.gather [hbm4b:s4+s26], $0x80, s2, s26, $0xb8;
	[tilespmem:$0x19C00] =	vst v63  }
0x67: {  	_ =	swait.ge [sflag:s23], $0x4000  }
0x68: {  	[sflag:s23] =	ssyncset.done $0x0  }
0x69: {  	s31 =	simm.s32 $0x14C00;
	[sflag:s23] =	ssyncadd.s32 $0xFFFFC000  }
0x6a: {  	[spmem:s1] =	stream.indirect.scatter.add.f32 [tilespmem:s22], [sflag:$0x1], $0x80, s31, s26, $0xb8;
	[tilespmem:$0x19C00] =	vst v63  }
0x6b: {  	_ =	swait.ge [sflag:s23], $0x4000  }
0x6c: {  	s30 =	simm.s32 $0x400;
	s29 =	simm.s32 $0x80;
	[sflag:s23] =	ssyncset.done $0x0  }
.LBB2_6:
0x6d: {  	s0 =	sadd.s32 $0x13C00, s29  }
0x6e: {  	[sflag:s23] =	ssyncadd.s32 $0xFFFFC000;
	s2 =	smov.u32 s30;
	s31 =	sadd.s32 $0x200, s30  }
0x6f: {  	[tilespmem:s22], [sflag:$0x1] =	stream.indirect.gather [hbm4b:s4+s26], $0x80, s0, s26, $0xb8;
	[tilespmem:$0x19C00] =	vst v63  }
0x70: {  	p0 =	sne.s32 s30, $0x3400;
	_ =	swait.ge [sflag:s23], $0x4000  }
.Ltmp2:
0x71: {  	[sflag:s23] =	ssyncset.done $0x0;
	(pc) =	sbr.rel @p0 .LBB2_6-.Ltmp2, $4  }
0x72: {  	s0 =	sadd.s32 $0x14C00, s29;
	[sflag:s23] =	ssyncadd.s32 $0xFFFFC000  }
0x73: {  	[spmem:s1] =	stream.indirect.scatter.add.f32 [tilespmem:s22], [sflag:$0x1], $0x80, s0, s26, $0xb8;
	[tilespmem:$0x19C00] =	vst v63  }
0x74: {  	_ =	swait.ge [sflag:s23], $0x4000  }
0x75: {  	s29 =	sshra.s32 s2, $0x2;
	s30 =	smov.u32 s31;
	[sflag:s23] =	ssyncset.done $0x0  }
0x76: {  	s0 =	sadd.s32 $0x13C00, s29;
	[sflag:s23] =	ssyncadd.s32 $0xFFFFC000  }
0x77: {  	[tilespmem:s22], [sflag:$0x1] =	stream.indirect.gather [hbm4b:s4+s26], $0x80, s0, s26, $0xb8;
	[tilespmem:$0x19C00] =	vst v63  }
0x78: {  	_ =	swait.ge [sflag:s23], $0x4000  }
0x79: {  	[sflag:s23] =	ssyncset.done $0x0  }
0x7a: {  	s2 =	sadd.s32 $0x14C00, s29;
	[sflag:s23] =	ssyncadd.s32 $0xFFFFC000  }
0x7b: {  	[spmem:s1] =	stream.indirect.scatter.add.f32 [tilespmem:s22], [sflag:$0x1], $0x80, s2, s26, $0xb8;
	[tilespmem:$0x19C00] =	vst v63  }
0x7c: {  	_ =	swait.ge [sflag:s23], $0x4000  }
0x7d: {  	[sflag:s23] =	ssyncset.done $0x0  }
0x7e: {  	s31 =	simm.s32 $0x0;
	[sflag:s23] =	ssyncadd.s32 $0xFFFFC000  }
0x7f: {  	[tilespmem:s24], [sflag:$0x1] =	stream.linear.gather [hbm4b:s14+s31], $0xD80, $0x38;
	[tilespmem:$0x19C00] =	vst v63  }
0x80: {  	_ =	swait.ge [sflag:s23], $0xD80  }
0x81: {  	[sflag:s23] =	ssyncset.done $0x0  }
0x82: {  	[sflag:s23] =	ssyncadd.s32 $0xFFFFF280  }
0x83: {  	[tilespmem:s25], [sflag:$0x1] =	stream.linear.gather [hbm4b:s15+s31], $0xD80, $0x38;
	[tilespmem:$0x19C00] =	vst v63  }
0x84: {  	_ =	swait.ge [sflag:s23], $0xD80  }
0x85: {  	[sflag:s23] =	ssyncset.done $0x0  }
0x86: {  	s2 =	simm.s32 $0x13C00;
	[sflag:s23] =	ssyncadd.s32 $0xFFFFF280  }
0x87: {  	[tilespmem:s22], [sflag:$0x1] =	stream.indirect.gather [hbm4b:s4+s26], $0x80, s2, s26, $0xb8;
	[tilespmem:$0x19C00] =	vst v63  }
0x88: {  	_ =	swait.ge [sflag:s23], $0x4000  }
0x89: {  	[sflag:s23] =	ssyncset.done $0x0  }
0x8a: {  	s31 =	simm.s32 $0x14C00;
	[sflag:s23] =	ssyncadd.s32 $0xFFFFC000  }
0x8b: {  	[spmem:s1] =	stream.indirect.scatter.add.f32 [tilespmem:s22], [sflag:$0x1], $0x80, s31, s26, $0xb8;
	[tilespmem:$0x19C00] =	vst v63  }
0x8c: {  	_ =	swait.ge [sflag:s23], $0x4000  }
0x8d: {  	s30 =	simm.s32 $0x400;
	s29 =	simm.s32 $0x80;
	[sflag:s23] =	ssyncset.done $0x0  }
.LBB2_8:
0x8e: {  	s0 =	sadd.s32 $0x13C00, s29  }
0x8f: {  	[sflag:s23] =	ssyncadd.s32 $0xFFFFC000;
	s2 =	smov.u32 s30;
	s31 =	sadd.s32 $0x200, s30  }
0x90: {  	[tilespmem:s22], [sflag:$0x1] =	stream.indirect.gather [hbm4b:s4+s26], $0x80, s0, s26, $0xb8;
	[tilespmem:$0x19C00] =	vst v63  }
0x91: {  	p0 =	sne.s32 s30, $0x3400;
	_ =	swait.ge [sflag:s23], $0x4000  }
.Ltmp3:
0x92: {  	[sflag:s23] =	ssyncset.done $0x0;
	(pc) =	sbr.rel @p0 .LBB2_8-.Ltmp3, $4  }
0x93: {  	s0 =	sadd.s32 $0x14C00, s29;
	[sflag:s23] =	ssyncadd.s32 $0xFFFFC000  }
0x94: {  	[spmem:s1] =	stream.indirect.scatter.add.f32 [tilespmem:s22], [sflag:$0x1], $0x80, s0, s26, $0xb8;
	[tilespmem:$0x19C00] =	vst v63  }
0x95: {  	_ =	swait.ge [sflag:s23], $0x4000  }
0x96: {  	s29 =	sshra.s32 s2, $0x2;
	s30 =	smov.u32 s31;
	[sflag:s23] =	ssyncset.done $0x0  }
0x97: {  	s0 =	sadd.s32 $0x13C00, s29;
	[sflag:s23] =	ssyncadd.s32 $0xFFFFC000  }
0x98: {  	[tilespmem:s22], [sflag:$0x1] =	stream.indirect.gather [hbm4b:s4+s26], $0x80, s0, s26, $0xb8;
	[tilespmem:$0x19C00] =	vst v63  }
0x99: {  	_ =	swait.ge [sflag:s23], $0x4000  }
0x9a: {  	[sflag:s23] =	ssyncset.done $0x0  }
0x9b: {  	s31 =	sadd.s32 $0x14C00, s29;
	[sflag:s23] =	ssyncadd.s32 $0xFFFFC000  }
0x9c: {  	[spmem:s1] =	stream.indirect.scatter.add.f32 [tilespmem:s22], [sflag:$0x1], $0x80, s31, s26, $0xb8;
	[tilespmem:$0x19C00] =	vst v63  }
0x9d: {  	_ =	swait.ge [sflag:s23], $0x4000  }
0x9e: {  	[sflag:s23] =	ssyncset.done $0x0  }
0x9f: {  	[sflag:s23] =	ssyncadd.s32 $0xFFFFC000  }
0xa0: {  	[bflag:$0x0] =	sbarrier.arrive $0xFFFF  }
0xa1: {  	[tilespmem:s22], [sflag:$0x1] =	stream.linear.gather [spmem:s5], $0x4000, $0x38;
	[tilespmem:$0x19C00] =	vst v63  }
0xa2: {  	_ =	swait.ge [sflag:s23], $0x4000  }
0xa3: {  	[sflag:s23] =	ssyncset.done $0x0  }
0xa4: {  	[sflag:s23] =	ssyncadd.s32 $0xFFFFC000  }
0xa5: {  	[hbm4b:s16+s3] =	stream.linear.scatter [tilespmem:s22], [sflag:$0x1], $0x4000, $0x38;
	[tilespmem:$0x19C00] =	vst v63  }
0xa6: {  	_ =	swait.ge [sflag:s23], $0x4000  }
0xa7: {  	[sflag:s23] =	ssyncset.done $0x0  }
0xa8: {  	[sflag:s23] =	ssyncadd.s32 $0xFFFFC000  }
0xa9: {  	[tilespmem:s22], [sflag:$0x1] =	stream.linear.gather [spmem:s6], $0x4000, $0x38;
	[tilespmem:$0x19C00] =	vst v63  }
0xaa: {  	_ =	swait.ge [sflag:s23], $0x4000  }
0xab: {  	[sflag:s23] =	ssyncset.done $0x0  }
0xac: {  	[sflag:s23] =	ssyncadd.s32 $0xFFFFC000  }
0xad: {  	[hbm4b:s17+s3] =	stream.linear.scatter [tilespmem:s22], [sflag:$0x1], $0x4000, $0x38;
	[tilespmem:$0x19C00] =	vst v63  }
0xae: {  	_ =	swait.ge [sflag:s23], $0x4000  }
0xaf: {  	[sflag:s23] =	ssyncset.done $0x0  }
0xb0: {  	[sflag:s23] =	ssyncadd.s32 $0xFFFFC000  }
0xb1: {  	[tilespmem:s22], [sflag:$0x1] =	stream.linear.gather [spmem:s7], $0x4000, $0x38;
	[tilespmem:$0x19C00] =	vst v63  }
0xb2: {  	_ =	swait.ge [sflag:s23], $0x4000  }
0xb3: {  	[sflag:s23] =	ssyncset.done $0x0  }
0xb4: {  	[sflag:s23] =	ssyncadd.s32 $0xFFFFC000  }
0xb5: {  	[hbm4b:s18+s3] =	stream.linear.scatter [tilespmem:s22], [sflag:$0x1], $0x4000, $0x38;
	[tilespmem:$0x19C00] =	vst v63  }
0xb6: {  	_ =	swait.ge [sflag:s23], $0x4000  }
0xb7: {  	[sflag:s23] =	ssyncset.done $0x0  }
0xb8: {  	[sflag:s23] =	ssyncadd.s32 $0xFFFFC000  }
0xb9: {  	[tilespmem:s22], [sflag:$0x1] =	stream.linear.gather [spmem:s8], $0x4000, $0x38;
	[tilespmem:$0x19C00] =	vst v63  }
0xba: {  	_ =	swait.ge [sflag:s23], $0x4000  }
0xbb: {  	[sflag:s23] =	ssyncset.done $0x0  }
0xbc: {  	[sflag:s23] =	ssyncadd.s32 $0xFFFFC000  }
0xbd: {  	[hbm4b:s19+s3] =	stream.linear.scatter [tilespmem:s22], [sflag:$0x1], $0x4000, $0x38;
	[tilespmem:$0x19C00] =	vst v63  }
0xbe: {  	_ =	swait.ge [sflag:s23], $0x4000  }
0xbf: {  	[sflag:s23] =	ssyncset.done $0x0  }
0xc0: {  	[sflag:s23] =	ssyncadd.s32 $0xFFFFC000  }
0xc1: {  	[tilespmem:s22], [sflag:$0x1] =	stream.linear.gather [spmem:s9], $0x3C00, $0x38;
	[tilespmem:$0x19C00] =	vst v63  }
0xc2: {  	s28 =	sadd.s32 $0x1, s28;
	_ =	swait.ge [sflag:s23], $0x3C00  }
0xc3: {  	p0 =	sne.s32 s28, s21;
	[sflag:s23] =	ssyncset.done $0x0  }
.Ltmp4:
0xc4: {  	[sflag:s23] =	ssyncadd.s32 $0xFFFFC400;
	(pc) =	sbr.rel @p0 .LBB2_1-.Ltmp4, $4  }
0xc5: {  	[hbm4b:s20+s3] =	stream.linear.scatter [tilespmem:s22], [sflag:$0x1], $0x3C00, $0x38;
	[tilespmem:$0x19C00] =	vst v63  }
0xc6: {  	_ =	swait.ge [sflag:s23], $0x3C00  }
0xc7: {  	[sflag:s23] =	ssyncset.done $0x0  }
0xc8: {  	[sflag:s23] =	ssyncadd.s32 $0xFFFFC400  }
0xc9: {  	_ =	sfence.sel $0x180000  }
0xca: {  	[bflag:$0x0] =	sbarrier.arrive $0xFFFF  }
0xcb: {  	_ =	strace $0x9000004A  }
0xcc: {  	s0 =	stileid.u32;
	[bflag:$0x2] =	sbarrier.arrive $0xFFFF  }
0xcd: {  	p0 =	sne.s32 s0, $0x0;
	s0 =	rddreg [dreg:$0x3]  }
0xce: {  	s0 =	sadd.s32 @!p0 $0x100000, s0  }
0xcf: {  	[sflag:s0] =	ssyncadd.tile.s32 @!p0 $0x1;
	_ =	shalt  }
.Lfunc_end2:
_tile_overlayer_lowered:
.L_overlay_start_2:
0xd0: {  	(tag) =	ssettag $0x2  }
0xd1: {  	s0 =	rddreg [dreg:$0x0];
	s2 =	stileid.u32  }
0xd2: {  	s1 =	rddreg [dreg:$0x1];
	p0 =	sne.s32 s2, $0x0  }
0xd3: {  	s3 =	rddreg [dreg:$0x2];
	[bflag:$0x3] =	sbarrier.arrive $0xFFFF;
	s2 =	simm.s32 @!p0 $0x1C01  }
0xd4: {  	[timem:s3], [sflag:s2] =	dma.local @!p0 [hbm:s0], s1  }
0xd5: {  	s0 =	simm.s32 @!p0 $0x1  }
0xd6: {  	_ =	swait.ge @!p0 [sflag:s0], s1  }
0xd7: {  	s1 =	ssub.s32 @!p0 $0x0, s1;
	[sflag:s0] =	ssyncset.done @!p0 $0x0  }
0xd8: {  	[sflag:s0] =	ssyncadd.s32 @!p0 s1  }
0xd9: {  	[bflag:$0x3] =	sbarrier.arrive $0xFFFF  }
0xda: {  	_ =	shalt  }

// kernel: kernel.16.cloned.1.call-start
scs
__scs_entry_jumppad:
0x0: {  	(pc) =	sbr.rel $0x88, $3  }
0x1: {  	(tag) =	ssettag $0x0;
	lr =	simm.s32 $0x1  }
0x2: {  	[smem:$0x3F99] =	sst lr;
	_ =	strace $0xD0000000  }
0x3: {  	_ = 	snop  }
0x4: {  	_ = 	snop  }
0x5: {  	_ = 	snop  }
0x6: {  	_ = 	snop  }
0x7: {  	_ = 	snop  }
__scs_overlays_trampoline_lowered:
0x8: {  	[smem:$0x3FA8] =	sst s0  }
0x9: {  	[smem:$0x3FA9] =	sst s1  }
0xa: {  	[smem:$0x3FAA] =	sst s2  }
0xb: {  	[smem:$0x3FAB] =	sst s3  }
0xc: {  	[smem:$0x3FAC] =	sst s4  }
0xd: {  	[smem:$0x3FAD] =	sst s5  }
0xe: {  	[smem:$0x3FAE] =	sst s6  }
0xf: {  	[smem:$0x3FAF] =	sst s7  }
0x10: {  	[smem:$0x3FB0] =	sst s8  }
0x11: {  	[smem:$0x3FB1] =	sst s9;
	s0 =	simm.s32 @!p0 $0x0  }
0x12: {  	s1 =	sld [smem:$0x3F97];
	s0 =	simm.s32 @p0 $0x1  }
0x13: {  	[smem:$0x3FB2] =	sst s0;
	s0 =	simm.s32 @!p1 $0x0  }
0x14: {  	s2 =	sld [smem:$0x3F96];
	s0 =	simm.s32 @p1 $0x1  }
0x15: {  	[smem:$0x3FB3] =	sst s0;
	s0 =	simm.s32 @!p2 $0x0  }
0x16: {  	s3 =	sld [smem:$0x3FDB];
	s0 =	simm.s32 @p2 $0x1  }
0x17: {  	s4 =	simm.s32 $0x1BF5;
	[smem:$0x3FB5] =	sst s0  }
0x18: {  	s0 =	sld [smem:$0x3F98];
	_ =	swait.ge [sflag:s4], $0x0  }
0x19: {  	s7 =	sld [smem:$0x3F99]  }
0x1a: {  	s8 =	sadd.s32 $0xFFFFE003, lr  }
0x1b: {  	s9 =	sadd.s32 $0xFFFFFEF7, lr;
	s5 =	simm.s32 $0xFFFFFFFF;
	p2 =	slt.u32 s8, $0xFFFFF086  }
0x1c: {  	p1 =	slt.u32 s9, $0xF7A;
	s5 =	simm.s32 @!p2 $0x0  }
0x1d: {  	s5 =	simm.s32 @p1 $0x1;
	p0 =	seq.s32 s7, s2  }
0x1e: {  	s7 =	smul.u32 @!p0 $0xF7A, s2;
	p2 =	seq.s32 @!p0 s5, $0x0  }
0x1f: {  	s9 =	smul.u32 $0xF7A, s1;
	s8 =	simm.s32 @!p0 $0x1BF5;
	p2 =	por !p2, p0  }
0x20: {  	[sflag:s8] =	ssyncset.s32 @!p0 $0xFFFFF086;
	s6 =	sadd.s32 @!p0 s3, s7;
	s7 =	simm.s32 @!p0 $0x108  }
0x21: {  	s3 =	sadd.s32 s3, s9;
	s6 =	sadd.s32 @!p0 $0x88, s6;
	s7 =	simm.s32 @p2 $0x1082  }
0x22: {  	[simem:s7], [sflag:s8] =	dma.local @!p0 [hbm:s6], $0xF7A  }
0x23: {  	s9 =	sor.u32 $0xD0000000, s2;
	s6 =	simm.s32 $0x108;
	_ =	swait.ge @!p0 [sflag:s8], $0x0  }
0x24: {  	s3 =	sadd.s32 $0x88, s3;
	s6 =	simm.s32 @!p1 $0x1082;
	[sflag:s4] =	ssyncset.s32 $0xFFFFF086  }
0x25: {  	[simem:s6], [sflag:s4] =	dma.local [hbm:s3], $0xF7A  }
0x26: {  	[smem:$0x3F99] =	sst s1;
	(tag) =	ssettag s2;
	_ =	strace s9  }
0x27: {  	s1 =	sld [smem:$0x3FA9]  }
0x28: {  	s2 =	sld [smem:$0x3FAA]  }
0x29: {  	s4 =	sld [smem:$0x3FAC]  }
0x2a: {  	p0 =	seq.s32 s5, $0x0;
	s5 =	sld [smem:$0x3FAD]  }
0x2b: {  	s6 =	sld [smem:$0x3FAE]  }
0x2c: {  	s7 =	sld [smem:$0x3FAF]  }
0x2d: {  	s3 =	simm.s32 $0x108;
	s8 =	sld [smem:$0x3FB0]  }
0x2e: {  	s3 =	simm.s32 @!p0 $0x1082;
	s9 =	sld [smem:$0x3FB1]  }
0x2f: {  	lr =	sadd.s32 s0, s3;
	s0 =	sld [smem:$0x3FA8]  }
0x30: {  	s3 =	sld [smem:$0x3FAB]  }
0x31: {  	[smem:$0x3FB4] =	sst s10  }
0x32: {  	s10 =	sld [smem:$0x3FB2];
	_ =	sdelay $0x3  }
0x33: {  	p0 =	seq.s32 s10, $0x1;
	s10 =	sld [smem:$0x3FB4];
	_ =	sdelay $0x3  }
0x34: {  	[smem:$0x3FB4] =	sst s10  }
0x35: {  	s10 =	sld [smem:$0x3FB3];
	_ =	sdelay $0x3  }
0x36: {  	p1 =	seq.s32 s10, $0x1;
	s10 =	sld [smem:$0x3FB4];
	_ =	sdelay $0x3  }
0x37: {  	[smem:$0x3FB4] =	sst s10  }
0x38: {  	s10 =	sld [smem:$0x3FB5]  }
0x39: {  	_ = 	snop;
	(pc) =	sbr.ind lr, $3  }
0x3a: {  	_ = 	snop  }
0x3b: {  	_ = 	snop  }
0x3c: {  	p2 =	seq.s32 s10, $0x1;
	s10 =	sld [smem:$0x3FB4]  }
0x3d: {  	_ =	shalt  }
0x3e: {  	_ =	shalt  }
0x3f: {  	_ =	shalt  }
0x40: {  	_ =	shalt  }
0x41: {  	_ =	shalt  }
0x42: {  	_ =	shalt  }
0x43: {  	_ =	shalt  }
0x44: {  	_ =	shalt  }
0x45: {  	_ =	shalt  }
0x46: {  	_ =	shalt  }
0x47: {  	_ =	shalt  }
0x48: {  	_ =	shalt  }
0x49: {  	_ =	shalt  }
0x4a: {  	_ =	shalt  }
0x4b: {  	_ =	shalt  }
0x4c: {  	_ =	shalt  }
0x4d: {  	_ =	shalt  }
0x4e: {  	_ =	shalt  }
0x4f: {  	_ =	shalt  }
0x50: {  	_ =	shalt  }
0x51: {  	_ =	shalt  }
0x52: {  	_ =	shalt  }
0x53: {  	_ =	shalt  }
0x54: {  	_ =	shalt  }
0x55: {  	_ =	shalt  }
0x56: {  	_ =	shalt  }
0x57: {  	_ =	shalt  }
0x58: {  	_ =	shalt  }
0x59: {  	_ =	shalt  }
0x5a: {  	_ =	shalt  }
0x5b: {  	_ =	shalt  }
0x5c: {  	_ =	shalt  }
0x5d: {  	_ =	shalt  }
0x5e: {  	_ =	shalt  }
0x5f: {  	_ =	shalt  }
0x60: {  	_ =	shalt  }
0x61: {  	_ =	shalt  }
0x62: {  	_ =	shalt  }
0x63: {  	_ =	shalt  }
0x64: {  	_ =	shalt  }
0x65: {  	_ =	shalt  }
0x66: {  	_ =	shalt  }
0x67: {  	_ =	shalt  }
0x68: {  	_ =	shalt  }
0x69: {  	_ =	shalt  }
0x6a: {  	_ =	shalt  }
0x6b: {  	_ =	shalt  }
0x6c: {  	_ =	shalt  }
0x6d: {  	_ =	shalt  }
0x6e: {  	_ =	shalt  }
0x6f: {  	_ =	shalt  }
0x70: {  	_ =	shalt  }
0x71: {  	_ =	shalt  }
0x72: {  	_ =	shalt  }
0x73: {  	_ =	shalt  }
0x74: {  	_ =	shalt  }
0x75: {  	_ =	shalt  }
0x76: {  	_ =	shalt  }
0x77: {  	_ =	shalt  }
0x78: {  	_ =	shalt  }
0x79: {  	_ =	shalt  }
0x7a: {  	_ =	shalt  }
0x7b: {  	_ =	shalt  }
0x7c: {  	_ =	shalt  }
0x7d: {  	_ =	shalt  }
0x7e: {  	_ =	shalt  }
0x7f: {  	_ =	shalt  }
0x80: {  	_ =	shalt  }
0x81: {  	_ =	shalt  }
0x82: {  	_ =	shalt  }
0x83: {  	_ =	shalt  }
0x84: {  	_ =	shalt  }
0x85: {  	_ =	shalt  }
0x86: {  	_ =	shalt  }
0x87: {  	_ =	shalt  }
.Lfunc_end0:
.L_simem_size_0:
called_computation.2_lowered:
.L_overlay_start_0:
0x88: {  	s2 =	sld [smem:$0x3FD9]  }
0x89: {  	s3 =	sld [smem:$0x3FFE];
	_ =	sdelay $0x1  }
0x8a: {  	s1 =	srdreg.scid  }
0x8b: {  	s0 =	sand.u32 $0x1, s1  }
0x8c: {  	s17 =	sshll.u32 s0, $0xA;
	s2 =	sadd.s32 s3, s2  }
0x8d: {  	s2 =	sadd.s32 s2, s17  }
0x8e: {  	[smem:$0x3FC0] =	sst s2  }
0x8f: {  	_ = 	snop  }
0x90: {  	s2 =	sld [smem:$0x3FD0];
	(tm) =	ssettm $0x1  }
0x91: {  	s18 =	sld [smem:$0x3FFB];
	_ =	sdelay $0x3  }
0x92: {  	_ =	strace s18  }
0x93: {  	s3 =	sld [smem:$0x3FFC];
	_ =	sdelay $0x3  }
0x94: {  	_ =	strace s3  }
0x95: {  	s3 =	sld [smem:$0x3FFD];
	_ =	sdelay $0x3  }
0x96: {  	_ =	strace s3  }
0x97: {  	_ =	strace $0x8FFFFFFF  }
0x98: {  	s19 =	sld [smem:$0x3FDB];
	_ =	sdelay $0x1  }
0x99: {  	s4 =	simm.s32 $_scs_section_size  }
0x9a: {  	s5 =	simm.s32 $_size__tile_overlayer_lowered;
	s6 =	simm.s32 $_tile_overlayer_lowered  }
0x9b: {  	s22 =	simm.s32 $0x1BFF;
	s21 =	sshll.u32 s6, $0x1;
	s3 =	sadd.s32 s4, s19  }
0x9c: {  	s7 =	simm.s32 $0x0;
	s20 =	sshll.u32 s5, $0x1;
	s5 =	sadd.s32 s21, s3  }
0x9d: {  	[timem:s7], [sflag:s22] =	dma.local [hbm:s5], s20  }
0x9e: {  	_ =	swait.ge [sflag:s22], s20  }
0x9f: {  	s4 =	ssub.s32 $0x0, s20;
	[sflag:s22] =	ssyncset.done $0x0  }
0xa0: {  	[sflag:s22] =	ssyncadd.s32 s4;
	_ =	sdelay $0x1  }
0xa1: {  	s23 =	simm.s32 $0x1B8B  }
0xa2: {  	_ =	swait.ge [sflag:s23], $0x1  }
0xa3: {  	[sflag:s23] =	ssyncset.done $0x0  }
0xa4: {  	s25 =	simm.s32 $0x1B8E;
	s24 =	sld [smem:$0x3FFE];
	[sflag:s23] =	ssyncadd.s32 $0xFFFFFFFF  }
0xa5: {  	s26 =	simm.s32 $execute0_lowered;
	[smem:$0x3FD2] =	sst s25  }
0xa6: {  	s5 =	sshll.u32 s26, $0x1;
	_ =	strace $0x8000004C;
	[dreg:$0x1] =	wrdreg $0xFFFFFFFF  }
0xa7: {  	s28 =	simm.s32 $_size_execute0_lowered;
	s3 =	sadd.s32 s3, s5;
	[dreg:$0x0] =	wrdreg $0x0  }
0xa8: {  	s5 =	sshll.u32 s28, $0x1;
	[dreg:$0x2] =	wrdreg s3  }
0xa9: {  	[dreg:$0x3] =	wrdreg s5  }
0xaa: {  	[dreg:$0x4] =	wrdreg $0xC0  }
0xab: {  	_ =	task [dreg:s7], $0x5FFFF  }
0xac: {  	[dreg:$0x1] =	wrdreg $0xFFFFFFFF  }
0xad: {  	[dreg:$0x0] =	wrdreg $0x60  }
0xae: {  	[dreg:$0x2] =	wrdreg s24  }
0xaf: {  	[dreg:$0x3] =	wrdreg s2  }
0xb0: {  	[dreg:$0x4] =	wrdreg $0x0  }
0xb1: {  	[dreg:$0x5] =	wrdreg $0x9  }
0xb2: {  	_ =	task.clear_ibuf [dreg:s7], $0x6FFFF;
	_ =	strace $0x9000004C  }
0xb3: {  	s29 =	simm.s32 $0x9;
	_ =	strace $0x8000004E  }
0xb4: {  	_ =	swait.ge [sflag:s29], $0x1  }
0xb5: {  	[sflag:s29] =	ssyncadd.s32 $0xFFFFFFFF  }
0xb6: {  	_ =	strace $0x9000004E  }
0xb7: {  	_ =	sfence  }
0xb8: {  	s30 =	sld [smem:$0x0];
	_ =	sdelay $0x2  }
0xb9: {  	s31 =	sshll.u32 s1, $0xD;
	s1 =	sshrl.u32 s1, $0x2  }
0xba: {  	s3 =	sand.u32 $0x4000, s31;
	s1 =	sadd.s32 s1, s30  }
0xbb: {  	s0 =	sor.u32 s3, s0;
	s1 =	sshll.u32 s1, $0x11  }
0xbc: {  	s0 =	sor.u32 s1, s0  }
0xbd: {  	s0 =	sadd.s32 $0x8F2B, s0  }
0xbe: {  	[sflag:s0] =	ssyncadd.remote.s32 $0x1  }
0xbf: {  	_ =	sfence.sel $0xFFFF  }
0xc0: {  	[dreg:$0x0] =	wrdreg $0xFFFFFFFF;
	(pc) =	sbr.abs _section_cstart, $3  }
0xc1: {  	[dreg:$0x1] =	wrdreg $0xFFFFFFFF  }
0xc2: {  	_ =	task.clear_ibuf [dreg:s7], $0x2FFFF;
	_ =	strace $0x9FFFFFFF  }
0xc3: {  	(tm) =	ssettm $0x7FFFFFFF  }
tec
execute0_lowered:
.L_overlay_start_1:
0x0: {  	(tag) =	ssettag $0x1  }
0x1: {  	s5 =	rddreg [dreg:$0x0]  }
0x2: {  	s15 =	rddreg [dreg:$0x1]  }
0x3: {  	s1 =	rddreg [dreg:$0x2];
	s3 =	simm.s32 $0x0;
	s6 =	srdreg.scid  }
0x4: {  	s0 =	stileid.u32;
	s25 =	simm.s32 $0x14C00;
	s26 =	simm.s32 $0x80  }
0x5: {  	s28 =	simm.s32 $0x0;
	[smem:$0x7FF] =	sst s3;
	s29 =	smul.u32 $0x4F000, s0  }
0x6: {  	s4 =	sadd.s32 $0xE800, s5;
	s12 =	sand.u32 $0x1, s6;
	s16 =	smul.u32 $0x13C00, s0  }
0x7: {  	s14 =	sadd.s32 $0x2800, s5;
	s20 =	sadd.s32 $0x36000, s5;
	s9 =	smul.u32 $0x3000, s0  }
0x8: {  	_ =	strace $0x8000004D;
	s7 =	ssub.s32 $0x2, s12;
	s8 =	smul.u32 $0x30000, s12  }
0x9: {  	s24 =	smul.u32 $0x13C000, s12;
	s30 =	sshrl.u32 s7, $0x1;
	s31 =	sshrl.u32 s29, $0x2  }
0xa: {  	s17 =	sadd.s32 $0x4000, s16;
	s18 =	sadd.s32 $0x8000, s16;
	s19 =	sadd.s32 $0xC000, s16  }
0xb: {  	s22 =	sadd.s32 $0x10000, s16;
	s21 =	ssub.s32 s7, s30;
	s5 =	sadd.s32 s31, s1  }
0xc: {  	s6 =	sadd.s32 s17, s1;
	s7 =	sadd.s32 s18, s1;
	s8 =	sadd.s32 s9, s8  }
0xd: {  	s9 =	sadd.s32 s22, s1;
	s16 =	sadd.s32 s16, s24;
	s17 =	sadd.s32 s24, s17  }
0xe: {  	s18 =	sadd.s32 s24, s18;
	s22 =	sadd.s32 s24, s22;
	s23 =	sshrl.u32 s8, $0x3  }
0xf: {  	s8 =	sadd.s32 s19, s1;
	s16 =	sshrl.u32 s16, $0x3;
	s17 =	sshrl.u32 s17, $0x3  }
0x10: {  	s18 =	sshrl.u32 s18, $0x3;
	s19 =	sadd.s32 s24, s19;
	s22 =	sshrl.u32 s22, $0x3  }
0x11: {  	s21 =	smax.u32 s21, $0x1;
	s24 =	simm.s32 $0x13C00;
	s10 =	sadd.s32 s14, s23  }
0x12: {  	s11 =	sadd.s32 s15, s23;
	s13 =	sadd.s32 $0x200, s23;
	s23 =	sadd.s32 $0x400, s23  }
0x13: {  	s16 =	sadd.s32 s20, s16;
	s17 =	sadd.s32 s20, s17;
	s18 =	sadd.s32 s20, s18  }
0x14: {  	s19 =	sshrl.u32 s19, $0x3;
	s12 =	sadd.s32 s14, s13;
	s13 =	sadd.s32 s15, s13  }
0x15: {  	s14 =	sadd.s32 s14, s23;
	s15 =	sadd.s32 s15, s23;
	s19 =	sadd.s32 s20, s19  }
0x16: {  	v0 =	vimm.f32 $0.0e+00;
	s20 =	sadd.s32 s20, s22;
	s22 =	simm.s32 $0x15C00;
	s23 =	simm.s32 $0x1  }
.LBB2_1:
0x17: {  	s29 =	simm.s32 $0x0;
	s30 =	simm.s32 $0x200  }
.LBB2_2:
0x18: {  	p0 =	sne.s32 s30, $0xFE00;
	[tilespmem:s29+$0x15C70] =	vst v0  }
0x19: {  	[tilespmem:s29+$0x15C00] =	vst v0  }
0x1a: {  	[tilespmem:s29+$0x15C10] =	vst v0  }
.Ltmp0:
0x1b: {  	[tilespmem:s29+$0x15C20] =	vst v0;
	(pc) =	sbr.rel @p0 .LBB2_2-.Ltmp0, $4  }
0x1c: {  	[tilespmem:s29+$0x15C30] =	vst v0  }
0x1d: {  	[tilespmem:s29+$0x15C40] =	vst v0  }
0x1e: {  	[tilespmem:s29+$0x15C50] =	vst v0  }
0x1f: {  	[tilespmem:s29+$0x15C60] =	vst v0;
	s29 =	sshra.s32 s30, $0x2;
	s30 =	sadd.s32 $0x200, s30  }
0x20: {  	[tilespmem:s29+$0x15C70] =	vst v0  }
0x21: {  	[tilespmem:s29+$0x15C00] =	vst v0  }
0x22: {  	[tilespmem:s29+$0x15C10] =	vst v0  }
0x23: {  	[tilespmem:s29+$0x15C20] =	vst v0  }
0x24: {  	[tilespmem:s29+$0x15C30] =	vst v0  }
0x25: {  	[tilespmem:s29+$0x15C40] =	vst v0  }
0x26: {  	[tilespmem:s29+$0x15C50] =	vst v0  }
0x27: {  	[tilespmem:s29+$0x15C60] =	vst v0  }
0x28: {  	[spmem:s5] =	stream.linear.scatter [tilespmem:s22], [sflag:$0x1], $0x4000, $0x38;
	[tilespmem:$0x19C00] =	vst v63  }
0x29: {  	_ =	swait.ge [sflag:s23], $0x4000  }
0x2a: {  	[sflag:s23] =	ssyncset.done $0x0  }
0x2b: {  	[sflag:s23] =	ssyncadd.s32 $0xFFFFC000  }
0x2c: {  	[spmem:s6] =	stream.linear.scatter [tilespmem:s22], [sflag:$0x1], $0x4000, $0x38;
	[tilespmem:$0x19C00] =	vst v63  }
0x2d: {  	_ =	swait.ge [sflag:s23], $0x4000  }
0x2e: {  	[sflag:s23] =	ssyncset.done $0x0  }
0x2f: {  	[sflag:s23] =	ssyncadd.s32 $0xFFFFC000  }
0x30: {  	[spmem:s7] =	stream.linear.scatter [tilespmem:s22], [sflag:$0x1], $0x4000, $0x38;
	[tilespmem:$0x19C00] =	vst v63  }
0x31: {  	_ =	swait.ge [sflag:s23], $0x4000  }
0x32: {  	[sflag:s23] =	ssyncset.done $0x0  }
0x33: {  	[sflag:s23] =	ssyncadd.s32 $0xFFFFC000  }
0x34: {  	[spmem:s8] =	stream.linear.scatter [tilespmem:s22], [sflag:$0x1], $0x4000, $0x38;
	[tilespmem:$0x19C00] =	vst v63  }
0x35: {  	_ =	swait.ge [sflag:s23], $0x4000  }
0x36: {  	[sflag:s23] =	ssyncset.done $0x0  }
0x37: {  	[sflag:s23] =	ssyncadd.s32 $0xFFFFC000  }
0x38: {  	[spmem:s9] =	stream.linear.scatter [tilespmem:s22], [sflag:$0x1], $0x3C00, $0x38;
	[tilespmem:$0x19C00] =	vst v63  }
0x39: {  	_ =	swait.ge [sflag:s23], $0x3C00  }
0x3a: {  	[sflag:s23] =	ssyncset.done $0x0  }
0x3b: {  	[sflag:s23] =	ssyncadd.s32 $0xFFFFC400  }
0x3c: {  	s29 =	simm.s32 $0x0;
	[bflag:$0x0] =	sbarrier.arrive $0xFFFF  }
0x3d: {  	[tilespmem:s24], [sflag:$0x1] =	stream.linear.gather [hbm4b:s10+s29], $0xD80, $0x38;
	[tilespmem:$0x19C00] =	vst v63  }
0x3e: {  	_ =	swait.ge [sflag:s23], $0xD80  }
0x3f: {  	[sflag:s23] =	ssyncset.done $0x0  }
0x40: {  	[sflag:s23] =	ssyncadd.s32 $0xFFFFF280  }
0x41: {  	[tilespmem:s25], [sflag:$0x1] =	stream.linear.gather [hbm4b:s11+s29], $0xD80, $0x38;
	[tilespmem:$0x19C00] =	vst v63  }
0x42: {  	_ =	swait.ge [sflag:s23], $0xD80  }
0x43: {  	[sflag:s23] =	ssyncset.done $0x0  }
0x44: {  	s29 =	simm.s32 $0x13C00;
	[sflag:s23] =	ssyncadd.s32 $0xFFFFF280  }
0x45: {  	[tilespmem:s22], [sflag:$0x1] =	stream.indirect.gather [hbm4b:s4+s26], $0x80, s29, s26, $0xb8;
	[tilespmem:$0x19C00] =	vst v63  }
0x46: {  	_ =	swait.ge [sflag:s23], $0x4000  }
0x47: {  	[sflag:s23] =	ssyncset.done $0x0  }
0x48: {  	s29 =	simm.s32 $0x14C00;
	[sflag:s23] =	ssyncadd.s32 $0xFFFFC000  }
0x49: {  	[spmem:s1] =	stream.indirect.scatter.add.f32 [tilespmem:s22], [sflag:$0x1], $0x80, s29, s26, $0xb8;
	[tilespmem:$0x19C00] =	vst v63  }
0x4a: {  	_ =	swait.ge [sflag:s23], $0x4000  }
0x4b: {  	s30 =	simm.s32 $0x400;
	s29 =	simm.s32 $0x80;
	[sflag:s23] =	ssyncset.done $0x0  }
.LBB2_4:
0x4c: {  	s31 =	sadd.s32 $0x13C00, s29  }
0x4d: {  	[sflag:s23] =	ssyncadd.s32 $0xFFFFC000;
	s0 =	smov.u32 s30;
	s2 =	sadd.s32 $0x200, s30  }
0x4e: {  	[tilespmem:s22], [sflag:$0x1] =	stream.indirect.gather [hbm4b:s4+s26], $0x80, s31, s26, $0xb8;
	[tilespmem:$0x19C00] =	vst v63  }
0x4f: {  	p0 =	sne.s32 s30, $0x3400;
	_ =	swait.ge [sflag:s23], $0x4000  }
.Ltmp1:
0x50: {  	[sflag:s23] =	ssyncset.done $0x0;
	(pc) =	sbr.rel @p0 .LBB2_4-.Ltmp1, $4  }
0x51: {  	s29 =	sadd.s32 $0x14C00, s29;
	[sflag:s23] =	ssyncadd.s32 $0xFFFFC000  }
0x52: {  	[spmem:s1] =	stream.indirect.scatter.add.f32 [tilespmem:s22], [sflag:$0x1], $0x80, s29, s26, $0xb8;
	[tilespmem:$0x19C00] =	vst v63  }
0x53: {  	_ =	swait.ge [sflag:s23], $0x4000  }
0x54: {  	s30 =	smov.u32 s2;
	s29 =	sshra.s32 s0, $0x2;
	[sflag:s23] =	ssyncset.done $0x0  }
0x55: {  	s0 =	sadd.s32 $0x13C00, s29;
	[sflag:s23] =	ssyncadd.s32 $0xFFFFC000  }
0x56: {  	[tilespmem:s22], [sflag:$0x1] =	stream.indirect.gather [hbm4b:s4+s26], $0x80, s0, s26, $0xb8;
	[tilespmem:$0x19C00] =	vst v63  }
0x57: {  	_ =	swait.ge [sflag:s23], $0x4000  }
0x58: {  	[sflag:s23] =	ssyncset.done $0x0  }
0x59: {  	s2 =	sadd.s32 $0x14C00, s29;
	[sflag:s23] =	ssyncadd.s32 $0xFFFFC000  }
0x5a: {  	[spmem:s1] =	stream.indirect.scatter.add.f32 [tilespmem:s22], [sflag:$0x1], $0x80, s2, s26, $0xb8;
	[tilespmem:$0x19C00] =	vst v63  }
0x5b: {  	_ =	swait.ge [sflag:s23], $0x4000  }
0x5c: {  	[sflag:s23] =	ssyncset.done $0x0  }
0x5d: {  	s31 =	simm.s32 $0x0;
	[sflag:s23] =	ssyncadd.s32 $0xFFFFC000  }
0x5e: {  	[tilespmem:s24], [sflag:$0x1] =	stream.linear.gather [hbm4b:s12+s31], $0xD80, $0x38;
	[tilespmem:$0x19C00] =	vst v63  }
0x5f: {  	_ =	swait.ge [sflag:s23], $0xD80  }
0x60: {  	[sflag:s23] =	ssyncset.done $0x0  }
0x61: {  	[sflag:s23] =	ssyncadd.s32 $0xFFFFF280  }
0x62: {  	[tilespmem:s25], [sflag:$0x1] =	stream.linear.gather [hbm4b:s13+s31], $0xD80, $0x38;
	[tilespmem:$0x19C00] =	vst v63  }
0x63: {  	_ =	swait.ge [sflag:s23], $0xD80  }
0x64: {  	[sflag:s23] =	ssyncset.done $0x0  }
0x65: {  	s2 =	simm.s32 $0x13C00;
	[sflag:s23] =	ssyncadd.s32 $0xFFFFF280  }
0x66: {  	[tilespmem:s22], [sflag:$0x1] =	stream.indirect.gather [hbm4b:s4+s26], $0x80, s2, s26, $0xb8;
	[tilespmem:$0x19C00] =	vst v63  }
0x67: {  	_ =	swait.ge [sflag:s23], $0x4000  }
0x68: {  	[sflag:s23] =	ssyncset.done $0x0  }
0x69: {  	s31 =	simm.s32 $0x14C00;
	[sflag:s23] =	ssyncadd.s32 $0xFFFFC000  }
0x6a: {  	[spmem:s1] =	stream.indirect.scatter.add.f32 [tilespmem:s22], [sflag:$0x1], $0x80, s31, s26, $0xb8;
	[tilespmem:$0x19C00] =	vst v63  }
0x6b: {  	_ =	swait.ge [sflag:s23], $0x4000  }
0x6c: {  	s30 =	simm.s32 $0x400;
	s29 =	simm.s32 $0x80;
	[sflag:s23] =	ssyncset.done $0x0  }
.LBB2_6:
0x6d: {  	s0 =	sadd.s32 $0x13C00, s29  }
0x6e: {  	[sflag:s23] =	ssyncadd.s32 $0xFFFFC000;
	s2 =	smov.u32 s30;
	s31 =	sadd.s32 $0x200, s30  }
0x6f: {  	[tilespmem:s22], [sflag:$0x1] =	stream.indirect.gather [hbm4b:s4+s26], $0x80, s0, s26, $0xb8;
	[tilespmem:$0x19C00] =	vst v63  }
0x70: {  	p0 =	sne.s32 s30, $0x3400;
	_ =	swait.ge [sflag:s23], $0x4000  }
.Ltmp2:
0x71: {  	[sflag:s23] =	ssyncset.done $0x0;
	(pc) =	sbr.rel @p0 .LBB2_6-.Ltmp2, $4  }
0x72: {  	s0 =	sadd.s32 $0x14C00, s29;
	[sflag:s23] =	ssyncadd.s32 $0xFFFFC000  }
0x73: {  	[spmem:s1] =	stream.indirect.scatter.add.f32 [tilespmem:s22], [sflag:$0x1], $0x80, s0, s26, $0xb8;
	[tilespmem:$0x19C00] =	vst v63  }
0x74: {  	_ =	swait.ge [sflag:s23], $0x4000  }
0x75: {  	s29 =	sshra.s32 s2, $0x2;
	s30 =	smov.u32 s31;
	[sflag:s23] =	ssyncset.done $0x0  }
0x76: {  	s0 =	sadd.s32 $0x13C00, s29;
	[sflag:s23] =	ssyncadd.s32 $0xFFFFC000  }
0x77: {  	[tilespmem:s22], [sflag:$0x1] =	stream.indirect.gather [hbm4b:s4+s26], $0x80, s0, s26, $0xb8;
	[tilespmem:$0x19C00] =	vst v63  }
0x78: {  	_ =	swait.ge [sflag:s23], $0x4000  }
0x79: {  	[sflag:s23] =	ssyncset.done $0x0  }
0x7a: {  	s2 =	sadd.s32 $0x14C00, s29;
	[sflag:s23] =	ssyncadd.s32 $0xFFFFC000  }
0x7b: {  	[spmem:s1] =	stream.indirect.scatter.add.f32 [tilespmem:s22], [sflag:$0x1], $0x80, s2, s26, $0xb8;
	[tilespmem:$0x19C00] =	vst v63  }
0x7c: {  	_ =	swait.ge [sflag:s23], $0x4000  }
0x7d: {  	[sflag:s23] =	ssyncset.done $0x0  }
0x7e: {  	s31 =	simm.s32 $0x0;
	[sflag:s23] =	ssyncadd.s32 $0xFFFFC000  }
0x7f: {  	[tilespmem:s24], [sflag:$0x1] =	stream.linear.gather [hbm4b:s14+s31], $0xD80, $0x38;
	[tilespmem:$0x19C00] =	vst v63  }
0x80: {  	_ =	swait.ge [sflag:s23], $0xD80  }
0x81: {  	[sflag:s23] =	ssyncset.done $0x0  }
0x82: {  	[sflag:s23] =	ssyncadd.s32 $0xFFFFF280  }
0x83: {  	[tilespmem:s25], [sflag:$0x1] =	stream.linear.gather [hbm4b:s15+s31], $0xD80, $0x38;
	[tilespmem:$0x19C00] =	vst v63  }
0x84: {  	_ =	swait.ge [sflag:s23], $0xD80  }
0x85: {  	[sflag:s23] =	ssyncset.done $0x0  }
0x86: {  	s2 =	simm.s32 $0x13C00;
	[sflag:s23] =	ssyncadd.s32 $0xFFFFF280  }
0x87: {  	[tilespmem:s22], [sflag:$0x1] =	stream.indirect.gather [hbm4b:s4+s26], $0x80, s2, s26, $0xb8;
	[tilespmem:$0x19C00] =	vst v63  }
0x88: {  	_ =	swait.ge [sflag:s23], $0x4000  }
0x89: {  	[sflag:s23] =	ssyncset.done $0x0  }
0x8a: {  	s31 =	simm.s32 $0x14C00;
	[sflag:s23] =	ssyncadd.s32 $0xFFFFC000  }
0x8b: {  	[spmem:s1] =	stream.indirect.scatter.add.f32 [tilespmem:s22], [sflag:$0x1], $0x80, s31, s26, $0xb8;
	[tilespmem:$0x19C00] =	vst v63  }
0x8c: {  	_ =	swait.ge [sflag:s23], $0x4000  }
0x8d: {  	s30 =	simm.s32 $0x400;
	s29 =	simm.s32 $0x80;
	[sflag:s23] =	ssyncset.done $0x0  }
.LBB2_8:
0x8e: {  	s0 =	sadd.s32 $0x13C00, s29  }
0x8f: {  	[sflag:s23] =	ssyncadd.s32 $0xFFFFC000;
	s2 =	smov.u32 s30;
	s31 =	sadd.s32 $0x200, s30  }
0x90: {  	[tilespmem:s22], [sflag:$0x1] =	stream.indirect.gather [hbm4b:s4+s26], $0x80, s0, s26, $0xb8;
	[tilespmem:$0x19C00] =	vst v63  }
0x91: {  	p0 =	sne.s32 s30, $0x3400;
	_ =	swait.ge [sflag:s23], $0x4000  }
.Ltmp3:
0x92: {  	[sflag:s23] =	ssyncset.done $0x0;
	(pc) =	sbr.rel @p0 .LBB2_8-.Ltmp3, $4  }
0x93: {  	s0 =	sadd.s32 $0x14C00, s29;
	[sflag:s23] =	ssyncadd.s32 $0xFFFFC000  }
0x94: {  	[spmem:s1] =	stream.indirect.scatter.add.f32 [tilespmem:s22], [sflag:$0x1], $0x80, s0, s26, $0xb8;
	[tilespmem:$0x19C00] =	vst v63  }
0x95: {  	_ =	swait.ge [sflag:s23], $0x4000  }
0x96: {  	s29 =	sshra.s32 s2, $0x2;
	s30 =	smov.u32 s31;
	[sflag:s23] =	ssyncset.done $0x0  }
0x97: {  	s0 =	sadd.s32 $0x13C00, s29;
	[sflag:s23] =	ssyncadd.s32 $0xFFFFC000  }
0x98: {  	[tilespmem:s22], [sflag:$0x1] =	stream.indirect.gather [hbm4b:s4+s26], $0x80, s0, s26, $0xb8;
	[tilespmem:$0x19C00] =	vst v63  }
0x99: {  	_ =	swait.ge [sflag:s23], $0x4000  }
0x9a: {  	[sflag:s23] =	ssyncset.done $0x0  }
0x9b: {  	s31 =	sadd.s32 $0x14C00, s29;
	[sflag:s23] =	ssyncadd.s32 $0xFFFFC000  }
0x9c: {  	[spmem:s1] =	stream.indirect.scatter.add.f32 [tilespmem:s22], [sflag:$0x1], $0x80, s31, s26, $0xb8;
	[tilespmem:$0x19C00] =	vst v63  }
0x9d: {  	_ =	swait.ge [sflag:s23], $0x4000  }
0x9e: {  	[sflag:s23] =	ssyncset.done $0x0  }
0x9f: {  	[sflag:s23] =	ssyncadd.s32 $0xFFFFC000  }
0xa0: {  	[bflag:$0x0] =	sbarrier.arrive $0xFFFF  }
0xa1: {  	[tilespmem:s22], [sflag:$0x1] =	stream.linear.gather [spmem:s5], $0x4000, $0x38;
	[tilespmem:$0x19C00] =	vst v63  }
0xa2: {  	_ =	swait.ge [sflag:s23], $0x4000  }
0xa3: {  	[sflag:s23] =	ssyncset.done $0x0  }
0xa4: {  	[sflag:s23] =	ssyncadd.s32 $0xFFFFC000  }
0xa5: {  	[hbm4b:s16+s3] =	stream.linear.scatter [tilespmem:s22], [sflag:$0x1], $0x4000, $0x38;
	[tilespmem:$0x19C00] =	vst v63  }
0xa6: {  	_ =	swait.ge [sflag:s23], $0x4000  }
0xa7: {  	[sflag:s23] =	ssyncset.done $0x0  }
0xa8: {  	[sflag:s23] =	ssyncadd.s32 $0xFFFFC000  }
0xa9: {  	[tilespmem:s22], [sflag:$0x1] =	stream.linear.gather [spmem:s6], $0x4000, $0x38;
	[tilespmem:$0x19C00] =	vst v63  }
0xaa: {  	_ =	swait.ge [sflag:s23], $0x4000  }
0xab: {  	[sflag:s23] =	ssyncset.done $0x0  }
0xac: {  	[sflag:s23] =	ssyncadd.s32 $0xFFFFC000  }
0xad: {  	[hbm4b:s17+s3] =	stream.linear.scatter [tilespmem:s22], [sflag:$0x1], $0x4000, $0x38;
	[tilespmem:$0x19C00] =	vst v63  }
0xae: {  	_ =	swait.ge [sflag:s23], $0x4000  }
0xaf: {  	[sflag:s23] =	ssyncset.done $0x0  }
0xb0: {  	[sflag:s23] =	ssyncadd.s32 $0xFFFFC000  }
0xb1: {  	[tilespmem:s22], [sflag:$0x1] =	stream.linear.gather [spmem:s7], $0x4000, $0x38;
	[tilespmem:$0x19C00] =	vst v63  }
0xb2: {  	_ =	swait.ge [sflag:s23], $0x4000  }
0xb3: {  	[sflag:s23] =	ssyncset.done $0x0  }
0xb4: {  	[sflag:s23] =	ssyncadd.s32 $0xFFFFC000  }
0xb5: {  	[hbm4b:s18+s3] =	stream.linear.scatter [tilespmem:s22], [sflag:$0x1], $0x4000, $0x38;
	[tilespmem:$0x19C00] =	vst v63  }
0xb6: {  	_ =	swait.ge [sflag:s23], $0x4000  }
0xb7: {  	[sflag:s23] =	ssyncset.done $0x0  }
0xb8: {  	[sflag:s23] =	ssyncadd.s32 $0xFFFFC000  }
0xb9: {  	[tilespmem:s22], [sflag:$0x1] =	stream.linear.gather [spmem:s8], $0x4000, $0x38;
	[tilespmem:$0x19C00] =	vst v63  }
0xba: {  	_ =	swait.ge [sflag:s23], $0x4000  }
0xbb: {  	[sflag:s23] =	ssyncset.done $0x0  }
0xbc: {  	[sflag:s23] =	ssyncadd.s32 $0xFFFFC000  }
0xbd: {  	[hbm4b:s19+s3] =	stream.linear.scatter [tilespmem:s22], [sflag:$0x1], $0x4000, $0x38;
	[tilespmem:$0x19C00] =	vst v63  }
0xbe: {  	_ =	swait.ge [sflag:s23], $0x4000  }
0xbf: {  	[sflag:s23] =	ssyncset.done $0x0  }
0xc0: {  	[sflag:s23] =	ssyncadd.s32 $0xFFFFC000  }
0xc1: {  	[tilespmem:s22], [sflag:$0x1] =	stream.linear.gather [spmem:s9], $0x3C00, $0x38;
	[tilespmem:$0x19C00] =	vst v63  }
0xc2: {  	s28 =	sadd.s32 $0x1, s28;
	_ =	swait.ge [sflag:s23], $0x3C00  }
0xc3: {  	p0 =	sne.s32 s28, s21;
	[sflag:s23] =	ssyncset.done $0x0  }
.Ltmp4:
0xc4: {  	[sflag:s23] =	ssyncadd.s32 $0xFFFFC400;
	(pc) =	sbr.rel @p0 .LBB2_1-.Ltmp4, $4  }
0xc5: {  	[hbm4b:s20+s3] =	stream.linear.scatter [tilespmem:s22], [sflag:$0x1], $0x3C00, $0x38;
	[tilespmem:$0x19C00] =	vst v63  }
0xc6: {  	_ =	swait.ge [sflag:s23], $0x3C00  }
0xc7: {  	[sflag:s23] =	ssyncset.done $0x0  }
0xc8: {  	[sflag:s23] =	ssyncadd.s32 $0xFFFFC400  }
0xc9: {  	_ =	sfence.sel $0x180000  }
0xca: {  	[bflag:$0x0] =	sbarrier.arrive $0xFFFF  }
0xcb: {  	_ =	strace $0x9000004D  }
0xcc: {  	s0 =	stileid.u32;
	[bflag:$0x2] =	sbarrier.arrive $0xFFFF  }
0xcd: {  	p0 =	sne.s32 s0, $0x0;
	s0 =	rddreg [dreg:$0x3]  }
0xce: {  	s0 =	sadd.s32 @!p0 $0x100000, s0  }
0xcf: {  	[sflag:s0] =	ssyncadd.tile.s32 @!p0 $0x1;
	_ =	shalt  }
.Lfunc_end2:
_tile_overlayer_lowered:
.L_overlay_start_2:
0xd0: {  	(tag) =	ssettag $0x2  }
0xd1: {  	s0 =	rddreg [dreg:$0x0];
	s2 =	stileid.u32  }
0xd2: {  	s1 =	rddreg [dreg:$0x1];
	p0 =	sne.s32 s2, $0x0  }
0xd3: {  	s3 =	rddreg [dreg:$0x2];
	[bflag:$0x3] =	sbarrier.arrive $0xFFFF;
	s2 =	simm.s32 @!p0 $0x1C01  }
0xd4: {  	[timem:s3], [sflag:s2] =	dma.local @!p0 [hbm:s0], s1  }
0xd5: {  	s0 =	simm.s32 @!p0 $0x1  }
0xd6: {  	_ =	swait.ge @!p0 [sflag:s0], s1  }
0xd7: {  	s1 =	ssub.s32 @!p0 $0x0, s1;
	[sflag:s0] =	ssyncset.done @!p0 $0x0  }
0xd8: {  	[sflag:s0] =	ssyncadd.s32 @!p0 s1  }
0xd9: {  	[bflag:$0x3] =	sbarrier.arrive $0xFFFF  }
0xda: {  	_ =	shalt  }

// kernel: kernel.19.cloned.1.call-start
scs
__scs_entry_jumppad:
0x0: {  	(pc) =	sbr.rel $0x88, $3  }
0x1: {  	(tag) =	ssettag $0x0;
	lr =	simm.s32 $0x1  }
0x2: {  	[smem:$0x3F99] =	sst lr;
	_ =	strace $0xD0000000  }
0x3: {  	_ = 	snop  }
0x4: {  	_ = 	snop  }
0x5: {  	_ = 	snop  }
0x6: {  	_ = 	snop  }
0x7: {  	_ = 	snop  }
__scs_overlays_trampoline_lowered:
0x8: {  	[smem:$0x3FA8] =	sst s0  }
0x9: {  	[smem:$0x3FA9] =	sst s1  }
0xa: {  	[smem:$0x3FAA] =	sst s2  }
0xb: {  	[smem:$0x3FAB] =	sst s3  }
0xc: {  	[smem:$0x3FAC] =	sst s4  }
0xd: {  	[smem:$0x3FAD] =	sst s5  }
0xe: {  	[smem:$0x3FAE] =	sst s6  }
0xf: {  	[smem:$0x3FAF] =	sst s7  }
0x10: {  	[smem:$0x3FB0] =	sst s8  }
0x11: {  	[smem:$0x3FB1] =	sst s9;
	s0 =	simm.s32 @!p0 $0x0  }
0x12: {  	s1 =	sld [smem:$0x3F97];
	s0 =	simm.s32 @p0 $0x1  }
0x13: {  	[smem:$0x3FB2] =	sst s0;
	s0 =	simm.s32 @!p1 $0x0  }
0x14: {  	s2 =	sld [smem:$0x3F96];
	s0 =	simm.s32 @p1 $0x1  }
0x15: {  	[smem:$0x3FB3] =	sst s0;
	s0 =	simm.s32 @!p2 $0x0  }
0x16: {  	s3 =	sld [smem:$0x3FDB];
	s0 =	simm.s32 @p2 $0x1  }
0x17: {  	s4 =	simm.s32 $0x1BF5;
	[smem:$0x3FB5] =	sst s0  }
0x18: {  	s0 =	sld [smem:$0x3F98];
	_ =	swait.ge [sflag:s4], $0x0  }
0x19: {  	s7 =	sld [smem:$0x3F99]  }
0x1a: {  	s8 =	sadd.s32 $0xFFFFE003, lr  }
0x1b: {  	s9 =	sadd.s32 $0xFFFFFEF7, lr;
	s5 =	simm.s32 $0xFFFFFFFF;
	p2 =	slt.u32 s8, $0xFFFFF086  }
0x1c: {  	p1 =	slt.u32 s9, $0xF7A;
	s5 =	simm.s32 @!p2 $0x0  }
0x1d: {  	s5 =	simm.s32 @p1 $0x1;
	p0 =	seq.s32 s7, s2  }
0x1e: {  	s7 =	smul.u32 @!p0 $0xF7A, s2;
	p2 =	seq.s32 @!p0 s5, $0x0  }
0x1f: {  	s9 =	smul.u32 $0xF7A, s1;
	s8 =	simm.s32 @!p0 $0x1BF5;
	p2 =	por !p2, p0  }
0x20: {  	[sflag:s8] =	ssyncset.s32 @!p0 $0xFFFFF086;
	s6 =	sadd.s32 @!p0 s3, s7;
	s7 =	simm.s32 @!p0 $0x108  }
0x21: {  	s3 =	sadd.s32 s3, s9;
	s6 =	sadd.s32 @!p0 $0x88, s6;
	s7 =	simm.s32 @p2 $0x1082  }
0x22: {  	[simem:s7], [sflag:s8] =	dma.local @!p0 [hbm:s6], $0xF7A  }
0x23: {  	s9 =	sor.u32 $0xD0000000, s2;
	s6 =	simm.s32 $0x108;
	_ =	swait.ge @!p0 [sflag:s8], $0x0  }
0x24: {  	s3 =	sadd.s32 $0x88, s3;
	s6 =	simm.s32 @!p1 $0x1082;
	[sflag:s4] =	ssyncset.s32 $0xFFFFF086  }
0x25: {  	[simem:s6], [sflag:s4] =	dma.local [hbm:s3], $0xF7A  }
0x26: {  	[smem:$0x3F99] =	sst s1;
	(tag) =	ssettag s2;
	_ =	strace s9  }
0x27: {  	s1 =	sld [smem:$0x3FA9]  }
0x28: {  	s2 =	sld [smem:$0x3FAA]  }
0x29: {  	s4 =	sld [smem:$0x3FAC]  }
0x2a: {  	p0 =	seq.s32 s5, $0x0;
	s5 =	sld [smem:$0x3FAD]  }
0x2b: {  	s6 =	sld [smem:$0x3FAE]  }
0x2c: {  	s7 =	sld [smem:$0x3FAF]  }
0x2d: {  	s3 =	simm.s32 $0x108;
	s8 =	sld [smem:$0x3FB0]  }
0x2e: {  	s3 =	simm.s32 @!p0 $0x1082;
	s9 =	sld [smem:$0x3FB1]  }
0x2f: {  	lr =	sadd.s32 s0, s3;
	s0 =	sld [smem:$0x3FA8]  }
0x30: {  	s3 =	sld [smem:$0x3FAB]  }
0x31: {  	[smem:$0x3FB4] =	sst s10  }
0x32: {  	s10 =	sld [smem:$0x3FB2];
	_ =	sdelay $0x3  }
0x33: {  	p0 =	seq.s32 s10, $0x1;
	s10 =	sld [smem:$0x3FB4];
	_ =	sdelay $0x3  }
0x34: {  	[smem:$0x3FB4] =	sst s10  }
0x35: {  	s10 =	sld [smem:$0x3FB3];
	_ =	sdelay $0x3  }
0x36: {  	p1 =	seq.s32 s10, $0x1;
	s10 =	sld [smem:$0x3FB4];
	_ =	sdelay $0x3  }
0x37: {  	[smem:$0x3FB4] =	sst s10  }
0x38: {  	s10 =	sld [smem:$0x3FB5]  }
0x39: {  	_ = 	snop;
	(pc) =	sbr.ind lr, $3  }
0x3a: {  	_ = 	snop  }
0x3b: {  	_ = 	snop  }
0x3c: {  	p2 =	seq.s32 s10, $0x1;
	s10 =	sld [smem:$0x3FB4]  }
0x3d: {  	_ =	shalt  }
0x3e: {  	_ =	shalt  }
0x3f: {  	_ =	shalt  }
0x40: {  	_ =	shalt  }
0x41: {  	_ =	shalt  }
0x42: {  	_ =	shalt  }
0x43: {  	_ =	shalt  }
0x44: {  	_ =	shalt  }
0x45: {  	_ =	shalt  }
0x46: {  	_ =	shalt  }
0x47: {  	_ =	shalt  }
0x48: {  	_ =	shalt  }
0x49: {  	_ =	shalt  }
0x4a: {  	_ =	shalt  }
0x4b: {  	_ =	shalt  }
0x4c: {  	_ =	shalt  }
0x4d: {  	_ =	shalt  }
0x4e: {  	_ =	shalt  }
0x4f: {  	_ =	shalt  }
0x50: {  	_ =	shalt  }
0x51: {  	_ =	shalt  }
0x52: {  	_ =	shalt  }
0x53: {  	_ =	shalt  }
0x54: {  	_ =	shalt  }
0x55: {  	_ =	shalt  }
0x56: {  	_ =	shalt  }
0x57: {  	_ =	shalt  }
0x58: {  	_ =	shalt  }
0x59: {  	_ =	shalt  }
0x5a: {  	_ =	shalt  }
0x5b: {  	_ =	shalt  }
0x5c: {  	_ =	shalt  }
0x5d: {  	_ =	shalt  }
0x5e: {  	_ =	shalt  }
0x5f: {  	_ =	shalt  }
0x60: {  	_ =	shalt  }
0x61: {  	_ =	shalt  }
0x62: {  	_ =	shalt  }
0x63: {  	_ =	shalt  }
0x64: {  	_ =	shalt  }
0x65: {  	_ =	shalt  }
0x66: {  	_ =	shalt  }
0x67: {  	_ =	shalt  }
0x68: {  	_ =	shalt  }
0x69: {  	_ =	shalt  }
0x6a: {  	_ =	shalt  }
0x6b: {  	_ =	shalt  }
0x6c: {  	_ =	shalt  }
0x6d: {  	_ =	shalt  }
0x6e: {  	_ =	shalt  }
0x6f: {  	_ =	shalt  }
0x70: {  	_ =	shalt  }
0x71: {  	_ =	shalt  }
0x72: {  	_ =	shalt  }
0x73: {  	_ =	shalt  }
0x74: {  	_ =	shalt  }
0x75: {  	_ =	shalt  }
0x76: {  	_ =	shalt  }
0x77: {  	_ =	shalt  }
0x78: {  	_ =	shalt  }
0x79: {  	_ =	shalt  }
0x7a: {  	_ =	shalt  }
0x7b: {  	_ =	shalt  }
0x7c: {  	_ =	shalt  }
0x7d: {  	_ =	shalt  }
0x7e: {  	_ =	shalt  }
0x7f: {  	_ =	shalt  }
0x80: {  	_ =	shalt  }
0x81: {  	_ =	shalt  }
0x82: {  	_ =	shalt  }
0x83: {  	_ =	shalt  }
0x84: {  	_ =	shalt  }
0x85: {  	_ =	shalt  }
0x86: {  	_ =	shalt  }
0x87: {  	_ =	shalt  }
.Lfunc_end0:
.L_simem_size_0:
called_computation.3_lowered:
.L_overlay_start_0:
0x88: {  	s2 =	sld [smem:$0x3FD9]  }
0x89: {  	s3 =	sld [smem:$0x3FFE];
	_ =	sdelay $0x1  }
0x8a: {  	s1 =	srdreg.scid  }
0x8b: {  	s0 =	sand.u32 $0x1, s1  }
0x8c: {  	s17 =	sshll.u32 s0, $0xA;
	s2 =	sadd.s32 s3, s2  }
0x8d: {  	s2 =	sadd.s32 s2, s17  }
0x8e: {  	[smem:$0x3FC0] =	sst s2  }
0x8f: {  	_ = 	snop  }
0x90: {  	s2 =	sld [smem:$0x3FD0];
	(tm) =	ssettm $0x1  }
0x91: {  	s18 =	sld [smem:$0x3FFB];
	_ =	sdelay $0x3  }
0x92: {  	_ =	strace s18  }
0x93: {  	s3 =	sld [smem:$0x3FFC];
	_ =	sdelay $0x3  }
0x94: {  	_ =	strace s3  }
0x95: {  	s3 =	sld [smem:$0x3FFD];
	_ =	sdelay $0x3  }
0x96: {  	_ =	strace s3  }
0x97: {  	_ =	strace $0x8FFFFFFF  }
0x98: {  	s19 =	sld [smem:$0x3FDB];
	_ =	sdelay $0x1  }
0x99: {  	s4 =	simm.s32 $_scs_section_size  }
0x9a: {  	s5 =	simm.s32 $_size__tile_overlayer_lowered;
	s6 =	simm.s32 $_tile_overlayer_lowered  }
0x9b: {  	s22 =	simm.s32 $0x1BFF;
	s21 =	sshll.u32 s6, $0x1;
	s3 =	sadd.s32 s4, s19  }
0x9c: {  	s7 =	simm.s32 $0x0;
	s20 =	sshll.u32 s5, $0x1;
	s5 =	sadd.s32 s21, s3  }
0x9d: {  	[timem:s7], [sflag:s22] =	dma.local [hbm:s5], s20  }
0x9e: {  	_ =	swait.ge [sflag:s22], s20  }
0x9f: {  	s4 =	ssub.s32 $0x0, s20;
	[sflag:s22] =	ssyncset.done $0x0  }
0xa0: {  	[sflag:s22] =	ssyncadd.s32 s4;
	_ =	sdelay $0x1  }
0xa1: {  	s23 =	simm.s32 $0x1B8B  }
0xa2: {  	_ =	swait.ge [sflag:s23], $0x1  }
0xa3: {  	[sflag:s23] =	ssyncset.done $0x0  }
0xa4: {  	s25 =	simm.s32 $0x1B8E;
	s24 =	sld [smem:$0x3FFE];
	[sflag:s23] =	ssyncadd.s32 $0xFFFFFFFF  }
0xa5: {  	s26 =	simm.s32 $execute0_lowered;
	[smem:$0x3FD2] =	sst s25  }
0xa6: {  	s5 =	sshll.u32 s26, $0x1;
	_ =	strace $0x8000004F;
	[dreg:$0x1] =	wrdreg $0xFFFFFFFF  }
0xa7: {  	s28 =	simm.s32 $_size_execute0_lowered;
	s3 =	sadd.s32 s3, s5;
	[dreg:$0x0] =	wrdreg $0x0  }
0xa8: {  	s5 =	sshll.u32 s28, $0x1;
	[dreg:$0x2] =	wrdreg s3  }
0xa9: {  	[dreg:$0x3] =	wrdreg s5  }
0xaa: {  	[dreg:$0x4] =	wrdreg $0xC0  }
0xab: {  	_ =	task [dreg:s7], $0x5FFFF  }
0xac: {  	[dreg:$0x1] =	wrdreg $0xFFFFFFFF  }
0xad: {  	[dreg:$0x0] =	wrdreg $0x60  }
0xae: {  	[dreg:$0x2] =	wrdreg s24  }
0xaf: {  	[dreg:$0x3] =	wrdreg s2  }
0xb0: {  	[dreg:$0x4] =	wrdreg $0x0  }
0xb1: {  	[dreg:$0x5] =	wrdreg $0x9  }
0xb2: {  	_ =	task.clear_ibuf [dreg:s7], $0x6FFFF;
	_ =	strace $0x9000004F  }
0xb3: {  	s29 =	simm.s32 $0x9;
	_ =	strace $0x80000051  }
0xb4: {  	_ =	swait.ge [sflag:s29], $0x1  }
0xb5: {  	[sflag:s29] =	ssyncadd.s32 $0xFFFFFFFF  }
0xb6: {  	_ =	strace $0x90000051  }
0xb7: {  	_ =	sfence  }
0xb8: {  	s30 =	sld [smem:$0x0];
	_ =	sdelay $0x2  }
0xb9: {  	s31 =	sshll.u32 s1, $0xD;
	s1 =	sshrl.u32 s1, $0x2  }
0xba: {  	s3 =	sand.u32 $0x4000, s31;
	s1 =	sadd.s32 s1, s30  }
0xbb: {  	s0 =	sor.u32 s3, s0;
	s1 =	sshll.u32 s1, $0x11  }
0xbc: {  	s0 =	sor.u32 s1, s0  }
0xbd: {  	s0 =	sadd.s32 $0x8F2B, s0  }
0xbe: {  	[sflag:s0] =	ssyncadd.remote.s32 $0x1  }
0xbf: {  	_ =	sfence.sel $0xFFFF  }
0xc0: {  	[dreg:$0x0] =	wrdreg $0xFFFFFFFF;
	(pc) =	sbr.abs _section_cstart, $3  }
0xc1: {  	[dreg:$0x1] =	wrdreg $0xFFFFFFFF  }
0xc2: {  	_ =	task.clear_ibuf [dreg:s7], $0x2FFFF;
	_ =	strace $0x9FFFFFFF  }
0xc3: {  	(tm) =	ssettm $0x7FFFFFFF  }
tec
execute0_lowered:
.L_overlay_start_1:
0x0: {  	(tag) =	ssettag $0x1  }
0x1: {  	s5 =	rddreg [dreg:$0x0]  }
0x2: {  	s15 =	rddreg [dreg:$0x1]  }
0x3: {  	s1 =	rddreg [dreg:$0x2];
	s3 =	simm.s32 $0x0;
	s6 =	srdreg.scid  }
0x4: {  	s0 =	stileid.u32;
	s25 =	simm.s32 $0x14C00;
	s26 =	simm.s32 $0x80  }
0x5: {  	s28 =	simm.s32 $0x0;
	[smem:$0x7FF] =	sst s3;
	s29 =	smul.u32 $0x4F000, s0  }
0x6: {  	s4 =	sadd.s32 $0xE800, s5;
	s12 =	sand.u32 $0x1, s6;
	s16 =	smul.u32 $0x13C00, s0  }
0x7: {  	s14 =	sadd.s32 $0x2800, s5;
	s20 =	sadd.s32 $0x36000, s5;
	s9 =	smul.u32 $0x3000, s0  }
0x8: {  	_ =	strace $0x80000050;
	s7 =	ssub.s32 $0x2, s12;
	s8 =	smul.u32 $0x30000, s12  }
0x9: {  	s24 =	smul.u32 $0x13C000, s12;
	s30 =	sshrl.u32 s7, $0x1;
	s31 =	sshrl.u32 s29, $0x2  }
0xa: {  	s17 =	sadd.s32 $0x4000, s16;
	s18 =	sadd.s32 $0x8000, s16;
	s19 =	sadd.s32 $0xC000, s16  }
0xb: {  	s22 =	sadd.s32 $0x10000, s16;
	s21 =	ssub.s32 s7, s30;
	s5 =	sadd.s32 s31, s1  }
0xc: {  	s6 =	sadd.s32 s17, s1;
	s7 =	sadd.s32 s18, s1;
	s8 =	sadd.s32 s9, s8  }
0xd: {  	s9 =	sadd.s32 s22, s1;
	s16 =	sadd.s32 s16, s24;
	s17 =	sadd.s32 s24, s17  }
0xe: {  	s18 =	sadd.s32 s24, s18;
	s22 =	sadd.s32 s24, s22;
	s23 =	sshrl.u32 s8, $0x3  }
0xf: {  	s8 =	sadd.s32 s19, s1;
	s16 =	sshrl.u32 s16, $0x3;
	s17 =	sshrl.u32 s17, $0x3  }
0x10: {  	s18 =	sshrl.u32 s18, $0x3;
	s19 =	sadd.s32 s24, s19;
	s22 =	sshrl.u32 s22, $0x3  }
0x11: {  	s21 =	smax.u32 s21, $0x1;
	s24 =	simm.s32 $0x13C00;
	s10 =	sadd.s32 s14, s23  }
0x12: {  	s11 =	sadd.s32 s15, s23;
	s13 =	sadd.s32 $0x200, s23;
	s23 =	sadd.s32 $0x400, s23  }
0x13: {  	s16 =	sadd.s32 s20, s16;
	s17 =	sadd.s32 s20, s17;
	s18 =	sadd.s32 s20, s18  }
0x14: {  	s19 =	sshrl.u32 s19, $0x3;
	s12 =	sadd.s32 s14, s13;
	s13 =	sadd.s32 s15, s13  }
0x15: {  	s14 =	sadd.s32 s14, s23;
	s15 =	sadd.s32 s15, s23;
	s19 =	sadd.s32 s20, s19  }
0x16: {  	v0 =	vimm.f32 $0.0e+00;
	s20 =	sadd.s32 s20, s22;
	s22 =	simm.s32 $0x15C00;
	s23 =	simm.s32 $0x1  }
.LBB2_1:
0x17: {  	s29 =	simm.s32 $0x0;
	s30 =	simm.s32 $0x200  }
.LBB2_2:
0x18: {  	p0 =	sne.s32 s30, $0xFE00;
	[tilespmem:s29+$0x15C70] =	vst v0  }
0x19: {  	[tilespmem:s29+$0x15C00] =	vst v0  }
0x1a: {  	[tilespmem:s29+$0x15C10] =	vst v0  }
.Ltmp0:
0x1b: {  	[tilespmem:s29+$0x15C20] =	vst v0;
	(pc) =	sbr.rel @p0 .LBB2_2-.Ltmp0, $4  }
0x1c: {  	[tilespmem:s29+$0x15C30] =	vst v0  }
0x1d: {  	[tilespmem:s29+$0x15C40] =	vst v0  }
0x1e: {  	[tilespmem:s29+$0x15C50] =	vst v0  }
0x1f: {  	[tilespmem:s29+$0x15C60] =	vst v0;
	s29 =	sshra.s32 s30, $0x2;
	s30 =	sadd.s32 $0x200, s30  }
0x20: {  	[tilespmem:s29+$0x15C70] =	vst v0  }
0x21: {  	[tilespmem:s29+$0x15C00] =	vst v0  }
0x22: {  	[tilespmem:s29+$0x15C10] =	vst v0  }
0x23: {  	[tilespmem:s29+$0x15C20] =	vst v0  }
0x24: {  	[tilespmem:s29+$0x15C30] =	vst v0  }
0x25: {  	[tilespmem:s29+$0x15C40] =	vst v0  }
0x26: {  	[tilespmem:s29+$0x15C50] =	vst v0  }
0x27: {  	[tilespmem:s29+$0x15C60] =	vst v0  }
0x28: {  	[spmem:s5] =	stream.linear.scatter [tilespmem:s22], [sflag:$0x1], $0x4000, $0x38;
	[tilespmem:$0x19C00] =	vst v63  }
0x29: {  	_ =	swait.ge [sflag:s23], $0x4000  }
0x2a: {  	[sflag:s23] =	ssyncset.done $0x0  }
0x2b: {  	[sflag:s23] =	ssyncadd.s32 $0xFFFFC000  }
0x2c: {  	[spmem:s6] =	stream.linear.scatter [tilespmem:s22], [sflag:$0x1], $0x4000, $0x38;
	[tilespmem:$0x19C00] =	vst v63  }
0x2d: {  	_ =	swait.ge [sflag:s23], $0x4000  }
0x2e: {  	[sflag:s23] =	ssyncset.done $0x0  }
0x2f: {  	[sflag:s23] =	ssyncadd.s32 $0xFFFFC000  }
0x30: {  	[spmem:s7] =	stream.linear.scatter [tilespmem:s22], [sflag:$0x1], $0x4000, $0x38;
	[tilespmem:$0x19C00] =	vst v63  }
0x31: {  	_ =	swait.ge [sflag:s23], $0x4000  }
0x32: {  	[sflag:s23] =	ssyncset.done $0x0  }
0x33: {  	[sflag:s23] =	ssyncadd.s32 $0xFFFFC000  }
0x34: {  	[spmem:s8] =	stream.linear.scatter [tilespmem:s22], [sflag:$0x1], $0x4000, $0x38;
	[tilespmem:$0x19C00] =	vst v63  }
0x35: {  	_ =	swait.ge [sflag:s23], $0x4000  }
0x36: {  	[sflag:s23] =	ssyncset.done $0x0  }
0x37: {  	[sflag:s23] =	ssyncadd.s32 $0xFFFFC000  }
0x38: {  	[spmem:s9] =	stream.linear.scatter [tilespmem:s22], [sflag:$0x1], $0x3C00, $0x38;
	[tilespmem:$0x19C00] =	vst v63  }
0x39: {  	_ =	swait.ge [sflag:s23], $0x3C00  }
0x3a: {  	[sflag:s23] =	ssyncset.done $0x0  }
0x3b: {  	[sflag:s23] =	ssyncadd.s32 $0xFFFFC400  }
0x3c: {  	s29 =	simm.s32 $0x0;
	[bflag:$0x0] =	sbarrier.arrive $0xFFFF  }
0x3d: {  	[tilespmem:s24], [sflag:$0x1] =	stream.linear.gather [hbm4b:s10+s29], $0xD80, $0x38;
	[tilespmem:$0x19C00] =	vst v63  }
0x3e: {  	_ =	swait.ge [sflag:s23], $0xD80  }
0x3f: {  	[sflag:s23] =	ssyncset.done $0x0  }
0x40: {  	[sflag:s23] =	ssyncadd.s32 $0xFFFFF280  }
0x41: {  	[tilespmem:s25], [sflag:$0x1] =	stream.linear.gather [hbm4b:s11+s29], $0xD80, $0x38;
	[tilespmem:$0x19C00] =	vst v63  }
0x42: {  	_ =	swait.ge [sflag:s23], $0xD80  }
0x43: {  	[sflag:s23] =	ssyncset.done $0x0  }
0x44: {  	s29 =	simm.s32 $0x13C00;
	[sflag:s23] =	ssyncadd.s32 $0xFFFFF280  }
0x45: {  	[tilespmem:s22], [sflag:$0x1] =	stream.indirect.gather [hbm4b:s4+s26], $0x80, s29, s26, $0xb8;
	[tilespmem:$0x19C00] =	vst v63  }
0x46: {  	_ =	swait.ge [sflag:s23], $0x4000  }
0x47: {  	[sflag:s23] =	ssyncset.done $0x0  }
0x48: {  	s29 =	simm.s32 $0x14C00;
	[sflag:s23] =	ssyncadd.s32 $0xFFFFC000  }
0x49: {  	[spmem:s1] =	stream.indirect.scatter.add.f32 [tilespmem:s22], [sflag:$0x1], $0x80, s29, s26, $0xb8;
	[tilespmem:$0x19C00] =	vst v63  }
0x4a: {  	_ =	swait.ge [sflag:s23], $0x4000  }
0x4b: {  	s30 =	simm.s32 $0x400;
	s29 =	simm.s32 $0x80;
	[sflag:s23] =	ssyncset.done $0x0  }
.LBB2_4:
0x4c: {  	s31 =	sadd.s32 $0x13C00, s29  }
0x4d: {  	[sflag:s23] =	ssyncadd.s32 $0xFFFFC000;
	s0 =	smov.u32 s30;
	s2 =	sadd.s32 $0x200, s30  }
0x4e: {  	[tilespmem:s22], [sflag:$0x1] =	stream.indirect.gather [hbm4b:s4+s26], $0x80, s31, s26, $0xb8;
	[tilespmem:$0x19C00] =	vst v63  }
0x4f: {  	p0 =	sne.s32 s30, $0x3400;
	_ =	swait.ge [sflag:s23], $0x4000  }
.Ltmp1:
0x50: {  	[sflag:s23] =	ssyncset.done $0x0;
	(pc) =	sbr.rel @p0 .LBB2_4-.Ltmp1, $4  }
0x51: {  	s29 =	sadd.s32 $0x14C00, s29;
	[sflag:s23] =	ssyncadd.s32 $0xFFFFC000  }
0x52: {  	[spmem:s1] =	stream.indirect.scatter.add.f32 [tilespmem:s22], [sflag:$0x1], $0x80, s29, s26, $0xb8;
	[tilespmem:$0x19C00] =	vst v63  }
0x53: {  	_ =	swait.ge [sflag:s23], $0x4000  }
0x54: {  	s30 =	smov.u32 s2;
	s29 =	sshra.s32 s0, $0x2;
	[sflag:s23] =	ssyncset.done $0x0  }
0x55: {  	s0 =	sadd.s32 $0x13C00, s29;
	[sflag:s23] =	ssyncadd.s32 $0xFFFFC000  }
0x56: {  	[tilespmem:s22], [sflag:$0x1] =	stream.indirect.gather [hbm4b:s4+s26], $0x80, s0, s26, $0xb8;
	[tilespmem:$0x19C00] =	vst v63  }
0x57: {  	_ =	swait.ge [sflag:s23], $0x4000  }
0x58: {  	[sflag:s23] =	ssyncset.done $0x0  }
0x59: {  	s2 =	sadd.s32 $0x14C00, s29;
	[sflag:s23] =	ssyncadd.s32 $0xFFFFC000  }
0x5a: {  	[spmem:s1] =	stream.indirect.scatter.add.f32 [tilespmem:s22], [sflag:$0x1], $0x80, s2, s26, $0xb8;
	[tilespmem:$0x19C00] =	vst v63  }
0x5b: {  	_ =	swait.ge [sflag:s23], $0x4000  }
0x5c: {  	[sflag:s23] =	ssyncset.done $0x0  }
0x5d: {  	s31 =	simm.s32 $0x0;
	[sflag:s23] =	ssyncadd.s32 $0xFFFFC000  }
0x5e: {  	[tilespmem:s24], [sflag:$0x1] =	stream.linear.gather [hbm4b:s12+s31], $0xD80, $0x38;
	[tilespmem:$0x19C00] =	vst v63  }
0x5f: {  	_ =	swait.ge [sflag:s23], $0xD80  }
0x60: {  	[sflag:s23] =	ssyncset.done $0x0  }
0x61: {  	[sflag:s23] =	ssyncadd.s32 $0xFFFFF280  }
0x62: {  	[tilespmem:s25], [sflag:$0x1] =	stream.linear.gather [hbm4b:s13+s31], $0xD80, $0x38;
	[tilespmem:$0x19C00] =	vst v63  }
0x63: {  	_ =	swait.ge [sflag:s23], $0xD80  }
0x64: {  	[sflag:s23] =	ssyncset.done $0x0  }
0x65: {  	s2 =	simm.s32 $0x13C00;
	[sflag:s23] =	ssyncadd.s32 $0xFFFFF280  }
0x66: {  	[tilespmem:s22], [sflag:$0x1] =	stream.indirect.gather [hbm4b:s4+s26], $0x80, s2, s26, $0xb8;
	[tilespmem:$0x19C00] =	vst v63  }
0x67: {  	_ =	swait.ge [sflag:s23], $0x4000  }
0x68: {  	[sflag:s23] =	ssyncset.done $0x0  }
0x69: {  	s31 =	simm.s32 $0x14C00;
	[sflag:s23] =	ssyncadd.s32 $0xFFFFC000  }
0x6a: {  	[spmem:s1] =	stream.indirect.scatter.add.f32 [tilespmem:s22], [sflag:$0x1], $0x80, s31, s26, $0xb8;
	[tilespmem:$0x19C00] =	vst v63  }
0x6b: {  	_ =	swait.ge [sflag:s23], $0x4000  }
0x6c: {  	s30 =	simm.s32 $0x400;
	s29 =	simm.s32 $0x80;
	[sflag:s23] =	ssyncset.done $0x0  }
.LBB2_6:
0x6d: {  	s0 =	sadd.s32 $0x13C00, s29  }
0x6e: {  	[sflag:s23] =	ssyncadd.s32 $0xFFFFC000;
	s2 =	smov.u32 s30;
	s31 =	sadd.s32 $0x200, s30  }
0x6f: {  	[tilespmem:s22], [sflag:$0x1] =	stream.indirect.gather [hbm4b:s4+s26], $0x80, s0, s26, $0xb8;
	[tilespmem:$0x19C00] =	vst v63  }
0x70: {  	p0 =	sne.s32 s30, $0x3400;
	_ =	swait.ge [sflag:s23], $0x4000  }
.Ltmp2:
0x71: {  	[sflag:s23] =	ssyncset.done $0x0;
	(pc) =	sbr.rel @p0 .LBB2_6-.Ltmp2, $4  }
0x72: {  	s0 =	sadd.s32 $0x14C00, s29;
	[sflag:s23] =	ssyncadd.s32 $0xFFFFC000  }
0x73: {  	[spmem:s1] =	stream.indirect.scatter.add.f32 [tilespmem:s22], [sflag:$0x1], $0x80, s0, s26, $0xb8;
	[tilespmem:$0x19C00] =	vst v63  }
0x74: {  	_ =	swait.ge [sflag:s23], $0x4000  }
0x75: {  	s29 =	sshra.s32 s2, $0x2;
	s30 =	smov.u32 s31;
	[sflag:s23] =	ssyncset.done $0x0  }
0x76: {  	s0 =	sadd.s32 $0x13C00, s29;
	[sflag:s23] =	ssyncadd.s32 $0xFFFFC000  }
0x77: {  	[tilespmem:s22], [sflag:$0x1] =	stream.indirect.gather [hbm4b:s4+s26], $0x80, s0, s26, $0xb8;
	[tilespmem:$0x19C00] =	vst v63  }
0x78: {  	_ =	swait.ge [sflag:s23], $0x4000  }
0x79: {  	[sflag:s23] =	ssyncset.done $0x0  }
0x7a: {  	s2 =	sadd.s32 $0x14C00, s29;
	[sflag:s23] =	ssyncadd.s32 $0xFFFFC000  }
0x7b: {  	[spmem:s1] =	stream.indirect.scatter.add.f32 [tilespmem:s22], [sflag:$0x1], $0x80, s2, s26, $0xb8;
	[tilespmem:$0x19C00] =	vst v63  }
0x7c: {  	_ =	swait.ge [sflag:s23], $0x4000  }
0x7d: {  	[sflag:s23] =	ssyncset.done $0x0  }
0x7e: {  	s31 =	simm.s32 $0x0;
	[sflag:s23] =	ssyncadd.s32 $0xFFFFC000  }
0x7f: {  	[tilespmem:s24], [sflag:$0x1] =	stream.linear.gather [hbm4b:s14+s31], $0xD80, $0x38;
	[tilespmem:$0x19C00] =	vst v63  }
0x80: {  	_ =	swait.ge [sflag:s23], $0xD80  }
0x81: {  	[sflag:s23] =	ssyncset.done $0x0  }
0x82: {  	[sflag:s23] =	ssyncadd.s32 $0xFFFFF280  }
0x83: {  	[tilespmem:s25], [sflag:$0x1] =	stream.linear.gather [hbm4b:s15+s31], $0xD80, $0x38;
	[tilespmem:$0x19C00] =	vst v63  }
0x84: {  	_ =	swait.ge [sflag:s23], $0xD80  }
0x85: {  	[sflag:s23] =	ssyncset.done $0x0  }
0x86: {  	s2 =	simm.s32 $0x13C00;
	[sflag:s23] =	ssyncadd.s32 $0xFFFFF280  }
0x87: {  	[tilespmem:s22], [sflag:$0x1] =	stream.indirect.gather [hbm4b:s4+s26], $0x80, s2, s26, $0xb8;
	[tilespmem:$0x19C00] =	vst v63  }
0x88: {  	_ =	swait.ge [sflag:s23], $0x4000  }
0x89: {  	[sflag:s23] =	ssyncset.done $0x0  }
0x8a: {  	s31 =	simm.s32 $0x14C00;
	[sflag:s23] =	ssyncadd.s32 $0xFFFFC000  }
0x8b: {  	[spmem:s1] =	stream.indirect.scatter.add.f32 [tilespmem:s22], [sflag:$0x1], $0x80, s31, s26, $0xb8;
	[tilespmem:$0x19C00] =	vst v63  }
0x8c: {  	_ =	swait.ge [sflag:s23], $0x4000  }
0x8d: {  	s30 =	simm.s32 $0x400;
	s29 =	simm.s32 $0x80;
	[sflag:s23] =	ssyncset.done $0x0  }
.LBB2_8:
0x8e: {  	s0 =	sadd.s32 $0x13C00, s29  }
0x8f: {  	[sflag:s23] =	ssyncadd.s32 $0xFFFFC000;
	s2 =	smov.u32 s30;
	s31 =	sadd.s32 $0x200, s30  }
0x90: {  	[tilespmem:s22], [sflag:$0x1] =	stream.indirect.gather [hbm4b:s4+s26], $0x80, s0, s26, $0xb8;
	[tilespmem:$0x19C00] =	vst v63  }
0x91: {  	p0 =	sne.s32 s30, $0x3400;
	_ =	swait.ge [sflag:s23], $0x4000  }
.Ltmp3:
0x92: {  	[sflag:s23] =	ssyncset.done $0x0;
	(pc) =	sbr.rel @p0 .LBB2_8-.Ltmp3, $4  }
0x93: {  	s0 =	sadd.s32 $0x14C00, s29;
	[sflag:s23] =	ssyncadd.s32 $0xFFFFC000  }
0x94: {  	[spmem:s1] =	stream.indirect.scatter.add.f32 [tilespmem:s22], [sflag:$0x1], $0x80, s0, s26, $0xb8;
	[tilespmem:$0x19C00] =	vst v63  }
0x95: {  	_ =	swait.ge [sflag:s23], $0x4000  }
0x96: {  	s29 =	sshra.s32 s2, $0x2;
	s30 =	smov.u32 s31;
	[sflag:s23] =	ssyncset.done $0x0  }
0x97: {  	s0 =	sadd.s32 $0x13C00, s29;
	[sflag:s23] =	ssyncadd.s32 $0xFFFFC000  }
0x98: {  	[tilespmem:s22], [sflag:$0x1] =	stream.indirect.gather [hbm4b:s4+s26], $0x80, s0, s26, $0xb8;
	[tilespmem:$0x19C00] =	vst v63  }
0x99: {  	_ =	swait.ge [sflag:s23], $0x4000  }
0x9a: {  	[sflag:s23] =	ssyncset.done $0x0  }
0x9b: {  	s31 =	sadd.s32 $0x14C00, s29;
	[sflag:s23] =	ssyncadd.s32 $0xFFFFC000  }
0x9c: {  	[spmem:s1] =	stream.indirect.scatter.add.f32 [tilespmem:s22], [sflag:$0x1], $0x80, s31, s26, $0xb8;
	[tilespmem:$0x19C00] =	vst v63  }
0x9d: {  	_ =	swait.ge [sflag:s23], $0x4000  }
0x9e: {  	[sflag:s23] =	ssyncset.done $0x0  }
0x9f: {  	[sflag:s23] =	ssyncadd.s32 $0xFFFFC000  }
0xa0: {  	[bflag:$0x0] =	sbarrier.arrive $0xFFFF  }
0xa1: {  	[tilespmem:s22], [sflag:$0x1] =	stream.linear.gather [spmem:s5], $0x4000, $0x38;
	[tilespmem:$0x19C00] =	vst v63  }
0xa2: {  	_ =	swait.ge [sflag:s23], $0x4000  }
0xa3: {  	[sflag:s23] =	ssyncset.done $0x0  }
0xa4: {  	[sflag:s23] =	ssyncadd.s32 $0xFFFFC000  }
0xa5: {  	[hbm4b:s16+s3] =	stream.linear.scatter [tilespmem:s22], [sflag:$0x1], $0x4000, $0x38;
	[tilespmem:$0x19C00] =	vst v63  }
0xa6: {  	_ =	swait.ge [sflag:s23], $0x4000  }
0xa7: {  	[sflag:s23] =	ssyncset.done $0x0  }
0xa8: {  	[sflag:s23] =	ssyncadd.s32 $0xFFFFC000  }
0xa9: {  	[tilespmem:s22], [sflag:$0x1] =	stream.linear.gather [spmem:s6], $0x4000, $0x38;
	[tilespmem:$0x19C00] =	vst v63  }
0xaa: {  	_ =	swait.ge [sflag:s23], $0x4000  }
0xab: {  	[sflag:s23] =	ssyncset.done $0x0  }
0xac: {  	[sflag:s23] =	ssyncadd.s32 $0xFFFFC000  }
0xad: {  	[hbm4b:s17+s3] =	stream.linear.scatter [tilespmem:s22], [sflag:$0x1], $0x4000, $0x38;
	[tilespmem:$0x19C00] =	vst v63  }
0xae: {  	_ =	swait.ge [sflag:s23], $0x4000  }
0xaf: {  	[sflag:s23] =	ssyncset.done $0x0  }
0xb0: {  	[sflag:s23] =	ssyncadd.s32 $0xFFFFC000  }
0xb1: {  	[tilespmem:s22], [sflag:$0x1] =	stream.linear.gather [spmem:s7], $0x4000, $0x38;
	[tilespmem:$0x19C00] =	vst v63  }
0xb2: {  	_ =	swait.ge [sflag:s23], $0x4000  }
0xb3: {  	[sflag:s23] =	ssyncset.done $0x0  }
0xb4: {  	[sflag:s23] =	ssyncadd.s32 $0xFFFFC000  }
0xb5: {  	[hbm4b:s18+s3] =	stream.linear.scatter [tilespmem:s22], [sflag:$0x1], $0x4000, $0x38;
	[tilespmem:$0x19C00] =	vst v63  }
0xb6: {  	_ =	swait.ge [sflag:s23], $0x4000  }
0xb7: {  	[sflag:s23] =	ssyncset.done $0x0  }
0xb8: {  	[sflag:s23] =	ssyncadd.s32 $0xFFFFC000  }
0xb9: {  	[tilespmem:s22], [sflag:$0x1] =	stream.linear.gather [spmem:s8], $0x4000, $0x38;
	[tilespmem:$0x19C00] =	vst v63  }
0xba: {  	_ =	swait.ge [sflag:s23], $0x4000  }
0xbb: {  	[sflag:s23] =	ssyncset.done $0x0  }
0xbc: {  	[sflag:s23] =	ssyncadd.s32 $0xFFFFC000  }
0xbd: {  	[hbm4b:s19+s3] =	stream.linear.scatter [tilespmem:s22], [sflag:$0x1], $0x4000, $0x38;
	[tilespmem:$0x19C00] =	vst v63  }
0xbe: {  	_ =	swait.ge [sflag:s23], $0x4000  }
0xbf: {  	[sflag:s23] =	ssyncset.done $0x0  }
0xc0: {  	[sflag:s23] =	ssyncadd.s32 $0xFFFFC000  }
0xc1: {  	[tilespmem:s22], [sflag:$0x1] =	stream.linear.gather [spmem:s9], $0x3C00, $0x38;
	[tilespmem:$0x19C00] =	vst v63  }
0xc2: {  	s28 =	sadd.s32 $0x1, s28;
	_ =	swait.ge [sflag:s23], $0x3C00  }
0xc3: {  	p0 =	sne.s32 s28, s21;
	[sflag:s23] =	ssyncset.done $0x0  }
.Ltmp4:
0xc4: {  	[sflag:s23] =	ssyncadd.s32 $0xFFFFC400;
	(pc) =	sbr.rel @p0 .LBB2_1-.Ltmp4, $4  }
0xc5: {  	[hbm4b:s20+s3] =	stream.linear.scatter [tilespmem:s22], [sflag:$0x1], $0x3C00, $0x38;
	[tilespmem:$0x19C00] =	vst v63  }
0xc6: {  	_ =	swait.ge [sflag:s23], $0x3C00  }
0xc7: {  	[sflag:s23] =	ssyncset.done $0x0  }
0xc8: {  	[sflag:s23] =	ssyncadd.s32 $0xFFFFC400  }
0xc9: {  	_ =	sfence.sel $0x180000  }
0xca: {  	[bflag:$0x0] =	sbarrier.arrive $0xFFFF  }
0xcb: {  	_ =	strace $0x90000050  }
0xcc: {  	s0 =	stileid.u32;
	[bflag:$0x2] =	sbarrier.arrive $0xFFFF  }
0xcd: {  	p0 =	sne.s32 s0, $0x0;
	s0 =	rddreg [dreg:$0x3]  }
0xce: {  	s0 =	sadd.s32 @!p0 $0x100000, s0  }
0xcf: {  	[sflag:s0] =	ssyncadd.tile.s32 @!p0 $0x1;
	_ =	shalt  }
.Lfunc_end2:
_tile_overlayer_lowered:
.L_overlay_start_2:
0xd0: {  	(tag) =	ssettag $0x2  }
0xd1: {  	s0 =	rddreg [dreg:$0x0];
	s2 =	stileid.u32  }
0xd2: {  	s1 =	rddreg [dreg:$0x1];
	p0 =	sne.s32 s2, $0x0  }
0xd3: {  	s3 =	rddreg [dreg:$0x2];
	[bflag:$0x3] =	sbarrier.arrive $0xFFFF;
	s2 =	simm.s32 @!p0 $0x1C01  }
0xd4: {  	[timem:s3], [sflag:s2] =	dma.local @!p0 [hbm:s0], s1  }
0xd5: {  	s0 =	simm.s32 @!p0 $0x1  }
0xd6: {  	_ =	swait.ge @!p0 [sflag:s0], s1  }
0xd7: {  	s1 =	ssub.s32 @!p0 $0x0, s1;
	[sflag:s0] =	ssyncset.done @!p0 $0x0  }
0xd8: {  	[sflag:s0] =	ssyncadd.s32 @!p0 s1  }
0xd9: {  	[bflag:$0x3] =	sbarrier.arrive $0xFFFF  }
0xda: {  	_ =	shalt  }

</sc_bundles>
